<compile_context>
chip_gen: v7x
topology: tpu7x:2x2x1
jax: 0.10.2.dev20260603
libtpu: 0.0.44.dev20260713+nightly
codegen_flags: <defaults>
</compile_context>

<pallas_src>
import functools

import jax
import jax.numpy as jnp
import numpy as np
from jax import lax
from jax.experimental import pallas as pl
from jax.experimental.pallas import tpu as pltpu
from jax.experimental.pallas import tpu_sc as plsc

K = 6
NC_PAD = 10240
CHUNKS = 5
BF = 400
RB = 200
FB = 400
CH = 192
SC_WORKERS = 32


def _bf16_bits(v):
    return lax.shift_right_logical(
        lax.bitcast_convert_type(v, jnp.int32) + jnp.int32(0x8000), 16)


def _y_body(x_ref, wt_ref, b_ref, y_ref):
    y = jnp.dot(
        x_ref[...], wt_ref[...],
        preferred_element_type=jnp.float32,
        precision=lax.Precision.HIGHEST,
    ) + b_ref[0:1, :]
    h = y.shape[1] // 2
    y_ref[...] = lax.shift_left(_bf16_bits(y[:, h:]), 16) | _bf16_bits(y[:, :h])


def _tc_y(x, wt, b8):
    n = x.shape[0]
    d = wt.shape[1]
    return pl.pallas_call(
        _y_body,
        grid=(n // RB,),
        in_specs=[
            pl.BlockSpec((RB, x.shape[1]), lambda i: (i, 0)),
            pl.BlockSpec((wt.shape[0], d), lambda i: (0, 0)),
            pl.BlockSpec((8, d), lambda i: (0, 0)),
        ],
        out_specs=pl.BlockSpec((RB, d // 2), lambda i: (i, 0)),
        out_shape=jax.ShapeDtypeStruct((n, d // 2), jnp.int32),
    )(x, wt, b8)


FOLD = 16
CPF = NC_PAD // FOLD
BIG_KEY = int(np.float32(1e30).view(np.int32))


def _knn_body(pf_ref, pct_ref, idx_ref, wn_ref):
    pf = pf_ref[...]

    f1 = None
    f2 = jnp.full((BF, CPF), BIG_KEY, jnp.int32)
    for f in range(FOLD):
        d2f = None
        for d in range(3):
            diff = pf[:, d:d + 1] - pct_ref[d:d + 1, f * CPF:(f + 1) * CPF]
            d2f = diff * diff if d == 0 else d2f + diff * diff
        key = (lax.bitcast_convert_type(d2f, jnp.int32) & ~15) | f
        if f == 0:
            f1 = key
        else:
            f2 = jnp.minimum(f2, jnp.maximum(key, f1))
            f1 = jnp.minimum(f1, key)

    col = lax.broadcasted_iota(jnp.int32, (BF, CPF), 1)
    cols_k = lax.broadcasted_iota(jnp.int32, (BF, K), 1)
    acc_idx = jnp.zeros((BF, K), jnp.int32)
    acc_w = jnp.zeros((BF, K), jnp.float32)
    wsum = None
    bigi = jnp.int32(2 ** 30)
    for k in range(K):
        mk = jnp.min(f1, axis=1, keepdims=True)
        ck = jnp.min(jnp.where(f1 == mk, col, bigi), axis=1, keepdims=True)
        val = lax.bitcast_convert_type(mk & ~15, jnp.float32)
        idxk = (mk & 15) * CPF + ck
        wk = 1.0 / jnp.maximum(val, 1e-16)
        acc_idx = jnp.where(cols_k == k, idxk, acc_idx)
        acc_w = jnp.where(cols_k == k, wk, acc_w)
        wsum = wk if k == 0 else wsum + wk
        if k + 1 < K:
            hit = col == ck
            f1 = jnp.where(hit, f2, f1)
            f2 = jnp.where(hit, BIG_KEY, f2)
    idx_ref[...] = acc_idx
    wn_ref[...] = acc_w / wsum


def _tc_knn(pf, pct):
    n = pf.shape[0]
    return pl.pallas_call(
        _knn_body,
        grid=(n // BF,),
        in_specs=[
            pl.BlockSpec((BF, 3), lambda i: (i, 0)),
            pl.BlockSpec((3, NC_PAD), lambda i: (0, 0)),
        ],
        out_specs=[
            pl.BlockSpec((BF, K), lambda i: (i, 0)),
            pl.BlockSpec((BF, K), lambda i: (i, 0)),
        ],
        out_shape=[
            jax.ShapeDtypeStruct((n, K), jnp.int32),
            jax.ShapeDtypeStruct((n, K), jnp.float32),
        ],
    )(pf, pct)


def _sc_gather(y, idx_flat):
    d = y.shape[1]
    total = idx_flat.shape[0]
    per_w = total // SC_WORKERS
    n_items = per_w // CH
    mesh = plsc.VectorSubcoreMesh(core_axis_name="c", subcore_axis_name="s")

    @functools.partial(
        pl.kernel,
        mesh=mesh,
        out_type=jax.ShapeDtypeStruct((total, d), jnp.int32),
        scratch_types=[
            pltpu.VMEM((per_w,), jnp.int32),
            pltpu.VMEM((CH, d), jnp.int32),
            pltpu.VMEM((CH, d), jnp.int32),
            pltpu.SemaphoreType.DMA,
            pltpu.SemaphoreType.DMA,
        ],
    )
    def gather_kernel(y_hbm, i_hbm, o_hbm, idx_v, rows0, rows1, sem0, sem1):
        wid = lax.axis_index("s") * 2 + lax.axis_index("c")
        base = wid * per_w
        pltpu.sync_copy(i_hbm.at[pl.ds(base, per_w)], idx_v)
        pltpu.async_copy(y_hbm.at[idx_v.at[pl.ds(0, CH)]], rows0, sem0)
        pltpu.async_copy(y_hbm.at[idx_v.at[pl.ds(CH, CH)]], rows1, sem1)

        @pl.loop(0, (n_items - 2) * CH, step=2 * CH)
        def _(off):
            for b, (rows, sem) in enumerate(((rows0, sem0), (rows1, sem1))):
                o = off + b * CH
                pltpu.make_async_copy(
                    y_hbm.at[idx_v.at[pl.ds(o, CH)]], rows, sem).wait()
                pltpu.sync_copy(rows, o_hbm.at[pl.ds(base + o, CH)])
                pltpu.async_copy(
                    y_hbm.at[idx_v.at[pl.ds(o + 2 * CH, CH)]], rows, sem)

        for b, (rows, sem) in enumerate(((rows0, sem0), (rows1, sem1))):
            o = (n_items - 2 + b) * CH
            pltpu.make_async_copy(
                y_hbm.at[idx_v.at[pl.ds(o, CH)]], rows, sem).wait()
            pltpu.sync_copy(rows, o_hbm.at[pl.ds(base + o, CH)])

    return gather_kernel(y, idx_flat)


def _combine_body(g_ref, wn_ref, out_ref):
    w = wn_ref[...]
    acc_lo = acc_hi = None
    for k in range(K):
        p = g_ref[k]
        lo = lax.bitcast_convert_type(lax.shift_left(p, 16), jnp.float32)
        hi = lax.bitcast_convert_type(p & jnp.int32(-65536), jnp.float32)
        wk = w[:, k:k + 1]
        if k == 0:
            acc_lo, acc_hi = lo * wk, hi * wk
        else:
            acc_lo, acc_hi = acc_lo + lo * wk, acc_hi + hi * wk
    h = acc_lo.shape[1]
    out_ref[:, :h] = acc_lo
    out_ref[:, h:] = acc_hi


def _tc_combine(g, wn):
    n = wn.shape[0]
    dp = g.shape[2]
    return pl.pallas_call(
        _combine_body,
        grid=(n // FB,),
        in_specs=[
            pl.BlockSpec((K, FB, dp), lambda i: (0, i, 0)),
            pl.BlockSpec((FB, K), lambda i: (i, 0)),
        ],
        out_specs=pl.BlockSpec((FB, 2 * dp), lambda i: (i, 0)),
        out_shape=jax.ShapeDtypeStruct((n, 2 * dp), jnp.float32),
    )(g, wn)


def _pipeline(x_coarse, pos_coarse, pos_fine, W, b, axis_name=None):
    nc = pos_coarse.shape[0]
    d_out = W.shape[0]
    nf = pos_fine.shape[0]
    nf_chunk = nf // CHUNKS
    nf_cpad = -(-nf_chunk // 1024) * 1024

    y = _tc_y(x_coarse, W.T, jnp.tile(b[None, :], (8, 1)))
    if axis_name is not None:
        y = lax.all_gather(y, axis_name, axis=0, tiled=True)

    pct = jnp.concatenate(
        [pos_coarse.T,
         jnp.full((3, NC_PAD - nc), 1e3, jnp.float32)], axis=1)

    outs = []
    for c in range(CHUNKS):
        pf_c = lax.slice_in_dim(pos_fine, c * nf_chunk, (c + 1) * nf_chunk)
        idx, wn = _tc_knn(pf_c, pct)
        idx_km = jnp.pad(idx, ((0, nf_cpad - nf_chunk), (0, 0))).T.reshape(-1)
        g = _sc_gather(y, idx_km).reshape(K, nf_cpad, d_out // 2)
        outs.append(_tc_combine(g, wn))
    return jnp.concatenate(outs, axis=0)


def kernel(x_coarse, pos_coarse, pos_fine, W, b):
    devs = jax.devices()
    if (len(devs) < 2 or pos_fine.shape[0] % (2 * CHUNKS * BF) != 0
            or x_coarse.shape[0] % (2 * RB) != 0):
        return _pipeline(x_coarse, pos_coarse, pos_fine, W, b)
    mesh = jax.sharding.Mesh(np.array(devs[:2]), ("d",))
    p = jax.sharding.PartitionSpec
    return jax.shard_map(
        functools.partial(_pipeline, axis_name="d"), mesh=mesh,
        in_specs=(p("d"), p(), p("d"), p(), p()),
        out_specs=p("d"), check_vma=False,
    )(x_coarse, pos_coarse, pos_fine, W, b)

# --- scband reference (transcript-rebuilt; emitter-appended) ---
"""Pipeline reference for scband-up-sampler-21225728377361 (READ-ONLY COPY).

The authoritative reference and input builder live on the scoring server;
editing this copy changes nothing except your own understanding.
"""

import jax, jax.numpy as jnp
import numpy as np

K = 6
CHUNK = 2000

def knn_idx(pf, pc):
    nf, dim = pf.shape
    pfc = pf.reshape(nf // CHUNK, CHUNK, dim)
    def f(p):
        d2 = jnp.sum((p[:, None, :] - pc[None, :, :]) ** 2, axis=-1)
        return jax.lax.top_k(-d2, K)[1]
    return jax.lax.map(f, pfc).reshape(nf, K)

def setup_inputs(seed: int = 0):
    key = jax.random.key(seed)
    ks = jax.random.split(key, 5)
    x_coarse = jax.random.normal(ks[0], (10000, 512), dtype=jnp.float32)
    pos_coarse = jax.random.uniform(ks[1], (10000, 3), dtype=jnp.float32)
    pos_fine = jax.random.uniform(ks[2], (40000, 3), dtype=jnp.float32)
    W = jax.random.normal(ks[3], (512, 512), dtype=jnp.float32) * (1.0 / np.sqrt(512))
    b = jax.random.normal(ks[4], (512,), dtype=jnp.float32) * 0.01
    return {"x_coarse": x_coarse, "pos_coarse": pos_coarse, "pos_fine": pos_fine, "W": W, "b": b}

def reference(x_coarse, pos_coarse, pos_fine, W, b):
    # knn_interpolate (PyG semantics): k-NN in coarse set for each fine point,
    # inverse-squared-distance weighting, then Linear(d_in -> d_out).
    idx = knn_idx(pos_fine, pos_coarse)                      # [Nf, K] int32
    diff = pos_fine[:, None, :] - pos_coarse[idx]            # [Nf, K, 3]
    d2 = jnp.sum(diff ** 2, axis=-1)                         # [Nf, K]
    w = 1.0 / jnp.clip(d2, 1e-16, None)                      # [Nf, K]
    feats = x_coarse[idx]                                    # [Nf, K, d_in] gather
    interp = jnp.sum(feats * w[..., None], axis=1) / jnp.sum(w, axis=1, keepdims=True)
    return interp @ W.T + b

if __name__ == "__main__":
    import jax
    _d = setup_inputs()
    print(jax.jit(kernel)(*tuple(_d.values())))

</pallas_src>

<mosaic_0001>
#map = affine_map<(d0, d1) -> (0, 0)>
#map1 = affine_map<(d0, d1) -> (0)>
module attributes {stable_mosaic.version = 14 : i64} {
  func.func @gather_kernel(%arg0: i32, %arg1: i32, %arg2: memref<10000x256xi32, #tpu.memory_space<hbm>>, %arg3: memref<49152xi32, #tpu.memory_space<hbm>>, %arg4: memref<49152x256xi32, #tpu.memory_space<hbm>>, %arg5: memref<1536xi32, #tpu.memory_space<vmem>>, %arg6: memref<192x256xi32, #tpu.memory_space<vmem>>, %arg7: memref<192x256xi32, #tpu.memory_space<vmem>>, %arg8: memref<!tpu.dma_semaphore, #tpu.memory_space<semaphore_mem>>, %arg9: memref<!tpu.dma_semaphore, #tpu.memory_space<semaphore_mem>>) attributes {dimension_semantics = [#tpu.dimension_semantics<core_parallel>, #tpu.dimension_semantics<subcore_parallel>], iteration_bounds = array<i64: 2, 16>, scalar_prefetch = 0 : i64, scratch_operands = 5 : i64, tpu.core_type = #tpu.core_type<sc_vector_subcore>, window_params = [{transform_indices = #map}, {transform_indices = #map1}, {transform_indices = #map}]} {
    %mul3A = arith.constant 2 : i32
    %mul3A_0 = arith.muli %arg1, %mul3A : i32
    %add3A = arith.addi %mul3A_0, %arg0 : i32
    %mul3A_1 = arith.constant 1536 : i32
    %mul3A_2 = arith.muli %add3A, %mul3A_1 : i32
    "tpu.region"() ({
      %run_scoped3A = tpu.sem_alloc : memref<!tpu.dma_semaphore, #tpu.memory_space<semaphore_mem>>
      %dma_start3A_29 = tpu.memref_slice %arg3[%mul3A_2] : memref<49152xi32, #tpu.memory_space<hbm>> -> memref<1536xi32, #tpu.memory_space<hbm>>
      %dma_start3A_30 = tpu.memref_slice %arg3[%mul3A_2] : memref<49152xi32, #tpu.memory_space<hbm>> -> memref<1536xi32, #tpu.memory_space<hbm>>
      tpu.enqueue_dma source(%dma_start3A_30 : memref<1536xi32, #tpu.memory_space<hbm>>) target(%arg5 : memref<1536xi32, #tpu.memory_space<vmem>>) target_semaphore(%run_scoped3A : memref<!tpu.dma_semaphore, #tpu.memory_space<semaphore_mem>>)
      %dma_wait3A_31 = tpu.memref_slice %arg3[%mul3A_2] : memref<49152xi32, #tpu.memory_space<hbm>> -> memref<1536xi32, #tpu.memory_space<hbm>>
      %dma_wait3A_32 = tpu.memref_slice %arg3[%mul3A_2] : memref<49152xi32, #tpu.memory_space<hbm>> -> memref<1536xi32, #tpu.memory_space<hbm>>
      tpu.wait_dma2 semaphore(%run_scoped3A : memref<!tpu.dma_semaphore, #tpu.memory_space<semaphore_mem>>) src(%dma_wait3A_32 : memref<1536xi32, #tpu.memory_space<hbm>>) dst(%arg5 : memref<1536xi32, #tpu.memory_space<vmem>>)
      tpu.yield
    }) : () -> ()
    %dma_start3A = arith.constant 0 : i32
    %dma_start3A_3 = tpu.memref_slice %arg5[%dma_start3A] : memref<1536xi32, #tpu.memory_space<vmem>> -> memref<192xi32, #tpu.memory_space<vmem>>
    %dma_start3A_4 = arith.constant 0 : i32
    %dma_start3A_5 = arith.constant 0 : i32
    %dma_start3A_6 = tpu.memref_slice %arg2[%dma_start3A_4, %dma_start3A_5] : memref<10000x256xi32, #tpu.memory_space<hbm>> -> memref<10000x256xi32, #tpu.memory_space<hbm>>
    tpu.enqueue_indirect_dma source(%dma_start3A_6 : memref<10000x256xi32, #tpu.memory_space<hbm>>) target(%arg6 : memref<192x256xi32, #tpu.memory_space<vmem>>) offsets(%dma_start3A_3 : memref<192xi32, #tpu.memory_space<vmem>>) semaphore(%arg8 : memref<!tpu.dma_semaphore, #tpu.memory_space<semaphore_mem>>)
    %dma_start3A_7 = arith.constant 192 : i32
    %dma_start3A_8 = tpu.memref_slice %arg5[%dma_start3A_7] : memref<1536xi32, #tpu.memory_space<vmem>> -> memref<192xi32, #tpu.memory_space<vmem>>
    %dma_start3A_9 = arith.constant 0 : i32
    %dma_start3A_10 = arith.constant 0 : i32
    %dma_start3A_11 = tpu.memref_slice %arg2[%dma_start3A_9, %dma_start3A_10] : memref<10000x256xi32, #tpu.memory_space<hbm>> -> memref<10000x256xi32, #tpu.memory_space<hbm>>
    tpu.enqueue_indirect_dma source(%dma_start3A_11 : memref<10000x256xi32, #tpu.memory_space<hbm>>) target(%arg7 : memref<192x256xi32, #tpu.memory_space<vmem>>) offsets(%dma_start3A_8 : memref<192xi32, #tpu.memory_space<vmem>>) semaphore(%arg9 : memref<!tpu.dma_semaphore, #tpu.memory_space<semaphore_mem>>)
    %scan3A = arith.constant 0 : i32
    %scan3A_12 = arith.constant 3 : i32
    %scan3A_13 = arith.addi %scan3A, %scan3A_12 : i32
    %scan3A_14 = arith.constant 1 : i32
    scf.for %scan3A_29 = %scan3A to %scan3A_13 step %scan3A_14  : i32 {
      %mul3A_30 = arith.constant 384 : i32
      %mul3A_31 = arith.muli %scan3A_29, %mul3A_30 : i32
      %add3A_32 = arith.constant 0 : i32
      %add3A_33 = arith.addi %add3A_32, %mul3A_31 : i32
      %add3A_34 = arith.constant 0 : i32
      %add3A_35 = arith.addi %add3A_33, %add3A_34 : i32
      %dma_wait3A_36 = tpu.memref_slice %arg5[%add3A_35] : memref<1536xi32, #tpu.memory_space<vmem>> -> memref<192xi32, #tpu.memory_space<vmem>>
      %dma_wait3A_37 = arith.constant 0 : i32
      %dma_wait3A_38 = arith.constant 0 : i32
      %dma_wait3A_39 = tpu.memref_slice %arg2[%dma_wait3A_37, %dma_wait3A_38] : memref<10000x256xi32, #tpu.memory_space<hbm>> -> memref<10000x256xi32, #tpu.memory_space<hbm>>
      tpu.wait_indirect_dma semaphore(%arg8 : memref<!tpu.dma_semaphore, #tpu.memory_space<semaphore_mem>>) src(%dma_wait3A_39 : memref<10000x256xi32, #tpu.memory_space<hbm>>) dst(%arg6 : memref<192x256xi32, #tpu.memory_space<vmem>>)
      %add3A_40 = arith.addi %mul3A_2, %add3A_35 : i32
      "tpu.region"() ({
        %run_scoped3A = tpu.sem_alloc : memref<!tpu.dma_semaphore, #tpu.memory_space<semaphore_mem>>
        %dma_start3A_60 = arith.constant 0 : i32
        %dma_start3A_61 = tpu.memref_slice %arg4[%add3A_40, %dma_start3A_60] : memref<49152x256xi32, #tpu.memory_space<hbm>> -> memref<192x256xi32, #tpu.memory_space<hbm>>
        %dma_start3A_62 = arith.constant 0 : i32
        %dma_start3A_63 = tpu.memref_slice %arg4[%add3A_40, %dma_start3A_62] : memref<49152x256xi32, #tpu.memory_space<hbm>> -> memref<192x256xi32, #tpu.memory_space<hbm>>
        tpu.enqueue_dma source(%arg6 : memref<192x256xi32, #tpu.memory_space<vmem>>) target(%dma_start3A_63 : memref<192x256xi32, #tpu.memory_space<hbm>>) target_semaphore(%run_scoped3A : memref<!tpu.dma_semaphore, #tpu.memory_space<semaphore_mem>>)
        %dma_wait3A_64 = arith.constant 0 : i32
        %dma_wait3A_65 = tpu.memref_slice %arg4[%add3A_40, %dma_wait3A_64] : memref<49152x256xi32, #tpu.memory_space<hbm>> -> memref<192x256xi32, #tpu.memory_space<hbm>>
        %dma_wait3A_66 = arith.constant 0 : i32
        %dma_wait3A_67 = tpu.memref_slice %arg4[%add3A_40, %dma_wait3A_66] : memref<49152x256xi32, #tpu.memory_space<hbm>> -> memref<192x256xi32, #tpu.memory_space<hbm>>
        tpu.wait_dma2 semaphore(%run_scoped3A : memref<!tpu.dma_semaphore, #tpu.memory_space<semaphore_mem>>) src(%arg6 : memref<192x256xi32, #tpu.memory_space<vmem>>) dst(%dma_wait3A_67 : memref<192x256xi32, #tpu.memory_space<hbm>>)
        tpu.yield
      }) : () -> ()
      %add3A_41 = arith.constant 384 : i32
      %add3A_42 = arith.addi %add3A_35, %add3A_41 : i32
      %dma_start3A_43 = tpu.memref_slice %arg5[%add3A_42] : memref<1536xi32, #tpu.memory_space<vmem>> -> memref<192xi32, #tpu.memory_space<vmem>>
      %dma_start3A_44 = arith.constant 0 : i32
      %dma_start3A_45 = arith.constant 0 : i32
      %dma_start3A_46 = tpu.memref_slice %arg2[%dma_start3A_44, %dma_start3A_45] : memref<10000x256xi32, #tpu.memory_space<hbm>> -> memref<10000x256xi32, #tpu.memory_space<hbm>>
      tpu.enqueue_indirect_dma source(%dma_start3A_46 : memref<10000x256xi32, #tpu.memory_space<hbm>>) target(%arg6 : memref<192x256xi32, #tpu.memory_space<vmem>>) offsets(%dma_start3A_43 : memref<192xi32, #tpu.memory_space<vmem>>) semaphore(%arg8 : memref<!tpu.dma_semaphore, #tpu.memory_space<semaphore_mem>>)
      %add3A_47 = arith.constant 192 : i32
      %add3A_48 = arith.addi %add3A_33, %add3A_47 : i32
      %dma_wait3A_49 = tpu.memref_slice %arg5[%add3A_48] : memref<1536xi32, #tpu.memory_space<vmem>> -> memref<192xi32, #tpu.memory_space<vmem>>
      %dma_wait3A_50 = arith.constant 0 : i32
      %dma_wait3A_51 = arith.constant 0 : i32
      %dma_wait3A_52 = tpu.memref_slice %arg2[%dma_wait3A_50, %dma_wait3A_51] : memref<10000x256xi32, #tpu.memory_space<hbm>> -> memref<10000x256xi32, #tpu.memory_space<hbm>>
      tpu.wait_indirect_dma semaphore(%arg9 : memref<!tpu.dma_semaphore, #tpu.memory_space<semaphore_mem>>) src(%dma_wait3A_52 : memref<10000x256xi32, #tpu.memory_space<hbm>>) dst(%arg7 : memref<192x256xi32, #tpu.memory_space<vmem>>)
      %add3A_53 = arith.addi %mul3A_2, %add3A_48 : i32
      "tpu.region"() ({
        %run_scoped3A = tpu.sem_alloc : memref<!tpu.dma_semaphore, #tpu.memory_space<semaphore_mem>>
        %dma_start3A_60 = arith.constant 0 : i32
        %dma_start3A_61 = tpu.memref_slice %arg4[%add3A_53, %dma_start3A_60] : memref<49152x256xi32, #tpu.memory_space<hbm>> -> memref<192x256xi32, #tpu.memory_space<hbm>>
        %dma_start3A_62 = arith.constant 0 : i32
        %dma_start3A_63 = tpu.memref_slice %arg4[%add3A_53, %dma_start3A_62] : memref<49152x256xi32, #tpu.memory_space<hbm>> -> memref<192x256xi32, #tpu.memory_space<hbm>>
        tpu.enqueue_dma source(%arg7 : memref<192x256xi32, #tpu.memory_space<vmem>>) target(%dma_start3A_63 : memref<192x256xi32, #tpu.memory_space<hbm>>) target_semaphore(%run_scoped3A : memref<!tpu.dma_semaphore, #tpu.memory_space<semaphore_mem>>)
        %dma_wait3A_64 = arith.constant 0 : i32
        %dma_wait3A_65 = tpu.memref_slice %arg4[%add3A_53, %dma_wait3A_64] : memref<49152x256xi32, #tpu.memory_space<hbm>> -> memref<192x256xi32, #tpu.memory_space<hbm>>
        %dma_wait3A_66 = arith.constant 0 : i32
        %dma_wait3A_67 = tpu.memref_slice %arg4[%add3A_53, %dma_wait3A_66] : memref<49152x256xi32, #tpu.memory_space<hbm>> -> memref<192x256xi32, #tpu.memory_space<hbm>>
        tpu.wait_dma2 semaphore(%run_scoped3A : memref<!tpu.dma_semaphore, #tpu.memory_space<semaphore_mem>>) src(%arg7 : memref<192x256xi32, #tpu.memory_space<vmem>>) dst(%dma_wait3A_67 : memref<192x256xi32, #tpu.memory_space<hbm>>)
        tpu.yield
      }) : () -> ()
      %add3A_54 = arith.constant 384 : i32
      %add3A_55 = arith.addi %add3A_48, %add3A_54 : i32
      %dma_start3A_56 = tpu.memref_slice %arg5[%add3A_55] : memref<1536xi32, #tpu.memory_space<vmem>> -> memref<192xi32, #tpu.memory_space<vmem>>
      %dma_start3A_57 = arith.constant 0 : i32
      %dma_start3A_58 = arith.constant 0 : i32
      %dma_start3A_59 = tpu.memref_slice %arg2[%dma_start3A_57, %dma_start3A_58] : memref<10000x256xi32, #tpu.memory_space<hbm>> -> memref<10000x256xi32, #tpu.memory_space<hbm>>
      tpu.enqueue_indirect_dma source(%dma_start3A_59 : memref<10000x256xi32, #tpu.memory_space<hbm>>) target(%arg7 : memref<192x256xi32, #tpu.memory_space<vmem>>) offsets(%dma_start3A_56 : memref<192xi32, #tpu.memory_space<vmem>>) semaphore(%arg9 : memref<!tpu.dma_semaphore, #tpu.memory_space<semaphore_mem>>)
    }
    %scan3A_15 = arith.constant 3 : i32
    %dma_wait3A = arith.constant 1152 : i32
    %dma_wait3A_16 = tpu.memref_slice %arg5[%dma_wait3A] : memref<1536xi32, #tpu.memory_space<vmem>> -> memref<192xi32, #tpu.memory_space<vmem>>
    %dma_wait3A_17 = arith.constant 0 : i32
    %dma_wait3A_18 = arith.constant 0 : i32
    %dma_wait3A_19 = tpu.memref_slice %arg2[%dma_wait3A_17, %dma_wait3A_18] : memref<10000x256xi32, #tpu.memory_space<hbm>> -> memref<10000x256xi32, #tpu.memory_space<hbm>>
    tpu.wait_indirect_dma semaphore(%arg8 : memref<!tpu.dma_semaphore, #tpu.memory_space<semaphore_mem>>) src(%dma_wait3A_19 : memref<10000x256xi32, #tpu.memory_space<hbm>>) dst(%arg6 : memref<192x256xi32, #tpu.memory_space<vmem>>)
    %add3A_20 = arith.constant 1152 : i32
    %add3A_21 = arith.addi %mul3A_2, %add3A_20 : i32
    "tpu.region"() ({
      %run_scoped3A = tpu.sem_alloc : memref<!tpu.dma_semaphore, #tpu.memory_space<semaphore_mem>>
      %dma_start3A_29 = arith.constant 0 : i32
      %dma_start3A_30 = tpu.memref_slice %arg4[%add3A_21, %dma_start3A_29] : memref<49152x256xi32, #tpu.memory_space<hbm>> -> memref<192x256xi32, #tpu.memory_space<hbm>>
      %dma_start3A_31 = arith.constant 0 : i32
      %dma_start3A_32 = tpu.memref_slice %arg4[%add3A_21, %dma_start3A_31] : memref<49152x256xi32, #tpu.memory_space<hbm>> -> memref<192x256xi32, #tpu.memory_space<hbm>>
      tpu.enqueue_dma source(%arg6 : memref<192x256xi32, #tpu.memory_space<vmem>>) target(%dma_start3A_32 : memref<192x256xi32, #tpu.memory_space<hbm>>) target_semaphore(%run_scoped3A : memref<!tpu.dma_semaphore, #tpu.memory_space<semaphore_mem>>)
      %dma_wait3A_33 = arith.constant 0 : i32
      %dma_wait3A_34 = tpu.memref_slice %arg4[%add3A_21, %dma_wait3A_33] : memref<49152x256xi32, #tpu.memory_space<hbm>> -> memref<192x256xi32, #tpu.memory_space<hbm>>
      %dma_wait3A_35 = arith.constant 0 : i32
      %dma_wait3A_36 = tpu.memref_slice %arg4[%add3A_21, %dma_wait3A_35] : memref<49152x256xi32, #tpu.memory_space<hbm>> -> memref<192x256xi32, #tpu.memory_space<hbm>>
      tpu.wait_dma2 semaphore(%run_scoped3A : memref<!tpu.dma_semaphore, #tpu.memory_space<semaphore_mem>>) src(%arg6 : memref<192x256xi32, #tpu.memory_space<vmem>>) dst(%dma_wait3A_36 : memref<192x256xi32, #tpu.memory_space<hbm>>)
      tpu.yield
    }) : () -> ()
    %dma_wait3A_22 = arith.constant 1344 : i32
    %dma_wait3A_23 = tpu.memref_slice %arg5[%dma_wait3A_22] : memref<1536xi32, #tpu.memory_space<vmem>> -> memref<192xi32, #tpu.memory_space<vmem>>
    %dma_wait3A_24 = arith.constant 0 : i32
    %dma_wait3A_25 = arith.constant 0 : i32
    %dma_wait3A_26 = tpu.memref_slice %arg2[%dma_wait3A_24, %dma_wait3A_25] : memref<10000x256xi32, #tpu.memory_space<hbm>> -> memref<10000x256xi32, #tpu.memory_space<hbm>>
    tpu.wait_indirect_dma semaphore(%arg9 : memref<!tpu.dma_semaphore, #tpu.memory_space<semaphore_mem>>) src(%dma_wait3A_26 : memref<10000x256xi32, #tpu.memory_space<hbm>>) dst(%arg7 : memref<192x256xi32, #tpu.memory_space<vmem>>)
    %add3A_27 = arith.constant 1344 : i32
    %add3A_28 = arith.addi %mul3A_2, %add3A_27 : i32
    "tpu.region"() ({
      %run_scoped3A = tpu.sem_alloc : memref<!tpu.dma_semaphore, #tpu.memory_space<semaphore_mem>>
      %dma_start3A_29 = arith.constant 0 : i32
      %dma_start3A_30 = tpu.memref_slice %arg4[%add3A_28, %dma_start3A_29] : memref<49152x256xi32, #tpu.memory_space<hbm>> -> memref<192x256xi32, #tpu.memory_space<hbm>>
      %dma_start3A_31 = arith.constant 0 : i32
      %dma_start3A_32 = tpu.memref_slice %arg4[%add3A_28, %dma_start3A_31] : memref<49152x256xi32, #tpu.memory_space<hbm>> -> memref<192x256xi32, #tpu.memory_space<hbm>>
      tpu.enqueue_dma source(%arg7 : memref<192x256xi32, #tpu.memory_space<vmem>>) target(%dma_start3A_32 : memref<192x256xi32, #tpu.memory_space<hbm>>) target_semaphore(%run_scoped3A : memref<!tpu.dma_semaphore, #tpu.memory_space<semaphore_mem>>)
      %dma_wait3A_33 = arith.constant 0 : i32
      %dma_wait3A_34 = tpu.memref_slice %arg4[%add3A_28, %dma_wait3A_33] : memref<49152x256xi32, #tpu.memory_space<hbm>> -> memref<192x256xi32, #tpu.memory_space<hbm>>
      %dma_wait3A_35 = arith.constant 0 : i32
      %dma_wait3A_36 = tpu.memref_slice %arg4[%add3A_28, %dma_wait3A_35] : memref<49152x256xi32, #tpu.memory_space<hbm>> -> memref<192x256xi32, #tpu.memory_space<hbm>>
      tpu.wait_dma2 semaphore(%run_scoped3A : memref<!tpu.dma_semaphore, #tpu.memory_space<semaphore_mem>>) src(%arg7 : memref<192x256xi32, #tpu.memory_space<vmem>>) dst(%dma_wait3A_36 : memref<192x256xi32, #tpu.memory_space<hbm>>)
      tpu.yield
    }) : () -> ()
    return
  }
}

#map = affine_map<(d0, d1) -> (0, 0)>
#map1 = affine_map<(d0, d1) -> (0)>
module attributes {stable_mosaic.version = 14 : i64} {
  func.func @gather_kernel(%arg0: i32, %arg1: i32, %arg2: memref<10000x256xi32, #tpu.memory_space<hbm>>, %arg3: memref<49152xi32, #tpu.memory_space<hbm>>, %arg4: memref<49152x256xi32, #tpu.memory_space<hbm>>, %arg5: memref<1536xi32, #tpu.memory_space<vmem>>, %arg6: memref<192x256xi32, #tpu.memory_space<vmem>>, %arg7: memref<192x256xi32, #tpu.memory_space<vmem>>, %arg8: memref<!tpu.dma_semaphore, #tpu.memory_space<semaphore_mem>>, %arg9: memref<!tpu.dma_semaphore, #tpu.memory_space<semaphore_mem>>) attributes {dimension_semantics = [#tpu.dimension_semantics<core_parallel>, #tpu.dimension_semantics<subcore_parallel>], iteration_bounds = array<i64: 2, 16>, scalar_prefetch = 0 : i64, scratch_operands = 5 : i64, tpu.core_type = #tpu.core_type<sc_vector_subcore>, window_params = [{transform_indices = #map}, {transform_indices = #map1}, {transform_indices = #map}]} {
    %mul3A = arith.constant 2 : i32
    %mul3A_0 = arith.muli %arg1, %mul3A : i32
    %add3A = arith.addi %mul3A_0, %arg0 : i32
    %mul3A_1 = arith.constant 1536 : i32
    %mul3A_2 = arith.muli %add3A, %mul3A_1 : i32
    "tpu.region"() ({
      %run_scoped3A = tpu.sem_alloc : memref<!tpu.dma_semaphore, #tpu.memory_space<semaphore_mem>>
      %dma_start3A_29 = tpu.memref_slice %arg3[%mul3A_2] : memref<49152xi32, #tpu.memory_space<hbm>> -> memref<1536xi32, #tpu.memory_space<hbm>>
      %dma_start3A_30 = tpu.memref_slice %arg3[%mul3A_2] : memref<49152xi32, #tpu.memory_space<hbm>> -> memref<1536xi32, #tpu.memory_space<hbm>>
      tpu.enqueue_dma source(%dma_start3A_30 : memref<1536xi32, #tpu.memory_space<hbm>>) target(%arg5 : memref<1536xi32, #tpu.memory_space<vmem>>) target_semaphore(%run_scoped3A : memref<!tpu.dma_semaphore, #tpu.memory_space<semaphore_mem>>)
      %dma_wait3A_31 = tpu.memref_slice %arg3[%mul3A_2] : memref<49152xi32, #tpu.memory_space<hbm>> -> memref<1536xi32, #tpu.memory_space<hbm>>
      %dma_wait3A_32 = tpu.memref_slice %arg3[%mul3A_2] : memref<49152xi32, #tpu.memory_space<hbm>> -> memref<1536xi32, #tpu.memory_space<hbm>>
      tpu.wait_dma2 semaphore(%run_scoped3A : memref<!tpu.dma_semaphore, #tpu.memory_space<semaphore_mem>>) src(%dma_wait3A_32 : memref<1536xi32, #tpu.memory_space<hbm>>) dst(%arg5 : memref<1536xi32, #tpu.memory_space<vmem>>)
      tpu.yield
    }) : () -> ()
    %dma_start3A = arith.constant 0 : i32
    %dma_start3A_3 = tpu.memref_slice %arg5[%dma_start3A] : memref<1536xi32, #tpu.memory_space<vmem>> -> memref<192xi32, #tpu.memory_space<vmem>>
    %dma_start3A_4 = arith.constant 0 : i32
    %dma_start3A_5 = arith.constant 0 : i32
    %dma_start3A_6 = tpu.memref_slice %arg2[%dma_start3A_4, %dma_start3A_5] : memref<10000x256xi32, #tpu.memory_space<hbm>> -> memref<10000x256xi32, #tpu.memory_space<hbm>>
    tpu.enqueue_indirect_dma source(%dma_start3A_6 : memref<10000x256xi32, #tpu.memory_space<hbm>>) target(%arg6 : memref<192x256xi32, #tpu.memory_space<vmem>>) offsets(%dma_start3A_3 : memref<192xi32, #tpu.memory_space<vmem>>) semaphore(%arg8 : memref<!tpu.dma_semaphore, #tpu.memory_space<semaphore_mem>>)
    %dma_start3A_7 = arith.constant 192 : i32
    %dma_start3A_8 = tpu.memref_slice %arg5[%dma_start3A_7] : memref<1536xi32, #tpu.memory_space<vmem>> -> memref<192xi32, #tpu.memory_space<vmem>>
    %dma_start3A_9 = arith.constant 0 : i32
    %dma_start3A_10 = arith.constant 0 : i32
    %dma_start3A_11 = tpu.memref_slice %arg2[%dma_start3A_9, %dma_start3A_10] : memref<10000x256xi32, #tpu.memory_space<hbm>> -> memref<10000x256xi32, #tpu.memory_space<hbm>>
    tpu.enqueue_indirect_dma source(%dma_start3A_11 : memref<10000x256xi32, #tpu.memory_space<hbm>>) target(%arg7 : memref<192x256xi32, #tpu.memory_space<vmem>>) offsets(%dma_start3A_8 : memref<192xi32, #tpu.memory_space<vmem>>) semaphore(%arg9 : memref<!tpu.dma_semaphore, #tpu.memory_space<semaphore_mem>>)
    %scan3A = arith.constant 0 : i32
    %scan3A_12 = arith.constant 3 : i32
    %scan3A_13 = arith.addi %scan3A, %scan3A_12 : i32
    %scan3A_14 = arith.constant 1 : i32
    scf.for %scan3A_29 = %scan3A to %scan3A_13 step %scan3A_14  : i32 {
      %mul3A_30 = arith.constant 384 : i32
      %mul3A_31 = arith.muli %scan3A_29, %mul3A_30 : i32
      %add3A_32 = arith.constant 0 : i32
      %add3A_33 = arith.addi %add3A_32, %mul3A_31 : i32
      %add3A_34 = arith.constant 0 : i32
      %add3A_35 = arith.addi %add3A_33, %add3A_34 : i32
      %dma_wait3A_36 = tpu.memref_slice %arg5[%add3A_35] : memref<1536xi32, #tpu.memory_space<vmem>> -> memref<192xi32, #tpu.memory_space<vmem>>
      %dma_wait3A_37 = arith.constant 0 : i32
      %dma_wait3A_38 = arith.constant 0 : i32
      %dma_wait3A_39 = tpu.memref_slice %arg2[%dma_wait3A_37, %dma_wait3A_38] : memref<10000x256xi32, #tpu.memory_space<hbm>> -> memref<10000x256xi32, #tpu.memory_space<hbm>>
      tpu.wait_indirect_dma semaphore(%arg8 : memref<!tpu.dma_semaphore, #tpu.memory_space<semaphore_mem>>) src(%dma_wait3A_39 : memref<10000x256xi32, #tpu.memory_space<hbm>>) dst(%arg6 : memref<192x256xi32, #tpu.memory_space<vmem>>)
      %add3A_40 = arith.addi %mul3A_2, %add3A_35 : i32
      "tpu.region"() ({
        %run_scoped3A = tpu.sem_alloc : memref<!tpu.dma_semaphore, #tpu.memory_space<semaphore_mem>>
        %dma_start3A_60 = arith.constant 0 : i32
        %dma_start3A_61 = tpu.memref_slice %arg4[%add3A_40, %dma_start3A_60] : memref<49152x256xi32, #tpu.memory_space<hbm>> -> memref<192x256xi32, #tpu.memory_space<hbm>>
        %dma_start3A_62 = arith.constant 0 : i32
        %dma_start3A_63 = tpu.memref_slice %arg4[%add3A_40, %dma_start3A_62] : memref<49152x256xi32, #tpu.memory_space<hbm>> -> memref<192x256xi32, #tpu.memory_space<hbm>>
        tpu.enqueue_dma source(%arg6 : memref<192x256xi32, #tpu.memory_space<vmem>>) target(%dma_start3A_63 : memref<192x256xi32, #tpu.memory_space<hbm>>) target_semaphore(%run_scoped3A : memref<!tpu.dma_semaphore, #tpu.memory_space<semaphore_mem>>)
        %dma_wait3A_64 = arith.constant 0 : i32
        %dma_wait3A_65 = tpu.memref_slice %arg4[%add3A_40, %dma_wait3A_64] : memref<49152x256xi32, #tpu.memory_space<hbm>> -> memref<192x256xi32, #tpu.memory_space<hbm>>
        %dma_wait3A_66 = arith.constant 0 : i32
        %dma_wait3A_67 = tpu.memref_slice %arg4[%add3A_40, %dma_wait3A_66] : memref<49152x256xi32, #tpu.memory_space<hbm>> -> memref<192x256xi32, #tpu.memory_space<hbm>>
        tpu.wait_dma2 semaphore(%run_scoped3A : memref<!tpu.dma_semaphore, #tpu.memory_space<semaphore_mem>>) src(%arg6 : memref<192x256xi32, #tpu.memory_space<vmem>>) dst(%dma_wait3A_67 : memref<192x256xi32, #tpu.memory_space<hbm>>)
        tpu.yield
      }) : () -> ()
      %add3A_41 = arith.constant 384 : i32
      %add3A_42 = arith.addi %add3A_35, %add3A_41 : i32
      %dma_start3A_43 = tpu.memref_slice %arg5[%add3A_42] : memref<1536xi32, #tpu.memory_space<vmem>> -> memref<192xi32, #tpu.memory_space<vmem>>
      %dma_start3A_44 = arith.constant 0 : i32
      %dma_start3A_45 = arith.constant 0 : i32
      %dma_start3A_46 = tpu.memref_slice %arg2[%dma_start3A_44, %dma_start3A_45] : memref<10000x256xi32, #tpu.memory_space<hbm>> -> memref<10000x256xi32, #tpu.memory_space<hbm>>
      tpu.enqueue_indirect_dma source(%dma_start3A_46 : memref<10000x256xi32, #tpu.memory_space<hbm>>) target(%arg6 : memref<192x256xi32, #tpu.memory_space<vmem>>) offsets(%dma_start3A_43 : memref<192xi32, #tpu.memory_space<vmem>>) semaphore(%arg8 : memref<!tpu.dma_semaphore, #tpu.memory_space<semaphore_mem>>)
      %add3A_47 = arith.constant 192 : i32
      %add3A_48 = arith.addi %add3A_33, %add3A_47 : i32
      %dma_wait3A_49 = tpu.memref_slice %arg5[%add3A_48] : memref<1536xi32, #tpu.memory_space<vmem>> -> memref<192xi32, #tpu.memory_space<vmem>>
      %dma_wait3A_50 = arith.constant 0 : i32
      %dma_wait3A_51 = arith.constant 0 : i32
      %dma_wait3A_52 = tpu.memref_slice %arg2[%dma_wait3A_50, %dma_wait3A_51] : memref<10000x256xi32, #tpu.memory_space<hbm>> -> memref<10000x256xi32, #tpu.memory_space<hbm>>
      tpu.wait_indirect_dma semaphore(%arg9 : memref<!tpu.dma_semaphore, #tpu.memory_space<semaphore_mem>>) src(%dma_wait3A_52 : memref<10000x256xi32, #tpu.memory_space<hbm>>) dst(%arg7 : memref<192x256xi32, #tpu.memory_space<vmem>>)
      %add3A_53 = arith.addi %mul3A_2, %add3A_48 : i32
      "tpu.region"() ({
        %run_scoped3A = tpu.sem_alloc : memref<!tpu.dma_semaphore, #tpu.memory_space<semaphore_mem>>
        %dma_start3A_60 = arith.constant 0 : i32
        %dma_start3A_61 = tpu.memref_slice %arg4[%add3A_53, %dma_start3A_60] : memref<49152x256xi32, #tpu.memory_space<hbm>> -> memref<192x256xi32, #tpu.memory_space<hbm>>
        %dma_start3A_62 = arith.constant 0 : i32
        %dma_start3A_63 = tpu.memref_slice %arg4[%add3A_53, %dma_start3A_62] : memref<49152x256xi32, #tpu.memory_space<hbm>> -> memref<192x256xi32, #tpu.memory_space<hbm>>
        tpu.enqueue_dma source(%arg7 : memref<192x256xi32, #tpu.memory_space<vmem>>) target(%dma_start3A_63 : memref<192x256xi32, #tpu.memory_space<hbm>>) target_semaphore(%run_scoped3A : memref<!tpu.dma_semaphore, #tpu.memory_space<semaphore_mem>>)
        %dma_wait3A_64 = arith.constant 0 : i32
        %dma_wait3A_65 = tpu.memref_slice %arg4[%add3A_53, %dma_wait3A_64] : memref<49152x256xi32, #tpu.memory_space<hbm>> -> memref<192x256xi32, #tpu.memory_space<hbm>>
        %dma_wait3A_66 = arith.constant 0 : i32
        %dma_wait3A_67 = tpu.memref_slice %arg4[%add3A_53, %dma_wait3A_66] : memref<49152x256xi32, #tpu.memory_space<hbm>> -> memref<192x256xi32, #tpu.memory_space<hbm>>
        tpu.wait_dma2 semaphore(%run_scoped3A : memref<!tpu.dma_semaphore, #tpu.memory_space<semaphore_mem>>) src(%arg7 : memref<192x256xi32, #tpu.memory_space<vmem>>) dst(%dma_wait3A_67 : memref<192x256xi32, #tpu.memory_space<hbm>>)
        tpu.yield
      }) : () -> ()
      %add3A_54 = arith.constant 384 : i32
      %add3A_55 = arith.addi %add3A_48, %add3A_54 : i32
      %dma_start3A_56 = tpu.memref_slice %arg5[%add3A_55] : memref<1536xi32, #tpu.memory_space<vmem>> -> memref<192xi32, #tpu.memory_space<vmem>>
      %dma_start3A_57 = arith.constant 0 : i32
      %dma_start3A_58 = arith.constant 0 : i32
      %dma_start3A_59 = tpu.memref_slice %arg2[%dma_start3A_57, %dma_start3A_58] : memref<10000x256xi32, #tpu.memory_space<hbm>> -> memref<10000x256xi32, #tpu.memory_space<hbm>>
      tpu.enqueue_indirect_dma source(%dma_start3A_59 : memref<10000x256xi32, #tpu.memory_space<hbm>>) target(%arg7 : memref<192x256xi32, #tpu.memory_space<vmem>>) offsets(%dma_start3A_56 : memref<192xi32, #tpu.memory_space<vmem>>) semaphore(%arg9 : memref<!tpu.dma_semaphore, #tpu.memory_space<semaphore_mem>>)
    }
    %scan3A_15 = arith.constant 3 : i32
    %dma_wait3A = arith.constant 1152 : i32
    %dma_wait3A_16 = tpu.memref_slice %arg5[%dma_wait3A] : memref<1536xi32, #tpu.memory_space<vmem>> -> memref<192xi32, #tpu.memory_space<vmem>>
    %dma_wait3A_17 = arith.constant 0 : i32
    %dma_wait3A_18 = arith.constant 0 : i32
    %dma_wait3A_19 = tpu.memref_slice %arg2[%dma_wait3A_17, %dma_wait3A_18] : memref<10000x256xi32, #tpu.memory_space<hbm>> -> memref<10000x256xi32, #tpu.memory_space<hbm>>
    tpu.wait_indirect_dma semaphore(%arg8 : memref<!tpu.dma_semaphore, #tpu.memory_space<semaphore_mem>>) src(%dma_wait3A_19 : memref<10000x256xi32, #tpu.memory_space<hbm>>) dst(%arg6 : memref<192x256xi32, #tpu.memory_space<vmem>>)
    %add3A_20 = arith.constant 1152 : i32
    %add3A_21 = arith.addi %mul3A_2, %add3A_20 : i32
    "tpu.region"() ({
      %run_scoped3A = tpu.sem_alloc : memref<!tpu.dma_semaphore, #tpu.memory_space<semaphore_mem>>
      %dma_start3A_29 = arith.constant 0 : i32
      %dma_start3A_30 = tpu.memref_slice %arg4[%add3A_21, %dma_start3A_29] : memref<49152x256xi32, #tpu.memory_space<hbm>> -> memref<192x256xi32, #tpu.memory_space<hbm>>
      %dma_start3A_31 = arith.constant 0 : i32
      %dma_start3A_32 = tpu.memref_slice %arg4[%add3A_21, %dma_start3A_31] : memref<49152x256xi32, #tpu.memory_space<hbm>> -> memref<192x256xi32, #tpu.memory_space<hbm>>
      tpu.enqueue_dma source(%arg6 : memref<192x256xi32, #tpu.memory_space<vmem>>) target(%dma_start3A_32 : memref<192x256xi32, #tpu.memory_space<hbm>>) target_semaphore(%run_scoped3A : memref<!tpu.dma_semaphore, #tpu.memory_space<semaphore_mem>>)
      %dma_wait3A_33 = arith.constant 0 : i32
      %dma_wait3A_34 = tpu.memref_slice %arg4[%add3A_21, %dma_wait3A_33] : memref<49152x256xi32, #tpu.memory_space<hbm>> -> memref<192x256xi32, #tpu.memory_space<hbm>>
      %dma_wait3A_35 = arith.constant 0 : i32
      %dma_wait3A_36 = tpu.memref_slice %arg4[%add3A_21, %dma_wait3A_35] : memref<49152x256xi32, #tpu.memory_space<hbm>> -> memref<192x256xi32, #tpu.memory_space<hbm>>
      tpu.wait_dma2 semaphore(%run_scoped3A : memref<!tpu.dma_semaphore, #tpu.memory_space<semaphore_mem>>) src(%arg6 : memref<192x256xi32, #tpu.memory_space<vmem>>) dst(%dma_wait3A_36 : memref<192x256xi32, #tpu.memory_space<hbm>>)
      tpu.yield
    }) : () -> ()
    %dma_wait3A_22 = arith.constant 1344 : i32
    %dma_wait3A_23 = tpu.memref_slice %arg5[%dma_wait3A_22] : memref<1536xi32, #tpu.memory_space<vmem>> -> memref<192xi32, #tpu.memory_space<vmem>>
    %dma_wait3A_24 = arith.constant 0 : i32
    %dma_wait3A_25 = arith.constant 0 : i32
    %dma_wait3A_26 = tpu.memref_slice %arg2[%dma_wait3A_24, %dma_wait3A_25] : memref<10000x256xi32, #tpu.memory_space<hbm>> -> memref<10000x256xi32, #tpu.memory_space<hbm>>
    tpu.wait_indirect_dma semaphore(%arg9 : memref<!tpu.dma_semaphore, #tpu.memory_space<semaphore_mem>>) src(%dma_wait3A_26 : memref<10000x256xi32, #tpu.memory_space<hbm>>) dst(%arg7 : memref<192x256xi32, #tpu.memory_space<vmem>>)
    %add3A_27 = arith.constant 1344 : i32
    %add3A_28 = arith.addi %mul3A_2, %add3A_27 : i32
    "tpu.region"() ({
      %run_scoped3A = tpu.sem_alloc : memref<!tpu.dma_semaphore, #tpu.memory_space<semaphore_mem>>
      %dma_start3A_29 = arith.constant 0 : i32
      %dma_start3A_30 = tpu.memref_slice %arg4[%add3A_28, %dma_start3A_29] : memref<49152x256xi32, #tpu.memory_space<hbm>> -> memref<192x256xi32, #tpu.memory_space<hbm>>
      %dma_start3A_31 = arith.constant 0 : i32
      %dma_start3A_32 = tpu.memref_slice %arg4[%add3A_28, %dma_start3A_31] : memref<49152x256xi32, #tpu.memory_space<hbm>> -> memref<192x256xi32, #tpu.memory_space<hbm>>
      tpu.enqueue_dma source(%arg7 : memref<192x256xi32, #tpu.memory_space<vmem>>) target(%dma_start3A_32 : memref<192x256xi32, #tpu.memory_space<hbm>>) target_semaphore(%run_scoped3A : memref<!tpu.dma_semaphore, #tpu.memory_space<semaphore_mem>>)
      %dma_wait3A_33 = arith.constant 0 : i32
      %dma_wait3A_34 = tpu.memref_slice %arg4[%add3A_28, %dma_wait3A_33] : memref<49152x256xi32, #tpu.memory_space<hbm>> -> memref<192x256xi32, #tpu.memory_space<hbm>>
      %dma_wait3A_35 = arith.constant 0 : i32
      %dma_wait3A_36 = tpu.memref_slice %arg4[%add3A_28, %dma_wait3A_35] : memref<49152x256xi32, #tpu.memory_space<hbm>> -> memref<192x256xi32, #tpu.memory_space<hbm>>
      tpu.wait_dma2 semaphore(%run_scoped3A : memref<!tpu.dma_semaphore, #tpu.memory_space<semaphore_mem>>) src(%arg7 : memref<192x256xi32, #tpu.memory_space<vmem>>) dst(%dma_wait3A_36 : memref<192x256xi32, #tpu.memory_space<hbm>>)
      tpu.yield
    }) : () -> ()
    return
  }
}

#map = affine_map<(d0, d1) -> (0, 0)>
#map1 = affine_map<(d0, d1) -> (0)>
module attributes {stable_mosaic.version = 14 : i64} {
  func.func @gather_kernel(%arg0: i32, %arg1: i32, %arg2: memref<10000x256xi32, #tpu.memory_space<hbm>>, %arg3: memref<49152xi32, #tpu.memory_space<hbm>>, %arg4: memref<49152x256xi32, #tpu.memory_space<hbm>>, %arg5: memref<1536xi32, #tpu.memory_space<vmem>>, %arg6: memref<192x256xi32, #tpu.memory_space<vmem>>, %arg7: memref<192x256xi32, #tpu.memory_space<vmem>>, %arg8: memref<!tpu.dma_semaphore, #tpu.memory_space<semaphore_mem>>, %arg9: memref<!tpu.dma_semaphore, #tpu.memory_space<semaphore_mem>>) attributes {dimension_semantics = [#tpu.dimension_semantics<core_parallel>, #tpu.dimension_semantics<subcore_parallel>], iteration_bounds = array<i64: 2, 16>, scalar_prefetch = 0 : i64, scratch_operands = 5 : i64, tpu.core_type = #tpu.core_type<sc_vector_subcore>, window_params = [{transform_indices = #map}, {transform_indices = #map1}, {transform_indices = #map}]} {
    %mul3A = arith.constant 2 : i32
    %mul3A_0 = arith.muli %arg1, %mul3A : i32
    %add3A = arith.addi %mul3A_0, %arg0 : i32
    %mul3A_1 = arith.constant 1536 : i32
    %mul3A_2 = arith.muli %add3A, %mul3A_1 : i32
    "tpu.region"() ({
      %run_scoped3A = tpu.sem_alloc : memref<!tpu.dma_semaphore, #tpu.memory_space<semaphore_mem>>
      %dma_start3A_29 = tpu.memref_slice %arg3[%mul3A_2] : memref<49152xi32, #tpu.memory_space<hbm>> -> memref<1536xi32, #tpu.memory_space<hbm>>
      %dma_start3A_30 = tpu.memref_slice %arg3[%mul3A_2] : memref<49152xi32, #tpu.memory_space<hbm>> -> memref<1536xi32, #tpu.memory_space<hbm>>
      tpu.enqueue_dma source(%dma_start3A_30 : memref<1536xi32, #tpu.memory_space<hbm>>) target(%arg5 : memref<1536xi32, #tpu.memory_space<vmem>>) target_semaphore(%run_scoped3A : memref<!tpu.dma_semaphore, #tpu.memory_space<semaphore_mem>>)
      %dma_wait3A_31 = tpu.memref_slice %arg3[%mul3A_2] : memref<49152xi32, #tpu.memory_space<hbm>> -> memref<1536xi32, #tpu.memory_space<hbm>>
      %dma_wait3A_32 = tpu.memref_slice %arg3[%mul3A_2] : memref<49152xi32, #tpu.memory_space<hbm>> -> memref<1536xi32, #tpu.memory_space<hbm>>
      tpu.wait_dma2 semaphore(%run_scoped3A : memref<!tpu.dma_semaphore, #tpu.memory_space<semaphore_mem>>) src(%dma_wait3A_32 : memref<1536xi32, #tpu.memory_space<hbm>>) dst(%arg5 : memref<1536xi32, #tpu.memory_space<vmem>>)
      tpu.yield
    }) : () -> ()
    %dma_start3A = arith.constant 0 : i32
    %dma_start3A_3 = tpu.memref_slice %arg5[%dma_start3A] : memref<1536xi32, #tpu.memory_space<vmem>> -> memref<192xi32, #tpu.memory_space<vmem>>
    %dma_start3A_4 = arith.constant 0 : i32
    %dma_start3A_5 = arith.constant 0 : i32
    %dma_start3A_6 = tpu.memref_slice %arg2[%dma_start3A_4, %dma_start3A_5] : memref<10000x256xi32, #tpu.memory_space<hbm>> -> memref<10000x256xi32, #tpu.memory_space<hbm>>
    tpu.enqueue_indirect_dma source(%dma_start3A_6 : memref<10000x256xi32, #tpu.memory_space<hbm>>) target(%arg6 : memref<192x256xi32, #tpu.memory_space<vmem>>) offsets(%dma_start3A_3 : memref<192xi32, #tpu.memory_space<vmem>>) semaphore(%arg8 : memref<!tpu.dma_semaphore, #tpu.memory_space<semaphore_mem>>)
    %dma_start3A_7 = arith.constant 192 : i32
    %dma_start3A_8 = tpu.memref_slice %arg5[%dma_start3A_7] : memref<1536xi32, #tpu.memory_space<vmem>> -> memref<192xi32, #tpu.memory_space<vmem>>
    %dma_start3A_9 = arith.constant 0 : i32
    %dma_start3A_10 = arith.constant 0 : i32
    %dma_start3A_11 = tpu.memref_slice %arg2[%dma_start3A_9, %dma_start3A_10] : memref<10000x256xi32, #tpu.memory_space<hbm>> -> memref<10000x256xi32, #tpu.memory_space<hbm>>
    tpu.enqueue_indirect_dma source(%dma_start3A_11 : memref<10000x256xi32, #tpu.memory_space<hbm>>) target(%arg7 : memref<192x256xi32, #tpu.memory_space<vmem>>) offsets(%dma_start3A_8 : memref<192xi32, #tpu.memory_space<vmem>>) semaphore(%arg9 : memref<!tpu.dma_semaphore, #tpu.memory_space<semaphore_mem>>)
    %scan3A = arith.constant 0 : i32
    %scan3A_12 = arith.constant 3 : i32
    %scan3A_13 = arith.addi %scan3A, %scan3A_12 : i32
    %scan3A_14 = arith.constant 1 : i32
    scf.for %scan3A_29 = %scan3A to %scan3A_13 step %scan3A_14  : i32 {
      %mul3A_30 = arith.constant 384 : i32
      %mul3A_31 = arith.muli %scan3A_29, %mul3A_30 : i32
      %add3A_32 = arith.constant 0 : i32
      %add3A_33 = arith.addi %add3A_32, %mul3A_31 : i32
      %add3A_34 = arith.constant 0 : i32
      %add3A_35 = arith.addi %add3A_33, %add3A_34 : i32
      %dma_wait3A_36 = tpu.memref_slice %arg5[%add3A_35] : memref<1536xi32, #tpu.memory_space<vmem>> -> memref<192xi32, #tpu.memory_space<vmem>>
      %dma_wait3A_37 = arith.constant 0 : i32
      %dma_wait3A_38 = arith.constant 0 : i32
      %dma_wait3A_39 = tpu.memref_slice %arg2[%dma_wait3A_37, %dma_wait3A_38] : memref<10000x256xi32, #tpu.memory_space<hbm>> -> memref<10000x256xi32, #tpu.memory_space<hbm>>
      tpu.wait_indirect_dma semaphore(%arg8 : memref<!tpu.dma_semaphore, #tpu.memory_space<semaphore_mem>>) src(%dma_wait3A_39 : memref<10000x256xi32, #tpu.memory_space<hbm>>) dst(%arg6 : memref<192x256xi32, #tpu.memory_space<vmem>>)
      %add3A_40 = arith.addi %mul3A_2, %add3A_35 : i32
      "tpu.region"() ({
        %run_scoped3A = tpu.sem_alloc : memref<!tpu.dma_semaphore, #tpu.memory_space<semaphore_mem>>
        %dma_start3A_60 = arith.constant 0 : i32
        %dma_start3A_61 = tpu.memref_slice %arg4[%add3A_40, %dma_start3A_60] : memref<49152x256xi32, #tpu.memory_space<hbm>> -> memref<192x256xi32, #tpu.memory_space<hbm>>
        %dma_start3A_62 = arith.constant 0 : i32
        %dma_start3A_63 = tpu.memref_slice %arg4[%add3A_40, %dma_start3A_62] : memref<49152x256xi32, #tpu.memory_space<hbm>> -> memref<192x256xi32, #tpu.memory_space<hbm>>
        tpu.enqueue_dma source(%arg6 : memref<192x256xi32, #tpu.memory_space<vmem>>) target(%dma_start3A_63 : memref<192x256xi32, #tpu.memory_space<hbm>>) target_semaphore(%run_scoped3A : memref<!tpu.dma_semaphore, #tpu.memory_space<semaphore_mem>>)
        %dma_wait3A_64 = arith.constant 0 : i32
        %dma_wait3A_65 = tpu.memref_slice %arg4[%add3A_40, %dma_wait3A_64] : memref<49152x256xi32, #tpu.memory_space<hbm>> -> memref<192x256xi32, #tpu.memory_space<hbm>>
        %dma_wait3A_66 = arith.constant 0 : i32
        %dma_wait3A_67 = tpu.memref_slice %arg4[%add3A_40, %dma_wait3A_66] : memref<49152x256xi32, #tpu.memory_space<hbm>> -> memref<192x256xi32, #tpu.memory_space<hbm>>
        tpu.wait_dma2 semaphore(%run_scoped3A : memref<!tpu.dma_semaphore, #tpu.memory_space<semaphore_mem>>) src(%arg6 : memref<192x256xi32, #tpu.memory_space<vmem>>) dst(%dma_wait3A_67 : memref<192x256xi32, #tpu.memory_space<hbm>>)
        tpu.yield
      }) : () -> ()
      %add3A_41 = arith.constant 384 : i32
      %add3A_42 = arith.addi %add3A_35, %add3A_41 : i32
      %dma_start3A_43 = tpu.memref_slice %arg5[%add3A_42] : memref<1536xi32, #tpu.memory_space<vmem>> -> memref<192xi32, #tpu.memory_space<vmem>>
      %dma_start3A_44 = arith.constant 0 : i32
      %dma_start3A_45 = arith.constant 0 : i32
      %dma_start3A_46 = tpu.memref_slice %arg2[%dma_start3A_44, %dma_start3A_45] : memref<10000x256xi32, #tpu.memory_space<hbm>> -> memref<10000x256xi32, #tpu.memory_space<hbm>>
      tpu.enqueue_indirect_dma source(%dma_start3A_46 : memref<10000x256xi32, #tpu.memory_space<hbm>>) target(%arg6 : memref<192x256xi32, #tpu.memory_space<vmem>>) offsets(%dma_start3A_43 : memref<192xi32, #tpu.memory_space<vmem>>) semaphore(%arg8 : memref<!tpu.dma_semaphore, #tpu.memory_space<semaphore_mem>>)
      %add3A_47 = arith.constant 192 : i32
      %add3A_48 = arith.addi %add3A_33, %add3A_47 : i32
      %dma_wait3A_49 = tpu.memref_slice %arg5[%add3A_48] : memref<1536xi32, #tpu.memory_space<vmem>> -> memref<192xi32, #tpu.memory_space<vmem>>
      %dma_wait3A_50 = arith.constant 0 : i32
      %dma_wait3A_51 = arith.constant 0 : i32
      %dma_wait3A_52 = tpu.memref_slice %arg2[%dma_wait3A_50, %dma_wait3A_51] : memref<10000x256xi32, #tpu.memory_space<hbm>> -> memref<10000x256xi32, #tpu.memory_space<hbm>>
      tpu.wait_indirect_dma semaphore(%arg9 : memref<!tpu.dma_semaphore, #tpu.memory_space<semaphore_mem>>) src(%dma_wait3A_52 : memref<10000x256xi32, #tpu.memory_space<hbm>>) dst(%arg7 : memref<192x256xi32, #tpu.memory_space<vmem>>)
      %add3A_53 = arith.addi %mul3A_2, %add3A_48 : i32
      "tpu.region"() ({
        %run_scoped3A = tpu.sem_alloc : memref<!tpu.dma_semaphore, #tpu.memory_space<semaphore_mem>>
        %dma_start3A_60 = arith.constant 0 : i32
        %dma_start3A_61 = tpu.memref_slice %arg4[%add3A_53, %dma_start3A_60] : memref<49152x256xi32, #tpu.memory_space<hbm>> -> memref<192x256xi32, #tpu.memory_space<hbm>>
        %dma_start3A_62 = arith.constant 0 : i32
        %dma_start3A_63 = tpu.memref_slice %arg4[%add3A_53, %dma_start3A_62] : memref<49152x256xi32, #tpu.memory_space<hbm>> -> memref<192x256xi32, #tpu.memory_space<hbm>>
        tpu.enqueue_dma source(%arg7 : memref<192x256xi32, #tpu.memory_space<vmem>>) target(%dma_start3A_63 : memref<192x256xi32, #tpu.memory_space<hbm>>) target_semaphore(%run_scoped3A : memref<!tpu.dma_semaphore, #tpu.memory_space<semaphore_mem>>)
        %dma_wait3A_64 = arith.constant 0 : i32
        %dma_wait3A_65 = tpu.memref_slice %arg4[%add3A_53, %dma_wait3A_64] : memref<49152x256xi32, #tpu.memory_space<hbm>> -> memref<192x256xi32, #tpu.memory_space<hbm>>
        %dma_wait3A_66 = arith.constant 0 : i32
        %dma_wait3A_67 = tpu.memref_slice %arg4[%add3A_53, %dma_wait3A_66] : memref<49152x256xi32, #tpu.memory_space<hbm>> -> memref<192x256xi32, #tpu.memory_space<hbm>>
        tpu.wait_dma2 semaphore(%run_scoped3A : memref<!tpu.dma_semaphore, #tpu.memory_space<semaphore_mem>>) src(%arg7 : memref<192x256xi32, #tpu.memory_space<vmem>>) dst(%dma_wait3A_67 : memref<192x256xi32, #tpu.memory_space<hbm>>)
        tpu.yield
      }) : () -> ()
      %add3A_54 = arith.constant 384 : i32
      %add3A_55 = arith.addi %add3A_48, %add3A_54 : i32
      %dma_start3A_56 = tpu.memref_slice %arg5[%add3A_55] : memref<1536xi32, #tpu.memory_space<vmem>> -> memref<192xi32, #tpu.memory_space<vmem>>
      %dma_start3A_57 = arith.constant 0 : i32
      %dma_start3A_58 = arith.constant 0 : i32
      %dma_start3A_59 = tpu.memref_slice %arg2[%dma_start3A_57, %dma_start3A_58] : memref<10000x256xi32, #tpu.memory_space<hbm>> -> memref<10000x256xi32, #tpu.memory_space<hbm>>
      tpu.enqueue_indirect_dma source(%dma_start3A_59 : memref<10000x256xi32, #tpu.memory_space<hbm>>) target(%arg7 : memref<192x256xi32, #tpu.memory_space<vmem>>) offsets(%dma_start3A_56 : memref<192xi32, #tpu.memory_space<vmem>>) semaphore(%arg9 : memref<!tpu.dma_semaphore, #tpu.memory_space<semaphore_mem>>)
    }
    %scan3A_15 = arith.constant 3 : i32
    %dma_wait3A = arith.constant 1152 : i32
    %dma_wait3A_16 = tpu.memref_slice %arg5[%dma_wait3A] : memref<1536xi32, #tpu.memory_space<vmem>> -> memref<192xi32, #tpu.memory_space<vmem>>
    %dma_wait3A_17 = arith.constant 0 : i32
    %dma_wait3A_18 = arith.constant 0 : i32
    %dma_wait3A_19 = tpu.memref_slice %arg2[%dma_wait3A_17, %dma_wait3A_18] : memref<10000x256xi32, #tpu.memory_space<hbm>> -> memref<10000x256xi32, #tpu.memory_space<hbm>>
    tpu.wait_indirect_dma semaphore(%arg8 : memref<!tpu.dma_semaphore, #tpu.memory_space<semaphore_mem>>) src(%dma_wait3A_19 : memref<10000x256xi32, #tpu.memory_space<hbm>>) dst(%arg6 : memref<192x256xi32, #tpu.memory_space<vmem>>)
    %add3A_20 = arith.constant 1152 : i32
    %add3A_21 = arith.addi %mul3A_2, %add3A_20 : i32
    "tpu.region"() ({
      %run_scoped3A = tpu.sem_alloc : memref<!tpu.dma_semaphore, #tpu.memory_space<semaphore_mem>>
      %dma_start3A_29 = arith.constant 0 : i32
      %dma_start3A_30 = tpu.memref_slice %arg4[%add3A_21, %dma_start3A_29] : memref<49152x256xi32, #tpu.memory_space<hbm>> -> memref<192x256xi32, #tpu.memory_space<hbm>>
      %dma_start3A_31 = arith.constant 0 : i32
      %dma_start3A_32 = tpu.memref_slice %arg4[%add3A_21, %dma_start3A_31] : memref<49152x256xi32, #tpu.memory_space<hbm>> -> memref<192x256xi32, #tpu.memory_space<hbm>>
      tpu.enqueue_dma source(%arg6 : memref<192x256xi32, #tpu.memory_space<vmem>>) target(%dma_start3A_32 : memref<192x256xi32, #tpu.memory_space<hbm>>) target_semaphore(%run_scoped3A : memref<!tpu.dma_semaphore, #tpu.memory_space<semaphore_mem>>)
      %dma_wait3A_33 = arith.constant 0 : i32
      %dma_wait3A_34 = tpu.memref_slice %arg4[%add3A_21, %dma_wait3A_33] : memref<49152x256xi32, #tpu.memory_space<hbm>> -> memref<192x256xi32, #tpu.memory_space<hbm>>
      %dma_wait3A_35 = arith.constant 0 : i32
      %dma_wait3A_36 = tpu.memref_slice %arg4[%add3A_21, %dma_wait3A_35] : memref<49152x256xi32, #tpu.memory_space<hbm>> -> memref<192x256xi32, #tpu.memory_space<hbm>>
      tpu.wait_dma2 semaphore(%run_scoped3A : memref<!tpu.dma_semaphore, #tpu.memory_space<semaphore_mem>>) src(%arg6 : memref<192x256xi32, #tpu.memory_space<vmem>>) dst(%dma_wait3A_36 : memref<192x256xi32, #tpu.memory_space<hbm>>)
      tpu.yield
    }) : () -> ()
    %dma_wait3A_22 = arith.constant 1344 : i32
    %dma_wait3A_23 = tpu.memref_slice %arg5[%dma_wait3A_22] : memref<1536xi32, #tpu.memory_space<vmem>> -> memref<192xi32, #tpu.memory_space<vmem>>
    %dma_wait3A_24 = arith.constant 0 : i32
    %dma_wait3A_25 = arith.constant 0 : i32
    %dma_wait3A_26 = tpu.memref_slice %arg2[%dma_wait3A_24, %dma_wait3A_25] : memref<10000x256xi32, #tpu.memory_space<hbm>> -> memref<10000x256xi32, #tpu.memory_space<hbm>>
    tpu.wait_indirect_dma semaphore(%arg9 : memref<!tpu.dma_semaphore, #tpu.memory_space<semaphore_mem>>) src(%dma_wait3A_26 : memref<10000x256xi32, #tpu.memory_space<hbm>>) dst(%arg7 : memref<192x256xi32, #tpu.memory_space<vmem>>)
    %add3A_27 = arith.constant 1344 : i32
    %add3A_28 = arith.addi %mul3A_2, %add3A_27 : i32
    "tpu.region"() ({
      %run_scoped3A = tpu.sem_alloc : memref<!tpu.dma_semaphore, #tpu.memory_space<semaphore_mem>>
      %dma_start3A_29 = arith.constant 0 : i32
      %dma_start3A_30 = tpu.memref_slice %arg4[%add3A_28, %dma_start3A_29] : memref<49152x256xi32, #tpu.memory_space<hbm>> -> memref<192x256xi32, #tpu.memory_space<hbm>>
      %dma_start3A_31 = arith.constant 0 : i32
      %dma_start3A_32 = tpu.memref_slice %arg4[%add3A_28, %dma_start3A_31] : memref<49152x256xi32, #tpu.memory_space<hbm>> -> memref<192x256xi32, #tpu.memory_space<hbm>>
      tpu.enqueue_dma source(%arg7 : memref<192x256xi32, #tpu.memory_space<vmem>>) target(%dma_start3A_32 : memref<192x256xi32, #tpu.memory_space<hbm>>) target_semaphore(%run_scoped3A : memref<!tpu.dma_semaphore, #tpu.memory_space<semaphore_mem>>)
      %dma_wait3A_33 = arith.constant 0 : i32
      %dma_wait3A_34 = tpu.memref_slice %arg4[%add3A_28, %dma_wait3A_33] : memref<49152x256xi32, #tpu.memory_space<hbm>> -> memref<192x256xi32, #tpu.memory_space<hbm>>
      %dma_wait3A_35 = arith.constant 0 : i32
      %dma_wait3A_36 = tpu.memref_slice %arg4[%add3A_28, %dma_wait3A_35] : memref<49152x256xi32, #tpu.memory_space<hbm>> -> memref<192x256xi32, #tpu.memory_space<hbm>>
      tpu.wait_dma2 semaphore(%run_scoped3A : memref<!tpu.dma_semaphore, #tpu.memory_space<semaphore_mem>>) src(%arg7 : memref<192x256xi32, #tpu.memory_space<vmem>>) dst(%dma_wait3A_36 : memref<192x256xi32, #tpu.memory_space<hbm>>)
      tpu.yield
    }) : () -> ()
    return
  }
}

#map = affine_map<(d0, d1) -> (0, 0)>
#map1 = affine_map<(d0, d1) -> (0)>
module attributes {stable_mosaic.version = 14 : i64} {
  func.func @gather_kernel(%arg0: i32, %arg1: i32, %arg2: memref<10000x256xi32, #tpu.memory_space<hbm>>, %arg3: memref<49152xi32, #tpu.memory_space<hbm>>, %arg4: memref<49152x256xi32, #tpu.memory_space<hbm>>, %arg5: memref<1536xi32, #tpu.memory_space<vmem>>, %arg6: memref<192x256xi32, #tpu.memory_space<vmem>>, %arg7: memref<192x256xi32, #tpu.memory_space<vmem>>, %arg8: memref<!tpu.dma_semaphore, #tpu.memory_space<semaphore_mem>>, %arg9: memref<!tpu.dma_semaphore, #tpu.memory_space<semaphore_mem>>) attributes {dimension_semantics = [#tpu.dimension_semantics<core_parallel>, #tpu.dimension_semantics<subcore_parallel>], iteration_bounds = array<i64: 2, 16>, scalar_prefetch = 0 : i64, scratch_operands = 5 : i64, tpu.core_type = #tpu.core_type<sc_vector_subcore>, window_params = [{transform_indices = #map}, {transform_indices = #map1}, {transform_indices = #map}]} {
    %mul3A = arith.constant 2 : i32
    %mul3A_0 = arith.muli %arg1, %mul3A : i32
    %add3A = arith.addi %mul3A_0, %arg0 : i32
    %mul3A_1 = arith.constant 1536 : i32
    %mul3A_2 = arith.muli %add3A, %mul3A_1 : i32
    "tpu.region"() ({
      %run_scoped3A = tpu.sem_alloc : memref<!tpu.dma_semaphore, #tpu.memory_space<semaphore_mem>>
      %dma_start3A_29 = tpu.memref_slice %arg3[%mul3A_2] : memref<49152xi32, #tpu.memory_space<hbm>> -> memref<1536xi32, #tpu.memory_space<hbm>>
      %dma_start3A_30 = tpu.memref_slice %arg3[%mul3A_2] : memref<49152xi32, #tpu.memory_space<hbm>> -> memref<1536xi32, #tpu.memory_space<hbm>>
      tpu.enqueue_dma source(%dma_start3A_30 : memref<1536xi32, #tpu.memory_space<hbm>>) target(%arg5 : memref<1536xi32, #tpu.memory_space<vmem>>) target_semaphore(%run_scoped3A : memref<!tpu.dma_semaphore, #tpu.memory_space<semaphore_mem>>)
      %dma_wait3A_31 = tpu.memref_slice %arg3[%mul3A_2] : memref<49152xi32, #tpu.memory_space<hbm>> -> memref<1536xi32, #tpu.memory_space<hbm>>
      %dma_wait3A_32 = tpu.memref_slice %arg3[%mul3A_2] : memref<49152xi32, #tpu.memory_space<hbm>> -> memref<1536xi32, #tpu.memory_space<hbm>>
      tpu.wait_dma2 semaphore(%run_scoped3A : memref<!tpu.dma_semaphore, #tpu.memory_space<semaphore_mem>>) src(%dma_wait3A_32 : memref<1536xi32, #tpu.memory_space<hbm>>) dst(%arg5 : memref<1536xi32, #tpu.memory_space<vmem>>)
      tpu.yield
    }) : () -> ()
    %dma_start3A = arith.constant 0 : i32
    %dma_start3A_3 = tpu.memref_slice %arg5[%dma_start3A] : memref<1536xi32, #tpu.memory_space<vmem>> -> memref<192xi32, #tpu.memory_space<vmem>>
    %dma_start3A_4 = arith.constant 0 : i32
    %dma_start3A_5 = arith.constant 0 : i32
    %dma_start3A_6 = tpu.memref_slice %arg2[%dma_start3A_4, %dma_start3A_5] : memref<10000x256xi32, #tpu.memory_space<hbm>> -> memref<10000x256xi32, #tpu.memory_space<hbm>>
    tpu.enqueue_indirect_dma source(%dma_start3A_6 : memref<10000x256xi32, #tpu.memory_space<hbm>>) target(%arg6 : memref<192x256xi32, #tpu.memory_space<vmem>>) offsets(%dma_start3A_3 : memref<192xi32, #tpu.memory_space<vmem>>) semaphore(%arg8 : memref<!tpu.dma_semaphore, #tpu.memory_space<semaphore_mem>>)
    %dma_start3A_7 = arith.constant 192 : i32
    %dma_start3A_8 = tpu.memref_slice %arg5[%dma_start3A_7] : memref<1536xi32, #tpu.memory_space<vmem>> -> memref<192xi32, #tpu.memory_space<vmem>>
    %dma_start3A_9 = arith.constant 0 : i32
    %dma_start3A_10 = arith.constant 0 : i32
    %dma_start3A_11 = tpu.memref_slice %arg2[%dma_start3A_9, %dma_start3A_10] : memref<10000x256xi32, #tpu.memory_space<hbm>> -> memref<10000x256xi32, #tpu.memory_space<hbm>>
    tpu.enqueue_indirect_dma source(%dma_start3A_11 : memref<10000x256xi32, #tpu.memory_space<hbm>>) target(%arg7 : memref<192x256xi32, #tpu.memory_space<vmem>>) offsets(%dma_start3A_8 : memref<192xi32, #tpu.memory_space<vmem>>) semaphore(%arg9 : memref<!tpu.dma_semaphore, #tpu.memory_space<semaphore_mem>>)
    %scan3A = arith.constant 0 : i32
    %scan3A_12 = arith.constant 3 : i32
    %scan3A_13 = arith.addi %scan3A, %scan3A_12 : i32
    %scan3A_14 = arith.constant 1 : i32
    scf.for %scan3A_29 = %scan3A to %scan3A_13 step %scan3A_14  : i32 {
      %mul3A_30 = arith.constant 384 : i32
      %mul3A_31 = arith.muli %scan3A_29, %mul3A_30 : i32
      %add3A_32 = arith.constant 0 : i32
      %add3A_33 = arith.addi %add3A_32, %mul3A_31 : i32
      %add3A_34 = arith.constant 0 : i32
      %add3A_35 = arith.addi %add3A_33, %add3A_34 : i32
      %dma_wait3A_36 = tpu.memref_slice %arg5[%add3A_35] : memref<1536xi32, #tpu.memory_space<vmem>> -> memref<192xi32, #tpu.memory_space<vmem>>
      %dma_wait3A_37 = arith.constant 0 : i32
      %dma_wait3A_38 = arith.constant 0 : i32
      %dma_wait3A_39 = tpu.memref_slice %arg2[%dma_wait3A_37, %dma_wait3A_38] : memref<10000x256xi32, #tpu.memory_space<hbm>> -> memref<10000x256xi32, #tpu.memory_space<hbm>>
      tpu.wait_indirect_dma semaphore(%arg8 : memref<!tpu.dma_semaphore, #tpu.memory_space<semaphore_mem>>) src(%dma_wait3A_39 : memref<10000x256xi32, #tpu.memory_space<hbm>>) dst(%arg6 : memref<192x256xi32, #tpu.memory_space<vmem>>)
      %add3A_40 = arith.addi %mul3A_2, %add3A_35 : i32
      "tpu.region"() ({
        %run_scoped3A = tpu.sem_alloc : memref<!tpu.dma_semaphore, #tpu.memory_space<semaphore_mem>>
        %dma_start3A_60 = arith.constant 0 : i32
        %dma_start3A_61 = tpu.memref_slice %arg4[%add3A_40, %dma_start3A_60] : memref<49152x256xi32, #tpu.memory_space<hbm>> -> memref<192x256xi32, #tpu.memory_space<hbm>>
        %dma_start3A_62 = arith.constant 0 : i32
        %dma_start3A_63 = tpu.memref_slice %arg4[%add3A_40, %dma_start3A_62] : memref<49152x256xi32, #tpu.memory_space<hbm>> -> memref<192x256xi32, #tpu.memory_space<hbm>>
        tpu.enqueue_dma source(%arg6 : memref<192x256xi32, #tpu.memory_space<vmem>>) target(%dma_start3A_63 : memref<192x256xi32, #tpu.memory_space<hbm>>) target_semaphore(%run_scoped3A : memref<!tpu.dma_semaphore, #tpu.memory_space<semaphore_mem>>)
        %dma_wait3A_64 = arith.constant 0 : i32
        %dma_wait3A_65 = tpu.memref_slice %arg4[%add3A_40, %dma_wait3A_64] : memref<49152x256xi32, #tpu.memory_space<hbm>> -> memref<192x256xi32, #tpu.memory_space<hbm>>
        %dma_wait3A_66 = arith.constant 0 : i32
        %dma_wait3A_67 = tpu.memref_slice %arg4[%add3A_40, %dma_wait3A_66] : memref<49152x256xi32, #tpu.memory_space<hbm>> -> memref<192x256xi32, #tpu.memory_space<hbm>>
        tpu.wait_dma2 semaphore(%run_scoped3A : memref<!tpu.dma_semaphore, #tpu.memory_space<semaphore_mem>>) src(%arg6 : memref<192x256xi32, #tpu.memory_space<vmem>>) dst(%dma_wait3A_67 : memref<192x256xi32, #tpu.memory_space<hbm>>)
        tpu.yield
      }) : () -> ()
      %add3A_41 = arith.constant 384 : i32
      %add3A_42 = arith.addi %add3A_35, %add3A_41 : i32
      %dma_start3A_43 = tpu.memref_slice %arg5[%add3A_42] : memref<1536xi32, #tpu.memory_space<vmem>> -> memref<192xi32, #tpu.memory_space<vmem>>
      %dma_start3A_44 = arith.constant 0 : i32
      %dma_start3A_45 = arith.constant 0 : i32
      %dma_start3A_46 = tpu.memref_slice %arg2[%dma_start3A_44, %dma_start3A_45] : memref<10000x256xi32, #tpu.memory_space<hbm>> -> memref<10000x256xi32, #tpu.memory_space<hbm>>
      tpu.enqueue_indirect_dma source(%dma_start3A_46 : memref<10000x256xi32, #tpu.memory_space<hbm>>) target(%arg6 : memref<192x256xi32, #tpu.memory_space<vmem>>) offsets(%dma_start3A_43 : memref<192xi32, #tpu.memory_space<vmem>>) semaphore(%arg8 : memref<!tpu.dma_semaphore, #tpu.memory_space<semaphore_mem>>)
      %add3A_47 = arith.constant 192 : i32
      %add3A_48 = arith.addi %add3A_33, %add3A_47 : i32
      %dma_wait3A_49 = tpu.memref_slice %arg5[%add3A_48] : memref<1536xi32, #tpu.memory_space<vmem>> -> memref<192xi32, #tpu.memory_space<vmem>>
      %dma_wait3A_50 = arith.constant 0 : i32
      %dma_wait3A_51 = arith.constant 0 : i32
      %dma_wait3A_52 = tpu.memref_slice %arg2[%dma_wait3A_50, %dma_wait3A_51] : memref<10000x256xi32, #tpu.memory_space<hbm>> -> memref<10000x256xi32, #tpu.memory_space<hbm>>
      tpu.wait_indirect_dma semaphore(%arg9 : memref<!tpu.dma_semaphore, #tpu.memory_space<semaphore_mem>>) src(%dma_wait3A_52 : memref<10000x256xi32, #tpu.memory_space<hbm>>) dst(%arg7 : memref<192x256xi32, #tpu.memory_space<vmem>>)
      %add3A_53 = arith.addi %mul3A_2, %add3A_48 : i32
      "tpu.region"() ({
        %run_scoped3A = tpu.sem_alloc : memref<!tpu.dma_semaphore, #tpu.memory_space<semaphore_mem>>
        %dma_start3A_60 = arith.constant 0 : i32
        %dma_start3A_61 = tpu.memref_slice %arg4[%add3A_53, %dma_start3A_60] : memref<49152x256xi32, #tpu.memory_space<hbm>> -> memref<192x256xi32, #tpu.memory_space<hbm>>
        %dma_start3A_62 = arith.constant 0 : i32
        %dma_start3A_63 = tpu.memref_slice %arg4[%add3A_53, %dma_start3A_62] : memref<49152x256xi32, #tpu.memory_space<hbm>> -> memref<192x256xi32, #tpu.memory_space<hbm>>
        tpu.enqueue_dma source(%arg7 : memref<192x256xi32, #tpu.memory_space<vmem>>) target(%dma_start3A_63 : memref<192x256xi32, #tpu.memory_space<hbm>>) target_semaphore(%run_scoped3A : memref<!tpu.dma_semaphore, #tpu.memory_space<semaphore_mem>>)
        %dma_wait3A_64 = arith.constant 0 : i32
        %dma_wait3A_65 = tpu.memref_slice %arg4[%add3A_53, %dma_wait3A_64] : memref<49152x256xi32, #tpu.memory_space<hbm>> -> memref<192x256xi32, #tpu.memory_space<hbm>>
        %dma_wait3A_66 = arith.constant 0 : i32
        %dma_wait3A_67 = tpu.memref_slice %arg4[%add3A_53, %dma_wait3A_66] : memref<49152x256xi32, #tpu.memory_space<hbm>> -> memref<192x256xi32, #tpu.memory_space<hbm>>
        tpu.wait_dma2 semaphore(%run_scoped3A : memref<!tpu.dma_semaphore, #tpu.memory_space<semaphore_mem>>) src(%arg7 : memref<192x256xi32, #tpu.memory_space<vmem>>) dst(%dma_wait3A_67 : memref<192x256xi32, #tpu.memory_space<hbm>>)
        tpu.yield
      }) : () -> ()
      %add3A_54 = arith.constant 384 : i32
      %add3A_55 = arith.addi %add3A_48, %add3A_54 : i32
      %dma_start3A_56 = tpu.memref_slice %arg5[%add3A_55] : memref<1536xi32, #tpu.memory_space<vmem>> -> memref<192xi32, #tpu.memory_space<vmem>>
      %dma_start3A_57 = arith.constant 0 : i32
      %dma_start3A_58 = arith.constant 0 : i32
      %dma_start3A_59 = tpu.memref_slice %arg2[%dma_start3A_57, %dma_start3A_58] : memref<10000x256xi32, #tpu.memory_space<hbm>> -> memref<10000x256xi32, #tpu.memory_space<hbm>>
      tpu.enqueue_indirect_dma source(%dma_start3A_59 : memref<10000x256xi32, #tpu.memory_space<hbm>>) target(%arg7 : memref<192x256xi32, #tpu.memory_space<vmem>>) offsets(%dma_start3A_56 : memref<192xi32, #tpu.memory_space<vmem>>) semaphore(%arg9 : memref<!tpu.dma_semaphore, #tpu.memory_space<semaphore_mem>>)
    }
    %scan3A_15 = arith.constant 3 : i32
    %dma_wait3A = arith.constant 1152 : i32
    %dma_wait3A_16 = tpu.memref_slice %arg5[%dma_wait3A] : memref<1536xi32, #tpu.memory_space<vmem>> -> memref<192xi32, #tpu.memory_space<vmem>>
    %dma_wait3A_17 = arith.constant 0 : i32
    %dma_wait3A_18 = arith.constant 0 : i32
    %dma_wait3A_19 = tpu.memref_slice %arg2[%dma_wait3A_17, %dma_wait3A_18] : memref<10000x256xi32, #tpu.memory_space<hbm>> -> memref<10000x256xi32, #tpu.memory_space<hbm>>
    tpu.wait_indirect_dma semaphore(%arg8 : memref<!tpu.dma_semaphore, #tpu.memory_space<semaphore_mem>>) src(%dma_wait3A_19 : memref<10000x256xi32, #tpu.memory_space<hbm>>) dst(%arg6 : memref<192x256xi32, #tpu.memory_space<vmem>>)
    %add3A_20 = arith.constant 1152 : i32
    %add3A_21 = arith.addi %mul3A_2, %add3A_20 : i32
    "tpu.region"() ({
      %run_scoped3A = tpu.sem_alloc : memref<!tpu.dma_semaphore, #tpu.memory_space<semaphore_mem>>
      %dma_start3A_29 = arith.constant 0 : i32
      %dma_start3A_30 = tpu.memref_slice %arg4[%add3A_21, %dma_start3A_29] : memref<49152x256xi32, #tpu.memory_space<hbm>> -> memref<192x256xi32, #tpu.memory_space<hbm>>
      %dma_start3A_31 = arith.constant 0 : i32
      %dma_start3A_32 = tpu.memref_slice %arg4[%add3A_21, %dma_start3A_31] : memref<49152x256xi32, #tpu.memory_space<hbm>> -> memref<192x256xi32, #tpu.memory_space<hbm>>
      tpu.enqueue_dma source(%arg6 : memref<192x256xi32, #tpu.memory_space<vmem>>) target(%dma_start3A_32 : memref<192x256xi32, #tpu.memory_space<hbm>>) target_semaphore(%run_scoped3A : memref<!tpu.dma_semaphore, #tpu.memory_space<semaphore_mem>>)
      %dma_wait3A_33 = arith.constant 0 : i32
      %dma_wait3A_34 = tpu.memref_slice %arg4[%add3A_21, %dma_wait3A_33] : memref<49152x256xi32, #tpu.memory_space<hbm>> -> memref<192x256xi32, #tpu.memory_space<hbm>>
      %dma_wait3A_35 = arith.constant 0 : i32
      %dma_wait3A_36 = tpu.memref_slice %arg4[%add3A_21, %dma_wait3A_35] : memref<49152x256xi32, #tpu.memory_space<hbm>> -> memref<192x256xi32, #tpu.memory_space<hbm>>
      tpu.wait_dma2 semaphore(%run_scoped3A : memref<!tpu.dma_semaphore, #tpu.memory_space<semaphore_mem>>) src(%arg6 : memref<192x256xi32, #tpu.memory_space<vmem>>) dst(%dma_wait3A_36 : memref<192x256xi32, #tpu.memory_space<hbm>>)
      tpu.yield
    }) : () -> ()
    %dma_wait3A_22 = arith.constant 1344 : i32
    %dma_wait3A_23 = tpu.memref_slice %arg5[%dma_wait3A_22] : memref<1536xi32, #tpu.memory_space<vmem>> -> memref<192xi32, #tpu.memory_space<vmem>>
    %dma_wait3A_24 = arith.constant 0 : i32
    %dma_wait3A_25 = arith.constant 0 : i32
    %dma_wait3A_26 = tpu.memref_slice %arg2[%dma_wait3A_24, %dma_wait3A_25] : memref<10000x256xi32, #tpu.memory_space<hbm>> -> memref<10000x256xi32, #tpu.memory_space<hbm>>
    tpu.wait_indirect_dma semaphore(%arg9 : memref<!tpu.dma_semaphore, #tpu.memory_space<semaphore_mem>>) src(%dma_wait3A_26 : memref<10000x256xi32, #tpu.memory_space<hbm>>) dst(%arg7 : memref<192x256xi32, #tpu.memory_space<vmem>>)
    %add3A_27 = arith.constant 1344 : i32
    %add3A_28 = arith.addi %mul3A_2, %add3A_27 : i32
    "tpu.region"() ({
      %run_scoped3A = tpu.sem_alloc : memref<!tpu.dma_semaphore, #tpu.memory_space<semaphore_mem>>
      %dma_start3A_29 = arith.constant 0 : i32
      %dma_start3A_30 = tpu.memref_slice %arg4[%add3A_28, %dma_start3A_29] : memref<49152x256xi32, #tpu.memory_space<hbm>> -> memref<192x256xi32, #tpu.memory_space<hbm>>
      %dma_start3A_31 = arith.constant 0 : i32
      %dma_start3A_32 = tpu.memref_slice %arg4[%add3A_28, %dma_start3A_31] : memref<49152x256xi32, #tpu.memory_space<hbm>> -> memref<192x256xi32, #tpu.memory_space<hbm>>
      tpu.enqueue_dma source(%arg7 : memref<192x256xi32, #tpu.memory_space<vmem>>) target(%dma_start3A_32 : memref<192x256xi32, #tpu.memory_space<hbm>>) target_semaphore(%run_scoped3A : memref<!tpu.dma_semaphore, #tpu.memory_space<semaphore_mem>>)
      %dma_wait3A_33 = arith.constant 0 : i32
      %dma_wait3A_34 = tpu.memref_slice %arg4[%add3A_28, %dma_wait3A_33] : memref<49152x256xi32, #tpu.memory_space<hbm>> -> memref<192x256xi32, #tpu.memory_space<hbm>>
      %dma_wait3A_35 = arith.constant 0 : i32
      %dma_wait3A_36 = tpu.memref_slice %arg4[%add3A_28, %dma_wait3A_35] : memref<49152x256xi32, #tpu.memory_space<hbm>> -> memref<192x256xi32, #tpu.memory_space<hbm>>
      tpu.wait_dma2 semaphore(%run_scoped3A : memref<!tpu.dma_semaphore, #tpu.memory_space<semaphore_mem>>) src(%arg7 : memref<192x256xi32, #tpu.memory_space<vmem>>) dst(%dma_wait3A_36 : memref<192x256xi32, #tpu.memory_space<hbm>>)
      tpu.yield
    }) : () -> ()
    return
  }
}

#map = affine_map<(d0, d1) -> (0, 0)>
#map1 = affine_map<(d0, d1) -> (0)>
module attributes {stable_mosaic.version = 14 : i64} {
  func.func @gather_kernel(%arg0: i32, %arg1: i32, %arg2: memref<10000x256xi32, #tpu.memory_space<hbm>>, %arg3: memref<49152xi32, #tpu.memory_space<hbm>>, %arg4: memref<49152x256xi32, #tpu.memory_space<hbm>>, %arg5: memref<1536xi32, #tpu.memory_space<vmem>>, %arg6: memref<192x256xi32, #tpu.memory_space<vmem>>, %arg7: memref<192x256xi32, #tpu.memory_space<vmem>>, %arg8: memref<!tpu.dma_semaphore, #tpu.memory_space<semaphore_mem>>, %arg9: memref<!tpu.dma_semaphore, #tpu.memory_space<semaphore_mem>>) attributes {dimension_semantics = [#tpu.dimension_semantics<core_parallel>, #tpu.dimension_semantics<subcore_parallel>], iteration_bounds = array<i64: 2, 16>, scalar_prefetch = 0 : i64, scratch_operands = 5 : i64, tpu.core_type = #tpu.core_type<sc_vector_subcore>, window_params = [{transform_indices = #map}, {transform_indices = #map1}, {transform_indices = #map}]} {
    %mul3A = arith.constant 2 : i32
    %mul3A_0 = arith.muli %arg1, %mul3A : i32
    %add3A = arith.addi %mul3A_0, %arg0 : i32
    %mul3A_1 = arith.constant 1536 : i32
    %mul3A_2 = arith.muli %add3A, %mul3A_1 : i32
    "tpu.region"() ({
      %run_scoped3A = tpu.sem_alloc : memref<!tpu.dma_semaphore, #tpu.memory_space<semaphore_mem>>
      %dma_start3A_29 = tpu.memref_slice %arg3[%mul3A_2] : memref<49152xi32, #tpu.memory_space<hbm>> -> memref<1536xi32, #tpu.memory_space<hbm>>
      %dma_start3A_30 = tpu.memref_slice %arg3[%mul3A_2] : memref<49152xi32, #tpu.memory_space<hbm>> -> memref<1536xi32, #tpu.memory_space<hbm>>
      tpu.enqueue_dma source(%dma_start3A_30 : memref<1536xi32, #tpu.memory_space<hbm>>) target(%arg5 : memref<1536xi32, #tpu.memory_space<vmem>>) target_semaphore(%run_scoped3A : memref<!tpu.dma_semaphore, #tpu.memory_space<semaphore_mem>>)
      %dma_wait3A_31 = tpu.memref_slice %arg3[%mul3A_2] : memref<49152xi32, #tpu.memory_space<hbm>> -> memref<1536xi32, #tpu.memory_space<hbm>>
      %dma_wait3A_32 = tpu.memref_slice %arg3[%mul3A_2] : memref<49152xi32, #tpu.memory_space<hbm>> -> memref<1536xi32, #tpu.memory_space<hbm>>
      tpu.wait_dma2 semaphore(%run_scoped3A : memref<!tpu.dma_semaphore, #tpu.memory_space<semaphore_mem>>) src(%dma_wait3A_32 : memref<1536xi32, #tpu.memory_space<hbm>>) dst(%arg5 : memref<1536xi32, #tpu.memory_space<vmem>>)
      tpu.yield
    }) : () -> ()
    %dma_start3A = arith.constant 0 : i32
    %dma_start3A_3 = tpu.memref_slice %arg5[%dma_start3A] : memref<1536xi32, #tpu.memory_space<vmem>> -> memref<192xi32, #tpu.memory_space<vmem>>
    %dma_start3A_4 = arith.constant 0 : i32
    %dma_start3A_5 = arith.constant 0 : i32
    %dma_start3A_6 = tpu.memref_slice %arg2[%dma_start3A_4, %dma_start3A_5] : memref<10000x256xi32, #tpu.memory_space<hbm>> -> memref<10000x256xi32, #tpu.memory_space<hbm>>
    tpu.enqueue_indirect_dma source(%dma_start3A_6 : memref<10000x256xi32, #tpu.memory_space<hbm>>) target(%arg6 : memref<192x256xi32, #tpu.memory_space<vmem>>) offsets(%dma_start3A_3 : memref<192xi32, #tpu.memory_space<vmem>>) semaphore(%arg8 : memref<!tpu.dma_semaphore, #tpu.memory_space<semaphore_mem>>)
    %dma_start3A_7 = arith.constant 192 : i32
    %dma_start3A_8 = tpu.memref_slice %arg5[%dma_start3A_7] : memref<1536xi32, #tpu.memory_space<vmem>> -> memref<192xi32, #tpu.memory_space<vmem>>
    %dma_start3A_9 = arith.constant 0 : i32
    %dma_start3A_10 = arith.constant 0 : i32
    %dma_start3A_11 = tpu.memref_slice %arg2[%dma_start3A_9, %dma_start3A_10] : memref<10000x256xi32, #tpu.memory_space<hbm>> -> memref<10000x256xi32, #tpu.memory_space<hbm>>
    tpu.enqueue_indirect_dma source(%dma_start3A_11 : memref<10000x256xi32, #tpu.memory_space<hbm>>) target(%arg7 : memref<192x256xi32, #tpu.memory_space<vmem>>) offsets(%dma_start3A_8 : memref<192xi32, #tpu.memory_space<vmem>>) semaphore(%arg9 : memref<!tpu.dma_semaphore, #tpu.memory_space<semaphore_mem>>)
    %scan3A = arith.constant 0 : i32
    %scan3A_12 = arith.constant 3 : i32
    %scan3A_13 = arith.addi %scan3A, %scan3A_12 : i32
    %scan3A_14 = arith.constant 1 : i32
    scf.for %scan3A_29 = %scan3A to %scan3A_13 step %scan3A_14  : i32 {
      %mul3A_30 = arith.constant 384 : i32
      %mul3A_31 = arith.muli %scan3A_29, %mul3A_30 : i32
      %add3A_32 = arith.constant 0 : i32
      %add3A_33 = arith.addi %add3A_32, %mul3A_31 : i32
      %add3A_34 = arith.constant 0 : i32
      %add3A_35 = arith.addi %add3A_33, %add3A_34 : i32
      %dma_wait3A_36 = tpu.memref_slice %arg5[%add3A_35] : memref<1536xi32, #tpu.memory_space<vmem>> -> memref<192xi32, #tpu.memory_space<vmem>>
      %dma_wait3A_37 = arith.constant 0 : i32
      %dma_wait3A_38 = arith.constant 0 : i32
      %dma_wait3A_39 = tpu.memref_slice %arg2[%dma_wait3A_37, %dma_wait3A_38] : memref<10000x256xi32, #tpu.memory_space<hbm>> -> memref<10000x256xi32, #tpu.memory_space<hbm>>
      tpu.wait_indirect_dma semaphore(%arg8 : memref<!tpu.dma_semaphore, #tpu.memory_space<semaphore_mem>>) src(%dma_wait3A_39 : memref<10000x256xi32, #tpu.memory_space<hbm>>) dst(%arg6 : memref<192x256xi32, #tpu.memory_space<vmem>>)
      %add3A_40 = arith.addi %mul3A_2, %add3A_35 : i32
      "tpu.region"() ({
        %run_scoped3A = tpu.sem_alloc : memref<!tpu.dma_semaphore, #tpu.memory_space<semaphore_mem>>
        %dma_start3A_60 = arith.constant 0 : i32
        %dma_start3A_61 = tpu.memref_slice %arg4[%add3A_40, %dma_start3A_60] : memref<49152x256xi32, #tpu.memory_space<hbm>> -> memref<192x256xi32, #tpu.memory_space<hbm>>
        %dma_start3A_62 = arith.constant 0 : i32
        %dma_start3A_63 = tpu.memref_slice %arg4[%add3A_40, %dma_start3A_62] : memref<49152x256xi32, #tpu.memory_space<hbm>> -> memref<192x256xi32, #tpu.memory_space<hbm>>
        tpu.enqueue_dma source(%arg6 : memref<192x256xi32, #tpu.memory_space<vmem>>) target(%dma_start3A_63 : memref<192x256xi32, #tpu.memory_space<hbm>>) target_semaphore(%run_scoped3A : memref<!tpu.dma_semaphore, #tpu.memory_space<semaphore_mem>>)
        %dma_wait3A_64 = arith.constant 0 : i32
        %dma_wait3A_65 = tpu.memref_slice %arg4[%add3A_40, %dma_wait3A_64] : memref<49152x256xi32, #tpu.memory_space<hbm>> -> memref<192x256xi32, #tpu.memory_space<hbm>>
        %dma_wait3A_66 = arith.constant 0 : i32
        %dma_wait3A_67 = tpu.memref_slice %arg4[%add3A_40, %dma_wait3A_66] : memref<49152x256xi32, #tpu.memory_space<hbm>> -> memref<192x256xi32, #tpu.memory_space<hbm>>
        tpu.wait_dma2 semaphore(%run_scoped3A : memref<!tpu.dma_semaphore, #tpu.memory_space<semaphore_mem>>) src(%arg6 : memref<192x256xi32, #tpu.memory_space<vmem>>) dst(%dma_wait3A_67 : memref<192x256xi32, #tpu.memory_space<hbm>>)
        tpu.yield
      }) : () -> ()
      %add3A_41 = arith.constant 384 : i32
      %add3A_42 = arith.addi %add3A_35, %add3A_41 : i32
      %dma_start3A_43 = tpu.memref_slice %arg5[%add3A_42] : memref<1536xi32, #tpu.memory_space<vmem>> -> memref<192xi32, #tpu.memory_space<vmem>>
      %dma_start3A_44 = arith.constant 0 : i32
      %dma_start3A_45 = arith.constant 0 : i32
      %dma_start3A_46 = tpu.memref_slice %arg2[%dma_start3A_44, %dma_start3A_45] : memref<10000x256xi32, #tpu.memory_space<hbm>> -> memref<10000x256xi32, #tpu.memory_space<hbm>>
      tpu.enqueue_indirect_dma source(%dma_start3A_46 : memref<10000x256xi32, #tpu.memory_space<hbm>>) target(%arg6 : memref<192x256xi32, #tpu.memory_space<vmem>>) offsets(%dma_start3A_43 : memref<192xi32, #tpu.memory_space<vmem>>) semaphore(%arg8 : memref<!tpu.dma_semaphore, #tpu.memory_space<semaphore_mem>>)
      %add3A_47 = arith.constant 192 : i32
      %add3A_48 = arith.addi %add3A_33, %add3A_47 : i32
      %dma_wait3A_49 = tpu.memref_slice %arg5[%add3A_48] : memref<1536xi32, #tpu.memory_space<vmem>> -> memref<192xi32, #tpu.memory_space<vmem>>
      %dma_wait3A_50 = arith.constant 0 : i32
      %dma_wait3A_51 = arith.constant 0 : i32
      %dma_wait3A_52 = tpu.memref_slice %arg2[%dma_wait3A_50, %dma_wait3A_51] : memref<10000x256xi32, #tpu.memory_space<hbm>> -> memref<10000x256xi32, #tpu.memory_space<hbm>>
      tpu.wait_indirect_dma semaphore(%arg9 : memref<!tpu.dma_semaphore, #tpu.memory_space<semaphore_mem>>) src(%dma_wait3A_52 : memref<10000x256xi32, #tpu.memory_space<hbm>>) dst(%arg7 : memref<192x256xi32, #tpu.memory_space<vmem>>)
      %add3A_53 = arith.addi %mul3A_2, %add3A_48 : i32
      "tpu.region"() ({
        %run_scoped3A = tpu.sem_alloc : memref<!tpu.dma_semaphore, #tpu.memory_space<semaphore_mem>>
        %dma_start3A_60 = arith.constant 0 : i32
        %dma_start3A_61 = tpu.memref_slice %arg4[%add3A_53, %dma_start3A_60] : memref<49152x256xi32, #tpu.memory_space<hbm>> -> memref<192x256xi32, #tpu.memory_space<hbm>>
        %dma_start3A_62 = arith.constant 0 : i32
        %dma_start3A_63 = tpu.memref_slice %arg4[%add3A_53, %dma_start3A_62] : memref<49152x256xi32, #tpu.memory_space<hbm>> -> memref<192x256xi32, #tpu.memory_space<hbm>>
        tpu.enqueue_dma source(%arg7 : memref<192x256xi32, #tpu.memory_space<vmem>>) target(%dma_start3A_63 : memref<192x256xi32, #tpu.memory_space<hbm>>) target_semaphore(%run_scoped3A : memref<!tpu.dma_semaphore, #tpu.memory_space<semaphore_mem>>)
        %dma_wait3A_64 = arith.constant 0 : i32
        %dma_wait3A_65 = tpu.memref_slice %arg4[%add3A_53, %dma_wait3A_64] : memref<49152x256xi32, #tpu.memory_space<hbm>> -> memref<192x256xi32, #tpu.memory_space<hbm>>
        %dma_wait3A_66 = arith.constant 0 : i32
        %dma_wait3A_67 = tpu.memref_slice %arg4[%add3A_53, %dma_wait3A_66] : memref<49152x256xi32, #tpu.memory_space<hbm>> -> memref<192x256xi32, #tpu.memory_space<hbm>>
        tpu.wait_dma2 semaphore(%run_scoped3A : memref<!tpu.dma_semaphore, #tpu.memory_space<semaphore_mem>>) src(%arg7 : memref<192x256xi32, #tpu.memory_space<vmem>>) dst(%dma_wait3A_67 : memref<192x256xi32, #tpu.memory_space<hbm>>)
        tpu.yield
      }) : () -> ()
      %add3A_54 = arith.constant 384 : i32
      %add3A_55 = arith.addi %add3A_48, %add3A_54 : i32
      %dma_start3A_56 = tpu.memref_slice %arg5[%add3A_55] : memref<1536xi32, #tpu.memory_space<vmem>> -> memref<192xi32, #tpu.memory_space<vmem>>
      %dma_start3A_57 = arith.constant 0 : i32
      %dma_start3A_58 = arith.constant 0 : i32
      %dma_start3A_59 = tpu.memref_slice %arg2[%dma_start3A_57, %dma_start3A_58] : memref<10000x256xi32, #tpu.memory_space<hbm>> -> memref<10000x256xi32, #tpu.memory_space<hbm>>
      tpu.enqueue_indirect_dma source(%dma_start3A_59 : memref<10000x256xi32, #tpu.memory_space<hbm>>) target(%arg7 : memref<192x256xi32, #tpu.memory_space<vmem>>) offsets(%dma_start3A_56 : memref<192xi32, #tpu.memory_space<vmem>>) semaphore(%arg9 : memref<!tpu.dma_semaphore, #tpu.memory_space<semaphore_mem>>)
    }
    %scan3A_15 = arith.constant 3 : i32
    %dma_wait3A = arith.constant 1152 : i32
    %dma_wait3A_16 = tpu.memref_slice %arg5[%dma_wait3A] : memref<1536xi32, #tpu.memory_space<vmem>> -> memref<192xi32, #tpu.memory_space<vmem>>
    %dma_wait3A_17 = arith.constant 0 : i32
    %dma_wait3A_18 = arith.constant 0 : i32
    %dma_wait3A_19 = tpu.memref_slice %arg2[%dma_wait3A_17, %dma_wait3A_18] : memref<10000x256xi32, #tpu.memory_space<hbm>> -> memref<10000x256xi32, #tpu.memory_space<hbm>>
    tpu.wait_indirect_dma semaphore(%arg8 : memref<!tpu.dma_semaphore, #tpu.memory_space<semaphore_mem>>) src(%dma_wait3A_19 : memref<10000x256xi32, #tpu.memory_space<hbm>>) dst(%arg6 : memref<192x256xi32, #tpu.memory_space<vmem>>)
    %add3A_20 = arith.constant 1152 : i32
    %add3A_21 = arith.addi %mul3A_2, %add3A_20 : i32
    "tpu.region"() ({
      %run_scoped3A = tpu.sem_alloc : memref<!tpu.dma_semaphore, #tpu.memory_space<semaphore_mem>>
      %dma_start3A_29 = arith.constant 0 : i32
      %dma_start3A_30 = tpu.memref_slice %arg4[%add3A_21, %dma_start3A_29] : memref<49152x256xi32, #tpu.memory_space<hbm>> -> memref<192x256xi32, #tpu.memory_space<hbm>>
      %dma_start3A_31 = arith.constant 0 : i32
      %dma_start3A_32 = tpu.memref_slice %arg4[%add3A_21, %dma_start3A_31] : memref<49152x256xi32, #tpu.memory_space<hbm>> -> memref<192x256xi32, #tpu.memory_space<hbm>>
      tpu.enqueue_dma source(%arg6 : memref<192x256xi32, #tpu.memory_space<vmem>>) target(%dma_start3A_32 : memref<192x256xi32, #tpu.memory_space<hbm>>) target_semaphore(%run_scoped3A : memref<!tpu.dma_semaphore, #tpu.memory_space<semaphore_mem>>)
      %dma_wait3A_33 = arith.constant 0 : i32
      %dma_wait3A_34 = tpu.memref_slice %arg4[%add3A_21, %dma_wait3A_33] : memref<49152x256xi32, #tpu.memory_space<hbm>> -> memref<192x256xi32, #tpu.memory_space<hbm>>
      %dma_wait3A_35 = arith.constant 0 : i32
      %dma_wait3A_36 = tpu.memref_slice %arg4[%add3A_21, %dma_wait3A_35] : memref<49152x256xi32, #tpu.memory_space<hbm>> -> memref<192x256xi32, #tpu.memory_space<hbm>>
      tpu.wait_dma2 semaphore(%run_scoped3A : memref<!tpu.dma_semaphore, #tpu.memory_space<semaphore_mem>>) src(%arg6 : memref<192x256xi32, #tpu.memory_space<vmem>>) dst(%dma_wait3A_36 : memref<192x256xi32, #tpu.memory_space<hbm>>)
      tpu.yield
    }) : () -> ()
    %dma_wait3A_22 = arith.constant 1344 : i32
    %dma_wait3A_23 = tpu.memref_slice %arg5[%dma_wait3A_22] : memref<1536xi32, #tpu.memory_space<vmem>> -> memref<192xi32, #tpu.memory_space<vmem>>
    %dma_wait3A_24 = arith.constant 0 : i32
    %dma_wait3A_25 = arith.constant 0 : i32
    %dma_wait3A_26 = tpu.memref_slice %arg2[%dma_wait3A_24, %dma_wait3A_25] : memref<10000x256xi32, #tpu.memory_space<hbm>> -> memref<10000x256xi32, #tpu.memory_space<hbm>>
    tpu.wait_indirect_dma semaphore(%arg9 : memref<!tpu.dma_semaphore, #tpu.memory_space<semaphore_mem>>) src(%dma_wait3A_26 : memref<10000x256xi32, #tpu.memory_space<hbm>>) dst(%arg7 : memref<192x256xi32, #tpu.memory_space<vmem>>)
    %add3A_27 = arith.constant 1344 : i32
    %add3A_28 = arith.addi %mul3A_2, %add3A_27 : i32
    "tpu.region"() ({
      %run_scoped3A = tpu.sem_alloc : memref<!tpu.dma_semaphore, #tpu.memory_space<semaphore_mem>>
      %dma_start3A_29 = arith.constant 0 : i32
      %dma_start3A_30 = tpu.memref_slice %arg4[%add3A_28, %dma_start3A_29] : memref<49152x256xi32, #tpu.memory_space<hbm>> -> memref<192x256xi32, #tpu.memory_space<hbm>>
      %dma_start3A_31 = arith.constant 0 : i32
      %dma_start3A_32 = tpu.memref_slice %arg4[%add3A_28, %dma_start3A_31] : memref<49152x256xi32, #tpu.memory_space<hbm>> -> memref<192x256xi32, #tpu.memory_space<hbm>>
      tpu.enqueue_dma source(%arg7 : memref<192x256xi32, #tpu.memory_space<vmem>>) target(%dma_start3A_32 : memref<192x256xi32, #tpu.memory_space<hbm>>) target_semaphore(%run_scoped3A : memref<!tpu.dma_semaphore, #tpu.memory_space<semaphore_mem>>)
      %dma_wait3A_33 = arith.constant 0 : i32
      %dma_wait3A_34 = tpu.memref_slice %arg4[%add3A_28, %dma_wait3A_33] : memref<49152x256xi32, #tpu.memory_space<hbm>> -> memref<192x256xi32, #tpu.memory_space<hbm>>
      %dma_wait3A_35 = arith.constant 0 : i32
      %dma_wait3A_36 = tpu.memref_slice %arg4[%add3A_28, %dma_wait3A_35] : memref<49152x256xi32, #tpu.memory_space<hbm>> -> memref<192x256xi32, #tpu.memory_space<hbm>>
      tpu.wait_dma2 semaphore(%run_scoped3A : memref<!tpu.dma_semaphore, #tpu.memory_space<semaphore_mem>>) src(%arg7 : memref<192x256xi32, #tpu.memory_space<vmem>>) dst(%dma_wait3A_36 : memref<192x256xi32, #tpu.memory_space<hbm>>)
      tpu.yield
    }) : () -> ()
    return
  }
}

module attributes {stable_mosaic.version = 14 : i64} {
  func.func @_knn_body(%arg0: i32, %arg1: memref<400x3xf32, #tpu.memory_space<vmem>>, %arg2: memref<3x10240xf32, #tpu.memory_space<vmem>>, %arg3: memref<400x6xi32, #tpu.memory_space<vmem>>, %arg4: memref<400x6xf32, #tpu.memory_space<vmem>>) attributes {dimension_semantics = [#tpu.dimension_semantics<arbitrary>], iteration_bounds = array<i64: 20>, scalar_prefetch = 0 : i64, scratch_operands = 0 : i64, tpu.core_type = #tpu.core_type<tc>, window_params = [{transform_indices = @transform_0, window_bounds = array<i64: 400, 3>}, {pipeline_mode = #tpu.pipeline_mode<synchronous>, transform_indices = @transform_1, window_bounds = array<i64: 3, 10240>}, {transform_indices = @transform_2, window_bounds = array<i64: 400, 6>}, {transform_indices = @transform_3, window_bounds = array<i64: 400, 6>}]} {
    %get3A = arith.constant 0 : index
    %get3A_0 = arith.constant 0 : index
    %get3A_1 = vector.load %arg1[%get3A, %get3A_0] : memref<400x3xf32, #tpu.memory_space<vmem>>, vector<400x3xf32>
    %broadcast_in_dim3A = arith.constant 1900671690 : i32
    %broadcast_in_dim3A_2 = vector.broadcast %broadcast_in_dim3A : i32 to vector<400x640xi32>
    %slice3A = vector.extract_strided_slice %get3A_1 {offsets = [0, 0], sizes = [400, 1], strides = [1, 1]} : vector<400x3xf32> to vector<400x1xf32>
    %get3A_3 = arith.constant 0 : index
    %get3A_4 = arith.constant 0 : index
    %get3A_5 = vector.load %arg2[%get3A_3, %get3A_4] : memref<3x10240xf32, #tpu.memory_space<vmem>>, vector<1x640xf32>
    %sub3A = vector.broadcast %slice3A : vector<400x1xf32> to vector<400x640xf32>
    %sub3A_6 = vector.broadcast %get3A_5 : vector<1x640xf32> to vector<400x640xf32>
    %sub3A_7 = arith.subf %sub3A, %sub3A_6 : vector<400x640xf32>
    %mul3A = arith.mulf %sub3A_7, %sub3A_7 : vector<400x640xf32>
    %slice3A_8 = vector.extract_strided_slice %get3A_1 {offsets = [0, 1], sizes = [400, 1], strides = [1, 1]} : vector<400x3xf32> to vector<400x1xf32>
    %get3A_9 = arith.constant 1 : index
    %get3A_10 = arith.constant 0 : index
    %get3A_11 = vector.load %arg2[%get3A_9, %get3A_10] : memref<3x10240xf32, #tpu.memory_space<vmem>>, vector<1x640xf32>
    %sub3A_12 = vector.broadcast %slice3A_8 : vector<400x1xf32> to vector<400x640xf32>
    %sub3A_13 = vector.broadcast %get3A_11 : vector<1x640xf32> to vector<400x640xf32>
    %sub3A_14 = arith.subf %sub3A_12, %sub3A_13 : vector<400x640xf32>
    %mul3A_15 = arith.mulf %sub3A_14, %sub3A_14 : vector<400x640xf32>
    %add3A = arith.addf %mul3A, %mul3A_15 : vector<400x640xf32>
    %slice3A_16 = vector.extract_strided_slice %get3A_1 {offsets = [0, 2], sizes = [400, 1], strides = [1, 1]} : vector<400x3xf32> to vector<400x1xf32>
    %get3A_17 = arith.constant 2 : index
    %get3A_18 = arith.constant 0 : index
    %get3A_19 = vector.load %arg2[%get3A_17, %get3A_18] : memref<3x10240xf32, #tpu.memory_space<vmem>>, vector<1x640xf32>
    %sub3A_20 = vector.broadcast %slice3A_16 : vector<400x1xf32> to vector<400x640xf32>
    %sub3A_21 = vector.broadcast %get3A_19 : vector<1x640xf32> to vector<400x640xf32>
    %sub3A_22 = arith.subf %sub3A_20, %sub3A_21 : vector<400x640xf32>
    %mul3A_23 = arith.mulf %sub3A_22, %sub3A_22 : vector<400x640xf32>
    %add3A_24 = arith.addf %add3A, %mul3A_23 : vector<400x640xf32>
    %bitcast_convert_type3A = tpu.bitcast %add3A_24 : vector<400x640xf32> -> vector<400x640xi32>
    %and3A = arith.constant -16 : i32
    %and3A_25 = vector.broadcast %and3A : i32 to vector<400x640xi32>
    %and3A_26 = arith.andi %bitcast_convert_type3A, %and3A_25 : vector<400x640xi32>
    %or3A = arith.constant 0 : i32
    %or3A_27 = vector.broadcast %or3A : i32 to vector<400x640xi32>
    %or3A_28 = arith.ori %and3A_26, %or3A_27 : vector<400x640xi32>
    %slice3A_29 = vector.extract_strided_slice %get3A_1 {offsets = [0, 0], sizes = [400, 1], strides = [1, 1]} : vector<400x3xf32> to vector<400x1xf32>
    %get3A_30 = arith.constant 0 : index
    %get3A_31 = arith.constant 640 : index
    %get3A_32 = vector.load %arg2[%get3A_30, %get3A_31] : memref<3x10240xf32, #tpu.memory_space<vmem>>, vector<1x640xf32>
    %sub3A_33 = vector.broadcast %slice3A_29 : vector<400x1xf32> to vector<400x640xf32>
    %sub3A_34 = vector.broadcast %get3A_32 : vector<1x640xf32> to vector<400x640xf32>
    %sub3A_35 = arith.subf %sub3A_33, %sub3A_34 : vector<400x640xf32>
    %mul3A_36 = arith.mulf %sub3A_35, %sub3A_35 : vector<400x640xf32>
    %slice3A_37 = vector.extract_strided_slice %get3A_1 {offsets = [0, 1], sizes = [400, 1], strides = [1, 1]} : vector<400x3xf32> to vector<400x1xf32>
    %get3A_38 = arith.constant 1 : index
    %get3A_39 = arith.constant 640 : index
    %get3A_40 = vector.load %arg2[%get3A_38, %get3A_39] : memref<3x10240xf32, #tpu.memory_space<vmem>>, vector<1x640xf32>
    %sub3A_41 = vector.broadcast %slice3A_37 : vector<400x1xf32> to vector<400x640xf32>
    %sub3A_42 = vector.broadcast %get3A_40 : vector<1x640xf32> to vector<400x640xf32>
    %sub3A_43 = arith.subf %sub3A_41, %sub3A_42 : vector<400x640xf32>
    %mul3A_44 = arith.mulf %sub3A_43, %sub3A_43 : vector<400x640xf32>
    %add3A_45 = arith.addf %mul3A_36, %mul3A_44 : vector<400x640xf32>
    %slice3A_46 = vector.extract_strided_slice %get3A_1 {offsets = [0, 2], sizes = [400, 1], strides = [1, 1]} : vector<400x3xf32> to vector<400x1xf32>
    %get3A_47 = arith.constant 2 : index
    %get3A_48 = arith.constant 640 : index
    %get3A_49 = vector.load %arg2[%get3A_47, %get3A_48] : memref<3x10240xf32, #tpu.memory_space<vmem>>, vector<1x640xf32>
    %sub3A_50 = vector.broadcast %slice3A_46 : vector<400x1xf32> to vector<400x640xf32>
    %sub3A_51 = vector.broadcast %get3A_49 : vector<1x640xf32> to vector<400x640xf32>
    %sub3A_52 = arith.subf %sub3A_50, %sub3A_51 : vector<400x640xf32>
    %mul3A_53 = arith.mulf %sub3A_52, %sub3A_52 : vector<400x640xf32>
    %add3A_54 = arith.addf %add3A_45, %mul3A_53 : vector<400x640xf32>
    %bitcast_convert_type3A_55 = tpu.bitcast %add3A_54 : vector<400x640xf32> -> vector<400x640xi32>
    %and3A_56 = arith.constant -16 : i32
    %and3A_57 = vector.broadcast %and3A_56 : i32 to vector<400x640xi32>
    %and3A_58 = arith.andi %bitcast_convert_type3A_55, %and3A_57 : vector<400x640xi32>
    %or3A_59 = arith.constant 1 : i32
    %or3A_60 = vector.broadcast %or3A_59 : i32 to vector<400x640xi32>
    %or3A_61 = arith.ori %and3A_58, %or3A_60 : vector<400x640xi32>
    %max3A = arith.maxsi %or3A_61, %or3A_28 : vector<400x640xi32>
    %min3A = arith.minsi %broadcast_in_dim3A_2, %max3A : vector<400x640xi32>
    %min3A_62 = arith.minsi %or3A_28, %or3A_61 : vector<400x640xi32>
    %slice3A_63 = vector.extract_strided_slice %get3A_1 {offsets = [0, 0], sizes = [400, 1], strides = [1, 1]} : vector<400x3xf32> to vector<400x1xf32>
    %get3A_64 = arith.constant 0 : index
    %get3A_65 = arith.constant 1280 : index
    %get3A_66 = vector.load %arg2[%get3A_64, %get3A_65] : memref<3x10240xf32, #tpu.memory_space<vmem>>, vector<1x640xf32>
    %sub3A_67 = vector.broadcast %slice3A_63 : vector<400x1xf32> to vector<400x640xf32>
    %sub3A_68 = vector.broadcast %get3A_66 : vector<1x640xf32> to vector<400x640xf32>
    %sub3A_69 = arith.subf %sub3A_67, %sub3A_68 : vector<400x640xf32>
    %mul3A_70 = arith.mulf %sub3A_69, %sub3A_69 : vector<400x640xf32>
    %slice3A_71 = vector.extract_strided_slice %get3A_1 {offsets = [0, 1], sizes = [400, 1], strides = [1, 1]} : vector<400x3xf32> to vector<400x1xf32>
    %get3A_72 = arith.constant 1 : index
    %get3A_73 = arith.constant 1280 : index
    %get3A_74 = vector.load %arg2[%get3A_72, %get3A_73] : memref<3x10240xf32, #tpu.memory_space<vmem>>, vector<1x640xf32>
    %sub3A_75 = vector.broadcast %slice3A_71 : vector<400x1xf32> to vector<400x640xf32>
    %sub3A_76 = vector.broadcast %get3A_74 : vector<1x640xf32> to vector<400x640xf32>
    %sub3A_77 = arith.subf %sub3A_75, %sub3A_76 : vector<400x640xf32>
    %mul3A_78 = arith.mulf %sub3A_77, %sub3A_77 : vector<400x640xf32>
    %add3A_79 = arith.addf %mul3A_70, %mul3A_78 : vector<400x640xf32>
    %slice3A_80 = vector.extract_strided_slice %get3A_1 {offsets = [0, 2], sizes = [400, 1], strides = [1, 1]} : vector<400x3xf32> to vector<400x1xf32>
    %get3A_81 = arith.constant 2 : index
    %get3A_82 = arith.constant 1280 : index
    %get3A_83 = vector.load %arg2[%get3A_81, %get3A_82] : memref<3x10240xf32, #tpu.memory_space<vmem>>, vector<1x640xf32>
    %sub3A_84 = vector.broadcast %slice3A_80 : vector<400x1xf32> to vector<400x640xf32>
    %sub3A_85 = vector.broadcast %get3A_83 : vector<1x640xf32> to vector<400x640xf32>
    %sub3A_86 = arith.subf %sub3A_84, %sub3A_85 : vector<400x640xf32>
    %mul3A_87 = arith.mulf %sub3A_86, %sub3A_86 : vector<400x640xf32>
    %add3A_88 = arith.addf %add3A_79, %mul3A_87 : vector<400x640xf32>
    %bitcast_convert_type3A_89 = tpu.bitcast %add3A_88 : vector<400x640xf32> -> vector<400x640xi32>
    %and3A_90 = arith.constant -16 : i32
    %and3A_91 = vector.broadcast %and3A_90 : i32 to vector<400x640xi32>
    %and3A_92 = arith.andi %bitcast_convert_type3A_89, %and3A_91 : vector<400x640xi32>
    %or3A_93 = arith.constant 2 : i32
    %or3A_94 = vector.broadcast %or3A_93 : i32 to vector<400x640xi32>
    %or3A_95 = arith.ori %and3A_92, %or3A_94 : vector<400x640xi32>
    %max3A_96 = arith.maxsi %or3A_95, %min3A_62 : vector<400x640xi32>
    %min3A_97 = arith.minsi %min3A, %max3A_96 : vector<400x640xi32>
    %min3A_98 = arith.minsi %min3A_62, %or3A_95 : vector<400x640xi32>
    %slice3A_99 = vector.extract_strided_slice %get3A_1 {offsets = [0, 0], sizes = [400, 1], strides = [1, 1]} : vector<400x3xf32> to vector<400x1xf32>
    %get3A_100 = arith.constant 0 : index
    %get3A_101 = arith.constant 1920 : index
    %get3A_102 = vector.load %arg2[%get3A_100, %get3A_101] : memref<3x10240xf32, #tpu.memory_space<vmem>>, vector<1x640xf32>
    %sub3A_103 = vector.broadcast %slice3A_99 : vector<400x1xf32> to vector<400x640xf32>
    %sub3A_104 = vector.broadcast %get3A_102 : vector<1x640xf32> to vector<400x640xf32>
    %sub3A_105 = arith.subf %sub3A_103, %sub3A_104 : vector<400x640xf32>
    %mul3A_106 = arith.mulf %sub3A_105, %sub3A_105 : vector<400x640xf32>
    %slice3A_107 = vector.extract_strided_slice %get3A_1 {offsets = [0, 1], sizes = [400, 1], strides = [1, 1]} : vector<400x3xf32> to vector<400x1xf32>
    %get3A_108 = arith.constant 1 : index
    %get3A_109 = arith.constant 1920 : index
    %get3A_110 = vector.load %arg2[%get3A_108, %get3A_109] : memref<3x10240xf32, #tpu.memory_space<vmem>>, vector<1x640xf32>
    %sub3A_111 = vector.broadcast %slice3A_107 : vector<400x1xf32> to vector<400x640xf32>
    %sub3A_112 = vector.broadcast %get3A_110 : vector<1x640xf32> to vector<400x640xf32>
    %sub3A_113 = arith.subf %sub3A_111, %sub3A_112 : vector<400x640xf32>
    %mul3A_114 = arith.mulf %sub3A_113, %sub3A_113 : vector<400x640xf32>
    %add3A_115 = arith.addf %mul3A_106, %mul3A_114 : vector<400x640xf32>
    %slice3A_116 = vector.extract_strided_slice %get3A_1 {offsets = [0, 2], sizes = [400, 1], strides = [1, 1]} : vector<400x3xf32> to vector<400x1xf32>
    %get3A_117 = arith.constant 2 : index
    %get3A_118 = arith.constant 1920 : index
    %get3A_119 = vector.load %arg2[%get3A_117, %get3A_118] : memref<3x10240xf32, #tpu.memory_space<vmem>>, vector<1x640xf32>
    %sub3A_120 = vector.broadcast %slice3A_116 : vector<400x1xf32> to vector<400x640xf32>
    %sub3A_121 = vector.broadcast %get3A_119 : vector<1x640xf32> to vector<400x640xf32>
    %sub3A_122 = arith.subf %sub3A_120, %sub3A_121 : vector<400x640xf32>
    %mul3A_123 = arith.mulf %sub3A_122, %sub3A_122 : vector<400x640xf32>
    %add3A_124 = arith.addf %add3A_115, %mul3A_123 : vector<400x640xf32>
    %bitcast_convert_type3A_125 = tpu.bitcast %add3A_124 : vector<400x640xf32> -> vector<400x640xi32>
    %and3A_126 = arith.constant -16 : i32
    %and3A_127 = vector.broadcast %and3A_126 : i32 to vector<400x640xi32>
    %and3A_128 = arith.andi %bitcast_convert_type3A_125, %and3A_127 : vector<400x640xi32>
    %or3A_129 = arith.constant 3 : i32
    %or3A_130 = vector.broadcast %or3A_129 : i32 to vector<400x640xi32>
    %or3A_131 = arith.ori %and3A_128, %or3A_130 : vector<400x640xi32>
    %max3A_132 = arith.maxsi %or3A_131, %min3A_98 : vector<400x640xi32>
    %min3A_133 = arith.minsi %min3A_97, %max3A_132 : vector<400x640xi32>
    %min3A_134 = arith.minsi %min3A_98, %or3A_131 : vector<400x640xi32>
    %slice3A_135 = vector.extract_strided_slice %get3A_1 {offsets = [0, 0], sizes = [400, 1], strides = [1, 1]} : vector<400x3xf32> to vector<400x1xf32>
    %get3A_136 = arith.constant 0 : index
    %get3A_137 = arith.constant 2560 : index
    %get3A_138 = vector.load %arg2[%get3A_136, %get3A_137] : memref<3x10240xf32, #tpu.memory_space<vmem>>, vector<1x640xf32>
    %sub3A_139 = vector.broadcast %slice3A_135 : vector<400x1xf32> to vector<400x640xf32>
    %sub3A_140 = vector.broadcast %get3A_138 : vector<1x640xf32> to vector<400x640xf32>
    %sub3A_141 = arith.subf %sub3A_139, %sub3A_140 : vector<400x640xf32>
    %mul3A_142 = arith.mulf %sub3A_141, %sub3A_141 : vector<400x640xf32>
    %slice3A_143 = vector.extract_strided_slice %get3A_1 {offsets = [0, 1], sizes = [400, 1], strides = [1, 1]} : vector<400x3xf32> to vector<400x1xf32>
    %get3A_144 = arith.constant 1 : index
    %get3A_145 = arith.constant 2560 : index
    %get3A_146 = vector.load %arg2[%get3A_144, %get3A_145] : memref<3x10240xf32, #tpu.memory_space<vmem>>, vector<1x640xf32>
    %sub3A_147 = vector.broadcast %slice3A_143 : vector<400x1xf32> to vector<400x640xf32>
    %sub3A_148 = vector.broadcast %get3A_146 : vector<1x640xf32> to vector<400x640xf32>
    %sub3A_149 = arith.subf %sub3A_147, %sub3A_148 : vector<400x640xf32>
    %mul3A_150 = arith.mulf %sub3A_149, %sub3A_149 : vector<400x640xf32>
    %add3A_151 = arith.addf %mul3A_142, %mul3A_150 : vector<400x640xf32>
    %slice3A_152 = vector.extract_strided_slice %get3A_1 {offsets = [0, 2], sizes = [400, 1], strides = [1, 1]} : vector<400x3xf32> to vector<400x1xf32>
    %get3A_153 = arith.constant 2 : index
    %get3A_154 = arith.constant 2560 : index
    %get3A_155 = vector.load %arg2[%get3A_153, %get3A_154] : memref<3x10240xf32, #tpu.memory_space<vmem>>, vector<1x640xf32>
    %sub3A_156 = vector.broadcast %slice3A_152 : vector<400x1xf32> to vector<400x640xf32>
    %sub3A_157 = vector.broadcast %get3A_155 : vector<1x640xf32> to vector<400x640xf32>
    %sub3A_158 = arith.subf %sub3A_156, %sub3A_157 : vector<400x640xf32>
    %mul3A_159 = arith.mulf %sub3A_158, %sub3A_158 : vector<400x640xf32>
    %add3A_160 = arith.addf %add3A_151, %mul3A_159 : vector<400x640xf32>
    %bitcast_convert_type3A_161 = tpu.bitcast %add3A_160 : vector<400x640xf32> -> vector<400x640xi32>
    %and3A_162 = arith.constant -16 : i32
    %and3A_163 = vector.broadcast %and3A_162 : i32 to vector<400x640xi32>
    %and3A_164 = arith.andi %bitcast_convert_type3A_161, %and3A_163 : vector<400x640xi32>
    %or3A_165 = arith.constant 4 : i32
    %or3A_166 = vector.broadcast %or3A_165 : i32 to vector<400x640xi32>
    %or3A_167 = arith.ori %and3A_164, %or3A_166 : vector<400x640xi32>
    %max3A_168 = arith.maxsi %or3A_167, %min3A_134 : vector<400x640xi32>
    %min3A_169 = arith.minsi %min3A_133, %max3A_168 : vector<400x640xi32>
    %min3A_170 = arith.minsi %min3A_134, %or3A_167 : vector<400x640xi32>
    %slice3A_171 = vector.extract_strided_slice %get3A_1 {offsets = [0, 0], sizes = [400, 1], strides = [1, 1]} : vector<400x3xf32> to vector<400x1xf32>
    %get3A_172 = arith.constant 0 : index
    %get3A_173 = arith.constant 3200 : index
    %get3A_174 = vector.load %arg2[%get3A_172, %get3A_173] : memref<3x10240xf32, #tpu.memory_space<vmem>>, vector<1x640xf32>
    %sub3A_175 = vector.broadcast %slice3A_171 : vector<400x1xf32> to vector<400x640xf32>
    %sub3A_176 = vector.broadcast %get3A_174 : vector<1x640xf32> to vector<400x640xf32>
    %sub3A_177 = arith.subf %sub3A_175, %sub3A_176 : vector<400x640xf32>
    %mul3A_178 = arith.mulf %sub3A_177, %sub3A_177 : vector<400x640xf32>
    %slice3A_179 = vector.extract_strided_slice %get3A_1 {offsets = [0, 1], sizes = [400, 1], strides = [1, 1]} : vector<400x3xf32> to vector<400x1xf32>
    %get3A_180 = arith.constant 1 : index
    %get3A_181 = arith.constant 3200 : index
    %get3A_182 = vector.load %arg2[%get3A_180, %get3A_181] : memref<3x10240xf32, #tpu.memory_space<vmem>>, vector<1x640xf32>
    %sub3A_183 = vector.broadcast %slice3A_179 : vector<400x1xf32> to vector<400x640xf32>
    %sub3A_184 = vector.broadcast %get3A_182 : vector<1x640xf32> to vector<400x640xf32>
    %sub3A_185 = arith.subf %sub3A_183, %sub3A_184 : vector<400x640xf32>
    %mul3A_186 = arith.mulf %sub3A_185, %sub3A_185 : vector<400x640xf32>
    %add3A_187 = arith.addf %mul3A_178, %mul3A_186 : vector<400x640xf32>
    %slice3A_188 = vector.extract_strided_slice %get3A_1 {offsets = [0, 2], sizes = [400, 1], strides = [1, 1]} : vector<400x3xf32> to vector<400x1xf32>
    %get3A_189 = arith.constant 2 : index
    %get3A_190 = arith.constant 3200 : index
    %get3A_191 = vector.load %arg2[%get3A_189, %get3A_190] : memref<3x10240xf32, #tpu.memory_space<vmem>>, vector<1x640xf32>
    %sub3A_192 = vector.broadcast %slice3A_188 : vector<400x1xf32> to vector<400x640xf32>
    %sub3A_193 = vector.broadcast %get3A_191 : vector<1x640xf32> to vector<400x640xf32>
    %sub3A_194 = arith.subf %sub3A_192, %sub3A_193 : vector<400x640xf32>
    %mul3A_195 = arith.mulf %sub3A_194, %sub3A_194 : vector<400x640xf32>
    %add3A_196 = arith.addf %add3A_187, %mul3A_195 : vector<400x640xf32>
    %bitcast_convert_type3A_197 = tpu.bitcast %add3A_196 : vector<400x640xf32> -> vector<400x640xi32>
    %and3A_198 = arith.constant -16 : i32
    %and3A_199 = vector.broadcast %and3A_198 : i32 to vector<400x640xi32>
    %and3A_200 = arith.andi %bitcast_convert_type3A_197, %and3A_199 : vector<400x640xi32>
    %or3A_201 = arith.constant 5 : i32
    %or3A_202 = vector.broadcast %or3A_201 : i32 to vector<400x640xi32>
    %or3A_203 = arith.ori %and3A_200, %or3A_202 : vector<400x640xi32>
    %max3A_204 = arith.maxsi %or3A_203, %min3A_170 : vector<400x640xi32>
    %min3A_205 = arith.minsi %min3A_169, %max3A_204 : vector<400x640xi32>
    %min3A_206 = arith.minsi %min3A_170, %or3A_203 : vector<400x640xi32>
    %slice3A_207 = vector.extract_strided_slice %get3A_1 {offsets = [0, 0], sizes = [400, 1], strides = [1, 1]} : vector<400x3xf32> to vector<400x1xf32>
    %get3A_208 = arith.constant 0 : index
    %get3A_209 = arith.constant 3840 : index
    %get3A_210 = vector.load %arg2[%get3A_208, %get3A_209] : memref<3x10240xf32, #tpu.memory_space<vmem>>, vector<1x640xf32>
    %sub3A_211 = vector.broadcast %slice3A_207 : vector<400x1xf32> to vector<400x640xf32>
    %sub3A_212 = vector.broadcast %get3A_210 : vector<1x640xf32> to vector<400x640xf32>
    %sub3A_213 = arith.subf %sub3A_211, %sub3A_212 : vector<400x640xf32>
    %mul3A_214 = arith.mulf %sub3A_213, %sub3A_213 : vector<400x640xf32>
    %slice3A_215 = vector.extract_strided_slice %get3A_1 {offsets = [0, 1], sizes = [400, 1], strides = [1, 1]} : vector<400x3xf32> to vector<400x1xf32>
    %get3A_216 = arith.constant 1 : index
    %get3A_217 = arith.constant 3840 : index
    %get3A_218 = vector.load %arg2[%get3A_216, %get3A_217] : memref<3x10240xf32, #tpu.memory_space<vmem>>, vector<1x640xf32>
    %sub3A_219 = vector.broadcast %slice3A_215 : vector<400x1xf32> to vector<400x640xf32>
    %sub3A_220 = vector.broadcast %get3A_218 : vector<1x640xf32> to vector<400x640xf32>
    %sub3A_221 = arith.subf %sub3A_219, %sub3A_220 : vector<400x640xf32>
    %mul3A_222 = arith.mulf %sub3A_221, %sub3A_221 : vector<400x640xf32>
    %add3A_223 = arith.addf %mul3A_214, %mul3A_222 : vector<400x640xf32>
    %slice3A_224 = vector.extract_strided_slice %get3A_1 {offsets = [0, 2], sizes = [400, 1], strides = [1, 1]} : vector<400x3xf32> to vector<400x1xf32>
    %get3A_225 = arith.constant 2 : index
    %get3A_226 = arith.constant 3840 : index
    %get3A_227 = vector.load %arg2[%get3A_225, %get3A_226] : memref<3x10240xf32, #tpu.memory_space<vmem>>, vector<1x640xf32>
    %sub3A_228 = vector.broadcast %slice3A_224 : vector<400x1xf32> to vector<400x640xf32>
    %sub3A_229 = vector.broadcast %get3A_227 : vector<1x640xf32> to vector<400x640xf32>
    %sub3A_230 = arith.subf %sub3A_228, %sub3A_229 : vector<400x640xf32>
    %mul3A_231 = arith.mulf %sub3A_230, %sub3A_230 : vector<400x640xf32>
    %add3A_232 = arith.addf %add3A_223, %mul3A_231 : vector<400x640xf32>
    %bitcast_convert_type3A_233 = tpu.bitcast %add3A_232 : vector<400x640xf32> -> vector<400x640xi32>
    %and3A_234 = arith.constant -16 : i32
    %and3A_235 = vector.broadcast %and3A_234 : i32 to vector<400x640xi32>
    %and3A_236 = arith.andi %bitcast_convert_type3A_233, %and3A_235 : vector<400x640xi32>
    %or3A_237 = arith.constant 6 : i32
    %or3A_238 = vector.broadcast %or3A_237 : i32 to vector<400x640xi32>
    %or3A_239 = arith.ori %and3A_236, %or3A_238 : vector<400x640xi32>
    %max3A_240 = arith.maxsi %or3A_239, %min3A_206 : vector<400x640xi32>
    %min3A_241 = arith.minsi %min3A_205, %max3A_240 : vector<400x640xi32>
    %min3A_242 = arith.minsi %min3A_206, %or3A_239 : vector<400x640xi32>
    %slice3A_243 = vector.extract_strided_slice %get3A_1 {offsets = [0, 0], sizes = [400, 1], strides = [1, 1]} : vector<400x3xf32> to vector<400x1xf32>
    %get3A_244 = arith.constant 0 : index
    %get3A_245 = arith.constant 4480 : index
    %get3A_246 = vector.load %arg2[%get3A_244, %get3A_245] : memref<3x10240xf32, #tpu.memory_space<vmem>>, vector<1x640xf32>
    %sub3A_247 = vector.broadcast %slice3A_243 : vector<400x1xf32> to vector<400x640xf32>
    %sub3A_248 = vector.broadcast %get3A_246 : vector<1x640xf32> to vector<400x640xf32>
    %sub3A_249 = arith.subf %sub3A_247, %sub3A_248 : vector<400x640xf32>
    %mul3A_250 = arith.mulf %sub3A_249, %sub3A_249 : vector<400x640xf32>
    %slice3A_251 = vector.extract_strided_slice %get3A_1 {offsets = [0, 1], sizes = [400, 1], strides = [1, 1]} : vector<400x3xf32> to vector<400x1xf32>
    %get3A_252 = arith.constant 1 : index
    %get3A_253 = arith.constant 4480 : index
    %get3A_254 = vector.load %arg2[%get3A_252, %get3A_253] : memref<3x10240xf32, #tpu.memory_space<vmem>>, vector<1x640xf32>
    %sub3A_255 = vector.broadcast %slice3A_251 : vector<400x1xf32> to vector<400x640xf32>
    %sub3A_256 = vector.broadcast %get3A_254 : vector<1x640xf32> to vector<400x640xf32>
    %sub3A_257 = arith.subf %sub3A_255, %sub3A_256 : vector<400x640xf32>
    %mul3A_258 = arith.mulf %sub3A_257, %sub3A_257 : vector<400x640xf32>
    %add3A_259 = arith.addf %mul3A_250, %mul3A_258 : vector<400x640xf32>
    %slice3A_260 = vector.extract_strided_slice %get3A_1 {offsets = [0, 2], sizes = [400, 1], strides = [1, 1]} : vector<400x3xf32> to vector<400x1xf32>
    %get3A_261 = arith.constant 2 : index
    %get3A_262 = arith.constant 4480 : index
    %get3A_263 = vector.load %arg2[%get3A_261, %get3A_262] : memref<3x10240xf32, #tpu.memory_space<vmem>>, vector<1x640xf32>
    %sub3A_264 = vector.broadcast %slice3A_260 : vector<400x1xf32> to vector<400x640xf32>
    %sub3A_265 = vector.broadcast %get3A_263 : vector<1x640xf32> to vector<400x640xf32>
    %sub3A_266 = arith.subf %sub3A_264, %sub3A_265 : vector<400x640xf32>
    %mul3A_267 = arith.mulf %sub3A_266, %sub3A_266 : vector<400x640xf32>
    %add3A_268 = arith.addf %add3A_259, %mul3A_267 : vector<400x640xf32>
    %bitcast_convert_type3A_269 = tpu.bitcast %add3A_268 : vector<400x640xf32> -> vector<400x640xi32>
    %and3A_270 = arith.constant -16 : i32
    %and3A_271 = vector.broadcast %and3A_270 : i32 to vector<400x640xi32>
    %and3A_272 = arith.andi %bitcast_convert_type3A_269, %and3A_271 : vector<400x640xi32>
    %or3A_273 = arith.constant 7 : i32
    %or3A_274 = vector.broadcast %or3A_273 : i32 to vector<400x640xi32>
    %or3A_275 = arith.ori %and3A_272, %or3A_274 : vector<400x640xi32>
    %max3A_276 = arith.maxsi %or3A_275, %min3A_242 : vector<400x640xi32>
    %min3A_277 = arith.minsi %min3A_241, %max3A_276 : vector<400x640xi32>
    %min3A_278 = arith.minsi %min3A_242, %or3A_275 : vector<400x640xi32>
    %slice3A_279 = vector.extract_strided_slice %get3A_1 {offsets = [0, 0], sizes = [400, 1], strides = [1, 1]} : vector<400x3xf32> to vector<400x1xf32>
    %get3A_280 = arith.constant 0 : index
    %get3A_281 = arith.constant 5120 : index
    %get3A_282 = vector.load %arg2[%get3A_280, %get3A_281] : memref<3x10240xf32, #tpu.memory_space<vmem>>, vector<1x640xf32>
    %sub3A_283 = vector.broadcast %slice3A_279 : vector<400x1xf32> to vector<400x640xf32>
    %sub3A_284 = vector.broadcast %get3A_282 : vector<1x640xf32> to vector<400x640xf32>
    %sub3A_285 = arith.subf %sub3A_283, %sub3A_284 : vector<400x640xf32>
    %mul3A_286 = arith.mulf %sub3A_285, %sub3A_285 : vector<400x640xf32>
    %slice3A_287 = vector.extract_strided_slice %get3A_1 {offsets = [0, 1], sizes = [400, 1], strides = [1, 1]} : vector<400x3xf32> to vector<400x1xf32>
    %get3A_288 = arith.constant 1 : index
    %get3A_289 = arith.constant 5120 : index
    %get3A_290 = vector.load %arg2[%get3A_288, %get3A_289] : memref<3x10240xf32, #tpu.memory_space<vmem>>, vector<1x640xf32>
    %sub3A_291 = vector.broadcast %slice3A_287 : vector<400x1xf32> to vector<400x640xf32>
    %sub3A_292 = vector.broadcast %get3A_290 : vector<1x640xf32> to vector<400x640xf32>
    %sub3A_293 = arith.subf %sub3A_291, %sub3A_292 : vector<400x640xf32>
    %mul3A_294 = arith.mulf %sub3A_293, %sub3A_293 : vector<400x640xf32>
    %add3A_295 = arith.addf %mul3A_286, %mul3A_294 : vector<400x640xf32>
    %slice3A_296 = vector.extract_strided_slice %get3A_1 {offsets = [0, 2], sizes = [400, 1], strides = [1, 1]} : vector<400x3xf32> to vector<400x1xf32>
    %get3A_297 = arith.constant 2 : index
    %get3A_298 = arith.constant 5120 : index
    %get3A_299 = vector.load %arg2[%get3A_297, %get3A_298] : memref<3x10240xf32, #tpu.memory_space<vmem>>, vector<1x640xf32>
    %sub3A_300 = vector.broadcast %slice3A_296 : vector<400x1xf32> to vector<400x640xf32>
    %sub3A_301 = vector.broadcast %get3A_299 : vector<1x640xf32> to vector<400x640xf32>
    %sub3A_302 = arith.subf %sub3A_300, %sub3A_301 : vector<400x640xf32>
    %mul3A_303 = arith.mulf %sub3A_302, %sub3A_302 : vector<400x640xf32>
    %add3A_304 = arith.addf %add3A_295, %mul3A_303 : vector<400x640xf32>
    %bitcast_convert_type3A_305 = tpu.bitcast %add3A_304 : vector<400x640xf32> -> vector<400x640xi32>
    %and3A_306 = arith.constant -16 : i32
    %and3A_307 = vector.broadcast %and3A_306 : i32 to vector<400x640xi32>
    %and3A_308 = arith.andi %bitcast_convert_type3A_305, %and3A_307 : vector<400x640xi32>
    %or3A_309 = arith.constant 8 : i32
    %or3A_310 = vector.broadcast %or3A_309 : i32 to vector<400x640xi32>
    %or3A_311 = arith.ori %and3A_308, %or3A_310 : vector<400x640xi32>
    %max3A_312 = arith.maxsi %or3A_311, %min3A_278 : vector<400x640xi32>
    %min3A_313 = arith.minsi %min3A_277, %max3A_312 : vector<400x640xi32>
    %min3A_314 = arith.minsi %min3A_278, %or3A_311 : vector<400x640xi32>
    %slice3A_315 = vector.extract_strided_slice %get3A_1 {offsets = [0, 0], sizes = [400, 1], strides = [1, 1]} : vector<400x3xf32> to vector<400x1xf32>
    %get3A_316 = arith.constant 0 : index
    %get3A_317 = arith.constant 5760 : index
    %get3A_318 = vector.load %arg2[%get3A_316, %get3A_317] : memref<3x10240xf32, #tpu.memory_space<vmem>>, vector<1x640xf32>
    %sub3A_319 = vector.broadcast %slice3A_315 : vector<400x1xf32> to vector<400x640xf32>
    %sub3A_320 = vector.broadcast %get3A_318 : vector<1x640xf32> to vector<400x640xf32>
    %sub3A_321 = arith.subf %sub3A_319, %sub3A_320 : vector<400x640xf32>
    %mul3A_322 = arith.mulf %sub3A_321, %sub3A_321 : vector<400x640xf32>
    %slice3A_323 = vector.extract_strided_slice %get3A_1 {offsets = [0, 1], sizes = [400, 1], strides = [1, 1]} : vector<400x3xf32> to vector<400x1xf32>
    %get3A_324 = arith.constant 1 : index
    %get3A_325 = arith.constant 5760 : index
    %get3A_326 = vector.load %arg2[%get3A_324, %get3A_325] : memref<3x10240xf32, #tpu.memory_space<vmem>>, vector<1x640xf32>
    %sub3A_327 = vector.broadcast %slice3A_323 : vector<400x1xf32> to vector<400x640xf32>
    %sub3A_328 = vector.broadcast %get3A_326 : vector<1x640xf32> to vector<400x640xf32>
    %sub3A_329 = arith.subf %sub3A_327, %sub3A_328 : vector<400x640xf32>
    %mul3A_330 = arith.mulf %sub3A_329, %sub3A_329 : vector<400x640xf32>
    %add3A_331 = arith.addf %mul3A_322, %mul3A_330 : vector<400x640xf32>
    %slice3A_332 = vector.extract_strided_slice %get3A_1 {offsets = [0, 2], sizes = [400, 1], strides = [1, 1]} : vector<400x3xf32> to vector<400x1xf32>
    %get3A_333 = arith.constant 2 : index
    %get3A_334 = arith.constant 5760 : index
    %get3A_335 = vector.load %arg2[%get3A_333, %get3A_334] : memref<3x10240xf32, #tpu.memory_space<vmem>>, vector<1x640xf32>
    %sub3A_336 = vector.broadcast %slice3A_332 : vector<400x1xf32> to vector<400x640xf32>
    %sub3A_337 = vector.broadcast %get3A_335 : vector<1x640xf32> to vector<400x640xf32>
    %sub3A_338 = arith.subf %sub3A_336, %sub3A_337 : vector<400x640xf32>
    %mul3A_339 = arith.mulf %sub3A_338, %sub3A_338 : vector<400x640xf32>
    %add3A_340 = arith.addf %add3A_331, %mul3A_339 : vector<400x640xf32>
    %bitcast_convert_type3A_341 = tpu.bitcast %add3A_340 : vector<400x640xf32> -> vector<400x640xi32>
    %and3A_342 = arith.constant -16 : i32
    %and3A_343 = vector.broadcast %and3A_342 : i32 to vector<400x640xi32>
    %and3A_344 = arith.andi %bitcast_convert_type3A_341, %and3A_343 : vector<400x640xi32>
    %or3A_345 = arith.constant 9 : i32
    %or3A_346 = vector.broadcast %or3A_345 : i32 to vector<400x640xi32>
    %or3A_347 = arith.ori %and3A_344, %or3A_346 : vector<400x640xi32>
    %max3A_348 = arith.maxsi %or3A_347, %min3A_314 : vector<400x640xi32>
    %min3A_349 = arith.minsi %min3A_313, %max3A_348 : vector<400x640xi32>
    %min3A_350 = arith.minsi %min3A_314, %or3A_347 : vector<400x640xi32>
    %slice3A_351 = vector.extract_strided_slice %get3A_1 {offsets = [0, 0], sizes = [400, 1], strides = [1, 1]} : vector<400x3xf32> to vector<400x1xf32>
    %get3A_352 = arith.constant 0 : index
    %get3A_353 = arith.constant 6400 : index
    %get3A_354 = vector.load %arg2[%get3A_352, %get3A_353] : memref<3x10240xf32, #tpu.memory_space<vmem>>, vector<1x640xf32>
    %sub3A_355 = vector.broadcast %slice3A_351 : vector<400x1xf32> to vector<400x640xf32>
    %sub3A_356 = vector.broadcast %get3A_354 : vector<1x640xf32> to vector<400x640xf32>
    %sub3A_357 = arith.subf %sub3A_355, %sub3A_356 : vector<400x640xf32>
    %mul3A_358 = arith.mulf %sub3A_357, %sub3A_357 : vector<400x640xf32>
    %slice3A_359 = vector.extract_strided_slice %get3A_1 {offsets = [0, 1], sizes = [400, 1], strides = [1, 1]} : vector<400x3xf32> to vector<400x1xf32>
    %get3A_360 = arith.constant 1 : index
    %get3A_361 = arith.constant 6400 : index
    %get3A_362 = vector.load %arg2[%get3A_360, %get3A_361] : memref<3x10240xf32, #tpu.memory_space<vmem>>, vector<1x640xf32>
    %sub3A_363 = vector.broadcast %slice3A_359 : vector<400x1xf32> to vector<400x640xf32>
    %sub3A_364 = vector.broadcast %get3A_362 : vector<1x640xf32> to vector<400x640xf32>
    %sub3A_365 = arith.subf %sub3A_363, %sub3A_364 : vector<400x640xf32>
    %mul3A_366 = arith.mulf %sub3A_365, %sub3A_365 : vector<400x640xf32>
    %add3A_367 = arith.addf %mul3A_358, %mul3A_366 : vector<400x640xf32>
    %slice3A_368 = vector.extract_strided_slice %get3A_1 {offsets = [0, 2], sizes = [400, 1], strides = [1, 1]} : vector<400x3xf32> to vector<400x1xf32>
    %get3A_369 = arith.constant 2 : index
    %get3A_370 = arith.constant 6400 : index
    %get3A_371 = vector.load %arg2[%get3A_369, %get3A_370] : memref<3x10240xf32, #tpu.memory_space<vmem>>, vector<1x640xf32>
    %sub3A_372 = vector.broadcast %slice3A_368 : vector<400x1xf32> to vector<400x640xf32>
    %sub3A_373 = vector.broadcast %get3A_371 : vector<1x640xf32> to vector<400x640xf32>
    %sub3A_374 = arith.subf %sub3A_372, %sub3A_373 : vector<400x640xf32>
    %mul3A_375 = arith.mulf %sub3A_374, %sub3A_374 : vector<400x640xf32>
    %add3A_376 = arith.addf %add3A_367, %mul3A_375 : vector<400x640xf32>
    %bitcast_convert_type3A_377 = tpu.bitcast %add3A_376 : vector<400x640xf32> -> vector<400x640xi32>
    %and3A_378 = arith.constant -16 : i32
    %and3A_379 = vector.broadcast %and3A_378 : i32 to vector<400x640xi32>
    %and3A_380 = arith.andi %bitcast_convert_type3A_377, %and3A_379 : vector<400x640xi32>
    %or3A_381 = arith.constant 10 : i32
    %or3A_382 = vector.broadcast %or3A_381 : i32 to vector<400x640xi32>
    %or3A_383 = arith.ori %and3A_380, %or3A_382 : vector<400x640xi32>
    %max3A_384 = arith.maxsi %or3A_383, %min3A_350 : vector<400x640xi32>
    %min3A_385 = arith.minsi %min3A_349, %max3A_384 : vector<400x640xi32>
    %min3A_386 = arith.minsi %min3A_350, %or3A_383 : vector<400x640xi32>
    %slice3A_387 = vector.extract_strided_slice %get3A_1 {offsets = [0, 0], sizes = [400, 1], strides = [1, 1]} : vector<400x3xf32> to vector<400x1xf32>
    %get3A_388 = arith.constant 0 : index
    %get3A_389 = arith.constant 7040 : index
    %get3A_390 = vector.load %arg2[%get3A_388, %get3A_389] : memref<3x10240xf32, #tpu.memory_space<vmem>>, vector<1x640xf32>
    %sub3A_391 = vector.broadcast %slice3A_387 : vector<400x1xf32> to vector<400x640xf32>
    %sub3A_392 = vector.broadcast %get3A_390 : vector<1x640xf32> to vector<400x640xf32>
    %sub3A_393 = arith.subf %sub3A_391, %sub3A_392 : vector<400x640xf32>
    %mul3A_394 = arith.mulf %sub3A_393, %sub3A_393 : vector<400x640xf32>
    %slice3A_395 = vector.extract_strided_slice %get3A_1 {offsets = [0, 1], sizes = [400, 1], strides = [1, 1]} : vector<400x3xf32> to vector<400x1xf32>
    %get3A_396 = arith.constant 1 : index
    %get3A_397 = arith.constant 7040 : index
    %get3A_398 = vector.load %arg2[%get3A_396, %get3A_397] : memref<3x10240xf32, #tpu.memory_space<vmem>>, vector<1x640xf32>
    %sub3A_399 = vector.broadcast %slice3A_395 : vector<400x1xf32> to vector<400x640xf32>
    %sub3A_400 = vector.broadcast %get3A_398 : vector<1x640xf32> to vector<400x640xf32>
    %sub3A_401 = arith.subf %sub3A_399, %sub3A_400 : vector<400x640xf32>
    %mul3A_402 = arith.mulf %sub3A_401, %sub3A_401 : vector<400x640xf32>
    %add3A_403 = arith.addf %mul3A_394, %mul3A_402 : vector<400x640xf32>
    %slice3A_404 = vector.extract_strided_slice %get3A_1 {offsets = [0, 2], sizes = [400, 1], strides = [1, 1]} : vector<400x3xf32> to vector<400x1xf32>
    %get3A_405 = arith.constant 2 : index
    %get3A_406 = arith.constant 7040 : index
    %get3A_407 = vector.load %arg2[%get3A_405, %get3A_406] : memref<3x10240xf32, #tpu.memory_space<vmem>>, vector<1x640xf32>
    %sub3A_408 = vector.broadcast %slice3A_404 : vector<400x1xf32> to vector<400x640xf32>
    %sub3A_409 = vector.broadcast %get3A_407 : vector<1x640xf32> to vector<400x640xf32>
    %sub3A_410 = arith.subf %sub3A_408, %sub3A_409 : vector<400x640xf32>
    %mul3A_411 = arith.mulf %sub3A_410, %sub3A_410 : vector<400x640xf32>
    %add3A_412 = arith.addf %add3A_403, %mul3A_411 : vector<400x640xf32>
    %bitcast_convert_type3A_413 = tpu.bitcast %add3A_412 : vector<400x640xf32> -> vector<400x640xi32>
    %and3A_414 = arith.constant -16 : i32
    %and3A_415 = vector.broadcast %and3A_414 : i32 to vector<400x640xi32>
    %and3A_416 = arith.andi %bitcast_convert_type3A_413, %and3A_415 : vector<400x640xi32>
    %or3A_417 = arith.constant 11 : i32
    %or3A_418 = vector.broadcast %or3A_417 : i32 to vector<400x640xi32>
    %or3A_419 = arith.ori %and3A_416, %or3A_418 : vector<400x640xi32>
    %max3A_420 = arith.maxsi %or3A_419, %min3A_386 : vector<400x640xi32>
    %min3A_421 = arith.minsi %min3A_385, %max3A_420 : vector<400x640xi32>
    %min3A_422 = arith.minsi %min3A_386, %or3A_419 : vector<400x640xi32>
    %slice3A_423 = vector.extract_strided_slice %get3A_1 {offsets = [0, 0], sizes = [400, 1], strides = [1, 1]} : vector<400x3xf32> to vector<400x1xf32>
    %get3A_424 = arith.constant 0 : index
    %get3A_425 = arith.constant 7680 : index
    %get3A_426 = vector.load %arg2[%get3A_424, %get3A_425] : memref<3x10240xf32, #tpu.memory_space<vmem>>, vector<1x640xf32>
    %sub3A_427 = vector.broadcast %slice3A_423 : vector<400x1xf32> to vector<400x640xf32>
    %sub3A_428 = vector.broadcast %get3A_426 : vector<1x640xf32> to vector<400x640xf32>
    %sub3A_429 = arith.subf %sub3A_427, %sub3A_428 : vector<400x640xf32>
    %mul3A_430 = arith.mulf %sub3A_429, %sub3A_429 : vector<400x640xf32>
    %slice3A_431 = vector.extract_strided_slice %get3A_1 {offsets = [0, 1], sizes = [400, 1], strides = [1, 1]} : vector<400x3xf32> to vector<400x1xf32>
    %get3A_432 = arith.constant 1 : index
    %get3A_433 = arith.constant 7680 : index
    %get3A_434 = vector.load %arg2[%get3A_432, %get3A_433] : memref<3x10240xf32, #tpu.memory_space<vmem>>, vector<1x640xf32>
    %sub3A_435 = vector.broadcast %slice3A_431 : vector<400x1xf32> to vector<400x640xf32>
    %sub3A_436 = vector.broadcast %get3A_434 : vector<1x640xf32> to vector<400x640xf32>
    %sub3A_437 = arith.subf %sub3A_435, %sub3A_436 : vector<400x640xf32>
    %mul3A_438 = arith.mulf %sub3A_437, %sub3A_437 : vector<400x640xf32>
    %add3A_439 = arith.addf %mul3A_430, %mul3A_438 : vector<400x640xf32>
    %slice3A_440 = vector.extract_strided_slice %get3A_1 {offsets = [0, 2], sizes = [400, 1], strides = [1, 1]} : vector<400x3xf32> to vector<400x1xf32>
    %get3A_441 = arith.constant 2 : index
    %get3A_442 = arith.constant 7680 : index
    %get3A_443 = vector.load %arg2[%get3A_441, %get3A_442] : memref<3x10240xf32, #tpu.memory_space<vmem>>, vector<1x640xf32>
    %sub3A_444 = vector.broadcast %slice3A_440 : vector<400x1xf32> to vector<400x640xf32>
    %sub3A_445 = vector.broadcast %get3A_443 : vector<1x640xf32> to vector<400x640xf32>
    %sub3A_446 = arith.subf %sub3A_444, %sub3A_445 : vector<400x640xf32>
    %mul3A_447 = arith.mulf %sub3A_446, %sub3A_446 : vector<400x640xf32>
    %add3A_448 = arith.addf %add3A_439, %mul3A_447 : vector<400x640xf32>
    %bitcast_convert_type3A_449 = tpu.bitcast %add3A_448 : vector<400x640xf32> -> vector<400x640xi32>
    %and3A_450 = arith.constant -16 : i32
    %and3A_451 = vector.broadcast %and3A_450 : i32 to vector<400x640xi32>
    %and3A_452 = arith.andi %bitcast_convert_type3A_449, %and3A_451 : vector<400x640xi32>
    %or3A_453 = arith.constant 12 : i32
    %or3A_454 = vector.broadcast %or3A_453 : i32 to vector<400x640xi32>
    %or3A_455 = arith.ori %and3A_452, %or3A_454 : vector<400x640xi32>
    %max3A_456 = arith.maxsi %or3A_455, %min3A_422 : vector<400x640xi32>
    %min3A_457 = arith.minsi %min3A_421, %max3A_456 : vector<400x640xi32>
    %min3A_458 = arith.minsi %min3A_422, %or3A_455 : vector<400x640xi32>
    %slice3A_459 = vector.extract_strided_slice %get3A_1 {offsets = [0, 0], sizes = [400, 1], strides = [1, 1]} : vector<400x3xf32> to vector<400x1xf32>
    %get3A_460 = arith.constant 0 : index
    %get3A_461 = arith.constant 8320 : index
    %get3A_462 = vector.load %arg2[%get3A_460, %get3A_461] : memref<3x10240xf32, #tpu.memory_space<vmem>>, vector<1x640xf32>
    %sub3A_463 = vector.broadcast %slice3A_459 : vector<400x1xf32> to vector<400x640xf32>
    %sub3A_464 = vector.broadcast %get3A_462 : vector<1x640xf32> to vector<400x640xf32>
    %sub3A_465 = arith.subf %sub3A_463, %sub3A_464 : vector<400x640xf32>
    %mul3A_466 = arith.mulf %sub3A_465, %sub3A_465 : vector<400x640xf32>
    %slice3A_467 = vector.extract_strided_slice %get3A_1 {offsets = [0, 1], sizes = [400, 1], strides = [1, 1]} : vector<400x3xf32> to vector<400x1xf32>
    %get3A_468 = arith.constant 1 : index
    %get3A_469 = arith.constant 8320 : index
    %get3A_470 = vector.load %arg2[%get3A_468, %get3A_469] : memref<3x10240xf32, #tpu.memory_space<vmem>>, vector<1x640xf32>
    %sub3A_471 = vector.broadcast %slice3A_467 : vector<400x1xf32> to vector<400x640xf32>
    %sub3A_472 = vector.broadcast %get3A_470 : vector<1x640xf32> to vector<400x640xf32>
    %sub3A_473 = arith.subf %sub3A_471, %sub3A_472 : vector<400x640xf32>
    %mul3A_474 = arith.mulf %sub3A_473, %sub3A_473 : vector<400x640xf32>
    %add3A_475 = arith.addf %mul3A_466, %mul3A_474 : vector<400x640xf32>
    %slice3A_476 = vector.extract_strided_slice %get3A_1 {offsets = [0, 2], sizes = [400, 1], strides = [1, 1]} : vector<400x3xf32> to vector<400x1xf32>
    %get3A_477 = arith.constant 2 : index
    %get3A_478 = arith.constant 8320 : index
    %get3A_479 = vector.load %arg2[%get3A_477, %get3A_478] : memref<3x10240xf32, #tpu.memory_space<vmem>>, vector<1x640xf32>
    %sub3A_480 = vector.broadcast %slice3A_476 : vector<400x1xf32> to vector<400x640xf32>
    %sub3A_481 = vector.broadcast %get3A_479 : vector<1x640xf32> to vector<400x640xf32>
    %sub3A_482 = arith.subf %sub3A_480, %sub3A_481 : vector<400x640xf32>
    %mul3A_483 = arith.mulf %sub3A_482, %sub3A_482 : vector<400x640xf32>
    %add3A_484 = arith.addf %add3A_475, %mul3A_483 : vector<400x640xf32>
    %bitcast_convert_type3A_485 = tpu.bitcast %add3A_484 : vector<400x640xf32> -> vector<400x640xi32>
    %and3A_486 = arith.constant -16 : i32
    %and3A_487 = vector.broadcast %and3A_486 : i32 to vector<400x640xi32>
    %and3A_488 = arith.andi %bitcast_convert_type3A_485, %and3A_487 : vector<400x640xi32>
    %or3A_489 = arith.constant 13 : i32
    %or3A_490 = vector.broadcast %or3A_489 : i32 to vector<400x640xi32>
    %or3A_491 = arith.ori %and3A_488, %or3A_490 : vector<400x640xi32>
    %max3A_492 = arith.maxsi %or3A_491, %min3A_458 : vector<400x640xi32>
    %min3A_493 = arith.minsi %min3A_457, %max3A_492 : vector<400x640xi32>
    %min3A_494 = arith.minsi %min3A_458, %or3A_491 : vector<400x640xi32>
    %slice3A_495 = vector.extract_strided_slice %get3A_1 {offsets = [0, 0], sizes = [400, 1], strides = [1, 1]} : vector<400x3xf32> to vector<400x1xf32>
    %get3A_496 = arith.constant 0 : index
    %get3A_497 = arith.constant 8960 : index
    %get3A_498 = vector.load %arg2[%get3A_496, %get3A_497] : memref<3x10240xf32, #tpu.memory_space<vmem>>, vector<1x640xf32>
    %sub3A_499 = vector.broadcast %slice3A_495 : vector<400x1xf32> to vector<400x640xf32>
    %sub3A_500 = vector.broadcast %get3A_498 : vector<1x640xf32> to vector<400x640xf32>
    %sub3A_501 = arith.subf %sub3A_499, %sub3A_500 : vector<400x640xf32>
    %mul3A_502 = arith.mulf %sub3A_501, %sub3A_501 : vector<400x640xf32>
    %slice3A_503 = vector.extract_strided_slice %get3A_1 {offsets = [0, 1], sizes = [400, 1], strides = [1, 1]} : vector<400x3xf32> to vector<400x1xf32>
    %get3A_504 = arith.constant 1 : index
    %get3A_505 = arith.constant 8960 : index
    %get3A_506 = vector.load %arg2[%get3A_504, %get3A_505] : memref<3x10240xf32, #tpu.memory_space<vmem>>, vector<1x640xf32>
    %sub3A_507 = vector.broadcast %slice3A_503 : vector<400x1xf32> to vector<400x640xf32>
    %sub3A_508 = vector.broadcast %get3A_506 : vector<1x640xf32> to vector<400x640xf32>
    %sub3A_509 = arith.subf %sub3A_507, %sub3A_508 : vector<400x640xf32>
    %mul3A_510 = arith.mulf %sub3A_509, %sub3A_509 : vector<400x640xf32>
    %add3A_511 = arith.addf %mul3A_502, %mul3A_510 : vector<400x640xf32>
    %slice3A_512 = vector.extract_strided_slice %get3A_1 {offsets = [0, 2], sizes = [400, 1], strides = [1, 1]} : vector<400x3xf32> to vector<400x1xf32>
    %get3A_513 = arith.constant 2 : index
    %get3A_514 = arith.constant 8960 : index
    %get3A_515 = vector.load %arg2[%get3A_513, %get3A_514] : memref<3x10240xf32, #tpu.memory_space<vmem>>, vector<1x640xf32>
    %sub3A_516 = vector.broadcast %slice3A_512 : vector<400x1xf32> to vector<400x640xf32>
    %sub3A_517 = vector.broadcast %get3A_515 : vector<1x640xf32> to vector<400x640xf32>
    %sub3A_518 = arith.subf %sub3A_516, %sub3A_517 : vector<400x640xf32>
    %mul3A_519 = arith.mulf %sub3A_518, %sub3A_518 : vector<400x640xf32>
    %add3A_520 = arith.addf %add3A_511, %mul3A_519 : vector<400x640xf32>
    %bitcast_convert_type3A_521 = tpu.bitcast %add3A_520 : vector<400x640xf32> -> vector<400x640xi32>
    %and3A_522 = arith.constant -16 : i32
    %and3A_523 = vector.broadcast %and3A_522 : i32 to vector<400x640xi32>
    %and3A_524 = arith.andi %bitcast_convert_type3A_521, %and3A_523 : vector<400x640xi32>
    %or3A_525 = arith.constant 14 : i32
    %or3A_526 = vector.broadcast %or3A_525 : i32 to vector<400x640xi32>
    %or3A_527 = arith.ori %and3A_524, %or3A_526 : vector<400x640xi32>
    %max3A_528 = arith.maxsi %or3A_527, %min3A_494 : vector<400x640xi32>
    %min3A_529 = arith.minsi %min3A_493, %max3A_528 : vector<400x640xi32>
    %min3A_530 = arith.minsi %min3A_494, %or3A_527 : vector<400x640xi32>
    %slice3A_531 = vector.extract_strided_slice %get3A_1 {offsets = [0, 0], sizes = [400, 1], strides = [1, 1]} : vector<400x3xf32> to vector<400x1xf32>
    %get3A_532 = arith.constant 0 : index
    %get3A_533 = arith.constant 9600 : index
    %get3A_534 = vector.load %arg2[%get3A_532, %get3A_533] : memref<3x10240xf32, #tpu.memory_space<vmem>>, vector<1x640xf32>
    %sub3A_535 = vector.broadcast %slice3A_531 : vector<400x1xf32> to vector<400x640xf32>
    %sub3A_536 = vector.broadcast %get3A_534 : vector<1x640xf32> to vector<400x640xf32>
    %sub3A_537 = arith.subf %sub3A_535, %sub3A_536 : vector<400x640xf32>
    %mul3A_538 = arith.mulf %sub3A_537, %sub3A_537 : vector<400x640xf32>
    %slice3A_539 = vector.extract_strided_slice %get3A_1 {offsets = [0, 1], sizes = [400, 1], strides = [1, 1]} : vector<400x3xf32> to vector<400x1xf32>
    %get3A_540 = arith.constant 1 : index
    %get3A_541 = arith.constant 9600 : index
    %get3A_542 = vector.load %arg2[%get3A_540, %get3A_541] : memref<3x10240xf32, #tpu.memory_space<vmem>>, vector<1x640xf32>
    %sub3A_543 = vector.broadcast %slice3A_539 : vector<400x1xf32> to vector<400x640xf32>
    %sub3A_544 = vector.broadcast %get3A_542 : vector<1x640xf32> to vector<400x640xf32>
    %sub3A_545 = arith.subf %sub3A_543, %sub3A_544 : vector<400x640xf32>
    %mul3A_546 = arith.mulf %sub3A_545, %sub3A_545 : vector<400x640xf32>
    %add3A_547 = arith.addf %mul3A_538, %mul3A_546 : vector<400x640xf32>
    %slice3A_548 = vector.extract_strided_slice %get3A_1 {offsets = [0, 2], sizes = [400, 1], strides = [1, 1]} : vector<400x3xf32> to vector<400x1xf32>
    %get3A_549 = arith.constant 2 : index
    %get3A_550 = arith.constant 9600 : index
    %get3A_551 = vector.load %arg2[%get3A_549, %get3A_550] : memref<3x10240xf32, #tpu.memory_space<vmem>>, vector<1x640xf32>
    %sub3A_552 = vector.broadcast %slice3A_548 : vector<400x1xf32> to vector<400x640xf32>
    %sub3A_553 = vector.broadcast %get3A_551 : vector<1x640xf32> to vector<400x640xf32>
    %sub3A_554 = arith.subf %sub3A_552, %sub3A_553 : vector<400x640xf32>
    %mul3A_555 = arith.mulf %sub3A_554, %sub3A_554 : vector<400x640xf32>
    %add3A_556 = arith.addf %add3A_547, %mul3A_555 : vector<400x640xf32>
    %bitcast_convert_type3A_557 = tpu.bitcast %add3A_556 : vector<400x640xf32> -> vector<400x640xi32>
    %and3A_558 = arith.constant -16 : i32
    %and3A_559 = vector.broadcast %and3A_558 : i32 to vector<400x640xi32>
    %and3A_560 = arith.andi %bitcast_convert_type3A_557, %and3A_559 : vector<400x640xi32>
    %or3A_561 = arith.constant 15 : i32
    %or3A_562 = vector.broadcast %or3A_561 : i32 to vector<400x640xi32>
    %or3A_563 = arith.ori %and3A_560, %or3A_562 : vector<400x640xi32>
    %max3A_564 = arith.maxsi %or3A_563, %min3A_530 : vector<400x640xi32>
    %min3A_565 = arith.minsi %min3A_529, %max3A_564 : vector<400x640xi32>
    %min3A_566 = arith.minsi %min3A_530, %or3A_563 : vector<400x640xi32>
    %iota3A = tpu.iota {dimensions = array<i32: 1>} : vector<400x640xi32>
    %iota3A_567 = tpu.iota {dimensions = array<i32: 1>} : vector<400x6xi32>
    %broadcast_in_dim3A_568 = arith.constant 0 : i32
    %broadcast_in_dim3A_569 = vector.broadcast %broadcast_in_dim3A_568 : i32 to vector<400x6xi32>
    %broadcast_in_dim3A_570 = arith.constant 0.000000e+00 : f32
    %broadcast_in_dim3A_571 = vector.broadcast %broadcast_in_dim3A_570 : f32 to vector<400x6xf32>
    %reduce_min3A = arith.constant dense<2147483647> : vector<400xi32>
    %reduce_min3A_572 = vector.multi_reduction <minsi>, %min3A_566, %reduce_min3A [1] : vector<400x640xi32> to vector<400xi32>
    %broadcast_in_dim3A_573 = vector.shape_cast %reduce_min3A_572 : vector<400xi32> to vector<400x1xi32>
    %eq3A = vector.broadcast %broadcast_in_dim3A_573 : vector<400x1xi32> to vector<400x640xi32>
    %eq3A_574 = arith.cmpi eq, %min3A_566, %eq3A : vector<400x640xi32>
    %jit3A = arith.constant 1073741824 : i32
    %broadcast_in_dim3A_575 = vector.broadcast %jit3A : i32 to vector<400x640xi32>
    %select_n3A = arith.select %eq3A_574, %iota3A, %broadcast_in_dim3A_575 : vector<400x640xi1>, vector<400x640xi32>
    %reduce_min3A_576 = arith.constant dense<2147483647> : vector<400xi32>
    %reduce_min3A_577 = vector.multi_reduction <minsi>, %select_n3A, %reduce_min3A_576 [1] : vector<400x640xi32> to vector<400xi32>
    %broadcast_in_dim3A_578 = vector.shape_cast %reduce_min3A_577 : vector<400xi32> to vector<400x1xi32>
    %and3A_579 = arith.constant -16 : i32
    %and3A_580 = vector.broadcast %and3A_579 : i32 to vector<400x1xi32>
    %and3A_581 = arith.andi %broadcast_in_dim3A_573, %and3A_580 : vector<400x1xi32>
    %bitcast_convert_type3A_582 = tpu.bitcast %and3A_581 : vector<400x1xi32> -> vector<400x1xf32>
    %and3A_583 = arith.constant 15 : i32
    %and3A_584 = vector.broadcast %and3A_583 : i32 to vector<400x1xi32>
    %and3A_585 = arith.andi %broadcast_in_dim3A_573, %and3A_584 : vector<400x1xi32>
    %mul3A_586 = arith.constant 640 : i32
    %mul3A_587 = vector.broadcast %mul3A_586 : i32 to vector<400x1xi32>
    %mul3A_588 = arith.muli %and3A_585, %mul3A_587 : vector<400x1xi32>
    %add3A_589 = arith.addi %mul3A_588, %broadcast_in_dim3A_578 : vector<400x1xi32>
    %max3A_590 = arith.constant 1.000000e-16 : f32
    %max3A_591 = vector.broadcast %max3A_590 : f32 to vector<400x1xf32>
    %max3A_592 = arith.maximumf %bitcast_convert_type3A_582, %max3A_591 : vector<400x1xf32>
    %div3A = arith.constant 1.000000e+00 : f32
    %div3A_593 = vector.broadcast %div3A : f32 to vector<400x1xf32>
    %div3A_594 = arith.divf %div3A_593, %max3A_592 : vector<400x1xf32>
    %eq3A_595 = arith.constant 0 : i32
    %eq3A_596 = vector.broadcast %eq3A_595 : i32 to vector<400x6xi32>
    %eq3A_597 = arith.cmpi eq, %iota3A_567, %eq3A_596 : vector<400x6xi32>
    %broadcast_in_dim3A_598 = vector.shape_cast %add3A_589 : vector<400x1xi32> to vector<400x1xi32>
    %broadcast_in_dim3A_599 = vector.broadcast %broadcast_in_dim3A_598 : vector<400x1xi32> to vector<400x6xi32>
    %select_n3A_600 = arith.select %eq3A_597, %broadcast_in_dim3A_599, %broadcast_in_dim3A_569 : vector<400x6xi1>, vector<400x6xi32>
    %eq3A_601 = arith.constant 0 : i32
    %eq3A_602 = vector.broadcast %eq3A_601 : i32 to vector<400x6xi32>
    %eq3A_603 = arith.cmpi eq, %iota3A_567, %eq3A_602 : vector<400x6xi32>
    %broadcast_in_dim3A_604 = vector.shape_cast %div3A_594 : vector<400x1xf32> to vector<400x1xf32>
    %broadcast_in_dim3A_605 = vector.broadcast %broadcast_in_dim3A_604 : vector<400x1xf32> to vector<400x6xf32>
    %select_n3A_606 = arith.select %eq3A_603, %broadcast_in_dim3A_605, %broadcast_in_dim3A_571 : vector<400x6xi1>, vector<400x6xf32>
    %eq3A_607 = vector.broadcast %broadcast_in_dim3A_578 : vector<400x1xi32> to vector<400x640xi32>
    %eq3A_608 = arith.cmpi eq, %iota3A, %eq3A_607 : vector<400x640xi32>
    %select_n3A_609 = arith.select %eq3A_608, %min3A_565, %min3A_566 : vector<400x640xi1>, vector<400x640xi32>
    %jit3A_610 = arith.constant 1900671690 : i32
    %broadcast_in_dim3A_611 = vector.broadcast %jit3A_610 : i32 to vector<400x640xi32>
    %select_n3A_612 = arith.select %eq3A_608, %broadcast_in_dim3A_611, %min3A_565 : vector<400x640xi1>, vector<400x640xi32>
    %reduce_min3A_613 = arith.constant dense<2147483647> : vector<400xi32>
    %reduce_min3A_614 = vector.multi_reduction <minsi>, %select_n3A_609, %reduce_min3A_613 [1] : vector<400x640xi32> to vector<400xi32>
    %broadcast_in_dim3A_615 = vector.shape_cast %reduce_min3A_614 : vector<400xi32> to vector<400x1xi32>
    %eq3A_616 = vector.broadcast %broadcast_in_dim3A_615 : vector<400x1xi32> to vector<400x640xi32>
    %eq3A_617 = arith.cmpi eq, %select_n3A_609, %eq3A_616 : vector<400x640xi32>
    %jit3A_618 = arith.constant 1073741824 : i32
    %broadcast_in_dim3A_619 = vector.broadcast %jit3A_618 : i32 to vector<400x640xi32>
    %select_n3A_620 = arith.select %eq3A_617, %iota3A, %broadcast_in_dim3A_619 : vector<400x640xi1>, vector<400x640xi32>
    %reduce_min3A_621 = arith.constant dense<2147483647> : vector<400xi32>
    %reduce_min3A_622 = vector.multi_reduction <minsi>, %select_n3A_620, %reduce_min3A_621 [1] : vector<400x640xi32> to vector<400xi32>
    %broadcast_in_dim3A_623 = vector.shape_cast %reduce_min3A_622 : vector<400xi32> to vector<400x1xi32>
    %and3A_624 = arith.constant -16 : i32
    %and3A_625 = vector.broadcast %and3A_624 : i32 to vector<400x1xi32>
    %and3A_626 = arith.andi %broadcast_in_dim3A_615, %and3A_625 : vector<400x1xi32>
    %bitcast_convert_type3A_627 = tpu.bitcast %and3A_626 : vector<400x1xi32> -> vector<400x1xf32>
    %and3A_628 = arith.constant 15 : i32
    %and3A_629 = vector.broadcast %and3A_628 : i32 to vector<400x1xi32>
    %and3A_630 = arith.andi %broadcast_in_dim3A_615, %and3A_629 : vector<400x1xi32>
    %mul3A_631 = arith.constant 640 : i32
    %mul3A_632 = vector.broadcast %mul3A_631 : i32 to vector<400x1xi32>
    %mul3A_633 = arith.muli %and3A_630, %mul3A_632 : vector<400x1xi32>
    %add3A_634 = arith.addi %mul3A_633, %broadcast_in_dim3A_623 : vector<400x1xi32>
    %max3A_635 = arith.constant 1.000000e-16 : f32
    %max3A_636 = vector.broadcast %max3A_635 : f32 to vector<400x1xf32>
    %max3A_637 = arith.maximumf %bitcast_convert_type3A_627, %max3A_636 : vector<400x1xf32>
    %div3A_638 = arith.constant 1.000000e+00 : f32
    %div3A_639 = vector.broadcast %div3A_638 : f32 to vector<400x1xf32>
    %div3A_640 = arith.divf %div3A_639, %max3A_637 : vector<400x1xf32>
    %eq3A_641 = arith.constant 1 : i32
    %eq3A_642 = vector.broadcast %eq3A_641 : i32 to vector<400x6xi32>
    %eq3A_643 = arith.cmpi eq, %iota3A_567, %eq3A_642 : vector<400x6xi32>
    %broadcast_in_dim3A_644 = vector.shape_cast %add3A_634 : vector<400x1xi32> to vector<400x1xi32>
    %broadcast_in_dim3A_645 = vector.broadcast %broadcast_in_dim3A_644 : vector<400x1xi32> to vector<400x6xi32>
    %select_n3A_646 = arith.select %eq3A_643, %broadcast_in_dim3A_645, %select_n3A_600 : vector<400x6xi1>, vector<400x6xi32>
    %eq3A_647 = arith.constant 1 : i32
    %eq3A_648 = vector.broadcast %eq3A_647 : i32 to vector<400x6xi32>
    %eq3A_649 = arith.cmpi eq, %iota3A_567, %eq3A_648 : vector<400x6xi32>
    %broadcast_in_dim3A_650 = vector.shape_cast %div3A_640 : vector<400x1xf32> to vector<400x1xf32>
    %broadcast_in_dim3A_651 = vector.broadcast %broadcast_in_dim3A_650 : vector<400x1xf32> to vector<400x6xf32>
    %select_n3A_652 = arith.select %eq3A_649, %broadcast_in_dim3A_651, %select_n3A_606 : vector<400x6xi1>, vector<400x6xf32>
    %add3A_653 = arith.addf %div3A_594, %div3A_640 : vector<400x1xf32>
    %eq3A_654 = vector.broadcast %broadcast_in_dim3A_623 : vector<400x1xi32> to vector<400x640xi32>
    %eq3A_655 = arith.cmpi eq, %iota3A, %eq3A_654 : vector<400x640xi32>
    %select_n3A_656 = arith.select %eq3A_655, %select_n3A_612, %select_n3A_609 : vector<400x640xi1>, vector<400x640xi32>
    %jit3A_657 = arith.constant 1900671690 : i32
    %broadcast_in_dim3A_658 = vector.broadcast %jit3A_657 : i32 to vector<400x640xi32>
    %select_n3A_659 = arith.select %eq3A_655, %broadcast_in_dim3A_658, %select_n3A_612 : vector<400x640xi1>, vector<400x640xi32>
    %reduce_min3A_660 = arith.constant dense<2147483647> : vector<400xi32>
    %reduce_min3A_661 = vector.multi_reduction <minsi>, %select_n3A_656, %reduce_min3A_660 [1] : vector<400x640xi32> to vector<400xi32>
    %broadcast_in_dim3A_662 = vector.shape_cast %reduce_min3A_661 : vector<400xi32> to vector<400x1xi32>
    %eq3A_663 = vector.broadcast %broadcast_in_dim3A_662 : vector<400x1xi32> to vector<400x640xi32>
    %eq3A_664 = arith.cmpi eq, %select_n3A_656, %eq3A_663 : vector<400x640xi32>
    %jit3A_665 = arith.constant 1073741824 : i32
    %broadcast_in_dim3A_666 = vector.broadcast %jit3A_665 : i32 to vector<400x640xi32>
    %select_n3A_667 = arith.select %eq3A_664, %iota3A, %broadcast_in_dim3A_666 : vector<400x640xi1>, vector<400x640xi32>
    %reduce_min3A_668 = arith.constant dense<2147483647> : vector<400xi32>
    %reduce_min3A_669 = vector.multi_reduction <minsi>, %select_n3A_667, %reduce_min3A_668 [1] : vector<400x640xi32> to vector<400xi32>
    %broadcast_in_dim3A_670 = vector.shape_cast %reduce_min3A_669 : vector<400xi32> to vector<400x1xi32>
    %and3A_671 = arith.constant -16 : i32
    %and3A_672 = vector.broadcast %and3A_671 : i32 to vector<400x1xi32>
    %and3A_673 = arith.andi %broadcast_in_dim3A_662, %and3A_672 : vector<400x1xi32>
    %bitcast_convert_type3A_674 = tpu.bitcast %and3A_673 : vector<400x1xi32> -> vector<400x1xf32>
    %and3A_675 = arith.constant 15 : i32
    %and3A_676 = vector.broadcast %and3A_675 : i32 to vector<400x1xi32>
    %and3A_677 = arith.andi %broadcast_in_dim3A_662, %and3A_676 : vector<400x1xi32>
    %mul3A_678 = arith.constant 640 : i32
    %mul3A_679 = vector.broadcast %mul3A_678 : i32 to vector<400x1xi32>
    %mul3A_680 = arith.muli %and3A_677, %mul3A_679 : vector<400x1xi32>
    %add3A_681 = arith.addi %mul3A_680, %broadcast_in_dim3A_670 : vector<400x1xi32>
    %max3A_682 = arith.constant 1.000000e-16 : f32
    %max3A_683 = vector.broadcast %max3A_682 : f32 to vector<400x1xf32>
    %max3A_684 = arith.maximumf %bitcast_convert_type3A_674, %max3A_683 : vector<400x1xf32>
    %div3A_685 = arith.constant 1.000000e+00 : f32
    %div3A_686 = vector.broadcast %div3A_685 : f32 to vector<400x1xf32>
    %div3A_687 = arith.divf %div3A_686, %max3A_684 : vector<400x1xf32>
    %eq3A_688 = arith.constant 2 : i32
    %eq3A_689 = vector.broadcast %eq3A_688 : i32 to vector<400x6xi32>
    %eq3A_690 = arith.cmpi eq, %iota3A_567, %eq3A_689 : vector<400x6xi32>
    %broadcast_in_dim3A_691 = vector.shape_cast %add3A_681 : vector<400x1xi32> to vector<400x1xi32>
    %broadcast_in_dim3A_692 = vector.broadcast %broadcast_in_dim3A_691 : vector<400x1xi32> to vector<400x6xi32>
    %select_n3A_693 = arith.select %eq3A_690, %broadcast_in_dim3A_692, %select_n3A_646 : vector<400x6xi1>, vector<400x6xi32>
    %eq3A_694 = arith.constant 2 : i32
    %eq3A_695 = vector.broadcast %eq3A_694 : i32 to vector<400x6xi32>
    %eq3A_696 = arith.cmpi eq, %iota3A_567, %eq3A_695 : vector<400x6xi32>
    %broadcast_in_dim3A_697 = vector.shape_cast %div3A_687 : vector<400x1xf32> to vector<400x1xf32>
    %broadcast_in_dim3A_698 = vector.broadcast %broadcast_in_dim3A_697 : vector<400x1xf32> to vector<400x6xf32>
    %select_n3A_699 = arith.select %eq3A_696, %broadcast_in_dim3A_698, %select_n3A_652 : vector<400x6xi1>, vector<400x6xf32>
    %add3A_700 = arith.addf %add3A_653, %div3A_687 : vector<400x1xf32>
    %eq3A_701 = vector.broadcast %broadcast_in_dim3A_670 : vector<400x1xi32> to vector<400x640xi32>
    %eq3A_702 = arith.cmpi eq, %iota3A, %eq3A_701 : vector<400x640xi32>
    %select_n3A_703 = arith.select %eq3A_702, %select_n3A_659, %select_n3A_656 : vector<400x640xi1>, vector<400x640xi32>
    %jit3A_704 = arith.constant 1900671690 : i32
    %broadcast_in_dim3A_705 = vector.broadcast %jit3A_704 : i32 to vector<400x640xi32>
    %select_n3A_706 = arith.select %eq3A_702, %broadcast_in_dim3A_705, %select_n3A_659 : vector<400x640xi1>, vector<400x640xi32>
    %reduce_min3A_707 = arith.constant dense<2147483647> : vector<400xi32>
    %reduce_min3A_708 = vector.multi_reduction <minsi>, %select_n3A_703, %reduce_min3A_707 [1] : vector<400x640xi32> to vector<400xi32>
    %broadcast_in_dim3A_709 = vector.shape_cast %reduce_min3A_708 : vector<400xi32> to vector<400x1xi32>
    %eq3A_710 = vector.broadcast %broadcast_in_dim3A_709 : vector<400x1xi32> to vector<400x640xi32>
    %eq3A_711 = arith.cmpi eq, %select_n3A_703, %eq3A_710 : vector<400x640xi32>
    %jit3A_712 = arith.constant 1073741824 : i32
    %broadcast_in_dim3A_713 = vector.broadcast %jit3A_712 : i32 to vector<400x640xi32>
    %select_n3A_714 = arith.select %eq3A_711, %iota3A, %broadcast_in_dim3A_713 : vector<400x640xi1>, vector<400x640xi32>
    %reduce_min3A_715 = arith.constant dense<2147483647> : vector<400xi32>
    %reduce_min3A_716 = vector.multi_reduction <minsi>, %select_n3A_714, %reduce_min3A_715 [1] : vector<400x640xi32> to vector<400xi32>
    %broadcast_in_dim3A_717 = vector.shape_cast %reduce_min3A_716 : vector<400xi32> to vector<400x1xi32>
    %and3A_718 = arith.constant -16 : i32
    %and3A_719 = vector.broadcast %and3A_718 : i32 to vector<400x1xi32>
    %and3A_720 = arith.andi %broadcast_in_dim3A_709, %and3A_719 : vector<400x1xi32>
    %bitcast_convert_type3A_721 = tpu.bitcast %and3A_720 : vector<400x1xi32> -> vector<400x1xf32>
    %and3A_722 = arith.constant 15 : i32
    %and3A_723 = vector.broadcast %and3A_722 : i32 to vector<400x1xi32>
    %and3A_724 = arith.andi %broadcast_in_dim3A_709, %and3A_723 : vector<400x1xi32>
    %mul3A_725 = arith.constant 640 : i32
    %mul3A_726 = vector.broadcast %mul3A_725 : i32 to vector<400x1xi32>
    %mul3A_727 = arith.muli %and3A_724, %mul3A_726 : vector<400x1xi32>
    %add3A_728 = arith.addi %mul3A_727, %broadcast_in_dim3A_717 : vector<400x1xi32>
    %max3A_729 = arith.constant 1.000000e-16 : f32
    %max3A_730 = vector.broadcast %max3A_729 : f32 to vector<400x1xf32>
    %max3A_731 = arith.maximumf %bitcast_convert_type3A_721, %max3A_730 : vector<400x1xf32>
    %div3A_732 = arith.constant 1.000000e+00 : f32
    %div3A_733 = vector.broadcast %div3A_732 : f32 to vector<400x1xf32>
    %div3A_734 = arith.divf %div3A_733, %max3A_731 : vector<400x1xf32>
    %eq3A_735 = arith.constant 3 : i32
    %eq3A_736 = vector.broadcast %eq3A_735 : i32 to vector<400x6xi32>
    %eq3A_737 = arith.cmpi eq, %iota3A_567, %eq3A_736 : vector<400x6xi32>
    %broadcast_in_dim3A_738 = vector.shape_cast %add3A_728 : vector<400x1xi32> to vector<400x1xi32>
    %broadcast_in_dim3A_739 = vector.broadcast %broadcast_in_dim3A_738 : vector<400x1xi32> to vector<400x6xi32>
    %select_n3A_740 = arith.select %eq3A_737, %broadcast_in_dim3A_739, %select_n3A_693 : vector<400x6xi1>, vector<400x6xi32>
    %eq3A_741 = arith.constant 3 : i32
    %eq3A_742 = vector.broadcast %eq3A_741 : i32 to vector<400x6xi32>
    %eq3A_743 = arith.cmpi eq, %iota3A_567, %eq3A_742 : vector<400x6xi32>
    %broadcast_in_dim3A_744 = vector.shape_cast %div3A_734 : vector<400x1xf32> to vector<400x1xf32>
    %broadcast_in_dim3A_745 = vector.broadcast %broadcast_in_dim3A_744 : vector<400x1xf32> to vector<400x6xf32>
    %select_n3A_746 = arith.select %eq3A_743, %broadcast_in_dim3A_745, %select_n3A_699 : vector<400x6xi1>, vector<400x6xf32>
    %add3A_747 = arith.addf %add3A_700, %div3A_734 : vector<400x1xf32>
    %eq3A_748 = vector.broadcast %broadcast_in_dim3A_717 : vector<400x1xi32> to vector<400x640xi32>
    %eq3A_749 = arith.cmpi eq, %iota3A, %eq3A_748 : vector<400x640xi32>
    %select_n3A_750 = arith.select %eq3A_749, %select_n3A_706, %select_n3A_703 : vector<400x640xi1>, vector<400x640xi32>
    %jit3A_751 = arith.constant 1900671690 : i32
    %broadcast_in_dim3A_752 = vector.broadcast %jit3A_751 : i32 to vector<400x640xi32>
    %select_n3A_753 = arith.select %eq3A_749, %broadcast_in_dim3A_752, %select_n3A_706 : vector<400x640xi1>, vector<400x640xi32>
    %reduce_min3A_754 = arith.constant dense<2147483647> : vector<400xi32>
    %reduce_min3A_755 = vector.multi_reduction <minsi>, %select_n3A_750, %reduce_min3A_754 [1] : vector<400x640xi32> to vector<400xi32>
    %broadcast_in_dim3A_756 = vector.shape_cast %reduce_min3A_755 : vector<400xi32> to vector<400x1xi32>
    %eq3A_757 = vector.broadcast %broadcast_in_dim3A_756 : vector<400x1xi32> to vector<400x640xi32>
    %eq3A_758 = arith.cmpi eq, %select_n3A_750, %eq3A_757 : vector<400x640xi32>
    %jit3A_759 = arith.constant 1073741824 : i32
    %broadcast_in_dim3A_760 = vector.broadcast %jit3A_759 : i32 to vector<400x640xi32>
    %select_n3A_761 = arith.select %eq3A_758, %iota3A, %broadcast_in_dim3A_760 : vector<400x640xi1>, vector<400x640xi32>
    %reduce_min3A_762 = arith.constant dense<2147483647> : vector<400xi32>
    %reduce_min3A_763 = vector.multi_reduction <minsi>, %select_n3A_761, %reduce_min3A_762 [1] : vector<400x640xi32> to vector<400xi32>
    %broadcast_in_dim3A_764 = vector.shape_cast %reduce_min3A_763 : vector<400xi32> to vector<400x1xi32>
    %and3A_765 = arith.constant -16 : i32
    %and3A_766 = vector.broadcast %and3A_765 : i32 to vector<400x1xi32>
    %and3A_767 = arith.andi %broadcast_in_dim3A_756, %and3A_766 : vector<400x1xi32>
    %bitcast_convert_type3A_768 = tpu.bitcast %and3A_767 : vector<400x1xi32> -> vector<400x1xf32>
    %and3A_769 = arith.constant 15 : i32
    %and3A_770 = vector.broadcast %and3A_769 : i32 to vector<400x1xi32>
    %and3A_771 = arith.andi %broadcast_in_dim3A_756, %and3A_770 : vector<400x1xi32>
    %mul3A_772 = arith.constant 640 : i32
    %mul3A_773 = vector.broadcast %mul3A_772 : i32 to vector<400x1xi32>
    %mul3A_774 = arith.muli %and3A_771, %mul3A_773 : vector<400x1xi32>
    %add3A_775 = arith.addi %mul3A_774, %broadcast_in_dim3A_764 : vector<400x1xi32>
    %max3A_776 = arith.constant 1.000000e-16 : f32
    %max3A_777 = vector.broadcast %max3A_776 : f32 to vector<400x1xf32>
    %max3A_778 = arith.maximumf %bitcast_convert_type3A_768, %max3A_777 : vector<400x1xf32>
    %div3A_779 = arith.constant 1.000000e+00 : f32
    %div3A_780 = vector.broadcast %div3A_779 : f32 to vector<400x1xf32>
    %div3A_781 = arith.divf %div3A_780, %max3A_778 : vector<400x1xf32>
    %eq3A_782 = arith.constant 4 : i32
    %eq3A_783 = vector.broadcast %eq3A_782 : i32 to vector<400x6xi32>
    %eq3A_784 = arith.cmpi eq, %iota3A_567, %eq3A_783 : vector<400x6xi32>
    %broadcast_in_dim3A_785 = vector.shape_cast %add3A_775 : vector<400x1xi32> to vector<400x1xi32>
    %broadcast_in_dim3A_786 = vector.broadcast %broadcast_in_dim3A_785 : vector<400x1xi32> to vector<400x6xi32>
    %select_n3A_787 = arith.select %eq3A_784, %broadcast_in_dim3A_786, %select_n3A_740 : vector<400x6xi1>, vector<400x6xi32>
    %eq3A_788 = arith.constant 4 : i32
    %eq3A_789 = vector.broadcast %eq3A_788 : i32 to vector<400x6xi32>
    %eq3A_790 = arith.cmpi eq, %iota3A_567, %eq3A_789 : vector<400x6xi32>
    %broadcast_in_dim3A_791 = vector.shape_cast %div3A_781 : vector<400x1xf32> to vector<400x1xf32>
    %broadcast_in_dim3A_792 = vector.broadcast %broadcast_in_dim3A_791 : vector<400x1xf32> to vector<400x6xf32>
    %select_n3A_793 = arith.select %eq3A_790, %broadcast_in_dim3A_792, %select_n3A_746 : vector<400x6xi1>, vector<400x6xf32>
    %add3A_794 = arith.addf %add3A_747, %div3A_781 : vector<400x1xf32>
    %eq3A_795 = vector.broadcast %broadcast_in_dim3A_764 : vector<400x1xi32> to vector<400x640xi32>
    %eq3A_796 = arith.cmpi eq, %iota3A, %eq3A_795 : vector<400x640xi32>
    %select_n3A_797 = arith.select %eq3A_796, %select_n3A_753, %select_n3A_750 : vector<400x640xi1>, vector<400x640xi32>
    %reduce_min3A_798 = arith.constant dense<2147483647> : vector<400xi32>
    %reduce_min3A_799 = vector.multi_reduction <minsi>, %select_n3A_797, %reduce_min3A_798 [1] : vector<400x640xi32> to vector<400xi32>
    %broadcast_in_dim3A_800 = vector.shape_cast %reduce_min3A_799 : vector<400xi32> to vector<400x1xi32>
    %eq3A_801 = vector.broadcast %broadcast_in_dim3A_800 : vector<400x1xi32> to vector<400x640xi32>
    %eq3A_802 = arith.cmpi eq, %select_n3A_797, %eq3A_801 : vector<400x640xi32>
    %jit3A_803 = arith.constant 1073741824 : i32
    %broadcast_in_dim3A_804 = vector.broadcast %jit3A_803 : i32 to vector<400x640xi32>
    %select_n3A_805 = arith.select %eq3A_802, %iota3A, %broadcast_in_dim3A_804 : vector<400x640xi1>, vector<400x640xi32>
    %reduce_min3A_806 = arith.constant dense<2147483647> : vector<400xi32>
    %reduce_min3A_807 = vector.multi_reduction <minsi>, %select_n3A_805, %reduce_min3A_806 [1] : vector<400x640xi32> to vector<400xi32>
    %broadcast_in_dim3A_808 = vector.shape_cast %reduce_min3A_807 : vector<400xi32> to vector<400x1xi32>
    %and3A_809 = arith.constant -16 : i32
    %and3A_810 = vector.broadcast %and3A_809 : i32 to vector<400x1xi32>
    %and3A_811 = arith.andi %broadcast_in_dim3A_800, %and3A_810 : vector<400x1xi32>
    %bitcast_convert_type3A_812 = tpu.bitcast %and3A_811 : vector<400x1xi32> -> vector<400x1xf32>
    %and3A_813 = arith.constant 15 : i32
    %and3A_814 = vector.broadcast %and3A_813 : i32 to vector<400x1xi32>
    %and3A_815 = arith.andi %broadcast_in_dim3A_800, %and3A_814 : vector<400x1xi32>
    %mul3A_816 = arith.constant 640 : i32
    %mul3A_817 = vector.broadcast %mul3A_816 : i32 to vector<400x1xi32>
    %mul3A_818 = arith.muli %and3A_815, %mul3A_817 : vector<400x1xi32>
    %add3A_819 = arith.addi %mul3A_818, %broadcast_in_dim3A_808 : vector<400x1xi32>
    %max3A_820 = arith.constant 1.000000e-16 : f32
    %max3A_821 = vector.broadcast %max3A_820 : f32 to vector<400x1xf32>
    %max3A_822 = arith.maximumf %bitcast_convert_type3A_812, %max3A_821 : vector<400x1xf32>
    %div3A_823 = arith.constant 1.000000e+00 : f32
    %div3A_824 = vector.broadcast %div3A_823 : f32 to vector<400x1xf32>
    %div3A_825 = arith.divf %div3A_824, %max3A_822 : vector<400x1xf32>
    %eq3A_826 = arith.constant 5 : i32
    %eq3A_827 = vector.broadcast %eq3A_826 : i32 to vector<400x6xi32>
    %eq3A_828 = arith.cmpi eq, %iota3A_567, %eq3A_827 : vector<400x6xi32>
    %broadcast_in_dim3A_829 = vector.shape_cast %add3A_819 : vector<400x1xi32> to vector<400x1xi32>
    %broadcast_in_dim3A_830 = vector.broadcast %broadcast_in_dim3A_829 : vector<400x1xi32> to vector<400x6xi32>
    %select_n3A_831 = arith.select %eq3A_828, %broadcast_in_dim3A_830, %select_n3A_787 : vector<400x6xi1>, vector<400x6xi32>
    %eq3A_832 = arith.constant 5 : i32
    %eq3A_833 = vector.broadcast %eq3A_832 : i32 to vector<400x6xi32>
    %eq3A_834 = arith.cmpi eq, %iota3A_567, %eq3A_833 : vector<400x6xi32>
    %broadcast_in_dim3A_835 = vector.shape_cast %div3A_825 : vector<400x1xf32> to vector<400x1xf32>
    %broadcast_in_dim3A_836 = vector.broadcast %broadcast_in_dim3A_835 : vector<400x1xf32> to vector<400x6xf32>
    %select_n3A_837 = arith.select %eq3A_834, %broadcast_in_dim3A_836, %select_n3A_793 : vector<400x6xi1>, vector<400x6xf32>
    %add3A_838 = arith.addf %add3A_794, %div3A_825 : vector<400x1xf32>
    %swap3A = arith.constant 0 : index
    %swap3A_839 = arith.constant 0 : index
    %swap3A_840 = vector.load %arg3[%swap3A, %swap3A_839] : memref<400x6xi32, #tpu.memory_space<vmem>>, vector<400x6xi32>
    tpu.vector_store %arg3[%swap3A, %swap3A_839], %select_n3A_831 {strides = array<i32>} : memref<400x6xi32, #tpu.memory_space<vmem>>, vector<400x6xi32>,
    %div3A_841 = vector.broadcast %add3A_838 : vector<400x1xf32> to vector<400x6xf32>
    %div3A_842 = arith.divf %select_n3A_837, %div3A_841 : vector<400x6xf32>
    %swap3A_843 = arith.constant 0 : index
    %swap3A_844 = arith.constant 0 : index
    %swap3A_845 = vector.load %arg4[%swap3A_843, %swap3A_844] : memref<400x6xf32, #tpu.memory_space<vmem>>, vector<400x6xf32>
    tpu.vector_store %arg4[%swap3A_843, %swap3A_844], %div3A_842 {strides = array<i32>} : memref<400x6xf32, #tpu.memory_space<vmem>>, vector<400x6xf32>,
    return
  }
  func.func @transform_0(%arg0: i32) -> (i32, i32) {
    %c0_i32 = arith.constant 0 : i32
    %c0_i32_0 = arith.constant 0 : i32
    return %arg0, %c0_i32 : i32, i32
  }
  func.func @transform_1(%arg0: i32) -> (i32, i32) {
    %c0_i32 = arith.constant 0 : i32
    %c0_i32_0 = arith.constant 0 : i32
    %c0_i32_1 = arith.constant 0 : i32
    return %c0_i32, %c0_i32_0 : i32, i32
  }
  func.func @transform_2(%arg0: i32) -> (i32, i32) {
    %c0_i32 = arith.constant 0 : i32
    %c0_i32_0 = arith.constant 0 : i32
    return %arg0, %c0_i32 : i32, i32
  }
  func.func @transform_3(%arg0: i32) -> (i32, i32) {
    %c0_i32 = arith.constant 0 : i32
    %c0_i32_0 = arith.constant 0 : i32
    return %arg0, %c0_i32 : i32, i32
  }
}

module attributes {stable_mosaic.version = 14 : i64} {
  func.func @_y_body(%arg0: i32, %arg1: memref<200x512xf32, #tpu.memory_space<vmem>>, %arg2: memref<512x512xf32, #tpu.memory_space<vmem>>, %arg3: memref<8x512xf32, #tpu.memory_space<vmem>>, %arg4: memref<200x256xi32, #tpu.memory_space<vmem>>) attributes {dimension_semantics = [#tpu.dimension_semantics<arbitrary>], iteration_bounds = array<i64: 50>, scalar_prefetch = 0 : i64, scratch_operands = 0 : i64, tpu.core_type = #tpu.core_type<tc>, window_params = [{transform_indices = @transform_0, window_bounds = array<i64: 200, 512>}, {pipeline_mode = #tpu.pipeline_mode<synchronous>, transform_indices = @transform_1, window_bounds = array<i64: 512, 512>}, {pipeline_mode = #tpu.pipeline_mode<synchronous>, transform_indices = @transform_2, window_bounds = array<i64: 8, 512>}, {transform_indices = @transform_3, window_bounds = array<i64: 200, 256>}]} {
    %get3A = arith.constant 0 : index
    %get3A_0 = arith.constant 0 : index
    %get3A_1 = vector.load %arg1[%get3A, %get3A_0] : memref<200x512xf32, #tpu.memory_space<vmem>>, vector<200x512xf32>
    %get3A_2 = arith.constant 0 : index
    %get3A_3 = arith.constant 0 : index
    %get3A_4 = vector.load %arg2[%get3A_2, %get3A_3] : memref<512x512xf32, #tpu.memory_space<vmem>>, vector<512x512xf32>
    %dot_general3A = arith.constant dense<0.000000e+00> : vector<200x512xf32>
    %dot_general3A_5 = tpu.matmul %get3A_1, %get3A_4, %dot_general3A {dimension_numbers = #tpu.dot_dimension_numbers<[1], [0], [0], [1], [0, 0, 1, 1], [], []>, precision = #tpu.contract_precision<fp32>, transpose_lhs_hint = false} : vector<200x512xf32>, vector<512x512xf32>, vector<200x512xf32> -> vector<200x512xf32>
    %get3A_6 = arith.constant 0 : index
    %get3A_7 = arith.constant 0 : index
    %get3A_8 = vector.load %arg3[%get3A_6, %get3A_7] : memref<8x512xf32, #tpu.memory_space<vmem>>, vector<1x512xf32>
    %add3A = vector.broadcast %get3A_8 : vector<1x512xf32> to vector<200x512xf32>
    %add3A_9 = arith.addf %dot_general3A_5, %add3A : vector<200x512xf32>
    %slice3A = vector.extract_strided_slice %add3A_9 {offsets = [0, 256], sizes = [200, 256], strides = [1, 1]} : vector<200x512xf32> to vector<200x256xf32>
    %bitcast_convert_type3A = tpu.bitcast %slice3A : vector<200x256xf32> -> vector<200x256xi32>
    %add3A_10 = arith.constant 32768 : i32
    %add3A_11 = vector.broadcast %add3A_10 : i32 to vector<200x256xi32>
    %add3A_12 = arith.addi %bitcast_convert_type3A, %add3A_11 : vector<200x256xi32>
    %shift_right_logical3A = arith.constant 16 : i32
    %shift_right_logical3A_13 = vector.broadcast %shift_right_logical3A : i32 to vector<200x256xi32>
    %shift_right_logical3A_14 = arith.shrui %add3A_12, %shift_right_logical3A_13 : vector<200x256xi32>
    %shift_left3A = arith.constant 16 : i32
    %shift_left3A_15 = vector.broadcast %shift_left3A : i32 to vector<200x256xi32>
    %shift_left3A_16 = arith.shli %shift_right_logical3A_14, %shift_left3A_15 : vector<200x256xi32>
    %slice3A_17 = vector.extract_strided_slice %add3A_9 {offsets = [0, 0], sizes = [200, 256], strides = [1, 1]} : vector<200x512xf32> to vector<200x256xf32>
    %bitcast_convert_type3A_18 = tpu.bitcast %slice3A_17 : vector<200x256xf32> -> vector<200x256xi32>
    %add3A_19 = arith.constant 32768 : i32
    %add3A_20 = vector.broadcast %add3A_19 : i32 to vector<200x256xi32>
    %add3A_21 = arith.addi %bitcast_convert_type3A_18, %add3A_20 : vector<200x256xi32>
    %shift_right_logical3A_22 = arith.constant 16 : i32
    %shift_right_logical3A_23 = vector.broadcast %shift_right_logical3A_22 : i32 to vector<200x256xi32>
    %shift_right_logical3A_24 = arith.shrui %add3A_21, %shift_right_logical3A_23 : vector<200x256xi32>
    %or3A = arith.ori %shift_left3A_16, %shift_right_logical3A_24 : vector<200x256xi32>
    %swap3A = arith.constant 0 : index
    %swap3A_25 = arith.constant 0 : index
    %swap3A_26 = vector.load %arg4[%swap3A, %swap3A_25] : memref<200x256xi32, #tpu.memory_space<vmem>>, vector<200x256xi32>
    tpu.vector_store %arg4[%swap3A, %swap3A_25], %or3A {strides = array<i32>} : memref<200x256xi32, #tpu.memory_space<vmem>>, vector<200x256xi32>,
    return
  }
  func.func @transform_0(%arg0: i32) -> (i32, i32) {
    %c0_i32 = arith.constant 0 : i32
    %c0_i32_0 = arith.constant 0 : i32
    return %arg0, %c0_i32 : i32, i32
  }
  func.func @transform_1(%arg0: i32) -> (i32, i32) {
    %c0_i32 = arith.constant 0 : i32
    %c0_i32_0 = arith.constant 0 : i32
    %c0_i32_1 = arith.constant 0 : i32
    return %c0_i32, %c0_i32_0 : i32, i32
  }
  func.func @transform_2(%arg0: i32) -> (i32, i32) {
    %c0_i32 = arith.constant 0 : i32
    %c0_i32_0 = arith.constant 0 : i32
    %c0_i32_1 = arith.constant 0 : i32
    return %c0_i32, %c0_i32_0 : i32, i32
  }
  func.func @transform_3(%arg0: i32) -> (i32, i32) {
    %c0_i32 = arith.constant 0 : i32
    %c0_i32_0 = arith.constant 0 : i32
    return %arg0, %c0_i32 : i32, i32
  }
}

module attributes {stable_mosaic.version = 14 : i64} {
  func.func @_combine_body(%arg0: i32, %arg1: memref<6x400x256xi32, #tpu.memory_space<vmem>>, %arg2: memref<400x6xf32, #tpu.memory_space<vmem>>, %arg3: memref<400x512xf32, #tpu.memory_space<vmem>>) attributes {dimension_semantics = [#tpu.dimension_semantics<arbitrary>], iteration_bounds = array<i64: 20>, scalar_prefetch = 0 : i64, scratch_operands = 0 : i64, tpu.core_type = #tpu.core_type<tc>, window_params = [{transform_indices = @transform_0, window_bounds = array<i64: 6, 400, 256>}, {transform_indices = @transform_1, window_bounds = array<i64: 400, 6>}, {transform_indices = @transform_2, window_bounds = array<i64: 400, 512>}]} {
    %get3A = arith.constant 0 : index
    %get3A_0 = arith.constant 0 : index
    %get3A_1 = vector.load %arg2[%get3A, %get3A_0] : memref<400x6xf32, #tpu.memory_space<vmem>>, vector<400x6xf32>
    %get3A_2 = arith.constant 0 : index
    %get3A_3 = arith.constant 0 : index
    %get3A_4 = arith.constant 0 : index
    %get3A_5 = vector.load %arg1[%get3A_2, %get3A_3, %get3A_4] : memref<6x400x256xi32, #tpu.memory_space<vmem>>, vector<1x400x256xi32>
    %get3A_6 = vector.shape_cast %get3A_5 : vector<1x400x256xi32> to vector<400x256xi32>
    %shift_left3A = arith.constant 16 : i32
    %shift_left3A_7 = vector.broadcast %shift_left3A : i32 to vector<400x256xi32>
    %shift_left3A_8 = arith.shli %get3A_6, %shift_left3A_7 : vector<400x256xi32>
    %bitcast_convert_type3A = tpu.bitcast %shift_left3A_8 : vector<400x256xi32> -> vector<400x256xf32>
    %and3A = arith.constant -65536 : i32
    %and3A_9 = vector.broadcast %and3A : i32 to vector<400x256xi32>
    %and3A_10 = arith.andi %get3A_6, %and3A_9 : vector<400x256xi32>
    %bitcast_convert_type3A_11 = tpu.bitcast %and3A_10 : vector<400x256xi32> -> vector<400x256xf32>
    %slice3A = vector.extract_strided_slice %get3A_1 {offsets = [0, 0], sizes = [400, 1], strides = [1, 1]} : vector<400x6xf32> to vector<400x1xf32>
    %mul3A = vector.broadcast %slice3A : vector<400x1xf32> to vector<400x256xf32>
    %mul3A_12 = arith.mulf %bitcast_convert_type3A, %mul3A : vector<400x256xf32>
    %mul3A_13 = vector.broadcast %slice3A : vector<400x1xf32> to vector<400x256xf32>
    %mul3A_14 = arith.mulf %bitcast_convert_type3A_11, %mul3A_13 : vector<400x256xf32>
    %get3A_15 = arith.constant 1 : index
    %get3A_16 = arith.constant 0 : index
    %get3A_17 = arith.constant 0 : index
    %get3A_18 = vector.load %arg1[%get3A_15, %get3A_16, %get3A_17] : memref<6x400x256xi32, #tpu.memory_space<vmem>>, vector<1x400x256xi32>
    %get3A_19 = vector.shape_cast %get3A_18 : vector<1x400x256xi32> to vector<400x256xi32>
    %shift_left3A_20 = arith.constant 16 : i32
    %shift_left3A_21 = vector.broadcast %shift_left3A_20 : i32 to vector<400x256xi32>
    %shift_left3A_22 = arith.shli %get3A_19, %shift_left3A_21 : vector<400x256xi32>
    %bitcast_convert_type3A_23 = tpu.bitcast %shift_left3A_22 : vector<400x256xi32> -> vector<400x256xf32>
    %and3A_24 = arith.constant -65536 : i32
    %and3A_25 = vector.broadcast %and3A_24 : i32 to vector<400x256xi32>
    %and3A_26 = arith.andi %get3A_19, %and3A_25 : vector<400x256xi32>
    %bitcast_convert_type3A_27 = tpu.bitcast %and3A_26 : vector<400x256xi32> -> vector<400x256xf32>
    %slice3A_28 = vector.extract_strided_slice %get3A_1 {offsets = [0, 1], sizes = [400, 1], strides = [1, 1]} : vector<400x6xf32> to vector<400x1xf32>
    %mul3A_29 = vector.broadcast %slice3A_28 : vector<400x1xf32> to vector<400x256xf32>
    %mul3A_30 = arith.mulf %bitcast_convert_type3A_23, %mul3A_29 : vector<400x256xf32>
    %add3A = arith.addf %mul3A_12, %mul3A_30 : vector<400x256xf32>
    %mul3A_31 = vector.broadcast %slice3A_28 : vector<400x1xf32> to vector<400x256xf32>
    %mul3A_32 = arith.mulf %bitcast_convert_type3A_27, %mul3A_31 : vector<400x256xf32>
    %add3A_33 = arith.addf %mul3A_14, %mul3A_32 : vector<400x256xf32>
    %get3A_34 = arith.constant 2 : index
    %get3A_35 = arith.constant 0 : index
    %get3A_36 = arith.constant 0 : index
    %get3A_37 = vector.load %arg1[%get3A_34, %get3A_35, %get3A_36] : memref<6x400x256xi32, #tpu.memory_space<vmem>>, vector<1x400x256xi32>
    %get3A_38 = vector.shape_cast %get3A_37 : vector<1x400x256xi32> to vector<400x256xi32>
    %shift_left3A_39 = arith.constant 16 : i32
    %shift_left3A_40 = vector.broadcast %shift_left3A_39 : i32 to vector<400x256xi32>
    %shift_left3A_41 = arith.shli %get3A_38, %shift_left3A_40 : vector<400x256xi32>
    %bitcast_convert_type3A_42 = tpu.bitcast %shift_left3A_41 : vector<400x256xi32> -> vector<400x256xf32>
    %and3A_43 = arith.constant -65536 : i32
    %and3A_44 = vector.broadcast %and3A_43 : i32 to vector<400x256xi32>
    %and3A_45 = arith.andi %get3A_38, %and3A_44 : vector<400x256xi32>
    %bitcast_convert_type3A_46 = tpu.bitcast %and3A_45 : vector<400x256xi32> -> vector<400x256xf32>
    %slice3A_47 = vector.extract_strided_slice %get3A_1 {offsets = [0, 2], sizes = [400, 1], strides = [1, 1]} : vector<400x6xf32> to vector<400x1xf32>
    %mul3A_48 = vector.broadcast %slice3A_47 : vector<400x1xf32> to vector<400x256xf32>
    %mul3A_49 = arith.mulf %bitcast_convert_type3A_42, %mul3A_48 : vector<400x256xf32>
    %add3A_50 = arith.addf %add3A, %mul3A_49 : vector<400x256xf32>
    %mul3A_51 = vector.broadcast %slice3A_47 : vector<400x1xf32> to vector<400x256xf32>
    %mul3A_52 = arith.mulf %bitcast_convert_type3A_46, %mul3A_51 : vector<400x256xf32>
    %add3A_53 = arith.addf %add3A_33, %mul3A_52 : vector<400x256xf32>
    %get3A_54 = arith.constant 3 : index
    %get3A_55 = arith.constant 0 : index
    %get3A_56 = arith.constant 0 : index
    %get3A_57 = vector.load %arg1[%get3A_54, %get3A_55, %get3A_56] : memref<6x400x256xi32, #tpu.memory_space<vmem>>, vector<1x400x256xi32>
    %get3A_58 = vector.shape_cast %get3A_57 : vector<1x400x256xi32> to vector<400x256xi32>
    %shift_left3A_59 = arith.constant 16 : i32
    %shift_left3A_60 = vector.broadcast %shift_left3A_59 : i32 to vector<400x256xi32>
    %shift_left3A_61 = arith.shli %get3A_58, %shift_left3A_60 : vector<400x256xi32>
    %bitcast_convert_type3A_62 = tpu.bitcast %shift_left3A_61 : vector<400x256xi32> -> vector<400x256xf32>
    %and3A_63 = arith.constant -65536 : i32
    %and3A_64 = vector.broadcast %and3A_63 : i32 to vector<400x256xi32>
    %and3A_65 = arith.andi %get3A_58, %and3A_64 : vector<400x256xi32>
    %bitcast_convert_type3A_66 = tpu.bitcast %and3A_65 : vector<400x256xi32> -> vector<400x256xf32>
    %slice3A_67 = vector.extract_strided_slice %get3A_1 {offsets = [0, 3], sizes = [400, 1], strides = [1, 1]} : vector<400x6xf32> to vector<400x1xf32>
    %mul3A_68 = vector.broadcast %slice3A_67 : vector<400x1xf32> to vector<400x256xf32>
    %mul3A_69 = arith.mulf %bitcast_convert_type3A_62, %mul3A_68 : vector<400x256xf32>
    %add3A_70 = arith.addf %add3A_50, %mul3A_69 : vector<400x256xf32>
    %mul3A_71 = vector.broadcast %slice3A_67 : vector<400x1xf32> to vector<400x256xf32>
    %mul3A_72 = arith.mulf %bitcast_convert_type3A_66, %mul3A_71 : vector<400x256xf32>
    %add3A_73 = arith.addf %add3A_53, %mul3A_72 : vector<400x256xf32>
    %get3A_74 = arith.constant 4 : index
    %get3A_75 = arith.constant 0 : index
    %get3A_76 = arith.constant 0 : index
    %get3A_77 = vector.load %arg1[%get3A_74, %get3A_75, %get3A_76] : memref<6x400x256xi32, #tpu.memory_space<vmem>>, vector<1x400x256xi32>
    %get3A_78 = vector.shape_cast %get3A_77 : vector<1x400x256xi32> to vector<400x256xi32>
    %shift_left3A_79 = arith.constant 16 : i32
    %shift_left3A_80 = vector.broadcast %shift_left3A_79 : i32 to vector<400x256xi32>
    %shift_left3A_81 = arith.shli %get3A_78, %shift_left3A_80 : vector<400x256xi32>
    %bitcast_convert_type3A_82 = tpu.bitcast %shift_left3A_81 : vector<400x256xi32> -> vector<400x256xf32>
    %and3A_83 = arith.constant -65536 : i32
    %and3A_84 = vector.broadcast %and3A_83 : i32 to vector<400x256xi32>
    %and3A_85 = arith.andi %get3A_78, %and3A_84 : vector<400x256xi32>
    %bitcast_convert_type3A_86 = tpu.bitcast %and3A_85 : vector<400x256xi32> -> vector<400x256xf32>
    %slice3A_87 = vector.extract_strided_slice %get3A_1 {offsets = [0, 4], sizes = [400, 1], strides = [1, 1]} : vector<400x6xf32> to vector<400x1xf32>
    %mul3A_88 = vector.broadcast %slice3A_87 : vector<400x1xf32> to vector<400x256xf32>
    %mul3A_89 = arith.mulf %bitcast_convert_type3A_82, %mul3A_88 : vector<400x256xf32>
    %add3A_90 = arith.addf %add3A_70, %mul3A_89 : vector<400x256xf32>
    %mul3A_91 = vector.broadcast %slice3A_87 : vector<400x1xf32> to vector<400x256xf32>
    %mul3A_92 = arith.mulf %bitcast_convert_type3A_86, %mul3A_91 : vector<400x256xf32>
    %add3A_93 = arith.addf %add3A_73, %mul3A_92 : vector<400x256xf32>
    %get3A_94 = arith.constant 5 : index
    %get3A_95 = arith.constant 0 : index
    %get3A_96 = arith.constant 0 : index
    %get3A_97 = vector.load %arg1[%get3A_94, %get3A_95, %get3A_96] : memref<6x400x256xi32, #tpu.memory_space<vmem>>, vector<1x400x256xi32>
    %get3A_98 = vector.shape_cast %get3A_97 : vector<1x400x256xi32> to vector<400x256xi32>
    %shift_left3A_99 = arith.constant 16 : i32
    %shift_left3A_100 = vector.broadcast %shift_left3A_99 : i32 to vector<400x256xi32>
    %shift_left3A_101 = arith.shli %get3A_98, %shift_left3A_100 : vector<400x256xi32>
    %bitcast_convert_type3A_102 = tpu.bitcast %shift_left3A_101 : vector<400x256xi32> -> vector<400x256xf32>
    %and3A_103 = arith.constant -65536 : i32
    %and3A_104 = vector.broadcast %and3A_103 : i32 to vector<400x256xi32>
    %and3A_105 = arith.andi %get3A_98, %and3A_104 : vector<400x256xi32>
    %bitcast_convert_type3A_106 = tpu.bitcast %and3A_105 : vector<400x256xi32> -> vector<400x256xf32>
    %slice3A_107 = vector.extract_strided_slice %get3A_1 {offsets = [0, 5], sizes = [400, 1], strides = [1, 1]} : vector<400x6xf32> to vector<400x1xf32>
    %mul3A_108 = vector.broadcast %slice3A_107 : vector<400x1xf32> to vector<400x256xf32>
    %mul3A_109 = arith.mulf %bitcast_convert_type3A_102, %mul3A_108 : vector<400x256xf32>
    %add3A_110 = arith.addf %add3A_90, %mul3A_109 : vector<400x256xf32>
    %mul3A_111 = vector.broadcast %slice3A_107 : vector<400x1xf32> to vector<400x256xf32>
    %mul3A_112 = arith.mulf %bitcast_convert_type3A_106, %mul3A_111 : vector<400x256xf32>
    %add3A_113 = arith.addf %add3A_93, %mul3A_112 : vector<400x256xf32>
    %swap3A = arith.constant 0 : index
    %swap3A_114 = arith.constant 0 : index
    %swap3A_115 = vector.load %arg3[%swap3A, %swap3A_114] : memref<400x512xf32, #tpu.memory_space<vmem>>, vector<400x256xf32>
    tpu.vector_store %arg3[%swap3A, %swap3A_114], %add3A_110 {strides = array<i32>} : memref<400x512xf32, #tpu.memory_space<vmem>>, vector<400x256xf32>,
    %swap3A_116 = arith.constant 0 : index
    %swap3A_117 = arith.constant 256 : index
    %swap3A_118 = vector.load %arg3[%swap3A_116, %swap3A_117] : memref<400x512xf32, #tpu.memory_space<vmem>>, vector<400x256xf32>
    tpu.vector_store %arg3[%swap3A_116, %swap3A_117], %add3A_113 {strides = array<i32>} : memref<400x512xf32, #tpu.memory_space<vmem>>, vector<400x256xf32>,
    return
  }
  func.func @transform_0(%arg0: i32) -> (i32, i32, i32) {
    %c0_i32 = arith.constant 0 : i32
    %c0_i32_0 = arith.constant 0 : i32
    %c0_i32_1 = arith.constant 0 : i32
    return %c0_i32, %arg0, %c0_i32_0 : i32, i32, i32
  }
  func.func @transform_1(%arg0: i32) -> (i32, i32) {
    %c0_i32 = arith.constant 0 : i32
    %c0_i32_0 = arith.constant 0 : i32
    return %arg0, %c0_i32 : i32, i32
  }
  func.func @transform_2(%arg0: i32) -> (i32, i32) {
    %c0_i32 = arith.constant 0 : i32
    %c0_i32_0 = arith.constant 0 : i32
    return %arg0, %c0_i32 : i32, i32
  }
}

</mosaic_0001>

<sc_bundles>
// kernel: kernel.18.cloned.1.call-start
scs
__scs_entry_jumppad:
0x0: {  	(pc) =	sbr.rel $0x88, $3  }
0x1: {  	(tag) =	ssettag $0x0;
	lr =	simm.s32 $0x1  }
0x2: {  	[smem:$0x3F9C] =	sst lr;
	_ =	strace $0xD0000000  }
0x3: {  	_ = 	snop  }
0x4: {  	_ = 	snop  }
0x5: {  	_ = 	snop  }
0x6: {  	_ = 	snop  }
0x7: {  	_ = 	snop  }
__scs_overlays_trampoline_lowered:
0x8: {  	[smem:$0x3FAB] =	sst s0  }
0x9: {  	[smem:$0x3FAC] =	sst s1  }
0xa: {  	[smem:$0x3FAD] =	sst s2  }
0xb: {  	[smem:$0x3FAE] =	sst s3  }
0xc: {  	[smem:$0x3FAF] =	sst s4  }
0xd: {  	[smem:$0x3FB0] =	sst s5  }
0xe: {  	[smem:$0x3FB1] =	sst s6  }
0xf: {  	[smem:$0x3FB2] =	sst s7  }
0x10: {  	[smem:$0x3FB3] =	sst s8  }
0x11: {  	[smem:$0x3FB4] =	sst s9;
	s0 =	simm.s32 @!p0 $0x0  }
0x12: {  	s1 =	sld [smem:$0x3F9A];
	s0 =	simm.s32 @p0 $0x1  }
0x13: {  	[smem:$0x3FB5] =	sst s0;
	s0 =	simm.s32 @!p1 $0x0  }
0x14: {  	s2 =	sld [smem:$0x3F99];
	s0 =	simm.s32 @p1 $0x1  }
0x15: {  	[smem:$0x3FB6] =	sst s0;
	s0 =	simm.s32 @!p2 $0x0  }
0x16: {  	s3 =	sld [smem:$0x3FDB];
	s0 =	simm.s32 @p2 $0x1  }
0x17: {  	s4 =	simm.s32 $0x1BF5;
	[smem:$0x3FB8] =	sst s0  }
0x18: {  	s0 =	sld [smem:$0x3F9B];
	_ =	swait.ge [sflag:s4], $0x0  }
0x19: {  	s7 =	sld [smem:$0x3F9C]  }
0x1a: {  	s8 =	sadd.s32 $0xFFFFE003, lr  }
0x1b: {  	s9 =	sadd.s32 $0xFFFFFEF7, lr;
	s5 =	simm.s32 $0xFFFFFFFF;
	p2 =	slt.u32 s8, $0xFFFFF086  }
0x1c: {  	p1 =	slt.u32 s9, $0xF7A;
	s5 =	simm.s32 @!p2 $0x0  }
0x1d: {  	s5 =	simm.s32 @p1 $0x1;
	p0 =	seq.s32 s7, s2  }
0x1e: {  	s7 =	smul.u32 @!p0 $0xF7A, s2;
	p2 =	seq.s32 @!p0 s5, $0x0  }
0x1f: {  	s9 =	smul.u32 $0xF7A, s1;
	s8 =	simm.s32 @!p0 $0x1BF5;
	p2 =	por !p2, p0  }
0x20: {  	[sflag:s8] =	ssyncset.s32 @!p0 $0xFFFFF086;
	s6 =	sadd.s32 @!p0 s3, s7;
	s7 =	simm.s32 @!p0 $0x108  }
0x21: {  	s3 =	sadd.s32 s3, s9;
	s6 =	sadd.s32 @!p0 $0x88, s6;
	s7 =	simm.s32 @p2 $0x1082  }
0x22: {  	[simem:s7], [sflag:s8] =	dma.local @!p0 [hbm:s6], $0xF7A  }
0x23: {  	s9 =	sor.u32 $0xD0000000, s2;
	s6 =	simm.s32 $0x108;
	_ =	swait.ge @!p0 [sflag:s8], $0x0  }
0x24: {  	s3 =	sadd.s32 $0x88, s3;
	s6 =	simm.s32 @!p1 $0x1082;
	[sflag:s4] =	ssyncset.s32 $0xFFFFF086  }
0x25: {  	[simem:s6], [sflag:s4] =	dma.local [hbm:s3], $0xF7A  }
0x26: {  	[smem:$0x3F9C] =	sst s1;
	(tag) =	ssettag s2;
	_ =	strace s9  }
0x27: {  	s1 =	sld [smem:$0x3FAC]  }
0x28: {  	s2 =	sld [smem:$0x3FAD]  }
0x29: {  	s4 =	sld [smem:$0x3FAF]  }
0x2a: {  	p0 =	seq.s32 s5, $0x0;
	s5 =	sld [smem:$0x3FB0]  }
0x2b: {  	s6 =	sld [smem:$0x3FB1]  }
0x2c: {  	s7 =	sld [smem:$0x3FB2]  }
0x2d: {  	s3 =	simm.s32 $0x108;
	s8 =	sld [smem:$0x3FB3]  }
0x2e: {  	s3 =	simm.s32 @!p0 $0x1082;
	s9 =	sld [smem:$0x3FB4]  }
0x2f: {  	lr =	sadd.s32 s0, s3;
	s0 =	sld [smem:$0x3FAB]  }
0x30: {  	s3 =	sld [smem:$0x3FAE]  }
0x31: {  	[smem:$0x3FB7] =	sst s10  }
0x32: {  	s10 =	sld [smem:$0x3FB5];
	_ =	sdelay $0x3  }
0x33: {  	p0 =	seq.s32 s10, $0x1;
	s10 =	sld [smem:$0x3FB7];
	_ =	sdelay $0x3  }
0x34: {  	[smem:$0x3FB7] =	sst s10  }
0x35: {  	s10 =	sld [smem:$0x3FB6];
	_ =	sdelay $0x3  }
0x36: {  	p1 =	seq.s32 s10, $0x1;
	s10 =	sld [smem:$0x3FB7];
	_ =	sdelay $0x3  }
0x37: {  	[smem:$0x3FB7] =	sst s10  }
0x38: {  	s10 =	sld [smem:$0x3FB8]  }
0x39: {  	_ = 	snop;
	(pc) =	sbr.ind lr, $3  }
0x3a: {  	_ = 	snop  }
0x3b: {  	_ = 	snop  }
0x3c: {  	p2 =	seq.s32 s10, $0x1;
	s10 =	sld [smem:$0x3FB7]  }
0x3d: {  	_ =	shalt  }
0x3e: {  	_ =	shalt  }
0x3f: {  	_ =	shalt  }
0x40: {  	_ =	shalt  }
0x41: {  	_ =	shalt  }
0x42: {  	_ =	shalt  }
0x43: {  	_ =	shalt  }
0x44: {  	_ =	shalt  }
0x45: {  	_ =	shalt  }
0x46: {  	_ =	shalt  }
0x47: {  	_ =	shalt  }
0x48: {  	_ =	shalt  }
0x49: {  	_ =	shalt  }
0x4a: {  	_ =	shalt  }
0x4b: {  	_ =	shalt  }
0x4c: {  	_ =	shalt  }
0x4d: {  	_ =	shalt  }
0x4e: {  	_ =	shalt  }
0x4f: {  	_ =	shalt  }
0x50: {  	_ =	shalt  }
0x51: {  	_ =	shalt  }
0x52: {  	_ =	shalt  }
0x53: {  	_ =	shalt  }
0x54: {  	_ =	shalt  }
0x55: {  	_ =	shalt  }
0x56: {  	_ =	shalt  }
0x57: {  	_ =	shalt  }
0x58: {  	_ =	shalt  }
0x59: {  	_ =	shalt  }
0x5a: {  	_ =	shalt  }
0x5b: {  	_ =	shalt  }
0x5c: {  	_ =	shalt  }
0x5d: {  	_ =	shalt  }
0x5e: {  	_ =	shalt  }
0x5f: {  	_ =	shalt  }
0x60: {  	_ =	shalt  }
0x61: {  	_ =	shalt  }
0x62: {  	_ =	shalt  }
0x63: {  	_ =	shalt  }
0x64: {  	_ =	shalt  }
0x65: {  	_ =	shalt  }
0x66: {  	_ =	shalt  }
0x67: {  	_ =	shalt  }
0x68: {  	_ =	shalt  }
0x69: {  	_ =	shalt  }
0x6a: {  	_ =	shalt  }
0x6b: {  	_ =	shalt  }
0x6c: {  	_ =	shalt  }
0x6d: {  	_ =	shalt  }
0x6e: {  	_ =	shalt  }
0x6f: {  	_ =	shalt  }
0x70: {  	_ =	shalt  }
0x71: {  	_ =	shalt  }
0x72: {  	_ =	shalt  }
0x73: {  	_ =	shalt  }
0x74: {  	_ =	shalt  }
0x75: {  	_ =	shalt  }
0x76: {  	_ =	shalt  }
0x77: {  	_ =	shalt  }
0x78: {  	_ =	shalt  }
0x79: {  	_ =	shalt  }
0x7a: {  	_ =	shalt  }
0x7b: {  	_ =	shalt  }
0x7c: {  	_ =	shalt  }
0x7d: {  	_ =	shalt  }
0x7e: {  	_ =	shalt  }
0x7f: {  	_ =	shalt  }
0x80: {  	_ =	shalt  }
0x81: {  	_ =	shalt  }
0x82: {  	_ =	shalt  }
0x83: {  	_ =	shalt  }
0x84: {  	_ =	shalt  }
0x85: {  	_ =	shalt  }
0x86: {  	_ =	shalt  }
0x87: {  	_ =	shalt  }
.Lfunc_end0:
.L_simem_size_0:
called_computation_lowered:
.L_overlay_start_0:
0x88: {  	s2 =	sld [smem:$0x3FD9]  }
0x89: {  	s3 =	sld [smem:$0x3FFE];
	_ =	sdelay $0x1  }
0x8a: {  	s1 =	srdreg.scid  }
0x8b: {  	s0 =	sand.u32 $0x1, s1  }
0x8c: {  	s16 =	sshll.u32 s0, $0xA;
	s2 =	sadd.s32 s3, s2  }
0x8d: {  	s2 =	sadd.s32 s2, s16  }
0x8e: {  	[smem:$0x3FC3] =	sst s2  }
0x8f: {  	_ = 	snop  }
0x90: {  	(tm) =	ssettm $0x1  }
0x91: {  	s17 =	sld [smem:$0x3FFB];
	_ =	sdelay $0x3  }
0x92: {  	_ =	strace s17  }
0x93: {  	s2 =	sld [smem:$0x3FFC];
	_ =	sdelay $0x3  }
0x94: {  	_ =	strace s2  }
0x95: {  	s2 =	sld [smem:$0x3FFD];
	_ =	sdelay $0x3  }
0x96: {  	_ =	strace s2  }
0x97: {  	_ =	strace $0x8FFFFFFF  }
0x98: {  	s18 =	sld [smem:$0x3FDB];
	_ =	sdelay $0x1  }
0x99: {  	s19 =	simm.s32 $_scs_section_size  }
0x9a: {  	s4 =	simm.s32 $_size__tile_overlayer_lowered;
	s5 =	simm.s32 $_tile_overlayer_lowered  }
0x9b: {  	s22 =	simm.s32 $0x1BFF;
	s21 =	sshll.u32 s5, $0x1;
	s2 =	sadd.s32 s19, s18  }
0x9c: {  	s6 =	simm.s32 $0x0;
	s20 =	sshll.u32 s4, $0x1;
	s4 =	sadd.s32 s21, s2  }
0x9d: {  	[timem:s6], [sflag:s22] =	dma.local [hbm:s4], s20  }
0x9e: {  	_ =	swait.ge [sflag:s22], s20  }
0x9f: {  	s3 =	ssub.s32 $0x0, s20;
	[sflag:s22] =	ssyncset.done $0x0  }
0xa0: {  	[sflag:s22] =	ssyncadd.s32 s3;
	_ =	sdelay $0x1  }
0xa1: {  	s23 =	simm.s32 $0x1B8B  }
0xa2: {  	_ =	swait.ge [sflag:s23], $0x1  }
0xa3: {  	[sflag:s23] =	ssyncset.done $0x0  }
0xa4: {  	s25 =	simm.s32 $0x1B8E;
	s24 =	sld [smem:$0x3FFE];
	[sflag:s23] =	ssyncadd.s32 $0xFFFFFFFF  }
0xa5: {  	s26 =	simm.s32 $execute0_lowered;
	[smem:$0x3FD2] =	sst s25  }
0xa6: {  	s4 =	sshll.u32 s26, $0x1;
	_ =	strace $0x80000046;
	[dreg:$0x1] =	wrdreg $0xFFFFFFFF  }
0xa7: {  	s28 =	simm.s32 $_size_execute0_lowered;
	s2 =	sadd.s32 s2, s4;
	[dreg:$0x0] =	wrdreg $0x0  }
0xa8: {  	s4 =	sshll.u32 s28, $0x1;
	[dreg:$0x2] =	wrdreg s2  }
0xa9: {  	[dreg:$0x3] =	wrdreg s4  }
0xaa: {  	[dreg:$0x4] =	wrdreg $0xC0  }
0xab: {  	_ =	task [dreg:s6], $0x5FFFF  }
0xac: {  	[dreg:$0x1] =	wrdreg $0xFFFFFFFF  }
0xad: {  	[dreg:$0x0] =	wrdreg $0x60  }
0xae: {  	[dreg:$0x2] =	wrdreg s24  }
0xaf: {  	[dreg:$0x3] =	wrdreg $0x9  }
0xb0: {  	_ =	task.clear_ibuf [dreg:s6], $0x4FFFF;
	_ =	strace $0x90000046  }
0xb1: {  	s29 =	simm.s32 $0x9;
	_ =	strace $0x80000048  }
0xb2: {  	_ =	swait.ge [sflag:s29], $0x1  }
0xb3: {  	[sflag:s29] =	ssyncadd.s32 $0xFFFFFFFF  }
0xb4: {  	_ =	strace $0x90000048  }
0xb5: {  	_ =	sfence  }
0xb6: {  	s30 =	sld [smem:$0x0];
	_ =	sdelay $0x2  }
0xb7: {  	s31 =	sshll.u32 s1, $0xD;
	s1 =	sshrl.u32 s1, $0x2  }
0xb8: {  	s3 =	sand.u32 $0x4000, s31;
	s1 =	sadd.s32 s1, s30  }
0xb9: {  	s0 =	sor.u32 s3, s0;
	s1 =	sshll.u32 s1, $0x11  }
0xba: {  	s0 =	sor.u32 s1, s0  }
0xbb: {  	s0 =	sadd.s32 $0x8F2B, s0  }
0xbc: {  	[sflag:s0] =	ssyncadd.remote.s32 $0x1  }
0xbd: {  	_ =	sfence.sel $0xFFFF  }
0xbe: {  	[dreg:$0x0] =	wrdreg $0xFFFFFFFF;
	(pc) =	sbr.abs _section_cstart, $3  }
0xbf: {  	[dreg:$0x1] =	wrdreg $0xFFFFFFFF  }
0xc0: {  	_ =	task.clear_ibuf [dreg:s6], $0x2FFFF;
	_ =	strace $0x9FFFFFFF  }
0xc1: {  	(tm) =	ssettm $0x7FFFFFFF  }
tec
execute0_lowered:
.L_overlay_start_1:
0x0: {  	(tag) =	ssettag $0x1  }
0x1: {  	s0 =	srdreg.scid  }
0x2: {  	s8 =	stileid.u32;
	s4 =	rddreg [dreg:$0x0]  }
0x3: {  	s2 =	simm.s32 $0x0;
	s10 =	simm.s32 $0x2600;
	s29 =	simm.s32 $0x2E00  }
0x4: {  	s12 =	simm.s32 $0x3600;
	s13 =	simm.s32 $0x3E00;
	s14 =	simm.s32 $0x4600  }
0x5: {  	s15 =	simm.s32 $0x4E00;
	s16 =	simm.s32 $0x5600;
	s17 =	simm.s32 $0x5E00  }
0x6: {  	s18 =	simm.s32 $0x6600;
	s19 =	simm.s32 $0x6E00;
	s20 =	simm.s32 $0x7600  }
0x7: {  	s21 =	simm.s32 $0x7E00;
	s22 =	simm.s32 $0x8600;
	s23 =	simm.s32 $0x8E00  }
0x8: {  	s24 =	simm.s32 $0x9600;
	s28 =	simm.s32 $0xAE00;
	s9 =	simm.s32 $0xB600  }
0x9: {  	s30 =	simm.s32 $0xBE00;
	s11 =	simm.s32 $0xC600;
	s31 =	simm.s32 $0x1  }
0xa: {  	s0 =	sand.u32 $0x1, s0;
	s1 =	sshll.u32 s8, $0x1;
	s8 =	smul.u32 $0x18000, s8  }
0xb: {  	s1 =	sor.u32 s0, s1;
	s6 =	ssub.s32 $0x2, s0;
	s0 =	smul.u32 $0xC000, s0  }
0xc: {  	[smem:$0x7FF] =	sst s2;
	s3 =	sadd.s32 $0x2A400, s4;
	s5 =	smul.u32 $0x600, s1  }
0xd: {  	_ =	strace $0x80000047;
	s1 =	smul.u32 $0x60000, s1;
	s7 =	sshrl.u32 s6, $0x1  }
0xe: {  	s6 =	ssub.s32 s6, s7;
	s7 =	simm.s32 $0x1E00;
	s5 =	sshrl.u32 s5, $0x3  }
0xf: {  	s1 =	sshrl.u32 s1, $0x3;
	s26 =	smax.u32 s6, $0x1;
	s6 =	simm.s32 $0x1600  }
0x10: {  	s5 =	sadd.s32 s5, s4;
	s4 =	sadd.s32 $0x78600, s4;
	[dreg:$0x6] =	wrdreg s26  }
0x11: {  	s26 =	simm.s32 $0xA600;
	s5 =	sadd.s32 $0x28C00, s5;
	s1 =	sadd.s32 s4, s1  }
0x12: {  	s4 =	sadd.s32 s8, s4;
	[dreg:$0x3] =	wrdreg s5;
	s25 =	sadd.s32 $0x9000, s1  }
0x13: {  	s8 =	simm.s32 $0x3;
	s1 =	sadd.s32 $0xA800, s1;
	[dreg:$0x4] =	wrdreg s25  }
0x14: {  	v2 =	vlaneseq.u32;
	s0 =	sadd.s32 s0, s4;
	s4 =	simm.s32 $0x600;
	[dreg:$0x5] =	wrdreg s1  }
0x15: {  	vm0 =	vmmov $0xffff;
	v1 =	vshrl.u32 v2, $0x3;
	s5 =	simm.s32 $0xE00;
	[dreg:$0x2] =	wrdreg s0;
	s0 =	simm.s32 $0x0  }
0x16: {  	v0 =	vand.u32 $0x7, v2;
	v2 =	vor.u32 $0x8, v2;
	v1 =	vmul.u32 $0x8, v1;
	s25 =	simm.s32 $0x9E00;
	s1 =	simm.s32 $0x2;
	[dreg:$0x7] =	wrdreg s0  }
.LBB2_1:
0x17: {  	s0 =	rddreg [dreg:$0x3]  }
0x18: {  	[tilespmem:s2], [sflag:$0x3] =	stream.linear.gather [hbm4b:s0+s2], $0x600, $0x38;
	[tilespmem:$0x18600] =	vst v63  }
0x19: {  	_ =	swait.ge [sflag:s8], $0x600  }
0x1a: {  	[sflag:s8] =	ssyncset.done $0x0  }
0x1b: {  	[sflag:s8] =	ssyncadd.s32 $0xFFFFFA00  }
0x1c: {  	v3 =	vld [tilespmem:$0x0];
	_ =	sdelay $0x4  }
0x1d: {  	v4 =	vshll.u32 v3, $0x1  }
0x1e: {  	v3 =	vand.u32 $0x7, v3;
	v4 =	vand.u32 $0xFFFFFFF0, v4  }
0x1f: {  	v3 =	vor.u32 v3, v4  }
0x20: {  	v4 =	vperm.xlane v3, v0;
	_ =	sdelay $0x1  }
0x21: {  	v3 =	vperm.xlane v3, v2;
	v4 =	vadd.s32 v1, v4;
	_ =	sdelay $0x1  }
0x22: {  	v3 =	vadd.s32 v1, v3;
	_ =	sdelay $0x2  }
0x23: {  	[tilespmem:s4], [sflag:$0x1] =	stream.indirect_vreg.gather [hbm4b:s3+s2], $0x80, v4, vm0, $0xb8;
	[tilespmem:$0x18600] =	vst v63  }
0x24: {  	_ = 	snop  }
0x25: {  	[tilespmem:s5], [sflag:$0x1] =	stream.indirect_vreg.gather [hbm4b:s3+s2], $0x80, v3, vm0, $0xb8;
	[tilespmem:$0x18600] =	vst v63  }
0x26: {  	v3 =	vld [tilespmem:$0x10];
	_ =	sdelay $0x4  }
0x27: {  	v41 =	vshll.u32 v3, $0x1  }
0x28: {  	v3 =	vand.u32 $0x7, v3;
	v4 =	vand.u32 $0xFFFFFFF0, v41  }
0x29: {  	v3 =	vor.u32 v3, v4  }
0x2a: {  	v4 =	vperm.xlane v3, v0;
	_ =	sdelay $0x1  }
0x2b: {  	v3 =	vperm.xlane v3, v2;
	v4 =	vadd.s32 v1, v4;
	_ =	sdelay $0x1  }
0x2c: {  	v3 =	vadd.s32 v1, v3;
	_ =	sdelay $0x2  }
0x2d: {  	[tilespmem:s6], [sflag:$0x1] =	stream.indirect_vreg.gather [hbm4b:s3+s2], $0x80, v4, vm0, $0xb8;
	[tilespmem:$0x18600] =	vst v63  }
0x2e: {  	_ = 	snop  }
0x2f: {  	[tilespmem:s7], [sflag:$0x1] =	stream.indirect_vreg.gather [hbm4b:s3+s2], $0x80, v3, vm0, $0xb8;
	[tilespmem:$0x18600] =	vst v63  }
0x30: {  	v3 =	vld [tilespmem:$0x20];
	_ =	sdelay $0x4  }
0x31: {  	v42 =	vshll.u32 v3, $0x1  }
0x32: {  	v3 =	vand.u32 $0x7, v3;
	v4 =	vand.u32 $0xFFFFFFF0, v42  }
0x33: {  	v3 =	vor.u32 v3, v4  }
0x34: {  	v4 =	vperm.xlane v3, v0;
	_ =	sdelay $0x1  }
0x35: {  	v3 =	vperm.xlane v3, v2;
	v4 =	vadd.s32 v1, v4;
	_ =	sdelay $0x1  }
0x36: {  	v3 =	vadd.s32 v1, v3;
	_ =	sdelay $0x2  }
0x37: {  	[tilespmem:s10], [sflag:$0x1] =	stream.indirect_vreg.gather [hbm4b:s3+s2], $0x80, v4, vm0, $0xb8;
	[tilespmem:$0x18600] =	vst v63  }
0x38: {  	_ = 	snop  }
0x39: {  	[tilespmem:s29], [sflag:$0x1] =	stream.indirect_vreg.gather [hbm4b:s3+s2], $0x80, v3, vm0, $0xb8;
	[tilespmem:$0x18600] =	vst v63  }
0x3a: {  	v3 =	vld [tilespmem:$0x30];
	_ =	sdelay $0x4  }
0x3b: {  	v43 =	vshll.u32 v3, $0x1  }
0x3c: {  	v3 =	vand.u32 $0x7, v3;
	v4 =	vand.u32 $0xFFFFFFF0, v43  }
0x3d: {  	v3 =	vor.u32 v3, v4  }
0x3e: {  	v4 =	vperm.xlane v3, v0;
	_ =	sdelay $0x1  }
0x3f: {  	v3 =	vperm.xlane v3, v2;
	v4 =	vadd.s32 v1, v4;
	_ =	sdelay $0x1  }
0x40: {  	v3 =	vadd.s32 v1, v3;
	_ =	sdelay $0x2  }
0x41: {  	[tilespmem:s12], [sflag:$0x1] =	stream.indirect_vreg.gather [hbm4b:s3+s2], $0x80, v4, vm0, $0xb8;
	[tilespmem:$0x18600] =	vst v63  }
0x42: {  	_ = 	snop  }
0x43: {  	[tilespmem:s13], [sflag:$0x1] =	stream.indirect_vreg.gather [hbm4b:s3+s2], $0x80, v3, vm0, $0xb8;
	[tilespmem:$0x18600] =	vst v63  }
0x44: {  	v3 =	vld [tilespmem:$0x40];
	_ =	sdelay $0x4  }
0x45: {  	v44 =	vshll.u32 v3, $0x1  }
0x46: {  	v3 =	vand.u32 $0x7, v3;
	v4 =	vand.u32 $0xFFFFFFF0, v44  }
0x47: {  	v3 =	vor.u32 v3, v4  }
0x48: {  	v4 =	vperm.xlane v3, v0;
	_ =	sdelay $0x1  }
0x49: {  	v3 =	vperm.xlane v3, v2;
	v4 =	vadd.s32 v1, v4;
	_ =	sdelay $0x1  }
0x4a: {  	v3 =	vadd.s32 v1, v3;
	_ =	sdelay $0x2  }
0x4b: {  	[tilespmem:s14], [sflag:$0x1] =	stream.indirect_vreg.gather [hbm4b:s3+s2], $0x80, v4, vm0, $0xb8;
	[tilespmem:$0x18600] =	vst v63  }
0x4c: {  	_ = 	snop  }
0x4d: {  	[tilespmem:s15], [sflag:$0x1] =	stream.indirect_vreg.gather [hbm4b:s3+s2], $0x80, v3, vm0, $0xb8;
	[tilespmem:$0x18600] =	vst v63  }
0x4e: {  	v3 =	vld [tilespmem:$0x50];
	_ =	sdelay $0x4  }
0x4f: {  	v45 =	vshll.u32 v3, $0x1  }
0x50: {  	v3 =	vand.u32 $0x7, v3;
	v4 =	vand.u32 $0xFFFFFFF0, v45  }
0x51: {  	v3 =	vor.u32 v3, v4  }
0x52: {  	v4 =	vperm.xlane v3, v0;
	_ =	sdelay $0x1  }
0x53: {  	v3 =	vperm.xlane v3, v2;
	v4 =	vadd.s32 v1, v4;
	_ =	sdelay $0x1  }
0x54: {  	v3 =	vadd.s32 v1, v3;
	_ =	sdelay $0x2  }
0x55: {  	[tilespmem:s16], [sflag:$0x1] =	stream.indirect_vreg.gather [hbm4b:s3+s2], $0x80, v4, vm0, $0xb8;
	[tilespmem:$0x18600] =	vst v63  }
0x56: {  	_ = 	snop  }
0x57: {  	[tilespmem:s17], [sflag:$0x1] =	stream.indirect_vreg.gather [hbm4b:s3+s2], $0x80, v3, vm0, $0xb8;
	[tilespmem:$0x18600] =	vst v63  }
0x58: {  	v3 =	vld [tilespmem:$0x60];
	_ =	sdelay $0x4  }
0x59: {  	v46 =	vshll.u32 v3, $0x1  }
0x5a: {  	v3 =	vand.u32 $0x7, v3;
	v4 =	vand.u32 $0xFFFFFFF0, v46  }
0x5b: {  	v3 =	vor.u32 v3, v4  }
0x5c: {  	v4 =	vperm.xlane v3, v0;
	_ =	sdelay $0x1  }
0x5d: {  	v3 =	vperm.xlane v3, v2;
	v4 =	vadd.s32 v1, v4;
	_ =	sdelay $0x1  }
0x5e: {  	v3 =	vadd.s32 v1, v3;
	_ =	sdelay $0x2  }
0x5f: {  	[tilespmem:s18], [sflag:$0x1] =	stream.indirect_vreg.gather [hbm4b:s3+s2], $0x80, v4, vm0, $0xb8;
	[tilespmem:$0x18600] =	vst v63  }
0x60: {  	_ = 	snop  }
0x61: {  	[tilespmem:s19], [sflag:$0x1] =	stream.indirect_vreg.gather [hbm4b:s3+s2], $0x80, v3, vm0, $0xb8;
	[tilespmem:$0x18600] =	vst v63  }
0x62: {  	v3 =	vld [tilespmem:$0x70];
	_ =	sdelay $0x4  }
0x63: {  	v47 =	vshll.u32 v3, $0x1  }
0x64: {  	v3 =	vand.u32 $0x7, v3;
	v4 =	vand.u32 $0xFFFFFFF0, v47  }
0x65: {  	v3 =	vor.u32 v3, v4  }
0x66: {  	v4 =	vperm.xlane v3, v0;
	_ =	sdelay $0x1  }
0x67: {  	v3 =	vperm.xlane v3, v2;
	v4 =	vadd.s32 v1, v4;
	_ =	sdelay $0x1  }
0x68: {  	v3 =	vadd.s32 v1, v3;
	_ =	sdelay $0x2  }
0x69: {  	[tilespmem:s20], [sflag:$0x1] =	stream.indirect_vreg.gather [hbm4b:s3+s2], $0x80, v4, vm0, $0xb8;
	[tilespmem:$0x18600] =	vst v63  }
0x6a: {  	_ = 	snop  }
0x6b: {  	[tilespmem:s21], [sflag:$0x1] =	stream.indirect_vreg.gather [hbm4b:s3+s2], $0x80, v3, vm0, $0xb8;
	[tilespmem:$0x18600] =	vst v63  }
0x6c: {  	v3 =	vld [tilespmem:$0x80];
	_ =	sdelay $0x4  }
0x6d: {  	v48 =	vshll.u32 v3, $0x1  }
0x6e: {  	v3 =	vand.u32 $0x7, v3;
	v4 =	vand.u32 $0xFFFFFFF0, v48  }
0x6f: {  	v3 =	vor.u32 v3, v4  }
0x70: {  	v4 =	vperm.xlane v3, v0;
	_ =	sdelay $0x1  }
0x71: {  	v3 =	vperm.xlane v3, v2;
	v4 =	vadd.s32 v1, v4;
	_ =	sdelay $0x1  }
0x72: {  	v3 =	vadd.s32 v1, v3;
	_ =	sdelay $0x2  }
0x73: {  	[tilespmem:s22], [sflag:$0x1] =	stream.indirect_vreg.gather [hbm4b:s3+s2], $0x80, v4, vm0, $0xb8;
	[tilespmem:$0x18600] =	vst v63  }
0x74: {  	_ = 	snop  }
0x75: {  	[tilespmem:s23], [sflag:$0x1] =	stream.indirect_vreg.gather [hbm4b:s3+s2], $0x80, v3, vm0, $0xb8;
	[tilespmem:$0x18600] =	vst v63  }
0x76: {  	v3 =	vld [tilespmem:$0x90];
	_ =	sdelay $0x4  }
0x77: {  	v49 =	vshll.u32 v3, $0x1  }
0x78: {  	v3 =	vand.u32 $0x7, v3;
	v4 =	vand.u32 $0xFFFFFFF0, v49  }
0x79: {  	v3 =	vor.u32 v3, v4  }
0x7a: {  	v4 =	vperm.xlane v3, v0;
	_ =	sdelay $0x1  }
0x7b: {  	v3 =	vperm.xlane v3, v2;
	v4 =	vadd.s32 v1, v4;
	_ =	sdelay $0x1  }
0x7c: {  	v3 =	vadd.s32 v1, v3;
	_ =	sdelay $0x2  }
0x7d: {  	[tilespmem:s24], [sflag:$0x1] =	stream.indirect_vreg.gather [hbm4b:s3+s2], $0x80, v4, vm0, $0xb8;
	[tilespmem:$0x18600] =	vst v63  }
0x7e: {  	_ = 	snop  }
0x7f: {  	[tilespmem:s25], [sflag:$0x1] =	stream.indirect_vreg.gather [hbm4b:s3+s2], $0x80, v3, vm0, $0xb8;
	[tilespmem:$0x18600] =	vst v63  }
0x80: {  	v3 =	vld [tilespmem:$0xA0];
	_ =	sdelay $0x4  }
0x81: {  	v50 =	vshll.u32 v3, $0x1  }
0x82: {  	v3 =	vand.u32 $0x7, v3;
	v4 =	vand.u32 $0xFFFFFFF0, v50  }
0x83: {  	v3 =	vor.u32 v3, v4  }
0x84: {  	v4 =	vperm.xlane v3, v0;
	_ =	sdelay $0x1  }
0x85: {  	v3 =	vperm.xlane v3, v2;
	v4 =	vadd.s32 v1, v4;
	_ =	sdelay $0x1  }
0x86: {  	v3 =	vadd.s32 v1, v3;
	_ =	sdelay $0x2  }
0x87: {  	[tilespmem:s26], [sflag:$0x1] =	stream.indirect_vreg.gather [hbm4b:s3+s2], $0x80, v4, vm0, $0xb8;
	[tilespmem:$0x18600] =	vst v63  }
0x88: {  	_ = 	snop  }
0x89: {  	[tilespmem:s28], [sflag:$0x1] =	stream.indirect_vreg.gather [hbm4b:s3+s2], $0x80, v3, vm0, $0xb8;
	[tilespmem:$0x18600] =	vst v63  }
0x8a: {  	v3 =	vld [tilespmem:$0xB0];
	_ =	sdelay $0x4  }
0x8b: {  	v51 =	vshll.u32 v3, $0x1  }
0x8c: {  	v3 =	vand.u32 $0x7, v3;
	v4 =	vand.u32 $0xFFFFFFF0, v51  }
0x8d: {  	v3 =	vor.u32 v3, v4  }
0x8e: {  	v4 =	vperm.xlane v3, v0;
	_ =	sdelay $0x1  }
0x8f: {  	v3 =	vperm.xlane v3, v2;
	v4 =	vadd.s32 v1, v4;
	_ =	sdelay $0x1  }
0x90: {  	v3 =	vadd.s32 v1, v3;
	_ =	sdelay $0x2  }
0x91: {  	[tilespmem:s9], [sflag:$0x1] =	stream.indirect_vreg.gather [hbm4b:s3+s2], $0x80, v4, vm0, $0xb8;
	[tilespmem:$0x18600] =	vst v63  }
0x92: {  	_ = 	snop  }
0x93: {  	[tilespmem:s30], [sflag:$0x1] =	stream.indirect_vreg.gather [hbm4b:s3+s2], $0x80, v3, vm0, $0xb8;
	[tilespmem:$0x18600] =	vst v63  }
0x94: {  	v3 =	vld [tilespmem:$0xC0];
	_ =	sdelay $0x4  }
0x95: {  	v52 =	vshll.u32 v3, $0x1  }
0x96: {  	v3 =	vand.u32 $0x7, v3;
	v4 =	vand.u32 $0xFFFFFFF0, v52  }
0x97: {  	v3 =	vor.u32 v3, v4  }
0x98: {  	v4 =	vperm.xlane v3, v0;
	_ =	sdelay $0x1  }
0x99: {  	v3 =	vperm.xlane v3, v2;
	v4 =	vadd.s32 v1, v4;
	_ =	sdelay $0x1  }
0x9a: {  	v3 =	vadd.s32 v1, v3;
	_ =	sdelay $0x2  }
0x9b: {  	[tilespmem:s11], [sflag:$0x2] =	stream.indirect_vreg.gather [hbm4b:s3+s2], $0x80, v4, vm0, $0xb8;
	[tilespmem:$0x18600] =	vst v63  }
0x9c: {  	s5 =	simm.s32 $0xCE00  }
0x9d: {  	[tilespmem:s5], [sflag:$0x2] =	stream.indirect_vreg.gather [hbm4b:s3+s2], $0x80, v3, vm0, $0xb8;
	[tilespmem:$0x18600] =	vst v63  }
0x9e: {  	v3 =	vld [tilespmem:$0xD0];
	_ =	sdelay $0x4  }
0x9f: {  	v53 =	vshll.u32 v3, $0x1  }
0xa0: {  	v3 =	vand.u32 $0x7, v3;
	v4 =	vand.u32 $0xFFFFFFF0, v53  }
0xa1: {  	v3 =	vor.u32 v3, v4  }
0xa2: {  	v4 =	vperm.xlane v3, v0;
	_ =	sdelay $0x1  }
0xa3: {  	v3 =	vperm.xlane v3, v2;
	v4 =	vadd.s32 v1, v4;
	_ =	sdelay $0x1  }
0xa4: {  	v3 =	vadd.s32 v1, v3;
	_ =	sdelay $0x1  }
0xa5: {  	s6 =	simm.s32 $0xD600  }
0xa6: {  	[tilespmem:s6], [sflag:$0x2] =	stream.indirect_vreg.gather [hbm4b:s3+s2], $0x80, v4, vm0, $0xb8;
	[tilespmem:$0x18600] =	vst v63  }
0xa7: {  	s7 =	simm.s32 $0xDE00  }
0xa8: {  	[tilespmem:s7], [sflag:$0x2] =	stream.indirect_vreg.gather [hbm4b:s3+s2], $0x80, v3, vm0, $0xb8;
	[tilespmem:$0x18600] =	vst v63  }
0xa9: {  	v3 =	vld [tilespmem:$0xE0];
	_ =	sdelay $0x4  }
0xaa: {  	v54 =	vshll.u32 v3, $0x1  }
0xab: {  	v3 =	vand.u32 $0x7, v3;
	v4 =	vand.u32 $0xFFFFFFF0, v54  }
0xac: {  	v3 =	vor.u32 v3, v4  }
0xad: {  	v4 =	vperm.xlane v3, v0;
	_ =	sdelay $0x1  }
0xae: {  	v3 =	vperm.xlane v3, v2;
	v4 =	vadd.s32 v1, v4;
	_ =	sdelay $0x1  }
0xaf: {  	v3 =	vadd.s32 v1, v3;
	_ =	sdelay $0x1  }
0xb0: {  	s9 =	simm.s32 $0xE600  }
0xb1: {  	[tilespmem:s9], [sflag:$0x2] =	stream.indirect_vreg.gather [hbm4b:s3+s2], $0x80, v4, vm0, $0xb8;
	[tilespmem:$0x18600] =	vst v63  }
0xb2: {  	s10 =	simm.s32 $0xEE00  }
0xb3: {  	[tilespmem:s10], [sflag:$0x2] =	stream.indirect_vreg.gather [hbm4b:s3+s2], $0x80, v3, vm0, $0xb8;
	[tilespmem:$0x18600] =	vst v63  }
0xb4: {  	v3 =	vld [tilespmem:$0xF0];
	_ =	sdelay $0x4  }
0xb5: {  	v55 =	vshll.u32 v3, $0x1  }
0xb6: {  	v3 =	vand.u32 $0x7, v3;
	v4 =	vand.u32 $0xFFFFFFF0, v55  }
0xb7: {  	v3 =	vor.u32 v3, v4  }
0xb8: {  	v4 =	vperm.xlane v3, v0;
	_ =	sdelay $0x1  }
0xb9: {  	v3 =	vperm.xlane v3, v2;
	v4 =	vadd.s32 v1, v4;
	_ =	sdelay $0x1  }
0xba: {  	v3 =	vadd.s32 v1, v3;
	_ =	sdelay $0x1  }
0xbb: {  	s11 =	simm.s32 $0xF600  }
0xbc: {  	[tilespmem:s11], [sflag:$0x2] =	stream.indirect_vreg.gather [hbm4b:s3+s2], $0x80, v4, vm0, $0xb8;
	[tilespmem:$0x18600] =	vst v63  }
0xbd: {  	s12 =	simm.s32 $0xFE00  }
0xbe: {  	[tilespmem:s12], [sflag:$0x2] =	stream.indirect_vreg.gather [hbm4b:s3+s2], $0x80, v3, vm0, $0xb8;
	[tilespmem:$0x18600] =	vst v63  }
0xbf: {  	v3 =	vld [tilespmem:$0x100];
	_ =	sdelay $0x4  }
0xc0: {  	v56 =	vshll.u32 v3, $0x1  }
0xc1: {  	v3 =	vand.u32 $0x7, v3;
	v4 =	vand.u32 $0xFFFFFFF0, v56  }
0xc2: {  	v3 =	vor.u32 v3, v4  }
0xc3: {  	v4 =	vperm.xlane v3, v0;
	_ =	sdelay $0x1  }
0xc4: {  	v3 =	vperm.xlane v3, v2;
	v4 =	vadd.s32 v1, v4;
	_ =	sdelay $0x1  }
0xc5: {  	v3 =	vadd.s32 v1, v3;
	_ =	sdelay $0x1  }
0xc6: {  	s13 =	simm.s32 $0x10600  }
0xc7: {  	[tilespmem:s13], [sflag:$0x2] =	stream.indirect_vreg.gather [hbm4b:s3+s2], $0x80, v4, vm0, $0xb8;
	[tilespmem:$0x18600] =	vst v63  }
0xc8: {  	s14 =	simm.s32 $0x10E00  }
0xc9: {  	[tilespmem:s14], [sflag:$0x2] =	stream.indirect_vreg.gather [hbm4b:s3+s2], $0x80, v3, vm0, $0xb8;
	[tilespmem:$0x18600] =	vst v63  }
0xca: {  	v3 =	vld [tilespmem:$0x110];
	_ =	sdelay $0x4  }
0xcb: {  	v57 =	vshll.u32 v3, $0x1  }
0xcc: {  	v3 =	vand.u32 $0x7, v3;
	v4 =	vand.u32 $0xFFFFFFF0, v57  }
0xcd: {  	v3 =	vor.u32 v3, v4  }
0xce: {  	v4 =	vperm.xlane v3, v0;
	_ =	sdelay $0x1  }
0xcf: {  	v3 =	vperm.xlane v3, v2;
	v4 =	vadd.s32 v1, v4;
	_ =	sdelay $0x1  }
0xd0: {  	v3 =	vadd.s32 v1, v3;
	_ =	sdelay $0x1  }
0xd1: {  	s15 =	simm.s32 $0x11600  }
0xd2: {  	[tilespmem:s15], [sflag:$0x2] =	stream.indirect_vreg.gather [hbm4b:s3+s2], $0x80, v4, vm0, $0xb8;
	[tilespmem:$0x18600] =	vst v63  }
0xd3: {  	s16 =	simm.s32 $0x11E00  }
0xd4: {  	[tilespmem:s16], [sflag:$0x2] =	stream.indirect_vreg.gather [hbm4b:s3+s2], $0x80, v3, vm0, $0xb8;
	[tilespmem:$0x18600] =	vst v63  }
0xd5: {  	v3 =	vld [tilespmem:$0x120];
	_ =	sdelay $0x4  }
0xd6: {  	v58 =	vshll.u32 v3, $0x1  }
0xd7: {  	v3 =	vand.u32 $0x7, v3;
	v4 =	vand.u32 $0xFFFFFFF0, v58  }
0xd8: {  	v3 =	vor.u32 v3, v4  }
0xd9: {  	v4 =	vperm.xlane v3, v0;
	_ =	sdelay $0x1  }
0xda: {  	v3 =	vperm.xlane v3, v2;
	v4 =	vadd.s32 v1, v4;
	_ =	sdelay $0x1  }
0xdb: {  	v3 =	vadd.s32 v1, v3;
	_ =	sdelay $0x1  }
0xdc: {  	s17 =	simm.s32 $0x12600  }
0xdd: {  	[tilespmem:s17], [sflag:$0x2] =	stream.indirect_vreg.gather [hbm4b:s3+s2], $0x80, v4, vm0, $0xb8;
	[tilespmem:$0x18600] =	vst v63  }
0xde: {  	s18 =	simm.s32 $0x12E00  }
0xdf: {  	[tilespmem:s18], [sflag:$0x2] =	stream.indirect_vreg.gather [hbm4b:s3+s2], $0x80, v3, vm0, $0xb8;
	[tilespmem:$0x18600] =	vst v63  }
0xe0: {  	v3 =	vld [tilespmem:$0x130];
	_ =	sdelay $0x4  }
0xe1: {  	v59 =	vshll.u32 v3, $0x1  }
0xe2: {  	v3 =	vand.u32 $0x7, v3;
	v4 =	vand.u32 $0xFFFFFFF0, v59  }
0xe3: {  	v3 =	vor.u32 v3, v4  }
0xe4: {  	v4 =	vperm.xlane v3, v0;
	_ =	sdelay $0x1  }
0xe5: {  	v3 =	vperm.xlane v3, v2;
	v4 =	vadd.s32 v1, v4;
	_ =	sdelay $0x1  }
0xe6: {  	v3 =	vadd.s32 v1, v3;
	_ =	sdelay $0x1  }
0xe7: {  	s19 =	simm.s32 $0x13600  }
0xe8: {  	[tilespmem:s19], [sflag:$0x2] =	stream.indirect_vreg.gather [hbm4b:s3+s2], $0x80, v4, vm0, $0xb8;
	[tilespmem:$0x18600] =	vst v63  }
0xe9: {  	s20 =	simm.s32 $0x13E00  }
0xea: {  	[tilespmem:s20], [sflag:$0x2] =	stream.indirect_vreg.gather [hbm4b:s3+s2], $0x80, v3, vm0, $0xb8;
	[tilespmem:$0x18600] =	vst v63  }
0xeb: {  	v3 =	vld [tilespmem:$0x140];
	_ =	sdelay $0x4  }
0xec: {  	v60 =	vshll.u32 v3, $0x1  }
0xed: {  	v3 =	vand.u32 $0x7, v3;
	v4 =	vand.u32 $0xFFFFFFF0, v60  }
0xee: {  	v3 =	vor.u32 v3, v4  }
0xef: {  	v4 =	vperm.xlane v3, v0;
	_ =	sdelay $0x1  }
0xf0: {  	v3 =	vperm.xlane v3, v2;
	v4 =	vadd.s32 v1, v4;
	_ =	sdelay $0x1  }
0xf1: {  	v3 =	vadd.s32 v1, v3;
	_ =	sdelay $0x1  }
0xf2: {  	s21 =	simm.s32 $0x14600  }
0xf3: {  	[tilespmem:s21], [sflag:$0x2] =	stream.indirect_vreg.gather [hbm4b:s3+s2], $0x80, v4, vm0, $0xb8;
	[tilespmem:$0x18600] =	vst v63  }
0xf4: {  	s22 =	simm.s32 $0x14E00  }
0xf5: {  	[tilespmem:s22], [sflag:$0x2] =	stream.indirect_vreg.gather [hbm4b:s3+s2], $0x80, v3, vm0, $0xb8;
	[tilespmem:$0x18600] =	vst v63  }
0xf6: {  	v3 =	vld [tilespmem:$0x150];
	_ =	sdelay $0x4  }
0xf7: {  	v61 =	vshll.u32 v3, $0x1  }
0xf8: {  	v3 =	vand.u32 $0x7, v3;
	v4 =	vand.u32 $0xFFFFFFF0, v61  }
0xf9: {  	v3 =	vor.u32 v3, v4  }
0xfa: {  	v4 =	vperm.xlane v3, v0;
	_ =	sdelay $0x1  }
0xfb: {  	v3 =	vperm.xlane v3, v2;
	v4 =	vadd.s32 v1, v4;
	_ =	sdelay $0x1  }
0xfc: {  	v3 =	vadd.s32 v1, v3;
	_ =	sdelay $0x1  }
0xfd: {  	s23 =	simm.s32 $0x15600  }
0xfe: {  	[tilespmem:s23], [sflag:$0x2] =	stream.indirect_vreg.gather [hbm4b:s3+s2], $0x80, v4, vm0, $0xb8;
	[tilespmem:$0x18600] =	vst v63  }
0xff: {  	s24 =	simm.s32 $0x15E00  }
0x100: {  	[tilespmem:s24], [sflag:$0x2] =	stream.indirect_vreg.gather [hbm4b:s3+s2], $0x80, v3, vm0, $0xb8;
	[tilespmem:$0x18600] =	vst v63  }
0x101: {  	v3 =	vld [tilespmem:$0x160];
	_ =	sdelay $0x4  }
0x102: {  	v62 =	vshll.u32 v3, $0x1  }
0x103: {  	v3 =	vand.u32 $0x7, v3;
	v4 =	vand.u32 $0xFFFFFFF0, v62  }
0x104: {  	v3 =	vor.u32 v3, v4  }
0x105: {  	v4 =	vperm.xlane v3, v0;
	_ =	sdelay $0x1  }
0x106: {  	v3 =	vperm.xlane v3, v2;
	v4 =	vadd.s32 v1, v4;
	_ =	sdelay $0x1  }
0x107: {  	v3 =	vadd.s32 v1, v3;
	_ =	sdelay $0x1  }
0x108: {  	s25 =	simm.s32 $0x16600  }
0x109: {  	[tilespmem:s25], [sflag:$0x2] =	stream.indirect_vreg.gather [hbm4b:s3+s2], $0x80, v4, vm0, $0xb8;
	[tilespmem:$0x18600] =	vst v63  }
0x10a: {  	s26 =	simm.s32 $0x16E00  }
0x10b: {  	[tilespmem:s26], [sflag:$0x2] =	stream.indirect_vreg.gather [hbm4b:s3+s2], $0x80, v3, vm0, $0xb8;
	[tilespmem:$0x18600] =	vst v63  }
0x10c: {  	v3 =	vld [tilespmem:$0x170];
	_ =	sdelay $0x4  }
0x10d: {  	v63 =	vshll.u32 v3, $0x1  }
0x10e: {  	v3 =	vand.u32 $0x7, v3;
	v4 =	vand.u32 $0xFFFFFFF0, v63  }
0x10f: {  	v3 =	vor.u32 v3, v4  }
0x110: {  	s0 =	simm.s32 $0x2F0;
	v4 =	vperm.xlane v3, v0  }
0x111: {  	s29 =	simm.s32 $0xA600;
	s28 =	simm.s32 $0x9E00;
	s30 =	simm.s32 $0xAE00  }
0x112: {  	s5 =	simm.s32 $0x0;
	s7 =	simm.s32 $0xE00;
	s9 =	simm.s32 $0xB600;
	v3 =	vperm.xlane v3, v2;
	v4 =	vadd.s32 v1, v4  }
0x113: {  	s10 =	simm.s32 $0x1600;
	s12 =	simm.s32 $0x2600;
	s13 =	simm.s32 $0x2E00  }
0x114: {  	s14 =	simm.s32 $0x3600;
	s16 =	simm.s32 $0x4600;
	s17 =	simm.s32 $0x4E00;
	v3 =	vadd.s32 v1, v3  }
0x115: {  	s18 =	simm.s32 $0x5600;
	s19 =	simm.s32 $0x17600;
	s20 =	simm.s32 $0x6600  }
0x116: {  	s21 =	simm.s32 $0x6E00;
	s22 =	simm.s32 $0x7600;
	s23 =	simm.s32 $0x17E00  }
0x117: {  	[tilespmem:s19], [sflag:$0x2] =	stream.indirect_vreg.gather [hbm4b:s3+s2], $0x80, v4, vm0, $0xb8;
	[tilespmem:$0x18600] =	vst v63  }
0x118: {  	s24 =	simm.s32 $0x8600;
	s25 =	simm.s32 $0x8E00;
	s26 =	simm.s32 $0x9600  }
0x119: {  	[tilespmem:s23], [sflag:$0x2] =	stream.indirect_vreg.gather [hbm4b:s3+s2], $0x80, v3, vm0, $0xb8;
	[tilespmem:$0x18600] =	vst v63  }
.LBB2_2:
0x11a: {  	_ =	swait.ge [sflag:s31], $0xC000  }
0x11b: {  	s6 =	rddreg [dreg:$0x2];
	[sflag:s31] =	ssyncset.done $0x0  }
0x11c: {  	s11 =	simm.s32 $0x600;
	[sflag:s31] =	ssyncadd.s32 $0xFFFF4000;
	s6 =	sadd.s32 s5, s6  }
0x11d: {  	[hbm4b:s6+s2] =	stream.linear.scatter [tilespmem:s11], [sflag:$0x3], $0xC000, $0x38;
	[tilespmem:$0x18600] =	vst v63  }
0x11e: {  	_ =	swait.ge [sflag:s8], $0xC000  }
0x11f: {  	[sflag:s8] =	ssyncset.done $0x0  }
0x120: {  	[sflag:s8] =	ssyncadd.s32 $0xFFFF4000  }
0x121: {  	v3 =	vld [tilespmem:s0+$0xFFFFFE90];
	_ =	sdelay $0x4  }
0x122: {  	v4 =	vshll.u32 v3, $0x1  }
0x123: {  	v3 =	vand.u32 $0x7, v3;
	v4 =	vand.u32 $0xFFFFFFF0, v4  }
0x124: {  	v3 =	vor.u32 v3, v4  }
0x125: {  	v4 =	vperm.xlane v3, v0;
	_ =	sdelay $0x1  }
0x126: {  	v3 =	vperm.xlane v3, v2;
	v4 =	vadd.s32 v1, v4;
	_ =	sdelay $0x1  }
0x127: {  	v3 =	vadd.s32 v1, v3;
	_ =	sdelay $0x2  }
0x128: {  	[tilespmem:s11], [sflag:$0x1] =	stream.indirect_vreg.gather [hbm4b:s3+s2], $0x80, v4, vm0, $0xb8;
	[tilespmem:$0x18600] =	vst v63  }
0x129: {  	_ = 	snop  }
0x12a: {  	[tilespmem:s7], [sflag:$0x1] =	stream.indirect_vreg.gather [hbm4b:s3+s2], $0x80, v3, vm0, $0xb8;
	[tilespmem:$0x18600] =	vst v63  }
0x12b: {  	v3 =	vld [tilespmem:s0+$0xFFFFFEA0];
	_ =	sdelay $0x4  }
0x12c: {  	v41 =	vshll.u32 v3, $0x1  }
0x12d: {  	v3 =	vand.u32 $0x7, v3;
	v4 =	vand.u32 $0xFFFFFFF0, v41  }
0x12e: {  	v3 =	vor.u32 v3, v4  }
0x12f: {  	v4 =	vperm.xlane v3, v0;
	_ =	sdelay $0x1  }
0x130: {  	v3 =	vperm.xlane v3, v2;
	v4 =	vadd.s32 v1, v4;
	_ =	sdelay $0x1  }
0x131: {  	v3 =	vadd.s32 v1, v3;
	_ =	sdelay $0x2  }
0x132: {  	[tilespmem:s10], [sflag:$0x1] =	stream.indirect_vreg.gather [hbm4b:s3+s2], $0x80, v4, vm0, $0xb8;
	[tilespmem:$0x18600] =	vst v63  }
0x133: {  	s15 =	simm.s32 $0x1E00  }
0x134: {  	[tilespmem:s15], [sflag:$0x1] =	stream.indirect_vreg.gather [hbm4b:s3+s2], $0x80, v3, vm0, $0xb8;
	[tilespmem:$0x18600] =	vst v63  }
0x135: {  	v3 =	vld [tilespmem:s0+$0xFFFFFEB0];
	_ =	sdelay $0x4  }
0x136: {  	v42 =	vshll.u32 v3, $0x1  }
0x137: {  	v3 =	vand.u32 $0x7, v3;
	v4 =	vand.u32 $0xFFFFFFF0, v42  }
0x138: {  	v3 =	vor.u32 v3, v4  }
0x139: {  	v4 =	vperm.xlane v3, v0;
	_ =	sdelay $0x1  }
0x13a: {  	v3 =	vperm.xlane v3, v2;
	v4 =	vadd.s32 v1, v4;
	_ =	sdelay $0x1  }
0x13b: {  	v3 =	vadd.s32 v1, v3;
	_ =	sdelay $0x2  }
0x13c: {  	[tilespmem:s12], [sflag:$0x1] =	stream.indirect_vreg.gather [hbm4b:s3+s2], $0x80, v4, vm0, $0xb8;
	[tilespmem:$0x18600] =	vst v63  }
0x13d: {  	_ = 	snop  }
0x13e: {  	[tilespmem:s13], [sflag:$0x1] =	stream.indirect_vreg.gather [hbm4b:s3+s2], $0x80, v3, vm0, $0xb8;
	[tilespmem:$0x18600] =	vst v63  }
0x13f: {  	v3 =	vld [tilespmem:s0+$0xFFFFFEC0];
	_ =	sdelay $0x4  }
0x140: {  	v43 =	vshll.u32 v3, $0x1  }
0x141: {  	v3 =	vand.u32 $0x7, v3;
	v4 =	vand.u32 $0xFFFFFFF0, v43  }
0x142: {  	v3 =	vor.u32 v3, v4  }
0x143: {  	v4 =	vperm.xlane v3, v0;
	_ =	sdelay $0x1  }
0x144: {  	v3 =	vperm.xlane v3, v2;
	v4 =	vadd.s32 v1, v4;
	_ =	sdelay $0x1  }
0x145: {  	v3 =	vadd.s32 v1, v3;
	_ =	sdelay $0x2  }
0x146: {  	[tilespmem:s14], [sflag:$0x1] =	stream.indirect_vreg.gather [hbm4b:s3+s2], $0x80, v4, vm0, $0xb8;
	[tilespmem:$0x18600] =	vst v63  }
0x147: {  	s15 =	simm.s32 $0x3E00  }
0x148: {  	[tilespmem:s15], [sflag:$0x1] =	stream.indirect_vreg.gather [hbm4b:s3+s2], $0x80, v3, vm0, $0xb8;
	[tilespmem:$0x18600] =	vst v63  }
0x149: {  	v3 =	vld [tilespmem:s0+$0xFFFFFED0];
	_ =	sdelay $0x4  }
0x14a: {  	v44 =	vshll.u32 v3, $0x1  }
0x14b: {  	v3 =	vand.u32 $0x7, v3;
	v4 =	vand.u32 $0xFFFFFFF0, v44  }
0x14c: {  	v3 =	vor.u32 v3, v4  }
0x14d: {  	v4 =	vperm.xlane v3, v0;
	_ =	sdelay $0x1  }
0x14e: {  	v3 =	vperm.xlane v3, v2;
	v4 =	vadd.s32 v1, v4;
	_ =	sdelay $0x1  }
0x14f: {  	v3 =	vadd.s32 v1, v3;
	_ =	sdelay $0x2  }
0x150: {  	[tilespmem:s16], [sflag:$0x1] =	stream.indirect_vreg.gather [hbm4b:s3+s2], $0x80, v4, vm0, $0xb8;
	[tilespmem:$0x18600] =	vst v63  }
0x151: {  	_ = 	snop  }
0x152: {  	[tilespmem:s17], [sflag:$0x1] =	stream.indirect_vreg.gather [hbm4b:s3+s2], $0x80, v3, vm0, $0xb8;
	[tilespmem:$0x18600] =	vst v63  }
0x153: {  	v3 =	vld [tilespmem:s0+$0xFFFFFEE0];
	_ =	sdelay $0x4  }
0x154: {  	v45 =	vshll.u32 v3, $0x1  }
0x155: {  	v3 =	vand.u32 $0x7, v3;
	v4 =	vand.u32 $0xFFFFFFF0, v45  }
0x156: {  	v3 =	vor.u32 v3, v4  }
0x157: {  	v4 =	vperm.xlane v3, v0;
	_ =	sdelay $0x1  }
0x158: {  	v3 =	vperm.xlane v3, v2;
	v4 =	vadd.s32 v1, v4;
	_ =	sdelay $0x1  }
0x159: {  	v3 =	vadd.s32 v1, v3;
	_ =	sdelay $0x2  }
0x15a: {  	[tilespmem:s18], [sflag:$0x1] =	stream.indirect_vreg.gather [hbm4b:s3+s2], $0x80, v4, vm0, $0xb8;
	[tilespmem:$0x18600] =	vst v63  }
0x15b: {  	s15 =	simm.s32 $0x5E00  }
0x15c: {  	[tilespmem:s15], [sflag:$0x1] =	stream.indirect_vreg.gather [hbm4b:s3+s2], $0x80, v3, vm0, $0xb8;
	[tilespmem:$0x18600] =	vst v63  }
0x15d: {  	v3 =	vld [tilespmem:s0+$0xFFFFFEF0];
	_ =	sdelay $0x4  }
0x15e: {  	v46 =	vshll.u32 v3, $0x1  }
0x15f: {  	v3 =	vand.u32 $0x7, v3;
	v4 =	vand.u32 $0xFFFFFFF0, v46  }
0x160: {  	v3 =	vor.u32 v3, v4  }
0x161: {  	v4 =	vperm.xlane v3, v0;
	_ =	sdelay $0x1  }
0x162: {  	v3 =	vperm.xlane v3, v2;
	v4 =	vadd.s32 v1, v4;
	_ =	sdelay $0x1  }
0x163: {  	v3 =	vadd.s32 v1, v3;
	_ =	sdelay $0x2  }
0x164: {  	[tilespmem:s20], [sflag:$0x1] =	stream.indirect_vreg.gather [hbm4b:s3+s2], $0x80, v4, vm0, $0xb8;
	[tilespmem:$0x18600] =	vst v63  }
0x165: {  	_ = 	snop  }
0x166: {  	[tilespmem:s21], [sflag:$0x1] =	stream.indirect_vreg.gather [hbm4b:s3+s2], $0x80, v3, vm0, $0xb8;
	[tilespmem:$0x18600] =	vst v63  }
0x167: {  	v3 =	vld [tilespmem:s0+$0xFFFFFF00];
	_ =	sdelay $0x4  }
0x168: {  	v47 =	vshll.u32 v3, $0x1  }
0x169: {  	v3 =	vand.u32 $0x7, v3;
	v4 =	vand.u32 $0xFFFFFFF0, v47  }
0x16a: {  	v3 =	vor.u32 v3, v4  }
0x16b: {  	v4 =	vperm.xlane v3, v0;
	_ =	sdelay $0x1  }
0x16c: {  	v3 =	vperm.xlane v3, v2;
	v4 =	vadd.s32 v1, v4;
	_ =	sdelay $0x1  }
0x16d: {  	v3 =	vadd.s32 v1, v3;
	_ =	sdelay $0x2  }
0x16e: {  	[tilespmem:s22], [sflag:$0x1] =	stream.indirect_vreg.gather [hbm4b:s3+s2], $0x80, v4, vm0, $0xb8;
	[tilespmem:$0x18600] =	vst v63  }
0x16f: {  	s15 =	simm.s32 $0x7E00  }
0x170: {  	[tilespmem:s15], [sflag:$0x1] =	stream.indirect_vreg.gather [hbm4b:s3+s2], $0x80, v3, vm0, $0xb8;
	[tilespmem:$0x18600] =	vst v63  }
0x171: {  	v3 =	vld [tilespmem:s0+$0xFFFFFF10];
	_ =	sdelay $0x4  }
0x172: {  	v48 =	vshll.u32 v3, $0x1  }
0x173: {  	v3 =	vand.u32 $0x7, v3;
	v4 =	vand.u32 $0xFFFFFFF0, v48  }
0x174: {  	v3 =	vor.u32 v3, v4  }
0x175: {  	v4 =	vperm.xlane v3, v0;
	_ =	sdelay $0x1  }
0x176: {  	v3 =	vperm.xlane v3, v2;
	v4 =	vadd.s32 v1, v4;
	_ =	sdelay $0x1  }
0x177: {  	v3 =	vadd.s32 v1, v3;
	_ =	sdelay $0x2  }
0x178: {  	[tilespmem:s24], [sflag:$0x1] =	stream.indirect_vreg.gather [hbm4b:s3+s2], $0x80, v4, vm0, $0xb8;
	[tilespmem:$0x18600] =	vst v63  }
0x179: {  	_ = 	snop  }
0x17a: {  	[tilespmem:s25], [sflag:$0x1] =	stream.indirect_vreg.gather [hbm4b:s3+s2], $0x80, v3, vm0, $0xb8;
	[tilespmem:$0x18600] =	vst v63  }
0x17b: {  	v3 =	vld [tilespmem:s0+$0xFFFFFF20];
	_ =	sdelay $0x4  }
0x17c: {  	v49 =	vshll.u32 v3, $0x1  }
0x17d: {  	v3 =	vand.u32 $0x7, v3;
	v4 =	vand.u32 $0xFFFFFFF0, v49  }
0x17e: {  	v3 =	vor.u32 v3, v4  }
0x17f: {  	v4 =	vperm.xlane v3, v0;
	_ =	sdelay $0x1  }
0x180: {  	v3 =	vperm.xlane v3, v2;
	v4 =	vadd.s32 v1, v4;
	_ =	sdelay $0x1  }
0x181: {  	v3 =	vadd.s32 v1, v3;
	_ =	sdelay $0x2  }
0x182: {  	[tilespmem:s26], [sflag:$0x1] =	stream.indirect_vreg.gather [hbm4b:s3+s2], $0x80, v4, vm0, $0xb8;
	[tilespmem:$0x18600] =	vst v63  }
0x183: {  	_ = 	snop  }
0x184: {  	[tilespmem:s28], [sflag:$0x1] =	stream.indirect_vreg.gather [hbm4b:s3+s2], $0x80, v3, vm0, $0xb8;
	[tilespmem:$0x18600] =	vst v63  }
0x185: {  	v3 =	vld [tilespmem:s0+$0xFFFFFF30];
	_ =	sdelay $0x4  }
0x186: {  	v50 =	vshll.u32 v3, $0x1  }
0x187: {  	v3 =	vand.u32 $0x7, v3;
	v4 =	vand.u32 $0xFFFFFFF0, v50  }
0x188: {  	v3 =	vor.u32 v3, v4  }
0x189: {  	v4 =	vperm.xlane v3, v0;
	_ =	sdelay $0x1  }
0x18a: {  	v3 =	vperm.xlane v3, v2;
	v4 =	vadd.s32 v1, v4;
	_ =	sdelay $0x1  }
0x18b: {  	v3 =	vadd.s32 v1, v3;
	_ =	sdelay $0x2  }
0x18c: {  	[tilespmem:s29], [sflag:$0x1] =	stream.indirect_vreg.gather [hbm4b:s3+s2], $0x80, v4, vm0, $0xb8;
	[tilespmem:$0x18600] =	vst v63  }
0x18d: {  	_ = 	snop  }
0x18e: {  	[tilespmem:s30], [sflag:$0x1] =	stream.indirect_vreg.gather [hbm4b:s3+s2], $0x80, v3, vm0, $0xb8;
	[tilespmem:$0x18600] =	vst v63  }
0x18f: {  	v3 =	vld [tilespmem:s0+$0xFFFFFF40];
	_ =	sdelay $0x4  }
0x190: {  	v51 =	vshll.u32 v3, $0x1  }
0x191: {  	v3 =	vand.u32 $0x7, v3;
	v4 =	vand.u32 $0xFFFFFFF0, v51  }
0x192: {  	v3 =	vor.u32 v3, v4  }
0x193: {  	v4 =	vperm.xlane v3, v0;
	_ =	sdelay $0x1  }
0x194: {  	v3 =	vperm.xlane v3, v2;
	v4 =	vadd.s32 v1, v4;
	_ =	sdelay $0x1  }
0x195: {  	v3 =	vadd.s32 v1, v3;
	_ =	sdelay $0x2  }
0x196: {  	[tilespmem:s9], [sflag:$0x1] =	stream.indirect_vreg.gather [hbm4b:s3+s2], $0x80, v4, vm0, $0xb8;
	[tilespmem:$0x18600] =	vst v63  }
0x197: {  	s15 =	simm.s32 $0xBE00  }
0x198: {  	[tilespmem:s15], [sflag:$0x1] =	stream.indirect_vreg.gather [hbm4b:s3+s2], $0x80, v3, vm0, $0xb8;
	[tilespmem:$0x18600] =	vst v63  }
0x199: {  	_ =	swait.ge [sflag:s1], $0xC000  }
0x19a: {  	[sflag:s1] =	ssyncset.done $0x0  }
0x19b: {  	s6 =	sadd.s32 $0x1800, s6;
	s15 =	simm.s32 $0xC600;
	[sflag:s1] =	ssyncadd.s32 $0xFFFF4000  }
0x19c: {  	[hbm4b:s6+s2] =	stream.linear.scatter [tilespmem:s15], [sflag:$0x3], $0xC000, $0x38;
	[tilespmem:$0x18600] =	vst v63  }
0x19d: {  	_ =	swait.ge [sflag:s8], $0xC000  }
0x19e: {  	[sflag:s8] =	ssyncset.done $0x0  }
0x19f: {  	[sflag:s8] =	ssyncadd.s32 $0xFFFF4000  }
0x1a0: {  	v3 =	vld [tilespmem:s0+$0xFFFFFF50];
	_ =	sdelay $0x4  }
0x1a1: {  	v52 =	vshll.u32 v3, $0x1  }
0x1a2: {  	v3 =	vand.u32 $0x7, v3;
	v4 =	vand.u32 $0xFFFFFFF0, v52  }
0x1a3: {  	v3 =	vor.u32 v3, v4  }
0x1a4: {  	v4 =	vperm.xlane v3, v0;
	_ =	sdelay $0x1  }
0x1a5: {  	v3 =	vperm.xlane v3, v2;
	v4 =	vadd.s32 v1, v4;
	_ =	sdelay $0x1  }
0x1a6: {  	v3 =	vadd.s32 v1, v3;
	_ =	sdelay $0x2  }
0x1a7: {  	[tilespmem:s15], [sflag:$0x2] =	stream.indirect_vreg.gather [hbm4b:s3+s2], $0x80, v4, vm0, $0xb8;
	[tilespmem:$0x18600] =	vst v63  }
0x1a8: {  	s15 =	simm.s32 $0xCE00  }
0x1a9: {  	[tilespmem:s15], [sflag:$0x2] =	stream.indirect_vreg.gather [hbm4b:s3+s2], $0x80, v3, vm0, $0xb8;
	[tilespmem:$0x18600] =	vst v63  }
0x1aa: {  	v3 =	vld [tilespmem:s0+$0xFFFFFF60];
	_ =	sdelay $0x4  }
0x1ab: {  	v53 =	vshll.u32 v3, $0x1  }
0x1ac: {  	v3 =	vand.u32 $0x7, v3;
	v4 =	vand.u32 $0xFFFFFFF0, v53  }
0x1ad: {  	v3 =	vor.u32 v3, v4  }
0x1ae: {  	v4 =	vperm.xlane v3, v0;
	_ =	sdelay $0x1  }
0x1af: {  	v3 =	vperm.xlane v3, v2;
	v4 =	vadd.s32 v1, v4;
	_ =	sdelay $0x1  }
0x1b0: {  	v3 =	vadd.s32 v1, v3;
	_ =	sdelay $0x1  }
0x1b1: {  	s15 =	simm.s32 $0xD600  }
0x1b2: {  	[tilespmem:s15], [sflag:$0x2] =	stream.indirect_vreg.gather [hbm4b:s3+s2], $0x80, v4, vm0, $0xb8;
	[tilespmem:$0x18600] =	vst v63  }
0x1b3: {  	s15 =	simm.s32 $0xDE00  }
0x1b4: {  	[tilespmem:s15], [sflag:$0x2] =	stream.indirect_vreg.gather [hbm4b:s3+s2], $0x80, v3, vm0, $0xb8;
	[tilespmem:$0x18600] =	vst v63  }
0x1b5: {  	v3 =	vld [tilespmem:s0+$0xFFFFFF70];
	_ =	sdelay $0x4  }
0x1b6: {  	v54 =	vshll.u32 v3, $0x1  }
0x1b7: {  	v3 =	vand.u32 $0x7, v3;
	v4 =	vand.u32 $0xFFFFFFF0, v54  }
0x1b8: {  	v3 =	vor.u32 v3, v4  }
0x1b9: {  	v4 =	vperm.xlane v3, v0;
	_ =	sdelay $0x1  }
0x1ba: {  	v3 =	vperm.xlane v3, v2;
	v4 =	vadd.s32 v1, v4;
	_ =	sdelay $0x1  }
0x1bb: {  	v3 =	vadd.s32 v1, v3;
	_ =	sdelay $0x1  }
0x1bc: {  	s15 =	simm.s32 $0xE600  }
0x1bd: {  	[tilespmem:s15], [sflag:$0x2] =	stream.indirect_vreg.gather [hbm4b:s3+s2], $0x80, v4, vm0, $0xb8;
	[tilespmem:$0x18600] =	vst v63  }
0x1be: {  	s15 =	simm.s32 $0xEE00  }
0x1bf: {  	[tilespmem:s15], [sflag:$0x2] =	stream.indirect_vreg.gather [hbm4b:s3+s2], $0x80, v3, vm0, $0xb8;
	[tilespmem:$0x18600] =	vst v63  }
0x1c0: {  	v3 =	vld [tilespmem:s0+$0xFFFFFF80];
	_ =	sdelay $0x4  }
0x1c1: {  	v55 =	vshll.u32 v3, $0x1  }
0x1c2: {  	v3 =	vand.u32 $0x7, v3;
	v4 =	vand.u32 $0xFFFFFFF0, v55  }
0x1c3: {  	v3 =	vor.u32 v3, v4  }
0x1c4: {  	v4 =	vperm.xlane v3, v0;
	_ =	sdelay $0x1  }
0x1c5: {  	v3 =	vperm.xlane v3, v2;
	v4 =	vadd.s32 v1, v4;
	_ =	sdelay $0x1  }
0x1c6: {  	v3 =	vadd.s32 v1, v3;
	_ =	sdelay $0x1  }
0x1c7: {  	s15 =	simm.s32 $0xF600  }
0x1c8: {  	[tilespmem:s15], [sflag:$0x2] =	stream.indirect_vreg.gather [hbm4b:s3+s2], $0x80, v4, vm0, $0xb8;
	[tilespmem:$0x18600] =	vst v63  }
0x1c9: {  	s15 =	simm.s32 $0xFE00  }
0x1ca: {  	[tilespmem:s15], [sflag:$0x2] =	stream.indirect_vreg.gather [hbm4b:s3+s2], $0x80, v3, vm0, $0xb8;
	[tilespmem:$0x18600] =	vst v63  }
0x1cb: {  	v3 =	vld [tilespmem:s0+$0xFFFFFF90];
	_ =	sdelay $0x4  }
0x1cc: {  	v56 =	vshll.u32 v3, $0x1  }
0x1cd: {  	v3 =	vand.u32 $0x7, v3;
	v4 =	vand.u32 $0xFFFFFFF0, v56  }
0x1ce: {  	v3 =	vor.u32 v3, v4  }
0x1cf: {  	v4 =	vperm.xlane v3, v0;
	_ =	sdelay $0x1  }
0x1d0: {  	v3 =	vperm.xlane v3, v2;
	v4 =	vadd.s32 v1, v4;
	_ =	sdelay $0x1  }
0x1d1: {  	v3 =	vadd.s32 v1, v3;
	_ =	sdelay $0x1  }
0x1d2: {  	s15 =	simm.s32 $0x10600  }
0x1d3: {  	[tilespmem:s15], [sflag:$0x2] =	stream.indirect_vreg.gather [hbm4b:s3+s2], $0x80, v4, vm0, $0xb8;
	[tilespmem:$0x18600] =	vst v63  }
0x1d4: {  	s15 =	simm.s32 $0x10E00  }
0x1d5: {  	[tilespmem:s15], [sflag:$0x2] =	stream.indirect_vreg.gather [hbm4b:s3+s2], $0x80, v3, vm0, $0xb8;
	[tilespmem:$0x18600] =	vst v63  }
0x1d6: {  	v3 =	vld [tilespmem:s0+$0xFFFFFFA0];
	_ =	sdelay $0x4  }
0x1d7: {  	v57 =	vshll.u32 v3, $0x1  }
0x1d8: {  	v3 =	vand.u32 $0x7, v3;
	v4 =	vand.u32 $0xFFFFFFF0, v57  }
0x1d9: {  	v3 =	vor.u32 v3, v4  }
0x1da: {  	v4 =	vperm.xlane v3, v0;
	_ =	sdelay $0x1  }
0x1db: {  	v3 =	vperm.xlane v3, v2;
	v4 =	vadd.s32 v1, v4;
	_ =	sdelay $0x1  }
0x1dc: {  	v3 =	vadd.s32 v1, v3;
	_ =	sdelay $0x1  }
0x1dd: {  	s15 =	simm.s32 $0x11600  }
0x1de: {  	[tilespmem:s15], [sflag:$0x2] =	stream.indirect_vreg.gather [hbm4b:s3+s2], $0x80, v4, vm0, $0xb8;
	[tilespmem:$0x18600] =	vst v63  }
0x1df: {  	s15 =	simm.s32 $0x11E00  }
0x1e0: {  	[tilespmem:s15], [sflag:$0x2] =	stream.indirect_vreg.gather [hbm4b:s3+s2], $0x80, v3, vm0, $0xb8;
	[tilespmem:$0x18600] =	vst v63  }
0x1e1: {  	v3 =	vld [tilespmem:s0+$0xFFFFFFB0];
	_ =	sdelay $0x4  }
0x1e2: {  	v58 =	vshll.u32 v3, $0x1  }
0x1e3: {  	v3 =	vand.u32 $0x7, v3;
	v4 =	vand.u32 $0xFFFFFFF0, v58  }
0x1e4: {  	v3 =	vor.u32 v3, v4  }
0x1e5: {  	v4 =	vperm.xlane v3, v0;
	_ =	sdelay $0x1  }
0x1e6: {  	v3 =	vperm.xlane v3, v2;
	v4 =	vadd.s32 v1, v4;
	_ =	sdelay $0x1  }
0x1e7: {  	v3 =	vadd.s32 v1, v3;
	_ =	sdelay $0x1  }
0x1e8: {  	s15 =	simm.s32 $0x12600  }
0x1e9: {  	[tilespmem:s15], [sflag:$0x2] =	stream.indirect_vreg.gather [hbm4b:s3+s2], $0x80, v4, vm0, $0xb8;
	[tilespmem:$0x18600] =	vst v63  }
0x1ea: {  	s15 =	simm.s32 $0x12E00  }
0x1eb: {  	[tilespmem:s15], [sflag:$0x2] =	stream.indirect_vreg.gather [hbm4b:s3+s2], $0x80, v3, vm0, $0xb8;
	[tilespmem:$0x18600] =	vst v63  }
0x1ec: {  	v3 =	vld [tilespmem:s0+$0xFFFFFFC0];
	_ =	sdelay $0x4  }
0x1ed: {  	v59 =	vshll.u32 v3, $0x1  }
0x1ee: {  	v3 =	vand.u32 $0x7, v3;
	v4 =	vand.u32 $0xFFFFFFF0, v59  }
0x1ef: {  	v3 =	vor.u32 v3, v4  }
0x1f0: {  	v4 =	vperm.xlane v3, v0;
	_ =	sdelay $0x1  }
0x1f1: {  	v3 =	vperm.xlane v3, v2;
	v4 =	vadd.s32 v1, v4;
	_ =	sdelay $0x1  }
0x1f2: {  	v3 =	vadd.s32 v1, v3;
	_ =	sdelay $0x1  }
0x1f3: {  	s15 =	simm.s32 $0x13600  }
0x1f4: {  	[tilespmem:s15], [sflag:$0x2] =	stream.indirect_vreg.gather [hbm4b:s3+s2], $0x80, v4, vm0, $0xb8;
	[tilespmem:$0x18600] =	vst v63  }
0x1f5: {  	s15 =	simm.s32 $0x13E00  }
0x1f6: {  	[tilespmem:s15], [sflag:$0x2] =	stream.indirect_vreg.gather [hbm4b:s3+s2], $0x80, v3, vm0, $0xb8;
	[tilespmem:$0x18600] =	vst v63  }
0x1f7: {  	v3 =	vld [tilespmem:s0+$0xFFFFFFD0];
	_ =	sdelay $0x4  }
0x1f8: {  	v60 =	vshll.u32 v3, $0x1  }
0x1f9: {  	v3 =	vand.u32 $0x7, v3;
	v4 =	vand.u32 $0xFFFFFFF0, v60  }
0x1fa: {  	v3 =	vor.u32 v3, v4  }
0x1fb: {  	v4 =	vperm.xlane v3, v0;
	_ =	sdelay $0x1  }
0x1fc: {  	v3 =	vperm.xlane v3, v2;
	v4 =	vadd.s32 v1, v4;
	_ =	sdelay $0x1  }
0x1fd: {  	v3 =	vadd.s32 v1, v3;
	_ =	sdelay $0x1  }
0x1fe: {  	s15 =	simm.s32 $0x14600  }
0x1ff: {  	[tilespmem:s15], [sflag:$0x2] =	stream.indirect_vreg.gather [hbm4b:s3+s2], $0x80, v4, vm0, $0xb8;
	[tilespmem:$0x18600] =	vst v63  }
0x200: {  	s15 =	simm.s32 $0x14E00  }
0x201: {  	[tilespmem:s15], [sflag:$0x2] =	stream.indirect_vreg.gather [hbm4b:s3+s2], $0x80, v3, vm0, $0xb8;
	[tilespmem:$0x18600] =	vst v63  }
0x202: {  	v3 =	vld [tilespmem:s0+$0xFFFFFFE0];
	_ =	sdelay $0x4  }
0x203: {  	v61 =	vshll.u32 v3, $0x1  }
0x204: {  	v3 =	vand.u32 $0x7, v3;
	v4 =	vand.u32 $0xFFFFFFF0, v61  }
0x205: {  	v3 =	vor.u32 v3, v4  }
0x206: {  	v4 =	vperm.xlane v3, v0;
	_ =	sdelay $0x1  }
0x207: {  	v3 =	vperm.xlane v3, v2;
	v4 =	vadd.s32 v1, v4;
	_ =	sdelay $0x1  }
0x208: {  	v3 =	vadd.s32 v1, v3;
	_ =	sdelay $0x1  }
0x209: {  	s15 =	simm.s32 $0x15600  }
0x20a: {  	[tilespmem:s15], [sflag:$0x2] =	stream.indirect_vreg.gather [hbm4b:s3+s2], $0x80, v4, vm0, $0xb8;
	[tilespmem:$0x18600] =	vst v63  }
0x20b: {  	s15 =	simm.s32 $0x15E00  }
0x20c: {  	[tilespmem:s15], [sflag:$0x2] =	stream.indirect_vreg.gather [hbm4b:s3+s2], $0x80, v3, vm0, $0xb8;
	[tilespmem:$0x18600] =	vst v63  }
0x20d: {  	v3 =	vld [tilespmem:s0+$0xFFFFFFF0];
	_ =	sdelay $0x4  }
0x20e: {  	v62 =	vshll.u32 v3, $0x1  }
0x20f: {  	v3 =	vand.u32 $0x7, v3;
	v4 =	vand.u32 $0xFFFFFFF0, v62  }
0x210: {  	v3 =	vor.u32 v3, v4  }
0x211: {  	v4 =	vperm.xlane v3, v0;
	_ =	sdelay $0x1  }
0x212: {  	v3 =	vperm.xlane v3, v2;
	v4 =	vadd.s32 v1, v4;
	_ =	sdelay $0x1  }
0x213: {  	v3 =	vadd.s32 v1, v3;
	_ =	sdelay $0x1  }
0x214: {  	s15 =	simm.s32 $0x16600  }
0x215: {  	[tilespmem:s15], [sflag:$0x2] =	stream.indirect_vreg.gather [hbm4b:s3+s2], $0x80, v4, vm0, $0xb8;
	[tilespmem:$0x18600] =	vst v63  }
0x216: {  	s15 =	simm.s32 $0x16E00  }
0x217: {  	[tilespmem:s15], [sflag:$0x2] =	stream.indirect_vreg.gather [hbm4b:s3+s2], $0x80, v3, vm0, $0xb8;
	[tilespmem:$0x18600] =	vst v63  }
0x218: {  	v3 =	vld [tilespmem:s0+$0x0];
	_ =	sdelay $0x4  }
0x219: {  	v63 =	vshll.u32 v3, $0x1  }
0x21a: {  	v3 =	vand.u32 $0x7, v3;
	v4 =	vand.u32 $0xFFFFFFF0, v63  }
0x21b: {  	v3 =	vor.u32 v3, v4  }
0x21c: {  	v4 =	vperm.xlane v3, v0;
	_ =	sdelay $0x1  }
0x21d: {  	v3 =	vperm.xlane v3, v2;
	v4 =	vadd.s32 v1, v4;
	_ =	sdelay $0x1  }
0x21e: {  	p0 =	sne.s32 s5, $0x6000;
	v3 =	vadd.s32 v1, v3  }
.Ltmp0:
0x21f: {  	_ = 	snop;
	(pc) =	sbr.rel @p0 .LBB2_2-.Ltmp0, $4  }
0x220: {  	s4 =	simm.s32 $0x600  }
0x221: {  	[tilespmem:s19], [sflag:$0x2] =	stream.indirect_vreg.gather [hbm4b:s3+s2], $0x80, v4, vm0, $0xb8;
	[tilespmem:$0x18600] =	vst v63  }
0x222: {  	s5 =	sadd.s32 $0x3000, s5;
	s11 =	simm.s32 $0xC600;
	s0 =	sadd.s32 $0x180, s0  }
0x223: {  	[tilespmem:s23], [sflag:$0x2] =	stream.indirect_vreg.gather [hbm4b:s3+s2], $0x80, v3, vm0, $0xb8;
	[tilespmem:$0x18600] =	vst v63  }
0x224: {  	_ =	swait.ge [sflag:s31], $0xC000  }
0x225: {  	[sflag:s31] =	ssyncset.done $0x0  }
0x226: {  	s0 =	rddreg [dreg:$0x4];
	[sflag:s31] =	ssyncadd.s32 $0xFFFF4000  }
0x227: {  	[hbm4b:s0+s2] =	stream.linear.scatter [tilespmem:s4], [sflag:$0x3], $0xC000, $0x38;
	[tilespmem:$0x18600] =	vst v63  }
0x228: {  	_ =	swait.ge [sflag:s8], $0xC000  }
0x229: {  	[sflag:s8] =	ssyncset.done $0x0  }
0x22a: {  	[sflag:s8] =	ssyncadd.s32 $0xFFFF4000  }
0x22b: {  	s6 =	simm.s32 $0x1600;
	s7 =	simm.s32 $0x1E00;
	_ =	swait.ge [sflag:s1], $0xC000  }
0x22c: {  	s10 =	simm.s32 $0x2600;
	s29 =	simm.s32 $0x2E00;
	[sflag:s1] =	ssyncset.done $0x0  }
0x22d: {  	s12 =	simm.s32 $0x3600;
	s25 =	rddreg [dreg:$0x5];
	[sflag:s1] =	ssyncadd.s32 $0xFFFF4000  }
0x22e: {  	[hbm4b:s25+s2] =	stream.linear.scatter [tilespmem:s11], [sflag:$0x3], $0xC000, $0x38;
	[tilespmem:$0x18600] =	vst v63  }
0x22f: {  	s13 =	simm.s32 $0x3E00;
	s14 =	simm.s32 $0x4600;
	_ =	swait.ge [sflag:s8], $0xC000  }
0x230: {  	s15 =	simm.s32 $0x4E00;
	s16 =	simm.s32 $0x5600;
	s5 =	rddreg [dreg:$0x7]  }
0x231: {  	s17 =	simm.s32 $0x5E00;
	s26 =	rddreg [dreg:$0x6];
	s5 =	sadd.s32 $0x1, s5  }
0x232: {  	s18 =	simm.s32 $0x6600;
	s19 =	simm.s32 $0x6E00;
	p0 =	sne.s32 s5, s26  }
.Ltmp1:
0x233: {  	s20 =	simm.s32 $0x7600;
	s21 =	simm.s32 $0x7E00;
	(pc) =	sbr.rel @p0 .LBB2_1-.Ltmp1, $4  }
0x234: {  	s22 =	simm.s32 $0x8600;
	s23 =	simm.s32 $0x8E00;
	s24 =	simm.s32 $0x9600  }
0x235: {  	s28 =	simm.s32 $0xAE00;
	s9 =	simm.s32 $0xB600;
	[sflag:s8] =	ssyncset.done $0x0  }
0x236: {  	s30 =	simm.s32 $0xBE00;
	s25 =	simm.s32 $0x9E00;
	[sflag:s8] =	ssyncadd.s32 $0xFFFF4000  }
0x237: {  	[dreg:$0x7] =	wrdreg s5;
	s5 =	simm.s32 $0xE00;
	s26 =	simm.s32 $0xA600  }
0x238: {  	_ =	sfence.sel $0x180000  }
0x239: {  	[bflag:$0x0] =	sbarrier.arrive $0xFFFF  }
0x23a: {  	_ =	strace $0x90000047  }
0x23b: {  	s0 =	stileid.u32;
	[bflag:$0x2] =	sbarrier.arrive $0xFFFF  }
0x23c: {  	p0 =	sne.s32 s0, $0x0;
	s0 =	rddreg [dreg:$0x1]  }
0x23d: {  	s0 =	sadd.s32 @!p0 $0x100000, s0  }
0x23e: {  	[sflag:s0] =	ssyncadd.tile.s32 @!p0 $0x1;
	_ =	shalt  }
.Lfunc_end2:
_tile_overlayer_lowered:
.L_overlay_start_2:
0x23f: {  	(tag) =	ssettag $0x2  }
0x240: {  	s0 =	rddreg [dreg:$0x0];
	s2 =	stileid.u32  }
0x241: {  	s1 =	rddreg [dreg:$0x1];
	p0 =	sne.s32 s2, $0x0  }
0x242: {  	s3 =	rddreg [dreg:$0x2];
	[bflag:$0x3] =	sbarrier.arrive $0xFFFF;
	s2 =	simm.s32 @!p0 $0x1C03  }
0x243: {  	[timem:s3], [sflag:s2] =	dma.local @!p0 [hbm:s0], s1  }
0x244: {  	s0 =	simm.s32 @!p0 $0x3  }
0x245: {  	_ =	swait.ge @!p0 [sflag:s0], s1  }
0x246: {  	s1 =	ssub.s32 @!p0 $0x0, s1;
	[sflag:s0] =	ssyncset.done @!p0 $0x0  }
0x247: {  	[sflag:s0] =	ssyncadd.s32 @!p0 s1  }
0x248: {  	[bflag:$0x3] =	sbarrier.arrive $0xFFFF  }
0x249: {  	_ =	shalt  }

// kernel: kernel.21.cloned.1.call-start
scs
__scs_entry_jumppad:
0x0: {  	(pc) =	sbr.rel $0x88, $3  }
0x1: {  	(tag) =	ssettag $0x0;
	lr =	simm.s32 $0x1  }
0x2: {  	[smem:$0x3F9C] =	sst lr;
	_ =	strace $0xD0000000  }
0x3: {  	_ = 	snop  }
0x4: {  	_ = 	snop  }
0x5: {  	_ = 	snop  }
0x6: {  	_ = 	snop  }
0x7: {  	_ = 	snop  }
__scs_overlays_trampoline_lowered:
0x8: {  	[smem:$0x3FAB] =	sst s0  }
0x9: {  	[smem:$0x3FAC] =	sst s1  }
0xa: {  	[smem:$0x3FAD] =	sst s2  }
0xb: {  	[smem:$0x3FAE] =	sst s3  }
0xc: {  	[smem:$0x3FAF] =	sst s4  }
0xd: {  	[smem:$0x3FB0] =	sst s5  }
0xe: {  	[smem:$0x3FB1] =	sst s6  }
0xf: {  	[smem:$0x3FB2] =	sst s7  }
0x10: {  	[smem:$0x3FB3] =	sst s8  }
0x11: {  	[smem:$0x3FB4] =	sst s9;
	s0 =	simm.s32 @!p0 $0x0  }
0x12: {  	s1 =	sld [smem:$0x3F9A];
	s0 =	simm.s32 @p0 $0x1  }
0x13: {  	[smem:$0x3FB5] =	sst s0;
	s0 =	simm.s32 @!p1 $0x0  }
0x14: {  	s2 =	sld [smem:$0x3F99];
	s0 =	simm.s32 @p1 $0x1  }
0x15: {  	[smem:$0x3FB6] =	sst s0;
	s0 =	simm.s32 @!p2 $0x0  }
0x16: {  	s3 =	sld [smem:$0x3FDB];
	s0 =	simm.s32 @p2 $0x1  }
0x17: {  	s4 =	simm.s32 $0x1BF5;
	[smem:$0x3FB8] =	sst s0  }
0x18: {  	s0 =	sld [smem:$0x3F9B];
	_ =	swait.ge [sflag:s4], $0x0  }
0x19: {  	s7 =	sld [smem:$0x3F9C]  }
0x1a: {  	s8 =	sadd.s32 $0xFFFFE003, lr  }
0x1b: {  	s9 =	sadd.s32 $0xFFFFFEF7, lr;
	s5 =	simm.s32 $0xFFFFFFFF;
	p2 =	slt.u32 s8, $0xFFFFF086  }
0x1c: {  	p1 =	slt.u32 s9, $0xF7A;
	s5 =	simm.s32 @!p2 $0x0  }
0x1d: {  	s5 =	simm.s32 @p1 $0x1;
	p0 =	seq.s32 s7, s2  }
0x1e: {  	s7 =	smul.u32 @!p0 $0xF7A, s2;
	p2 =	seq.s32 @!p0 s5, $0x0  }
0x1f: {  	s9 =	smul.u32 $0xF7A, s1;
	s8 =	simm.s32 @!p0 $0x1BF5;
	p2 =	por !p2, p0  }
0x20: {  	[sflag:s8] =	ssyncset.s32 @!p0 $0xFFFFF086;
	s6 =	sadd.s32 @!p0 s3, s7;
	s7 =	simm.s32 @!p0 $0x108  }
0x21: {  	s3 =	sadd.s32 s3, s9;
	s6 =	sadd.s32 @!p0 $0x88, s6;
	s7 =	simm.s32 @p2 $0x1082  }
0x22: {  	[simem:s7], [sflag:s8] =	dma.local @!p0 [hbm:s6], $0xF7A  }
0x23: {  	s9 =	sor.u32 $0xD0000000, s2;
	s6 =	simm.s32 $0x108;
	_ =	swait.ge @!p0 [sflag:s8], $0x0  }
0x24: {  	s3 =	sadd.s32 $0x88, s3;
	s6 =	simm.s32 @!p1 $0x1082;
	[sflag:s4] =	ssyncset.s32 $0xFFFFF086  }
0x25: {  	[simem:s6], [sflag:s4] =	dma.local [hbm:s3], $0xF7A  }
0x26: {  	[smem:$0x3F9C] =	sst s1;
	(tag) =	ssettag s2;
	_ =	strace s9  }
0x27: {  	s1 =	sld [smem:$0x3FAC]  }
0x28: {  	s2 =	sld [smem:$0x3FAD]  }
0x29: {  	s4 =	sld [smem:$0x3FAF]  }
0x2a: {  	p0 =	seq.s32 s5, $0x0;
	s5 =	sld [smem:$0x3FB0]  }
0x2b: {  	s6 =	sld [smem:$0x3FB1]  }
0x2c: {  	s7 =	sld [smem:$0x3FB2]  }
0x2d: {  	s3 =	simm.s32 $0x108;
	s8 =	sld [smem:$0x3FB3]  }
0x2e: {  	s3 =	simm.s32 @!p0 $0x1082;
	s9 =	sld [smem:$0x3FB4]  }
0x2f: {  	lr =	sadd.s32 s0, s3;
	s0 =	sld [smem:$0x3FAB]  }
0x30: {  	s3 =	sld [smem:$0x3FAE]  }
0x31: {  	[smem:$0x3FB7] =	sst s10  }
0x32: {  	s10 =	sld [smem:$0x3FB5];
	_ =	sdelay $0x3  }
0x33: {  	p0 =	seq.s32 s10, $0x1;
	s10 =	sld [smem:$0x3FB7];
	_ =	sdelay $0x3  }
0x34: {  	[smem:$0x3FB7] =	sst s10  }
0x35: {  	s10 =	sld [smem:$0x3FB6];
	_ =	sdelay $0x3  }
0x36: {  	p1 =	seq.s32 s10, $0x1;
	s10 =	sld [smem:$0x3FB7];
	_ =	sdelay $0x3  }
0x37: {  	[smem:$0x3FB7] =	sst s10  }
0x38: {  	s10 =	sld [smem:$0x3FB8]  }
0x39: {  	_ = 	snop;
	(pc) =	sbr.ind lr, $3  }
0x3a: {  	_ = 	snop  }
0x3b: {  	_ = 	snop  }
0x3c: {  	p2 =	seq.s32 s10, $0x1;
	s10 =	sld [smem:$0x3FB7]  }
0x3d: {  	_ =	shalt  }
0x3e: {  	_ =	shalt  }
0x3f: {  	_ =	shalt  }
0x40: {  	_ =	shalt  }
0x41: {  	_ =	shalt  }
0x42: {  	_ =	shalt  }
0x43: {  	_ =	shalt  }
0x44: {  	_ =	shalt  }
0x45: {  	_ =	shalt  }
0x46: {  	_ =	shalt  }
0x47: {  	_ =	shalt  }
0x48: {  	_ =	shalt  }
0x49: {  	_ =	shalt  }
0x4a: {  	_ =	shalt  }
0x4b: {  	_ =	shalt  }
0x4c: {  	_ =	shalt  }
0x4d: {  	_ =	shalt  }
0x4e: {  	_ =	shalt  }
0x4f: {  	_ =	shalt  }
0x50: {  	_ =	shalt  }
0x51: {  	_ =	shalt  }
0x52: {  	_ =	shalt  }
0x53: {  	_ =	shalt  }
0x54: {  	_ =	shalt  }
0x55: {  	_ =	shalt  }
0x56: {  	_ =	shalt  }
0x57: {  	_ =	shalt  }
0x58: {  	_ =	shalt  }
0x59: {  	_ =	shalt  }
0x5a: {  	_ =	shalt  }
0x5b: {  	_ =	shalt  }
0x5c: {  	_ =	shalt  }
0x5d: {  	_ =	shalt  }
0x5e: {  	_ =	shalt  }
0x5f: {  	_ =	shalt  }
0x60: {  	_ =	shalt  }
0x61: {  	_ =	shalt  }
0x62: {  	_ =	shalt  }
0x63: {  	_ =	shalt  }
0x64: {  	_ =	shalt  }
0x65: {  	_ =	shalt  }
0x66: {  	_ =	shalt  }
0x67: {  	_ =	shalt  }
0x68: {  	_ =	shalt  }
0x69: {  	_ =	shalt  }
0x6a: {  	_ =	shalt  }
0x6b: {  	_ =	shalt  }
0x6c: {  	_ =	shalt  }
0x6d: {  	_ =	shalt  }
0x6e: {  	_ =	shalt  }
0x6f: {  	_ =	shalt  }
0x70: {  	_ =	shalt  }
0x71: {  	_ =	shalt  }
0x72: {  	_ =	shalt  }
0x73: {  	_ =	shalt  }
0x74: {  	_ =	shalt  }
0x75: {  	_ =	shalt  }
0x76: {  	_ =	shalt  }
0x77: {  	_ =	shalt  }
0x78: {  	_ =	shalt  }
0x79: {  	_ =	shalt  }
0x7a: {  	_ =	shalt  }
0x7b: {  	_ =	shalt  }
0x7c: {  	_ =	shalt  }
0x7d: {  	_ =	shalt  }
0x7e: {  	_ =	shalt  }
0x7f: {  	_ =	shalt  }
0x80: {  	_ =	shalt  }
0x81: {  	_ =	shalt  }
0x82: {  	_ =	shalt  }
0x83: {  	_ =	shalt  }
0x84: {  	_ =	shalt  }
0x85: {  	_ =	shalt  }
0x86: {  	_ =	shalt  }
0x87: {  	_ =	shalt  }
.Lfunc_end0:
.L_simem_size_0:
called_computation.1_lowered:
.L_overlay_start_0:
0x88: {  	s2 =	sld [smem:$0x3FD9]  }
0x89: {  	s3 =	sld [smem:$0x3FFE];
	_ =	sdelay $0x1  }
0x8a: {  	s1 =	srdreg.scid  }
0x8b: {  	s0 =	sand.u32 $0x1, s1  }
0x8c: {  	s17 =	sshll.u32 s0, $0xA;
	s2 =	sadd.s32 s3, s2  }
0x8d: {  	s2 =	sadd.s32 s2, s17  }
0x8e: {  	[smem:$0x3FC3] =	sst s2  }
0x8f: {  	_ = 	snop  }
0x90: {  	(tm) =	ssettm $0x1  }
0x91: {  	s18 =	sld [smem:$0x3FFB];
	_ =	sdelay $0x3  }
0x92: {  	_ =	strace s18  }
0x93: {  	s2 =	sld [smem:$0x3FFC];
	_ =	sdelay $0x3  }
0x94: {  	_ =	strace s2  }
0x95: {  	s2 =	sld [smem:$0x3FFD];
	_ =	sdelay $0x3  }
0x96: {  	_ =	strace s2  }
0x97: {  	_ =	strace $0x8FFFFFFF  }
0x98: {  	s19 =	sld [smem:$0x3FDB];
	_ =	sdelay $0x1  }
0x99: {  	s20 =	simm.s32 $_scs_section_size  }
0x9a: {  	s4 =	simm.s32 $_size__tile_overlayer_lowered;
	s5 =	simm.s32 $_tile_overlayer_lowered  }
0x9b: {  	s6 =	simm.s32 $0x1BFF;
	s21 =	sshll.u32 s5, $0x1;
	s3 =	sadd.s32 s20, s19  }
0x9c: {  	s22 =	simm.s32 $0x0;
	s4 =	sshll.u32 s4, $0x1;
	s5 =	sadd.s32 s21, s3  }
0x9d: {  	[timem:s22], [sflag:s6] =	dma.local [hbm:s5], s4  }
0x9e: {  	_ =	swait.ge [sflag:s6], s4  }
0x9f: {  	s4 =	ssub.s32 $0x0, s4;
	[sflag:s6] =	ssyncset.done $0x0  }
0xa0: {  	[sflag:s6] =	ssyncadd.s32 s4;
	_ =	sdelay $0x1  }
0xa1: {  	s23 =	simm.s32 $0x1B8B  }
0xa2: {  	_ =	swait.ge [sflag:s23], $0x1  }
0xa3: {  	[sflag:s23] =	ssyncset.done $0x0  }
0xa4: {  	[sflag:s23] =	ssyncadd.s32 $0xFFFFFFFF  }
0xa5: {  	s4 =	sld [smem:$0x0]  }
0xa6: {  	s5 =	sand.u32 $0xFFFFFFFE, s1  }
0xa7: {  	p0 =	sne.s32 s1, s5  }
0xa8: {  	s5 =	sshll.u32 @p0 s5, $0xE  }
0xa9: {  	s5 =	sadd.s32 @p0 $0x11B8D, s5;
	s6 =	sshll.u32 @p0 s4, $0x11  }
0xaa: {  	s5 =	sor.u32 @p0 s6, s5  }
0xab: {  	[sflag:s5] =	ssyncadd.remote.s32 @p0 $0x1;
	_ =	sdelay $0x1  }
0xac: {  	s5 =	simm.s32 @p0 $0x1B8D  }
0xad: {  	_ =	swait.eq @p0 [sflag:s5], $0x1  }
0xae: {  	[sflag:s5] =	ssyncadd.s32 @p0 $0xFFFFFFFF  }
0xaf: {  	s6 =	sshll.u32 @!p0 s1, $0xE  }
0xb0: {  	s6 =	sor.u32 @!p0 $0x4000, s6;
	s5 =	simm.s32 @!p0 $0x1B8D  }
0xb1: {  	s4 =	sshll.u32 @!p0 s4, $0x11;
	s6 =	sadd.s32 @!p0 $0x11B8D, s6;
	_ =	swait.eq @!p0 [sflag:s5], $0x1  }
0xb2: {  	s4 =	sor.u32 @!p0 s4, s6;
	[sflag:s5] =	ssyncadd.s32 @!p0 $0xFFFFFFFF  }
0xb3: {  	s25 =	simm.s32 $0x1B8E;
	s24 =	sld [smem:$0x3FFE];
	[sflag:s4] =	ssyncadd.remote.s32 @!p0 $0x1  }
0xb4: {  	s26 =	simm.s32 $execute0_lowered;
	[smem:$0x3FD2] =	sst s25  }
0xb5: {  	s5 =	sshll.u32 s26, $0x1;
	_ =	strace $0x80000049;
	[dreg:$0x1] =	wrdreg $0xFFFFFFFF  }
0xb6: {  	s28 =	simm.s32 $_size_execute0_lowered;
	s3 =	sadd.s32 s3, s5;
	[dreg:$0x0] =	wrdreg $0x0  }
0xb7: {  	s5 =	sshll.u32 s28, $0x1;
	[dreg:$0x2] =	wrdreg s3  }
0xb8: {  	[dreg:$0x3] =	wrdreg s5  }
0xb9: {  	[dreg:$0x4] =	wrdreg $0xC0  }
0xba: {  	_ =	task [dreg:s22], $0x5FFFF  }
0xbb: {  	[dreg:$0x1] =	wrdreg $0xFFFFFFFF  }
0xbc: {  	[dreg:$0x0] =	wrdreg $0x60  }
0xbd: {  	[dreg:$0x2] =	wrdreg s24  }
0xbe: {  	[dreg:$0x3] =	wrdreg $0xA  }
0xbf: {  	_ =	task.clear_ibuf [dreg:s22], $0x4FFFF;
	_ =	strace $0x90000049  }
0xc0: {  	s29 =	simm.s32 $0xA;
	_ =	strace $0x8000004B  }
0xc1: {  	_ =	swait.ge [sflag:s29], $0x1  }
0xc2: {  	[sflag:s29] =	ssyncadd.s32 $0xFFFFFFFF  }
0xc3: {  	_ =	strace $0x9000004B  }
0xc4: {  	_ =	sfence  }
0xc5: {  	s30 =	sld [smem:$0x0];
	_ =	sdelay $0x2  }
0xc6: {  	s31 =	sshll.u32 s1, $0xD;
	s1 =	sshrl.u32 s1, $0x2  }
0xc7: {  	s4 =	sand.u32 $0x4000, s31;
	s1 =	sadd.s32 s1, s30  }
0xc8: {  	s0 =	sor.u32 s4, s0;
	s1 =	sshll.u32 s1, $0x11  }
0xc9: {  	s0 =	sor.u32 s1, s0  }
0xca: {  	s0 =	sadd.s32 $0x8F2B, s0  }
0xcb: {  	[sflag:s0] =	ssyncadd.remote.s32 $0x1  }
0xcc: {  	_ =	sfence.sel $0xFFFF  }
0xcd: {  	[dreg:$0x0] =	wrdreg $0xFFFFFFFF;
	(pc) =	sbr.abs _section_cstart, $3  }
0xce: {  	[dreg:$0x1] =	wrdreg $0xFFFFFFFF  }
0xcf: {  	_ =	task.clear_ibuf [dreg:s22], $0x2FFFF;
	_ =	strace $0x9FFFFFFF  }
0xd0: {  	(tm) =	ssettm $0x7FFFFFFF  }
0xd1: {  	_ =	shalt  }
tec
execute0_lowered:
.L_overlay_start_1:
0x0: {  	(tag) =	ssettag $0x1  }
0x1: {  	s0 =	srdreg.scid  }
0x2: {  	s8 =	stileid.u32;
	s4 =	rddreg [dreg:$0x0]  }
0x3: {  	s2 =	simm.s32 $0x0;
	s10 =	simm.s32 $0x2600;
	s29 =	simm.s32 $0x2E00  }
0x4: {  	s12 =	simm.s32 $0x3600;
	s13 =	simm.s32 $0x3E00;
	s14 =	simm.s32 $0x4600  }
0x5: {  	s15 =	simm.s32 $0x4E00;
	s16 =	simm.s32 $0x5600;
	s17 =	simm.s32 $0x5E00  }
0x6: {  	s18 =	simm.s32 $0x6600;
	s19 =	simm.s32 $0x6E00;
	s20 =	simm.s32 $0x7600  }
0x7: {  	s21 =	simm.s32 $0x7E00;
	s22 =	simm.s32 $0x8600;
	s23 =	simm.s32 $0x8E00  }
0x8: {  	s24 =	simm.s32 $0x9600;
	s28 =	simm.s32 $0xAE00;
	s9 =	simm.s32 $0xB600  }
0x9: {  	s30 =	simm.s32 $0xBE00;
	s11 =	simm.s32 $0xC600;
	s31 =	simm.s32 $0x1  }
0xa: {  	s0 =	sand.u32 $0x1, s0;
	s1 =	sshll.u32 s8, $0x1;
	s8 =	smul.u32 $0x18000, s8  }
0xb: {  	s1 =	sor.u32 s0, s1;
	s6 =	ssub.s32 $0x2, s0;
	s0 =	smul.u32 $0xC000, s0  }
0xc: {  	[smem:$0x7FF] =	sst s2;
	s3 =	sadd.s32 $0x2A400, s4;
	s5 =	smul.u32 $0x600, s1  }
0xd: {  	_ =	strace $0x8000004A;
	s1 =	smul.u32 $0x60000, s1;
	s7 =	sshrl.u32 s6, $0x1  }
0xe: {  	s6 =	ssub.s32 s6, s7;
	s7 =	simm.s32 $0x1E00;
	s5 =	sshrl.u32 s5, $0x3  }
0xf: {  	s1 =	sshrl.u32 s1, $0x3;
	s26 =	smax.u32 s6, $0x1;
	s6 =	simm.s32 $0x1600  }
0x10: {  	s5 =	sadd.s32 s5, s4;
	s4 =	sadd.s32 $0x219200, s4;
	[dreg:$0x6] =	wrdreg s26  }
0x11: {  	s26 =	simm.s32 $0xA600;
	s5 =	sadd.s32 $0x217A00, s5;
	s1 =	sadd.s32 s4, s1  }
0x12: {  	s4 =	sadd.s32 s8, s4;
	[dreg:$0x3] =	wrdreg s5;
	s25 =	sadd.s32 $0x9000, s1  }
0x13: {  	s8 =	simm.s32 $0x3;
	s1 =	sadd.s32 $0xA800, s1;
	[dreg:$0x4] =	wrdreg s25  }
0x14: {  	v2 =	vlaneseq.u32;
	s0 =	sadd.s32 s0, s4;
	s4 =	simm.s32 $0x600;
	[dreg:$0x5] =	wrdreg s1  }
0x15: {  	vm0 =	vmmov $0xffff;
	v1 =	vshrl.u32 v2, $0x3;
	s5 =	simm.s32 $0xE00;
	[dreg:$0x2] =	wrdreg s0;
	s0 =	simm.s32 $0x0  }
0x16: {  	v0 =	vand.u32 $0x7, v2;
	v2 =	vor.u32 $0x8, v2;
	v1 =	vmul.u32 $0x8, v1;
	s25 =	simm.s32 $0x9E00;
	s1 =	simm.s32 $0x2;
	[dreg:$0x7] =	wrdreg s0  }
.LBB2_1:
0x17: {  	s0 =	rddreg [dreg:$0x3]  }
0x18: {  	[tilespmem:s2], [sflag:$0x3] =	stream.linear.gather [hbm4b:s0+s2], $0x600, $0x38;
	[tilespmem:$0x18600] =	vst v63  }
0x19: {  	_ =	swait.ge [sflag:s8], $0x600  }
0x1a: {  	[sflag:s8] =	ssyncset.done $0x0  }
0x1b: {  	[sflag:s8] =	ssyncadd.s32 $0xFFFFFA00  }
0x1c: {  	v3 =	vld [tilespmem:$0x0];
	_ =	sdelay $0x4  }
0x1d: {  	v4 =	vshll.u32 v3, $0x1  }
0x1e: {  	v3 =	vand.u32 $0x7, v3;
	v4 =	vand.u32 $0xFFFFFFF0, v4  }
0x1f: {  	v3 =	vor.u32 v3, v4  }
0x20: {  	v4 =	vperm.xlane v3, v0;
	_ =	sdelay $0x1  }
0x21: {  	v3 =	vperm.xlane v3, v2;
	v4 =	vadd.s32 v1, v4;
	_ =	sdelay $0x1  }
0x22: {  	v3 =	vadd.s32 v1, v3;
	_ =	sdelay $0x2  }
0x23: {  	[tilespmem:s4], [sflag:$0x1] =	stream.indirect_vreg.gather [hbm4b:s3+s2], $0x80, v4, vm0, $0xb8;
	[tilespmem:$0x18600] =	vst v63  }
0x24: {  	_ = 	snop  }
0x25: {  	[tilespmem:s5], [sflag:$0x1] =	stream.indirect_vreg.gather [hbm4b:s3+s2], $0x80, v3, vm0, $0xb8;
	[tilespmem:$0x18600] =	vst v63  }
0x26: {  	v3 =	vld [tilespmem:$0x10];
	_ =	sdelay $0x4  }
0x27: {  	v41 =	vshll.u32 v3, $0x1  }
0x28: {  	v3 =	vand.u32 $0x7, v3;
	v4 =	vand.u32 $0xFFFFFFF0, v41  }
0x29: {  	v3 =	vor.u32 v3, v4  }
0x2a: {  	v4 =	vperm.xlane v3, v0;
	_ =	sdelay $0x1  }
0x2b: {  	v3 =	vperm.xlane v3, v2;
	v4 =	vadd.s32 v1, v4;
	_ =	sdelay $0x1  }
0x2c: {  	v3 =	vadd.s32 v1, v3;
	_ =	sdelay $0x2  }
0x2d: {  	[tilespmem:s6], [sflag:$0x1] =	stream.indirect_vreg.gather [hbm4b:s3+s2], $0x80, v4, vm0, $0xb8;
	[tilespmem:$0x18600] =	vst v63  }
0x2e: {  	_ = 	snop  }
0x2f: {  	[tilespmem:s7], [sflag:$0x1] =	stream.indirect_vreg.gather [hbm4b:s3+s2], $0x80, v3, vm0, $0xb8;
	[tilespmem:$0x18600] =	vst v63  }
0x30: {  	v3 =	vld [tilespmem:$0x20];
	_ =	sdelay $0x4  }
0x31: {  	v42 =	vshll.u32 v3, $0x1  }
0x32: {  	v3 =	vand.u32 $0x7, v3;
	v4 =	vand.u32 $0xFFFFFFF0, v42  }
0x33: {  	v3 =	vor.u32 v3, v4  }
0x34: {  	v4 =	vperm.xlane v3, v0;
	_ =	sdelay $0x1  }
0x35: {  	v3 =	vperm.xlane v3, v2;
	v4 =	vadd.s32 v1, v4;
	_ =	sdelay $0x1  }
0x36: {  	v3 =	vadd.s32 v1, v3;
	_ =	sdelay $0x2  }
0x37: {  	[tilespmem:s10], [sflag:$0x1] =	stream.indirect_vreg.gather [hbm4b:s3+s2], $0x80, v4, vm0, $0xb8;
	[tilespmem:$0x18600] =	vst v63  }
0x38: {  	_ = 	snop  }
0x39: {  	[tilespmem:s29], [sflag:$0x1] =	stream.indirect_vreg.gather [hbm4b:s3+s2], $0x80, v3, vm0, $0xb8;
	[tilespmem:$0x18600] =	vst v63  }
0x3a: {  	v3 =	vld [tilespmem:$0x30];
	_ =	sdelay $0x4  }
0x3b: {  	v43 =	vshll.u32 v3, $0x1  }
0x3c: {  	v3 =	vand.u32 $0x7, v3;
	v4 =	vand.u32 $0xFFFFFFF0, v43  }
0x3d: {  	v3 =	vor.u32 v3, v4  }
0x3e: {  	v4 =	vperm.xlane v3, v0;
	_ =	sdelay $0x1  }
0x3f: {  	v3 =	vperm.xlane v3, v2;
	v4 =	vadd.s32 v1, v4;
	_ =	sdelay $0x1  }
0x40: {  	v3 =	vadd.s32 v1, v3;
	_ =	sdelay $0x2  }
0x41: {  	[tilespmem:s12], [sflag:$0x1] =	stream.indirect_vreg.gather [hbm4b:s3+s2], $0x80, v4, vm0, $0xb8;
	[tilespmem:$0x18600] =	vst v63  }
0x42: {  	_ = 	snop  }
0x43: {  	[tilespmem:s13], [sflag:$0x1] =	stream.indirect_vreg.gather [hbm4b:s3+s2], $0x80, v3, vm0, $0xb8;
	[tilespmem:$0x18600] =	vst v63  }
0x44: {  	v3 =	vld [tilespmem:$0x40];
	_ =	sdelay $0x4  }
0x45: {  	v44 =	vshll.u32 v3, $0x1  }
0x46: {  	v3 =	vand.u32 $0x7, v3;
	v4 =	vand.u32 $0xFFFFFFF0, v44  }
0x47: {  	v3 =	vor.u32 v3, v4  }
0x48: {  	v4 =	vperm.xlane v3, v0;
	_ =	sdelay $0x1  }
0x49: {  	v3 =	vperm.xlane v3, v2;
	v4 =	vadd.s32 v1, v4;
	_ =	sdelay $0x1  }
0x4a: {  	v3 =	vadd.s32 v1, v3;
	_ =	sdelay $0x2  }
0x4b: {  	[tilespmem:s14], [sflag:$0x1] =	stream.indirect_vreg.gather [hbm4b:s3+s2], $0x80, v4, vm0, $0xb8;
	[tilespmem:$0x18600] =	vst v63  }
0x4c: {  	_ = 	snop  }
0x4d: {  	[tilespmem:s15], [sflag:$0x1] =	stream.indirect_vreg.gather [hbm4b:s3+s2], $0x80, v3, vm0, $0xb8;
	[tilespmem:$0x18600] =	vst v63  }
0x4e: {  	v3 =	vld [tilespmem:$0x50];
	_ =	sdelay $0x4  }
0x4f: {  	v45 =	vshll.u32 v3, $0x1  }
0x50: {  	v3 =	vand.u32 $0x7, v3;
	v4 =	vand.u32 $0xFFFFFFF0, v45  }
0x51: {  	v3 =	vor.u32 v3, v4  }
0x52: {  	v4 =	vperm.xlane v3, v0;
	_ =	sdelay $0x1  }
0x53: {  	v3 =	vperm.xlane v3, v2;
	v4 =	vadd.s32 v1, v4;
	_ =	sdelay $0x1  }
0x54: {  	v3 =	vadd.s32 v1, v3;
	_ =	sdelay $0x2  }
0x55: {  	[tilespmem:s16], [sflag:$0x1] =	stream.indirect_vreg.gather [hbm4b:s3+s2], $0x80, v4, vm0, $0xb8;
	[tilespmem:$0x18600] =	vst v63  }
0x56: {  	_ = 	snop  }
0x57: {  	[tilespmem:s17], [sflag:$0x1] =	stream.indirect_vreg.gather [hbm4b:s3+s2], $0x80, v3, vm0, $0xb8;
	[tilespmem:$0x18600] =	vst v63  }
0x58: {  	v3 =	vld [tilespmem:$0x60];
	_ =	sdelay $0x4  }
0x59: {  	v46 =	vshll.u32 v3, $0x1  }
0x5a: {  	v3 =	vand.u32 $0x7, v3;
	v4 =	vand.u32 $0xFFFFFFF0, v46  }
0x5b: {  	v3 =	vor.u32 v3, v4  }
0x5c: {  	v4 =	vperm.xlane v3, v0;
	_ =	sdelay $0x1  }
0x5d: {  	v3 =	vperm.xlane v3, v2;
	v4 =	vadd.s32 v1, v4;
	_ =	sdelay $0x1  }
0x5e: {  	v3 =	vadd.s32 v1, v3;
	_ =	sdelay $0x2  }
0x5f: {  	[tilespmem:s18], [sflag:$0x1] =	stream.indirect_vreg.gather [hbm4b:s3+s2], $0x80, v4, vm0, $0xb8;
	[tilespmem:$0x18600] =	vst v63  }
0x60: {  	_ = 	snop  }
0x61: {  	[tilespmem:s19], [sflag:$0x1] =	stream.indirect_vreg.gather [hbm4b:s3+s2], $0x80, v3, vm0, $0xb8;
	[tilespmem:$0x18600] =	vst v63  }
0x62: {  	v3 =	vld [tilespmem:$0x70];
	_ =	sdelay $0x4  }
0x63: {  	v47 =	vshll.u32 v3, $0x1  }
0x64: {  	v3 =	vand.u32 $0x7, v3;
	v4 =	vand.u32 $0xFFFFFFF0, v47  }
0x65: {  	v3 =	vor.u32 v3, v4  }
0x66: {  	v4 =	vperm.xlane v3, v0;
	_ =	sdelay $0x1  }
0x67: {  	v3 =	vperm.xlane v3, v2;
	v4 =	vadd.s32 v1, v4;
	_ =	sdelay $0x1  }
0x68: {  	v3 =	vadd.s32 v1, v3;
	_ =	sdelay $0x2  }
0x69: {  	[tilespmem:s20], [sflag:$0x1] =	stream.indirect_vreg.gather [hbm4b:s3+s2], $0x80, v4, vm0, $0xb8;
	[tilespmem:$0x18600] =	vst v63  }
0x6a: {  	_ = 	snop  }
0x6b: {  	[tilespmem:s21], [sflag:$0x1] =	stream.indirect_vreg.gather [hbm4b:s3+s2], $0x80, v3, vm0, $0xb8;
	[tilespmem:$0x18600] =	vst v63  }
0x6c: {  	v3 =	vld [tilespmem:$0x80];
	_ =	sdelay $0x4  }
0x6d: {  	v48 =	vshll.u32 v3, $0x1  }
0x6e: {  	v3 =	vand.u32 $0x7, v3;
	v4 =	vand.u32 $0xFFFFFFF0, v48  }
0x6f: {  	v3 =	vor.u32 v3, v4  }
0x70: {  	v4 =	vperm.xlane v3, v0;
	_ =	sdelay $0x1  }
0x71: {  	v3 =	vperm.xlane v3, v2;
	v4 =	vadd.s32 v1, v4;
	_ =	sdelay $0x1  }
0x72: {  	v3 =	vadd.s32 v1, v3;
	_ =	sdelay $0x2  }
0x73: {  	[tilespmem:s22], [sflag:$0x1] =	stream.indirect_vreg.gather [hbm4b:s3+s2], $0x80, v4, vm0, $0xb8;
	[tilespmem:$0x18600] =	vst v63  }
0x74: {  	_ = 	snop  }
0x75: {  	[tilespmem:s23], [sflag:$0x1] =	stream.indirect_vreg.gather [hbm4b:s3+s2], $0x80, v3, vm0, $0xb8;
	[tilespmem:$0x18600] =	vst v63  }
0x76: {  	v3 =	vld [tilespmem:$0x90];
	_ =	sdelay $0x4  }
0x77: {  	v49 =	vshll.u32 v3, $0x1  }
0x78: {  	v3 =	vand.u32 $0x7, v3;
	v4 =	vand.u32 $0xFFFFFFF0, v49  }
0x79: {  	v3 =	vor.u32 v3, v4  }
0x7a: {  	v4 =	vperm.xlane v3, v0;
	_ =	sdelay $0x1  }
0x7b: {  	v3 =	vperm.xlane v3, v2;
	v4 =	vadd.s32 v1, v4;
	_ =	sdelay $0x1  }
0x7c: {  	v3 =	vadd.s32 v1, v3;
	_ =	sdelay $0x2  }
0x7d: {  	[tilespmem:s24], [sflag:$0x1] =	stream.indirect_vreg.gather [hbm4b:s3+s2], $0x80, v4, vm0, $0xb8;
	[tilespmem:$0x18600] =	vst v63  }
0x7e: {  	_ = 	snop  }
0x7f: {  	[tilespmem:s25], [sflag:$0x1] =	stream.indirect_vreg.gather [hbm4b:s3+s2], $0x80, v3, vm0, $0xb8;
	[tilespmem:$0x18600] =	vst v63  }
0x80: {  	v3 =	vld [tilespmem:$0xA0];
	_ =	sdelay $0x4  }
0x81: {  	v50 =	vshll.u32 v3, $0x1  }
0x82: {  	v3 =	vand.u32 $0x7, v3;
	v4 =	vand.u32 $0xFFFFFFF0, v50  }
0x83: {  	v3 =	vor.u32 v3, v4  }
0x84: {  	v4 =	vperm.xlane v3, v0;
	_ =	sdelay $0x1  }
0x85: {  	v3 =	vperm.xlane v3, v2;
	v4 =	vadd.s32 v1, v4;
	_ =	sdelay $0x1  }
0x86: {  	v3 =	vadd.s32 v1, v3;
	_ =	sdelay $0x2  }
0x87: {  	[tilespmem:s26], [sflag:$0x1] =	stream.indirect_vreg.gather [hbm4b:s3+s2], $0x80, v4, vm0, $0xb8;
	[tilespmem:$0x18600] =	vst v63  }
0x88: {  	_ = 	snop  }
0x89: {  	[tilespmem:s28], [sflag:$0x1] =	stream.indirect_vreg.gather [hbm4b:s3+s2], $0x80, v3, vm0, $0xb8;
	[tilespmem:$0x18600] =	vst v63  }
0x8a: {  	v3 =	vld [tilespmem:$0xB0];
	_ =	sdelay $0x4  }
0x8b: {  	v51 =	vshll.u32 v3, $0x1  }
0x8c: {  	v3 =	vand.u32 $0x7, v3;
	v4 =	vand.u32 $0xFFFFFFF0, v51  }
0x8d: {  	v3 =	vor.u32 v3, v4  }
0x8e: {  	v4 =	vperm.xlane v3, v0;
	_ =	sdelay $0x1  }
0x8f: {  	v3 =	vperm.xlane v3, v2;
	v4 =	vadd.s32 v1, v4;
	_ =	sdelay $0x1  }
0x90: {  	v3 =	vadd.s32 v1, v3;
	_ =	sdelay $0x2  }
0x91: {  	[tilespmem:s9], [sflag:$0x1] =	stream.indirect_vreg.gather [hbm4b:s3+s2], $0x80, v4, vm0, $0xb8;
	[tilespmem:$0x18600] =	vst v63  }
0x92: {  	_ = 	snop  }
0x93: {  	[tilespmem:s30], [sflag:$0x1] =	stream.indirect_vreg.gather [hbm4b:s3+s2], $0x80, v3, vm0, $0xb8;
	[tilespmem:$0x18600] =	vst v63  }
0x94: {  	v3 =	vld [tilespmem:$0xC0];
	_ =	sdelay $0x4  }
0x95: {  	v52 =	vshll.u32 v3, $0x1  }
0x96: {  	v3 =	vand.u32 $0x7, v3;
	v4 =	vand.u32 $0xFFFFFFF0, v52  }
0x97: {  	v3 =	vor.u32 v3, v4  }
0x98: {  	v4 =	vperm.xlane v3, v0;
	_ =	sdelay $0x1  }
0x99: {  	v3 =	vperm.xlane v3, v2;
	v4 =	vadd.s32 v1, v4;
	_ =	sdelay $0x1  }
0x9a: {  	v3 =	vadd.s32 v1, v3;
	_ =	sdelay $0x2  }
0x9b: {  	[tilespmem:s11], [sflag:$0x2] =	stream.indirect_vreg.gather [hbm4b:s3+s2], $0x80, v4, vm0, $0xb8;
	[tilespmem:$0x18600] =	vst v63  }
0x9c: {  	s5 =	simm.s32 $0xCE00  }
0x9d: {  	[tilespmem:s5], [sflag:$0x2] =	stream.indirect_vreg.gather [hbm4b:s3+s2], $0x80, v3, vm0, $0xb8;
	[tilespmem:$0x18600] =	vst v63  }
0x9e: {  	v3 =	vld [tilespmem:$0xD0];
	_ =	sdelay $0x4  }
0x9f: {  	v53 =	vshll.u32 v3, $0x1  }
0xa0: {  	v3 =	vand.u32 $0x7, v3;
	v4 =	vand.u32 $0xFFFFFFF0, v53  }
0xa1: {  	v3 =	vor.u32 v3, v4  }
0xa2: {  	v4 =	vperm.xlane v3, v0;
	_ =	sdelay $0x1  }
0xa3: {  	v3 =	vperm.xlane v3, v2;
	v4 =	vadd.s32 v1, v4;
	_ =	sdelay $0x1  }
0xa4: {  	v3 =	vadd.s32 v1, v3;
	_ =	sdelay $0x1  }
0xa5: {  	s6 =	simm.s32 $0xD600  }
0xa6: {  	[tilespmem:s6], [sflag:$0x2] =	stream.indirect_vreg.gather [hbm4b:s3+s2], $0x80, v4, vm0, $0xb8;
	[tilespmem:$0x18600] =	vst v63  }
0xa7: {  	s7 =	simm.s32 $0xDE00  }
0xa8: {  	[tilespmem:s7], [sflag:$0x2] =	stream.indirect_vreg.gather [hbm4b:s3+s2], $0x80, v3, vm0, $0xb8;
	[tilespmem:$0x18600] =	vst v63  }
0xa9: {  	v3 =	vld [tilespmem:$0xE0];
	_ =	sdelay $0x4  }
0xaa: {  	v54 =	vshll.u32 v3, $0x1  }
0xab: {  	v3 =	vand.u32 $0x7, v3;
	v4 =	vand.u32 $0xFFFFFFF0, v54  }
0xac: {  	v3 =	vor.u32 v3, v4  }
0xad: {  	v4 =	vperm.xlane v3, v0;
	_ =	sdelay $0x1  }
0xae: {  	v3 =	vperm.xlane v3, v2;
	v4 =	vadd.s32 v1, v4;
	_ =	sdelay $0x1  }
0xaf: {  	v3 =	vadd.s32 v1, v3;
	_ =	sdelay $0x1  }
0xb0: {  	s9 =	simm.s32 $0xE600  }
0xb1: {  	[tilespmem:s9], [sflag:$0x2] =	stream.indirect_vreg.gather [hbm4b:s3+s2], $0x80, v4, vm0, $0xb8;
	[tilespmem:$0x18600] =	vst v63  }
0xb2: {  	s10 =	simm.s32 $0xEE00  }
0xb3: {  	[tilespmem:s10], [sflag:$0x2] =	stream.indirect_vreg.gather [hbm4b:s3+s2], $0x80, v3, vm0, $0xb8;
	[tilespmem:$0x18600] =	vst v63  }
0xb4: {  	v3 =	vld [tilespmem:$0xF0];
	_ =	sdelay $0x4  }
0xb5: {  	v55 =	vshll.u32 v3, $0x1  }
0xb6: {  	v3 =	vand.u32 $0x7, v3;
	v4 =	vand.u32 $0xFFFFFFF0, v55  }
0xb7: {  	v3 =	vor.u32 v3, v4  }
0xb8: {  	v4 =	vperm.xlane v3, v0;
	_ =	sdelay $0x1  }
0xb9: {  	v3 =	vperm.xlane v3, v2;
	v4 =	vadd.s32 v1, v4;
	_ =	sdelay $0x1  }
0xba: {  	v3 =	vadd.s32 v1, v3;
	_ =	sdelay $0x1  }
0xbb: {  	s11 =	simm.s32 $0xF600  }
0xbc: {  	[tilespmem:s11], [sflag:$0x2] =	stream.indirect_vreg.gather [hbm4b:s3+s2], $0x80, v4, vm0, $0xb8;
	[tilespmem:$0x18600] =	vst v63  }
0xbd: {  	s12 =	simm.s32 $0xFE00  }
0xbe: {  	[tilespmem:s12], [sflag:$0x2] =	stream.indirect_vreg.gather [hbm4b:s3+s2], $0x80, v3, vm0, $0xb8;
	[tilespmem:$0x18600] =	vst v63  }
0xbf: {  	v3 =	vld [tilespmem:$0x100];
	_ =	sdelay $0x4  }
0xc0: {  	v56 =	vshll.u32 v3, $0x1  }
0xc1: {  	v3 =	vand.u32 $0x7, v3;
	v4 =	vand.u32 $0xFFFFFFF0, v56  }
0xc2: {  	v3 =	vor.u32 v3, v4  }
0xc3: {  	v4 =	vperm.xlane v3, v0;
	_ =	sdelay $0x1  }
0xc4: {  	v3 =	vperm.xlane v3, v2;
	v4 =	vadd.s32 v1, v4;
	_ =	sdelay $0x1  }
0xc5: {  	v3 =	vadd.s32 v1, v3;
	_ =	sdelay $0x1  }
0xc6: {  	s13 =	simm.s32 $0x10600  }
0xc7: {  	[tilespmem:s13], [sflag:$0x2] =	stream.indirect_vreg.gather [hbm4b:s3+s2], $0x80, v4, vm0, $0xb8;
	[tilespmem:$0x18600] =	vst v63  }
0xc8: {  	s14 =	simm.s32 $0x10E00  }
0xc9: {  	[tilespmem:s14], [sflag:$0x2] =	stream.indirect_vreg.gather [hbm4b:s3+s2], $0x80, v3, vm0, $0xb8;
	[tilespmem:$0x18600] =	vst v63  }
0xca: {  	v3 =	vld [tilespmem:$0x110];
	_ =	sdelay $0x4  }
0xcb: {  	v57 =	vshll.u32 v3, $0x1  }
0xcc: {  	v3 =	vand.u32 $0x7, v3;
	v4 =	vand.u32 $0xFFFFFFF0, v57  }
0xcd: {  	v3 =	vor.u32 v3, v4  }
0xce: {  	v4 =	vperm.xlane v3, v0;
	_ =	sdelay $0x1  }
0xcf: {  	v3 =	vperm.xlane v3, v2;
	v4 =	vadd.s32 v1, v4;
	_ =	sdelay $0x1  }
0xd0: {  	v3 =	vadd.s32 v1, v3;
	_ =	sdelay $0x1  }
0xd1: {  	s15 =	simm.s32 $0x11600  }
0xd2: {  	[tilespmem:s15], [sflag:$0x2] =	stream.indirect_vreg.gather [hbm4b:s3+s2], $0x80, v4, vm0, $0xb8;
	[tilespmem:$0x18600] =	vst v63  }
0xd3: {  	s16 =	simm.s32 $0x11E00  }
0xd4: {  	[tilespmem:s16], [sflag:$0x2] =	stream.indirect_vreg.gather [hbm4b:s3+s2], $0x80, v3, vm0, $0xb8;
	[tilespmem:$0x18600] =	vst v63  }
0xd5: {  	v3 =	vld [tilespmem:$0x120];
	_ =	sdelay $0x4  }
0xd6: {  	v58 =	vshll.u32 v3, $0x1  }
0xd7: {  	v3 =	vand.u32 $0x7, v3;
	v4 =	vand.u32 $0xFFFFFFF0, v58  }
0xd8: {  	v3 =	vor.u32 v3, v4  }
0xd9: {  	v4 =	vperm.xlane v3, v0;
	_ =	sdelay $0x1  }
0xda: {  	v3 =	vperm.xlane v3, v2;
	v4 =	vadd.s32 v1, v4;
	_ =	sdelay $0x1  }
0xdb: {  	v3 =	vadd.s32 v1, v3;
	_ =	sdelay $0x1  }
0xdc: {  	s17 =	simm.s32 $0x12600  }
0xdd: {  	[tilespmem:s17], [sflag:$0x2] =	stream.indirect_vreg.gather [hbm4b:s3+s2], $0x80, v4, vm0, $0xb8;
	[tilespmem:$0x18600] =	vst v63  }
0xde: {  	s18 =	simm.s32 $0x12E00  }
0xdf: {  	[tilespmem:s18], [sflag:$0x2] =	stream.indirect_vreg.gather [hbm4b:s3+s2], $0x80, v3, vm0, $0xb8;
	[tilespmem:$0x18600] =	vst v63  }
0xe0: {  	v3 =	vld [tilespmem:$0x130];
	_ =	sdelay $0x4  }
0xe1: {  	v59 =	vshll.u32 v3, $0x1  }
0xe2: {  	v3 =	vand.u32 $0x7, v3;
	v4 =	vand.u32 $0xFFFFFFF0, v59  }
0xe3: {  	v3 =	vor.u32 v3, v4  }
0xe4: {  	v4 =	vperm.xlane v3, v0;
	_ =	sdelay $0x1  }
0xe5: {  	v3 =	vperm.xlane v3, v2;
	v4 =	vadd.s32 v1, v4;
	_ =	sdelay $0x1  }
0xe6: {  	v3 =	vadd.s32 v1, v3;
	_ =	sdelay $0x1  }
0xe7: {  	s19 =	simm.s32 $0x13600  }
0xe8: {  	[tilespmem:s19], [sflag:$0x2] =	stream.indirect_vreg.gather [hbm4b:s3+s2], $0x80, v4, vm0, $0xb8;
	[tilespmem:$0x18600] =	vst v63  }
0xe9: {  	s20 =	simm.s32 $0x13E00  }
0xea: {  	[tilespmem:s20], [sflag:$0x2] =	stream.indirect_vreg.gather [hbm4b:s3+s2], $0x80, v3, vm0, $0xb8;
	[tilespmem:$0x18600] =	vst v63  }
0xeb: {  	v3 =	vld [tilespmem:$0x140];
	_ =	sdelay $0x4  }
0xec: {  	v60 =	vshll.u32 v3, $0x1  }
0xed: {  	v3 =	vand.u32 $0x7, v3;
	v4 =	vand.u32 $0xFFFFFFF0, v60  }
0xee: {  	v3 =	vor.u32 v3, v4  }
0xef: {  	v4 =	vperm.xlane v3, v0;
	_ =	sdelay $0x1  }
0xf0: {  	v3 =	vperm.xlane v3, v2;
	v4 =	vadd.s32 v1, v4;
	_ =	sdelay $0x1  }
0xf1: {  	v3 =	vadd.s32 v1, v3;
	_ =	sdelay $0x1  }
0xf2: {  	s21 =	simm.s32 $0x14600  }
0xf3: {  	[tilespmem:s21], [sflag:$0x2] =	stream.indirect_vreg.gather [hbm4b:s3+s2], $0x80, v4, vm0, $0xb8;
	[tilespmem:$0x18600] =	vst v63  }
0xf4: {  	s22 =	simm.s32 $0x14E00  }
0xf5: {  	[tilespmem:s22], [sflag:$0x2] =	stream.indirect_vreg.gather [hbm4b:s3+s2], $0x80, v3, vm0, $0xb8;
	[tilespmem:$0x18600] =	vst v63  }
0xf6: {  	v3 =	vld [tilespmem:$0x150];
	_ =	sdelay $0x4  }
0xf7: {  	v61 =	vshll.u32 v3, $0x1  }
0xf8: {  	v3 =	vand.u32 $0x7, v3;
	v4 =	vand.u32 $0xFFFFFFF0, v61  }
0xf9: {  	v3 =	vor.u32 v3, v4  }
0xfa: {  	v4 =	vperm.xlane v3, v0;
	_ =	sdelay $0x1  }
0xfb: {  	v3 =	vperm.xlane v3, v2;
	v4 =	vadd.s32 v1, v4;
	_ =	sdelay $0x1  }
0xfc: {  	v3 =	vadd.s32 v1, v3;
	_ =	sdelay $0x1  }
0xfd: {  	s23 =	simm.s32 $0x15600  }
0xfe: {  	[tilespmem:s23], [sflag:$0x2] =	stream.indirect_vreg.gather [hbm4b:s3+s2], $0x80, v4, vm0, $0xb8;
	[tilespmem:$0x18600] =	vst v63  }
0xff: {  	s24 =	simm.s32 $0x15E00  }
0x100: {  	[tilespmem:s24], [sflag:$0x2] =	stream.indirect_vreg.gather [hbm4b:s3+s2], $0x80, v3, vm0, $0xb8;
	[tilespmem:$0x18600] =	vst v63  }
0x101: {  	v3 =	vld [tilespmem:$0x160];
	_ =	sdelay $0x4  }
0x102: {  	v62 =	vshll.u32 v3, $0x1  }
0x103: {  	v3 =	vand.u32 $0x7, v3;
	v4 =	vand.u32 $0xFFFFFFF0, v62  }
0x104: {  	v3 =	vor.u32 v3, v4  }
0x105: {  	v4 =	vperm.xlane v3, v0;
	_ =	sdelay $0x1  }
0x106: {  	v3 =	vperm.xlane v3, v2;
	v4 =	vadd.s32 v1, v4;
	_ =	sdelay $0x1  }
0x107: {  	v3 =	vadd.s32 v1, v3;
	_ =	sdelay $0x1  }
0x108: {  	s25 =	simm.s32 $0x16600  }
0x109: {  	[tilespmem:s25], [sflag:$0x2] =	stream.indirect_vreg.gather [hbm4b:s3+s2], $0x80, v4, vm0, $0xb8;
	[tilespmem:$0x18600] =	vst v63  }
0x10a: {  	s26 =	simm.s32 $0x16E00  }
0x10b: {  	[tilespmem:s26], [sflag:$0x2] =	stream.indirect_vreg.gather [hbm4b:s3+s2], $0x80, v3, vm0, $0xb8;
	[tilespmem:$0x18600] =	vst v63  }
0x10c: {  	v3 =	vld [tilespmem:$0x170];
	_ =	sdelay $0x4  }
0x10d: {  	v63 =	vshll.u32 v3, $0x1  }
0x10e: {  	v3 =	vand.u32 $0x7, v3;
	v4 =	vand.u32 $0xFFFFFFF0, v63  }
0x10f: {  	v3 =	vor.u32 v3, v4  }
0x110: {  	s0 =	simm.s32 $0x2F0;
	v4 =	vperm.xlane v3, v0  }
0x111: {  	s29 =	simm.s32 $0xA600;
	s28 =	simm.s32 $0x9E00;
	s30 =	simm.s32 $0xAE00  }
0x112: {  	s5 =	simm.s32 $0x0;
	s7 =	simm.s32 $0xE00;
	s9 =	simm.s32 $0xB600;
	v3 =	vperm.xlane v3, v2;
	v4 =	vadd.s32 v1, v4  }
0x113: {  	s10 =	simm.s32 $0x1600;
	s12 =	simm.s32 $0x2600;
	s13 =	simm.s32 $0x2E00  }
0x114: {  	s14 =	simm.s32 $0x3600;
	s16 =	simm.s32 $0x4600;
	s17 =	simm.s32 $0x4E00;
	v3 =	vadd.s32 v1, v3  }
0x115: {  	s18 =	simm.s32 $0x5600;
	s19 =	simm.s32 $0x17600;
	s20 =	simm.s32 $0x6600  }
0x116: {  	s21 =	simm.s32 $0x6E00;
	s22 =	simm.s32 $0x7600;
	s23 =	simm.s32 $0x17E00  }
0x117: {  	[tilespmem:s19], [sflag:$0x2] =	stream.indirect_vreg.gather [hbm4b:s3+s2], $0x80, v4, vm0, $0xb8;
	[tilespmem:$0x18600] =	vst v63  }
0x118: {  	s24 =	simm.s32 $0x8600;
	s25 =	simm.s32 $0x8E00;
	s26 =	simm.s32 $0x9600  }
0x119: {  	[tilespmem:s23], [sflag:$0x2] =	stream.indirect_vreg.gather [hbm4b:s3+s2], $0x80, v3, vm0, $0xb8;
	[tilespmem:$0x18600] =	vst v63  }
.LBB2_2:
0x11a: {  	_ =	swait.ge [sflag:s31], $0xC000  }
0x11b: {  	s6 =	rddreg [dreg:$0x2];
	[sflag:s31] =	ssyncset.done $0x0  }
0x11c: {  	s11 =	simm.s32 $0x600;
	[sflag:s31] =	ssyncadd.s32 $0xFFFF4000;
	s6 =	sadd.s32 s5, s6  }
0x11d: {  	[hbm4b:s6+s2] =	stream.linear.scatter [tilespmem:s11], [sflag:$0x3], $0xC000, $0x38;
	[tilespmem:$0x18600] =	vst v63  }
0x11e: {  	_ =	swait.ge [sflag:s8], $0xC000  }
0x11f: {  	[sflag:s8] =	ssyncset.done $0x0  }
0x120: {  	[sflag:s8] =	ssyncadd.s32 $0xFFFF4000  }
0x121: {  	v3 =	vld [tilespmem:s0+$0xFFFFFE90];
	_ =	sdelay $0x4  }
0x122: {  	v4 =	vshll.u32 v3, $0x1  }
0x123: {  	v3 =	vand.u32 $0x7, v3;
	v4 =	vand.u32 $0xFFFFFFF0, v4  }
0x124: {  	v3 =	vor.u32 v3, v4  }
0x125: {  	v4 =	vperm.xlane v3, v0;
	_ =	sdelay $0x1  }
0x126: {  	v3 =	vperm.xlane v3, v2;
	v4 =	vadd.s32 v1, v4;
	_ =	sdelay $0x1  }
0x127: {  	v3 =	vadd.s32 v1, v3;
	_ =	sdelay $0x2  }
0x128: {  	[tilespmem:s11], [sflag:$0x1] =	stream.indirect_vreg.gather [hbm4b:s3+s2], $0x80, v4, vm0, $0xb8;
	[tilespmem:$0x18600] =	vst v63  }
0x129: {  	_ = 	snop  }
0x12a: {  	[tilespmem:s7], [sflag:$0x1] =	stream.indirect_vreg.gather [hbm4b:s3+s2], $0x80, v3, vm0, $0xb8;
	[tilespmem:$0x18600] =	vst v63  }
0x12b: {  	v3 =	vld [tilespmem:s0+$0xFFFFFEA0];
	_ =	sdelay $0x4  }
0x12c: {  	v41 =	vshll.u32 v3, $0x1  }
0x12d: {  	v3 =	vand.u32 $0x7, v3;
	v4 =	vand.u32 $0xFFFFFFF0, v41  }
0x12e: {  	v3 =	vor.u32 v3, v4  }
0x12f: {  	v4 =	vperm.xlane v3, v0;
	_ =	sdelay $0x1  }
0x130: {  	v3 =	vperm.xlane v3, v2;
	v4 =	vadd.s32 v1, v4;
	_ =	sdelay $0x1  }
0x131: {  	v3 =	vadd.s32 v1, v3;
	_ =	sdelay $0x2  }
0x132: {  	[tilespmem:s10], [sflag:$0x1] =	stream.indirect_vreg.gather [hbm4b:s3+s2], $0x80, v4, vm0, $0xb8;
	[tilespmem:$0x18600] =	vst v63  }
0x133: {  	s15 =	simm.s32 $0x1E00  }
0x134: {  	[tilespmem:s15], [sflag:$0x1] =	stream.indirect_vreg.gather [hbm4b:s3+s2], $0x80, v3, vm0, $0xb8;
	[tilespmem:$0x18600] =	vst v63  }
0x135: {  	v3 =	vld [tilespmem:s0+$0xFFFFFEB0];
	_ =	sdelay $0x4  }
0x136: {  	v42 =	vshll.u32 v3, $0x1  }
0x137: {  	v3 =	vand.u32 $0x7, v3;
	v4 =	vand.u32 $0xFFFFFFF0, v42  }
0x138: {  	v3 =	vor.u32 v3, v4  }
0x139: {  	v4 =	vperm.xlane v3, v0;
	_ =	sdelay $0x1  }
0x13a: {  	v3 =	vperm.xlane v3, v2;
	v4 =	vadd.s32 v1, v4;
	_ =	sdelay $0x1  }
0x13b: {  	v3 =	vadd.s32 v1, v3;
	_ =	sdelay $0x2  }
0x13c: {  	[tilespmem:s12], [sflag:$0x1] =	stream.indirect_vreg.gather [hbm4b:s3+s2], $0x80, v4, vm0, $0xb8;
	[tilespmem:$0x18600] =	vst v63  }
0x13d: {  	_ = 	snop  }
0x13e: {  	[tilespmem:s13], [sflag:$0x1] =	stream.indirect_vreg.gather [hbm4b:s3+s2], $0x80, v3, vm0, $0xb8;
	[tilespmem:$0x18600] =	vst v63  }
0x13f: {  	v3 =	vld [tilespmem:s0+$0xFFFFFEC0];
	_ =	sdelay $0x4  }
0x140: {  	v43 =	vshll.u32 v3, $0x1  }
0x141: {  	v3 =	vand.u32 $0x7, v3;
	v4 =	vand.u32 $0xFFFFFFF0, v43  }
0x142: {  	v3 =	vor.u32 v3, v4  }
0x143: {  	v4 =	vperm.xlane v3, v0;
	_ =	sdelay $0x1  }
0x144: {  	v3 =	vperm.xlane v3, v2;
	v4 =	vadd.s32 v1, v4;
	_ =	sdelay $0x1  }
0x145: {  	v3 =	vadd.s32 v1, v3;
	_ =	sdelay $0x2  }
0x146: {  	[tilespmem:s14], [sflag:$0x1] =	stream.indirect_vreg.gather [hbm4b:s3+s2], $0x80, v4, vm0, $0xb8;
	[tilespmem:$0x18600] =	vst v63  }
0x147: {  	s15 =	simm.s32 $0x3E00  }
0x148: {  	[tilespmem:s15], [sflag:$0x1] =	stream.indirect_vreg.gather [hbm4b:s3+s2], $0x80, v3, vm0, $0xb8;
	[tilespmem:$0x18600] =	vst v63  }
0x149: {  	v3 =	vld [tilespmem:s0+$0xFFFFFED0];
	_ =	sdelay $0x4  }
0x14a: {  	v44 =	vshll.u32 v3, $0x1  }
0x14b: {  	v3 =	vand.u32 $0x7, v3;
	v4 =	vand.u32 $0xFFFFFFF0, v44  }
0x14c: {  	v3 =	vor.u32 v3, v4  }
0x14d: {  	v4 =	vperm.xlane v3, v0;
	_ =	sdelay $0x1  }
0x14e: {  	v3 =	vperm.xlane v3, v2;
	v4 =	vadd.s32 v1, v4;
	_ =	sdelay $0x1  }
0x14f: {  	v3 =	vadd.s32 v1, v3;
	_ =	sdelay $0x2  }
0x150: {  	[tilespmem:s16], [sflag:$0x1] =	stream.indirect_vreg.gather [hbm4b:s3+s2], $0x80, v4, vm0, $0xb8;
	[tilespmem:$0x18600] =	vst v63  }
0x151: {  	_ = 	snop  }
0x152: {  	[tilespmem:s17], [sflag:$0x1] =	stream.indirect_vreg.gather [hbm4b:s3+s2], $0x80, v3, vm0, $0xb8;
	[tilespmem:$0x18600] =	vst v63  }
0x153: {  	v3 =	vld [tilespmem:s0+$0xFFFFFEE0];
	_ =	sdelay $0x4  }
0x154: {  	v45 =	vshll.u32 v3, $0x1  }
0x155: {  	v3 =	vand.u32 $0x7, v3;
	v4 =	vand.u32 $0xFFFFFFF0, v45  }
0x156: {  	v3 =	vor.u32 v3, v4  }
0x157: {  	v4 =	vperm.xlane v3, v0;
	_ =	sdelay $0x1  }
0x158: {  	v3 =	vperm.xlane v3, v2;
	v4 =	vadd.s32 v1, v4;
	_ =	sdelay $0x1  }
0x159: {  	v3 =	vadd.s32 v1, v3;
	_ =	sdelay $0x2  }
0x15a: {  	[tilespmem:s18], [sflag:$0x1] =	stream.indirect_vreg.gather [hbm4b:s3+s2], $0x80, v4, vm0, $0xb8;
	[tilespmem:$0x18600] =	vst v63  }
0x15b: {  	s15 =	simm.s32 $0x5E00  }
0x15c: {  	[tilespmem:s15], [sflag:$0x1] =	stream.indirect_vreg.gather [hbm4b:s3+s2], $0x80, v3, vm0, $0xb8;
	[tilespmem:$0x18600] =	vst v63  }
0x15d: {  	v3 =	vld [tilespmem:s0+$0xFFFFFEF0];
	_ =	sdelay $0x4  }
0x15e: {  	v46 =	vshll.u32 v3, $0x1  }
0x15f: {  	v3 =	vand.u32 $0x7, v3;
	v4 =	vand.u32 $0xFFFFFFF0, v46  }
0x160: {  	v3 =	vor.u32 v3, v4  }
0x161: {  	v4 =	vperm.xlane v3, v0;
	_ =	sdelay $0x1  }
0x162: {  	v3 =	vperm.xlane v3, v2;
	v4 =	vadd.s32 v1, v4;
	_ =	sdelay $0x1  }
0x163: {  	v3 =	vadd.s32 v1, v3;
	_ =	sdelay $0x2  }
0x164: {  	[tilespmem:s20], [sflag:$0x1] =	stream.indirect_vreg.gather [hbm4b:s3+s2], $0x80, v4, vm0, $0xb8;
	[tilespmem:$0x18600] =	vst v63  }
0x165: {  	_ = 	snop  }
0x166: {  	[tilespmem:s21], [sflag:$0x1] =	stream.indirect_vreg.gather [hbm4b:s3+s2], $0x80, v3, vm0, $0xb8;
	[tilespmem:$0x18600] =	vst v63  }
0x167: {  	v3 =	vld [tilespmem:s0+$0xFFFFFF00];
	_ =	sdelay $0x4  }
0x168: {  	v47 =	vshll.u32 v3, $0x1  }
0x169: {  	v3 =	vand.u32 $0x7, v3;
	v4 =	vand.u32 $0xFFFFFFF0, v47  }
0x16a: {  	v3 =	vor.u32 v3, v4  }
0x16b: {  	v4 =	vperm.xlane v3, v0;
	_ =	sdelay $0x1  }
0x16c: {  	v3 =	vperm.xlane v3, v2;
	v4 =	vadd.s32 v1, v4;
	_ =	sdelay $0x1  }
0x16d: {  	v3 =	vadd.s32 v1, v3;
	_ =	sdelay $0x2  }
0x16e: {  	[tilespmem:s22], [sflag:$0x1] =	stream.indirect_vreg.gather [hbm4b:s3+s2], $0x80, v4, vm0, $0xb8;
	[tilespmem:$0x18600] =	vst v63  }
0x16f: {  	s15 =	simm.s32 $0x7E00  }
0x170: {  	[tilespmem:s15], [sflag:$0x1] =	stream.indirect_vreg.gather [hbm4b:s3+s2], $0x80, v3, vm0, $0xb8;
	[tilespmem:$0x18600] =	vst v63  }
0x171: {  	v3 =	vld [tilespmem:s0+$0xFFFFFF10];
	_ =	sdelay $0x4  }
0x172: {  	v48 =	vshll.u32 v3, $0x1  }
0x173: {  	v3 =	vand.u32 $0x7, v3;
	v4 =	vand.u32 $0xFFFFFFF0, v48  }
0x174: {  	v3 =	vor.u32 v3, v4  }
0x175: {  	v4 =	vperm.xlane v3, v0;
	_ =	sdelay $0x1  }
0x176: {  	v3 =	vperm.xlane v3, v2;
	v4 =	vadd.s32 v1, v4;
	_ =	sdelay $0x1  }
0x177: {  	v3 =	vadd.s32 v1, v3;
	_ =	sdelay $0x2  }
0x178: {  	[tilespmem:s24], [sflag:$0x1] =	stream.indirect_vreg.gather [hbm4b:s3+s2], $0x80, v4, vm0, $0xb8;
	[tilespmem:$0x18600] =	vst v63  }
0x179: {  	_ = 	snop  }
0x17a: {  	[tilespmem:s25], [sflag:$0x1] =	stream.indirect_vreg.gather [hbm4b:s3+s2], $0x80, v3, vm0, $0xb8;
	[tilespmem:$0x18600] =	vst v63  }
0x17b: {  	v3 =	vld [tilespmem:s0+$0xFFFFFF20];
	_ =	sdelay $0x4  }
0x17c: {  	v49 =	vshll.u32 v3, $0x1  }
0x17d: {  	v3 =	vand.u32 $0x7, v3;
	v4 =	vand.u32 $0xFFFFFFF0, v49  }
0x17e: {  	v3 =	vor.u32 v3, v4  }
0x17f: {  	v4 =	vperm.xlane v3, v0;
	_ =	sdelay $0x1  }
0x180: {  	v3 =	vperm.xlane v3, v2;
	v4 =	vadd.s32 v1, v4;
	_ =	sdelay $0x1  }
0x181: {  	v3 =	vadd.s32 v1, v3;
	_ =	sdelay $0x2  }
0x182: {  	[tilespmem:s26], [sflag:$0x1] =	stream.indirect_vreg.gather [hbm4b:s3+s2], $0x80, v4, vm0, $0xb8;
	[tilespmem:$0x18600] =	vst v63  }
0x183: {  	_ = 	snop  }
0x184: {  	[tilespmem:s28], [sflag:$0x1] =	stream.indirect_vreg.gather [hbm4b:s3+s2], $0x80, v3, vm0, $0xb8;
	[tilespmem:$0x18600] =	vst v63  }
0x185: {  	v3 =	vld [tilespmem:s0+$0xFFFFFF30];
	_ =	sdelay $0x4  }
0x186: {  	v50 =	vshll.u32 v3, $0x1  }
0x187: {  	v3 =	vand.u32 $0x7, v3;
	v4 =	vand.u32 $0xFFFFFFF0, v50  }
0x188: {  	v3 =	vor.u32 v3, v4  }
0x189: {  	v4 =	vperm.xlane v3, v0;
	_ =	sdelay $0x1  }
0x18a: {  	v3 =	vperm.xlane v3, v2;
	v4 =	vadd.s32 v1, v4;
	_ =	sdelay $0x1  }
0x18b: {  	v3 =	vadd.s32 v1, v3;
	_ =	sdelay $0x2  }
0x18c: {  	[tilespmem:s29], [sflag:$0x1] =	stream.indirect_vreg.gather [hbm4b:s3+s2], $0x80, v4, vm0, $0xb8;
	[tilespmem:$0x18600] =	vst v63  }
0x18d: {  	_ = 	snop  }
0x18e: {  	[tilespmem:s30], [sflag:$0x1] =	stream.indirect_vreg.gather [hbm4b:s3+s2], $0x80, v3, vm0, $0xb8;
	[tilespmem:$0x18600] =	vst v63  }
0x18f: {  	v3 =	vld [tilespmem:s0+$0xFFFFFF40];
	_ =	sdelay $0x4  }
0x190: {  	v51 =	vshll.u32 v3, $0x1  }
0x191: {  	v3 =	vand.u32 $0x7, v3;
	v4 =	vand.u32 $0xFFFFFFF0, v51  }
0x192: {  	v3 =	vor.u32 v3, v4  }
0x193: {  	v4 =	vperm.xlane v3, v0;
	_ =	sdelay $0x1  }
0x194: {  	v3 =	vperm.xlane v3, v2;
	v4 =	vadd.s32 v1, v4;
	_ =	sdelay $0x1  }
0x195: {  	v3 =	vadd.s32 v1, v3;
	_ =	sdelay $0x2  }
0x196: {  	[tilespmem:s9], [sflag:$0x1] =	stream.indirect_vreg.gather [hbm4b:s3+s2], $0x80, v4, vm0, $0xb8;
	[tilespmem:$0x18600] =	vst v63  }
0x197: {  	s15 =	simm.s32 $0xBE00  }
0x198: {  	[tilespmem:s15], [sflag:$0x1] =	stream.indirect_vreg.gather [hbm4b:s3+s2], $0x80, v3, vm0, $0xb8;
	[tilespmem:$0x18600] =	vst v63  }
0x199: {  	_ =	swait.ge [sflag:s1], $0xC000  }
0x19a: {  	[sflag:s1] =	ssyncset.done $0x0  }
0x19b: {  	s6 =	sadd.s32 $0x1800, s6;
	s15 =	simm.s32 $0xC600;
	[sflag:s1] =	ssyncadd.s32 $0xFFFF4000  }
0x19c: {  	[hbm4b:s6+s2] =	stream.linear.scatter [tilespmem:s15], [sflag:$0x3], $0xC000, $0x38;
	[tilespmem:$0x18600] =	vst v63  }
0x19d: {  	_ =	swait.ge [sflag:s8], $0xC000  }
0x19e: {  	[sflag:s8] =	ssyncset.done $0x0  }
0x19f: {  	[sflag:s8] =	ssyncadd.s32 $0xFFFF4000  }
0x1a0: {  	v3 =	vld [tilespmem:s0+$0xFFFFFF50];
	_ =	sdelay $0x4  }
0x1a1: {  	v52 =	vshll.u32 v3, $0x1  }
0x1a2: {  	v3 =	vand.u32 $0x7, v3;
	v4 =	vand.u32 $0xFFFFFFF0, v52  }
0x1a3: {  	v3 =	vor.u32 v3, v4  }
0x1a4: {  	v4 =	vperm.xlane v3, v0;
	_ =	sdelay $0x1  }
0x1a5: {  	v3 =	vperm.xlane v3, v2;
	v4 =	vadd.s32 v1, v4;
	_ =	sdelay $0x1  }
0x1a6: {  	v3 =	vadd.s32 v1, v3;
	_ =	sdelay $0x2  }
0x1a7: {  	[tilespmem:s15], [sflag:$0x2] =	stream.indirect_vreg.gather [hbm4b:s3+s2], $0x80, v4, vm0, $0xb8;
	[tilespmem:$0x18600] =	vst v63  }
0x1a8: {  	s15 =	simm.s32 $0xCE00  }
0x1a9: {  	[tilespmem:s15], [sflag:$0x2] =	stream.indirect_vreg.gather [hbm4b:s3+s2], $0x80, v3, vm0, $0xb8;
	[tilespmem:$0x18600] =	vst v63  }
0x1aa: {  	v3 =	vld [tilespmem:s0+$0xFFFFFF60];
	_ =	sdelay $0x4  }
0x1ab: {  	v53 =	vshll.u32 v3, $0x1  }
0x1ac: {  	v3 =	vand.u32 $0x7, v3;
	v4 =	vand.u32 $0xFFFFFFF0, v53  }
0x1ad: {  	v3 =	vor.u32 v3, v4  }
0x1ae: {  	v4 =	vperm.xlane v3, v0;
	_ =	sdelay $0x1  }
0x1af: {  	v3 =	vperm.xlane v3, v2;
	v4 =	vadd.s32 v1, v4;
	_ =	sdelay $0x1  }
0x1b0: {  	v3 =	vadd.s32 v1, v3;
	_ =	sdelay $0x1  }
0x1b1: {  	s15 =	simm.s32 $0xD600  }
0x1b2: {  	[tilespmem:s15], [sflag:$0x2] =	stream.indirect_vreg.gather [hbm4b:s3+s2], $0x80, v4, vm0, $0xb8;
	[tilespmem:$0x18600] =	vst v63  }
0x1b3: {  	s15 =	simm.s32 $0xDE00  }
0x1b4: {  	[tilespmem:s15], [sflag:$0x2] =	stream.indirect_vreg.gather [hbm4b:s3+s2], $0x80, v3, vm0, $0xb8;
	[tilespmem:$0x18600] =	vst v63  }
0x1b5: {  	v3 =	vld [tilespmem:s0+$0xFFFFFF70];
	_ =	sdelay $0x4  }
0x1b6: {  	v54 =	vshll.u32 v3, $0x1  }
0x1b7: {  	v3 =	vand.u32 $0x7, v3;
	v4 =	vand.u32 $0xFFFFFFF0, v54  }
0x1b8: {  	v3 =	vor.u32 v3, v4  }
0x1b9: {  	v4 =	vperm.xlane v3, v0;
	_ =	sdelay $0x1  }
0x1ba: {  	v3 =	vperm.xlane v3, v2;
	v4 =	vadd.s32 v1, v4;
	_ =	sdelay $0x1  }
0x1bb: {  	v3 =	vadd.s32 v1, v3;
	_ =	sdelay $0x1  }
0x1bc: {  	s15 =	simm.s32 $0xE600  }
0x1bd: {  	[tilespmem:s15], [sflag:$0x2] =	stream.indirect_vreg.gather [hbm4b:s3+s2], $0x80, v4, vm0, $0xb8;
	[tilespmem:$0x18600] =	vst v63  }
0x1be: {  	s15 =	simm.s32 $0xEE00  }
0x1bf: {  	[tilespmem:s15], [sflag:$0x2] =	stream.indirect_vreg.gather [hbm4b:s3+s2], $0x80, v3, vm0, $0xb8;
	[tilespmem:$0x18600] =	vst v63  }
0x1c0: {  	v3 =	vld [tilespmem:s0+$0xFFFFFF80];
	_ =	sdelay $0x4  }
0x1c1: {  	v55 =	vshll.u32 v3, $0x1  }
0x1c2: {  	v3 =	vand.u32 $0x7, v3;
	v4 =	vand.u32 $0xFFFFFFF0, v55  }
0x1c3: {  	v3 =	vor.u32 v3, v4  }
0x1c4: {  	v4 =	vperm.xlane v3, v0;
	_ =	sdelay $0x1  }
0x1c5: {  	v3 =	vperm.xlane v3, v2;
	v4 =	vadd.s32 v1, v4;
	_ =	sdelay $0x1  }
0x1c6: {  	v3 =	vadd.s32 v1, v3;
	_ =	sdelay $0x1  }
0x1c7: {  	s15 =	simm.s32 $0xF600  }
0x1c8: {  	[tilespmem:s15], [sflag:$0x2] =	stream.indirect_vreg.gather [hbm4b:s3+s2], $0x80, v4, vm0, $0xb8;
	[tilespmem:$0x18600] =	vst v63  }
0x1c9: {  	s15 =	simm.s32 $0xFE00  }
0x1ca: {  	[tilespmem:s15], [sflag:$0x2] =	stream.indirect_vreg.gather [hbm4b:s3+s2], $0x80, v3, vm0, $0xb8;
	[tilespmem:$0x18600] =	vst v63  }
0x1cb: {  	v3 =	vld [tilespmem:s0+$0xFFFFFF90];
	_ =	sdelay $0x4  }
0x1cc: {  	v56 =	vshll.u32 v3, $0x1  }
0x1cd: {  	v3 =	vand.u32 $0x7, v3;
	v4 =	vand.u32 $0xFFFFFFF0, v56  }
0x1ce: {  	v3 =	vor.u32 v3, v4  }
0x1cf: {  	v4 =	vperm.xlane v3, v0;
	_ =	sdelay $0x1  }
0x1d0: {  	v3 =	vperm.xlane v3, v2;
	v4 =	vadd.s32 v1, v4;
	_ =	sdelay $0x1  }
0x1d1: {  	v3 =	vadd.s32 v1, v3;
	_ =	sdelay $0x1  }
0x1d2: {  	s15 =	simm.s32 $0x10600  }
0x1d3: {  	[tilespmem:s15], [sflag:$0x2] =	stream.indirect_vreg.gather [hbm4b:s3+s2], $0x80, v4, vm0, $0xb8;
	[tilespmem:$0x18600] =	vst v63  }
0x1d4: {  	s15 =	simm.s32 $0x10E00  }
0x1d5: {  	[tilespmem:s15], [sflag:$0x2] =	stream.indirect_vreg.gather [hbm4b:s3+s2], $0x80, v3, vm0, $0xb8;
	[tilespmem:$0x18600] =	vst v63  }
0x1d6: {  	v3 =	vld [tilespmem:s0+$0xFFFFFFA0];
	_ =	sdelay $0x4  }
0x1d7: {  	v57 =	vshll.u32 v3, $0x1  }
0x1d8: {  	v3 =	vand.u32 $0x7, v3;
	v4 =	vand.u32 $0xFFFFFFF0, v57  }
0x1d9: {  	v3 =	vor.u32 v3, v4  }
0x1da: {  	v4 =	vperm.xlane v3, v0;
	_ =	sdelay $0x1  }
0x1db: {  	v3 =	vperm.xlane v3, v2;
	v4 =	vadd.s32 v1, v4;
	_ =	sdelay $0x1  }
0x1dc: {  	v3 =	vadd.s32 v1, v3;
	_ =	sdelay $0x1  }
0x1dd: {  	s15 =	simm.s32 $0x11600  }
0x1de: {  	[tilespmem:s15], [sflag:$0x2] =	stream.indirect_vreg.gather [hbm4b:s3+s2], $0x80, v4, vm0, $0xb8;
	[tilespmem:$0x18600] =	vst v63  }
0x1df: {  	s15 =	simm.s32 $0x11E00  }
0x1e0: {  	[tilespmem:s15], [sflag:$0x2] =	stream.indirect_vreg.gather [hbm4b:s3+s2], $0x80, v3, vm0, $0xb8;
	[tilespmem:$0x18600] =	vst v63  }
0x1e1: {  	v3 =	vld [tilespmem:s0+$0xFFFFFFB0];
	_ =	sdelay $0x4  }
0x1e2: {  	v58 =	vshll.u32 v3, $0x1  }
0x1e3: {  	v3 =	vand.u32 $0x7, v3;
	v4 =	vand.u32 $0xFFFFFFF0, v58  }
0x1e4: {  	v3 =	vor.u32 v3, v4  }
0x1e5: {  	v4 =	vperm.xlane v3, v0;
	_ =	sdelay $0x1  }
0x1e6: {  	v3 =	vperm.xlane v3, v2;
	v4 =	vadd.s32 v1, v4;
	_ =	sdelay $0x1  }
0x1e7: {  	v3 =	vadd.s32 v1, v3;
	_ =	sdelay $0x1  }
0x1e8: {  	s15 =	simm.s32 $0x12600  }
0x1e9: {  	[tilespmem:s15], [sflag:$0x2] =	stream.indirect_vreg.gather [hbm4b:s3+s2], $0x80, v4, vm0, $0xb8;
	[tilespmem:$0x18600] =	vst v63  }
0x1ea: {  	s15 =	simm.s32 $0x12E00  }
0x1eb: {  	[tilespmem:s15], [sflag:$0x2] =	stream.indirect_vreg.gather [hbm4b:s3+s2], $0x80, v3, vm0, $0xb8;
	[tilespmem:$0x18600] =	vst v63  }
0x1ec: {  	v3 =	vld [tilespmem:s0+$0xFFFFFFC0];
	_ =	sdelay $0x4  }
0x1ed: {  	v59 =	vshll.u32 v3, $0x1  }
0x1ee: {  	v3 =	vand.u32 $0x7, v3;
	v4 =	vand.u32 $0xFFFFFFF0, v59  }
0x1ef: {  	v3 =	vor.u32 v3, v4  }
0x1f0: {  	v4 =	vperm.xlane v3, v0;
	_ =	sdelay $0x1  }
0x1f1: {  	v3 =	vperm.xlane v3, v2;
	v4 =	vadd.s32 v1, v4;
	_ =	sdelay $0x1  }
0x1f2: {  	v3 =	vadd.s32 v1, v3;
	_ =	sdelay $0x1  }
0x1f3: {  	s15 =	simm.s32 $0x13600  }
0x1f4: {  	[tilespmem:s15], [sflag:$0x2] =	stream.indirect_vreg.gather [hbm4b:s3+s2], $0x80, v4, vm0, $0xb8;
	[tilespmem:$0x18600] =	vst v63  }
0x1f5: {  	s15 =	simm.s32 $0x13E00  }
0x1f6: {  	[tilespmem:s15], [sflag:$0x2] =	stream.indirect_vreg.gather [hbm4b:s3+s2], $0x80, v3, vm0, $0xb8;
	[tilespmem:$0x18600] =	vst v63  }
0x1f7: {  	v3 =	vld [tilespmem:s0+$0xFFFFFFD0];
	_ =	sdelay $0x4  }
0x1f8: {  	v60 =	vshll.u32 v3, $0x1  }
0x1f9: {  	v3 =	vand.u32 $0x7, v3;
	v4 =	vand.u32 $0xFFFFFFF0, v60  }
0x1fa: {  	v3 =	vor.u32 v3, v4  }
0x1fb: {  	v4 =	vperm.xlane v3, v0;
	_ =	sdelay $0x1  }
0x1fc: {  	v3 =	vperm.xlane v3, v2;
	v4 =	vadd.s32 v1, v4;
	_ =	sdelay $0x1  }
0x1fd: {  	v3 =	vadd.s32 v1, v3;
	_ =	sdelay $0x1  }
0x1fe: {  	s15 =	simm.s32 $0x14600  }
0x1ff: {  	[tilespmem:s15], [sflag:$0x2] =	stream.indirect_vreg.gather [hbm4b:s3+s2], $0x80, v4, vm0, $0xb8;
	[tilespmem:$0x18600] =	vst v63  }
0x200: {  	s15 =	simm.s32 $0x14E00  }
0x201: {  	[tilespmem:s15], [sflag:$0x2] =	stream.indirect_vreg.gather [hbm4b:s3+s2], $0x80, v3, vm0, $0xb8;
	[tilespmem:$0x18600] =	vst v63  }
0x202: {  	v3 =	vld [tilespmem:s0+$0xFFFFFFE0];
	_ =	sdelay $0x4  }
0x203: {  	v61 =	vshll.u32 v3, $0x1  }
0x204: {  	v3 =	vand.u32 $0x7, v3;
	v4 =	vand.u32 $0xFFFFFFF0, v61  }
0x205: {  	v3 =	vor.u32 v3, v4  }
0x206: {  	v4 =	vperm.xlane v3, v0;
	_ =	sdelay $0x1  }
0x207: {  	v3 =	vperm.xlane v3, v2;
	v4 =	vadd.s32 v1, v4;
	_ =	sdelay $0x1  }
0x208: {  	v3 =	vadd.s32 v1, v3;
	_ =	sdelay $0x1  }
0x209: {  	s15 =	simm.s32 $0x15600  }
0x20a: {  	[tilespmem:s15], [sflag:$0x2] =	stream.indirect_vreg.gather [hbm4b:s3+s2], $0x80, v4, vm0, $0xb8;
	[tilespmem:$0x18600] =	vst v63  }
0x20b: {  	s15 =	simm.s32 $0x15E00  }
0x20c: {  	[tilespmem:s15], [sflag:$0x2] =	stream.indirect_vreg.gather [hbm4b:s3+s2], $0x80, v3, vm0, $0xb8;
	[tilespmem:$0x18600] =	vst v63  }
0x20d: {  	v3 =	vld [tilespmem:s0+$0xFFFFFFF0];
	_ =	sdelay $0x4  }
0x20e: {  	v62 =	vshll.u32 v3, $0x1  }
0x20f: {  	v3 =	vand.u32 $0x7, v3;
	v4 =	vand.u32 $0xFFFFFFF0, v62  }
0x210: {  	v3 =	vor.u32 v3, v4  }
0x211: {  	v4 =	vperm.xlane v3, v0;
	_ =	sdelay $0x1  }
0x212: {  	v3 =	vperm.xlane v3, v2;
	v4 =	vadd.s32 v1, v4;
	_ =	sdelay $0x1  }
0x213: {  	v3 =	vadd.s32 v1, v3;
	_ =	sdelay $0x1  }
0x214: {  	s15 =	simm.s32 $0x16600  }
0x215: {  	[tilespmem:s15], [sflag:$0x2] =	stream.indirect_vreg.gather [hbm4b:s3+s2], $0x80, v4, vm0, $0xb8;
	[tilespmem:$0x18600] =	vst v63  }
0x216: {  	s15 =	simm.s32 $0x16E00  }
0x217: {  	[tilespmem:s15], [sflag:$0x2] =	stream.indirect_vreg.gather [hbm4b:s3+s2], $0x80, v3, vm0, $0xb8;
	[tilespmem:$0x18600] =	vst v63  }
0x218: {  	v3 =	vld [tilespmem:s0+$0x0];
	_ =	sdelay $0x4  }
0x219: {  	v63 =	vshll.u32 v3, $0x1  }
0x21a: {  	v3 =	vand.u32 $0x7, v3;
	v4 =	vand.u32 $0xFFFFFFF0, v63  }
0x21b: {  	v3 =	vor.u32 v3, v4  }
0x21c: {  	v4 =	vperm.xlane v3, v0;
	_ =	sdelay $0x1  }
0x21d: {  	v3 =	vperm.xlane v3, v2;
	v4 =	vadd.s32 v1, v4;
	_ =	sdelay $0x1  }
0x21e: {  	p0 =	sne.s32 s5, $0x6000;
	v3 =	vadd.s32 v1, v3  }
.Ltmp0:
0x21f: {  	_ = 	snop;
	(pc) =	sbr.rel @p0 .LBB2_2-.Ltmp0, $4  }
0x220: {  	s4 =	simm.s32 $0x600  }
0x221: {  	[tilespmem:s19], [sflag:$0x2] =	stream.indirect_vreg.gather [hbm4b:s3+s2], $0x80, v4, vm0, $0xb8;
	[tilespmem:$0x18600] =	vst v63  }
0x222: {  	s5 =	sadd.s32 $0x3000, s5;
	s11 =	simm.s32 $0xC600;
	s0 =	sadd.s32 $0x180, s0  }
0x223: {  	[tilespmem:s23], [sflag:$0x2] =	stream.indirect_vreg.gather [hbm4b:s3+s2], $0x80, v3, vm0, $0xb8;
	[tilespmem:$0x18600] =	vst v63  }
0x224: {  	_ =	swait.ge [sflag:s31], $0xC000  }
0x225: {  	[sflag:s31] =	ssyncset.done $0x0  }
0x226: {  	s0 =	rddreg [dreg:$0x4];
	[sflag:s31] =	ssyncadd.s32 $0xFFFF4000  }
0x227: {  	[hbm4b:s0+s2] =	stream.linear.scatter [tilespmem:s4], [sflag:$0x3], $0xC000, $0x38;
	[tilespmem:$0x18600] =	vst v63  }
0x228: {  	_ =	swait.ge [sflag:s8], $0xC000  }
0x229: {  	[sflag:s8] =	ssyncset.done $0x0  }
0x22a: {  	[sflag:s8] =	ssyncadd.s32 $0xFFFF4000  }
0x22b: {  	s6 =	simm.s32 $0x1600;
	s7 =	simm.s32 $0x1E00;
	_ =	swait.ge [sflag:s1], $0xC000  }
0x22c: {  	s10 =	simm.s32 $0x2600;
	s29 =	simm.s32 $0x2E00;
	[sflag:s1] =	ssyncset.done $0x0  }
0x22d: {  	s12 =	simm.s32 $0x3600;
	s25 =	rddreg [dreg:$0x5];
	[sflag:s1] =	ssyncadd.s32 $0xFFFF4000  }
0x22e: {  	[hbm4b:s25+s2] =	stream.linear.scatter [tilespmem:s11], [sflag:$0x3], $0xC000, $0x38;
	[tilespmem:$0x18600] =	vst v63  }
0x22f: {  	s13 =	simm.s32 $0x3E00;
	s14 =	simm.s32 $0x4600;
	_ =	swait.ge [sflag:s8], $0xC000  }
0x230: {  	s15 =	simm.s32 $0x4E00;
	s16 =	simm.s32 $0x5600;
	s5 =	rddreg [dreg:$0x7]  }
0x231: {  	s17 =	simm.s32 $0x5E00;
	s26 =	rddreg [dreg:$0x6];
	s5 =	sadd.s32 $0x1, s5  }
0x232: {  	s18 =	simm.s32 $0x6600;
	s19 =	simm.s32 $0x6E00;
	p0 =	sne.s32 s5, s26  }
.Ltmp1:
0x233: {  	s20 =	simm.s32 $0x7600;
	s21 =	simm.s32 $0x7E00;
	(pc) =	sbr.rel @p0 .LBB2_1-.Ltmp1, $4  }
0x234: {  	s22 =	simm.s32 $0x8600;
	s23 =	simm.s32 $0x8E00;
	s24 =	simm.s32 $0x9600  }
0x235: {  	s28 =	simm.s32 $0xAE00;
	s9 =	simm.s32 $0xB600;
	[sflag:s8] =	ssyncset.done $0x0  }
0x236: {  	s30 =	simm.s32 $0xBE00;
	s25 =	simm.s32 $0x9E00;
	[sflag:s8] =	ssyncadd.s32 $0xFFFF4000  }
0x237: {  	[dreg:$0x7] =	wrdreg s5;
	s5 =	simm.s32 $0xE00;
	s26 =	simm.s32 $0xA600  }
0x238: {  	_ =	sfence.sel $0x180000  }
0x239: {  	[bflag:$0x0] =	sbarrier.arrive $0xFFFF  }
0x23a: {  	_ =	strace $0x9000004A  }
0x23b: {  	s0 =	stileid.u32;
	[bflag:$0x2] =	sbarrier.arrive $0xFFFF  }
0x23c: {  	p0 =	sne.s32 s0, $0x0;
	s0 =	rddreg [dreg:$0x1]  }
0x23d: {  	s0 =	sadd.s32 @!p0 $0x100000, s0  }
0x23e: {  	[sflag:s0] =	ssyncadd.tile.s32 @!p0 $0x1;
	_ =	shalt  }
.Lfunc_end2:
_tile_overlayer_lowered:
.L_overlay_start_2:
0x23f: {  	(tag) =	ssettag $0x2  }
0x240: {  	s0 =	rddreg [dreg:$0x0];
	s2 =	stileid.u32  }
0x241: {  	s1 =	rddreg [dreg:$0x1];
	p0 =	sne.s32 s2, $0x0  }
0x242: {  	s3 =	rddreg [dreg:$0x2];
	[bflag:$0x3] =	sbarrier.arrive $0xFFFF;
	s2 =	simm.s32 @!p0 $0x1C03  }
0x243: {  	[timem:s3], [sflag:s2] =	dma.local @!p0 [hbm:s0], s1  }
0x244: {  	s0 =	simm.s32 @!p0 $0x3  }
0x245: {  	_ =	swait.ge @!p0 [sflag:s0], s1  }
0x246: {  	s1 =	ssub.s32 @!p0 $0x0, s1;
	[sflag:s0] =	ssyncset.done @!p0 $0x0  }
0x247: {  	[sflag:s0] =	ssyncadd.s32 @!p0 s1  }
0x248: {  	[bflag:$0x3] =	sbarrier.arrive $0xFFFF  }
0x249: {  	_ =	shalt  }

// kernel: kernel.24.cloned.1.call-start
scs
__scs_entry_jumppad:
0x0: {  	(pc) =	sbr.rel $0x88, $3  }
0x1: {  	(tag) =	ssettag $0x0;
	lr =	simm.s32 $0x1  }
0x2: {  	[smem:$0x3F9C] =	sst lr;
	_ =	strace $0xD0000000  }
0x3: {  	_ = 	snop  }
0x4: {  	_ = 	snop  }
0x5: {  	_ = 	snop  }
0x6: {  	_ = 	snop  }
0x7: {  	_ = 	snop  }
__scs_overlays_trampoline_lowered:
0x8: {  	[smem:$0x3FAB] =	sst s0  }
0x9: {  	[smem:$0x3FAC] =	sst s1  }
0xa: {  	[smem:$0x3FAD] =	sst s2  }
0xb: {  	[smem:$0x3FAE] =	sst s3  }
0xc: {  	[smem:$0x3FAF] =	sst s4  }
0xd: {  	[smem:$0x3FB0] =	sst s5  }
0xe: {  	[smem:$0x3FB1] =	sst s6  }
0xf: {  	[smem:$0x3FB2] =	sst s7  }
0x10: {  	[smem:$0x3FB3] =	sst s8  }
0x11: {  	[smem:$0x3FB4] =	sst s9;
	s0 =	simm.s32 @!p0 $0x0  }
0x12: {  	s1 =	sld [smem:$0x3F9A];
	s0 =	simm.s32 @p0 $0x1  }
0x13: {  	[smem:$0x3FB5] =	sst s0;
	s0 =	simm.s32 @!p1 $0x0  }
0x14: {  	s2 =	sld [smem:$0x3F99];
	s0 =	simm.s32 @p1 $0x1  }
0x15: {  	[smem:$0x3FB6] =	sst s0;
	s0 =	simm.s32 @!p2 $0x0  }
0x16: {  	s3 =	sld [smem:$0x3FDB];
	s0 =	simm.s32 @p2 $0x1  }
0x17: {  	s4 =	simm.s32 $0x1BF5;
	[smem:$0x3FB8] =	sst s0  }
0x18: {  	s0 =	sld [smem:$0x3F9B];
	_ =	swait.ge [sflag:s4], $0x0  }
0x19: {  	s7 =	sld [smem:$0x3F9C]  }
0x1a: {  	s8 =	sadd.s32 $0xFFFFE003, lr  }
0x1b: {  	s9 =	sadd.s32 $0xFFFFFEF7, lr;
	s5 =	simm.s32 $0xFFFFFFFF;
	p2 =	slt.u32 s8, $0xFFFFF086  }
0x1c: {  	p1 =	slt.u32 s9, $0xF7A;
	s5 =	simm.s32 @!p2 $0x0  }
0x1d: {  	s5 =	simm.s32 @p1 $0x1;
	p0 =	seq.s32 s7, s2  }
0x1e: {  	s7 =	smul.u32 @!p0 $0xF7A, s2;
	p2 =	seq.s32 @!p0 s5, $0x0  }
0x1f: {  	s9 =	smul.u32 $0xF7A, s1;
	s8 =	simm.s32 @!p0 $0x1BF5;
	p2 =	por !p2, p0  }
0x20: {  	[sflag:s8] =	ssyncset.s32 @!p0 $0xFFFFF086;
	s6 =	sadd.s32 @!p0 s3, s7;
	s7 =	simm.s32 @!p0 $0x108  }
0x21: {  	s3 =	sadd.s32 s3, s9;
	s6 =	sadd.s32 @!p0 $0x88, s6;
	s7 =	simm.s32 @p2 $0x1082  }
0x22: {  	[simem:s7], [sflag:s8] =	dma.local @!p0 [hbm:s6], $0xF7A  }
0x23: {  	s9 =	sor.u32 $0xD0000000, s2;
	s6 =	simm.s32 $0x108;
	_ =	swait.ge @!p0 [sflag:s8], $0x0  }
0x24: {  	s3 =	sadd.s32 $0x88, s3;
	s6 =	simm.s32 @!p1 $0x1082;
	[sflag:s4] =	ssyncset.s32 $0xFFFFF086  }
0x25: {  	[simem:s6], [sflag:s4] =	dma.local [hbm:s3], $0xF7A  }
0x26: {  	[smem:$0x3F9C] =	sst s1;
	(tag) =	ssettag s2;
	_ =	strace s9  }
0x27: {  	s1 =	sld [smem:$0x3FAC]  }
0x28: {  	s2 =	sld [smem:$0x3FAD]  }
0x29: {  	s4 =	sld [smem:$0x3FAF]  }
0x2a: {  	p0 =	seq.s32 s5, $0x0;
	s5 =	sld [smem:$0x3FB0]  }
0x2b: {  	s6 =	sld [smem:$0x3FB1]  }
0x2c: {  	s7 =	sld [smem:$0x3FB2]  }
0x2d: {  	s3 =	simm.s32 $0x108;
	s8 =	sld [smem:$0x3FB3]  }
0x2e: {  	s3 =	simm.s32 @!p0 $0x1082;
	s9 =	sld [smem:$0x3FB4]  }
0x2f: {  	lr =	sadd.s32 s0, s3;
	s0 =	sld [smem:$0x3FAB]  }
0x30: {  	s3 =	sld [smem:$0x3FAE]  }
0x31: {  	[smem:$0x3FB7] =	sst s10  }
0x32: {  	s10 =	sld [smem:$0x3FB5];
	_ =	sdelay $0x3  }
0x33: {  	p0 =	seq.s32 s10, $0x1;
	s10 =	sld [smem:$0x3FB7];
	_ =	sdelay $0x3  }
0x34: {  	[smem:$0x3FB7] =	sst s10  }
0x35: {  	s10 =	sld [smem:$0x3FB6];
	_ =	sdelay $0x3  }
0x36: {  	p1 =	seq.s32 s10, $0x1;
	s10 =	sld [smem:$0x3FB7];
	_ =	sdelay $0x3  }
0x37: {  	[smem:$0x3FB7] =	sst s10  }
0x38: {  	s10 =	sld [smem:$0x3FB8]  }
0x39: {  	_ = 	snop;
	(pc) =	sbr.ind lr, $3  }
0x3a: {  	_ = 	snop  }
0x3b: {  	_ = 	snop  }
0x3c: {  	p2 =	seq.s32 s10, $0x1;
	s10 =	sld [smem:$0x3FB7]  }
0x3d: {  	_ =	shalt  }
0x3e: {  	_ =	shalt  }
0x3f: {  	_ =	shalt  }
0x40: {  	_ =	shalt  }
0x41: {  	_ =	shalt  }
0x42: {  	_ =	shalt  }
0x43: {  	_ =	shalt  }
0x44: {  	_ =	shalt  }
0x45: {  	_ =	shalt  }
0x46: {  	_ =	shalt  }
0x47: {  	_ =	shalt  }
0x48: {  	_ =	shalt  }
0x49: {  	_ =	shalt  }
0x4a: {  	_ =	shalt  }
0x4b: {  	_ =	shalt  }
0x4c: {  	_ =	shalt  }
0x4d: {  	_ =	shalt  }
0x4e: {  	_ =	shalt  }
0x4f: {  	_ =	shalt  }
0x50: {  	_ =	shalt  }
0x51: {  	_ =	shalt  }
0x52: {  	_ =	shalt  }
0x53: {  	_ =	shalt  }
0x54: {  	_ =	shalt  }
0x55: {  	_ =	shalt  }
0x56: {  	_ =	shalt  }
0x57: {  	_ =	shalt  }
0x58: {  	_ =	shalt  }
0x59: {  	_ =	shalt  }
0x5a: {  	_ =	shalt  }
0x5b: {  	_ =	shalt  }
0x5c: {  	_ =	shalt  }
0x5d: {  	_ =	shalt  }
0x5e: {  	_ =	shalt  }
0x5f: {  	_ =	shalt  }
0x60: {  	_ =	shalt  }
0x61: {  	_ =	shalt  }
0x62: {  	_ =	shalt  }
0x63: {  	_ =	shalt  }
0x64: {  	_ =	shalt  }
0x65: {  	_ =	shalt  }
0x66: {  	_ =	shalt  }
0x67: {  	_ =	shalt  }
0x68: {  	_ =	shalt  }
0x69: {  	_ =	shalt  }
0x6a: {  	_ =	shalt  }
0x6b: {  	_ =	shalt  }
0x6c: {  	_ =	shalt  }
0x6d: {  	_ =	shalt  }
0x6e: {  	_ =	shalt  }
0x6f: {  	_ =	shalt  }
0x70: {  	_ =	shalt  }
0x71: {  	_ =	shalt  }
0x72: {  	_ =	shalt  }
0x73: {  	_ =	shalt  }
0x74: {  	_ =	shalt  }
0x75: {  	_ =	shalt  }
0x76: {  	_ =	shalt  }
0x77: {  	_ =	shalt  }
0x78: {  	_ =	shalt  }
0x79: {  	_ =	shalt  }
0x7a: {  	_ =	shalt  }
0x7b: {  	_ =	shalt  }
0x7c: {  	_ =	shalt  }
0x7d: {  	_ =	shalt  }
0x7e: {  	_ =	shalt  }
0x7f: {  	_ =	shalt  }
0x80: {  	_ =	shalt  }
0x81: {  	_ =	shalt  }
0x82: {  	_ =	shalt  }
0x83: {  	_ =	shalt  }
0x84: {  	_ =	shalt  }
0x85: {  	_ =	shalt  }
0x86: {  	_ =	shalt  }
0x87: {  	_ =	shalt  }
.Lfunc_end0:
.L_simem_size_0:
called_computation.2_lowered:
.L_overlay_start_0:
0x88: {  	s2 =	sld [smem:$0x3FD9]  }
0x89: {  	s3 =	sld [smem:$0x3FFE];
	_ =	sdelay $0x1  }
0x8a: {  	s1 =	srdreg.scid  }
0x8b: {  	s0 =	sand.u32 $0x1, s1  }
0x8c: {  	s17 =	sshll.u32 s0, $0xA;
	s2 =	sadd.s32 s3, s2  }
0x8d: {  	s2 =	sadd.s32 s2, s17  }
0x8e: {  	[smem:$0x3FC3] =	sst s2  }
0x8f: {  	_ = 	snop  }
0x90: {  	(tm) =	ssettm $0x1  }
0x91: {  	s18 =	sld [smem:$0x3FFB];
	_ =	sdelay $0x3  }
0x92: {  	_ =	strace s18  }
0x93: {  	s2 =	sld [smem:$0x3FFC];
	_ =	sdelay $0x3  }
0x94: {  	_ =	strace s2  }
0x95: {  	s2 =	sld [smem:$0x3FFD];
	_ =	sdelay $0x3  }
0x96: {  	_ =	strace s2  }
0x97: {  	_ =	strace $0x8FFFFFFF  }
0x98: {  	s19 =	sld [smem:$0x3FDB];
	_ =	sdelay $0x1  }
0x99: {  	s20 =	simm.s32 $_scs_section_size  }
0x9a: {  	s4 =	simm.s32 $_size__tile_overlayer_lowered;
	s5 =	simm.s32 $_tile_overlayer_lowered  }
0x9b: {  	s6 =	simm.s32 $0x1BFF;
	s21 =	sshll.u32 s5, $0x1;
	s3 =	sadd.s32 s20, s19  }
0x9c: {  	s22 =	simm.s32 $0x0;
	s4 =	sshll.u32 s4, $0x1;
	s5 =	sadd.s32 s21, s3  }
0x9d: {  	[timem:s22], [sflag:s6] =	dma.local [hbm:s5], s4  }
0x9e: {  	_ =	swait.ge [sflag:s6], s4  }
0x9f: {  	s4 =	ssub.s32 $0x0, s4;
	[sflag:s6] =	ssyncset.done $0x0  }
0xa0: {  	[sflag:s6] =	ssyncadd.s32 s4;
	_ =	sdelay $0x1  }
0xa1: {  	s23 =	simm.s32 $0x1B8B  }
0xa2: {  	_ =	swait.ge [sflag:s23], $0x1  }
0xa3: {  	[sflag:s23] =	ssyncset.done $0x0  }
0xa4: {  	[sflag:s23] =	ssyncadd.s32 $0xFFFFFFFF  }
0xa5: {  	s4 =	sld [smem:$0x0]  }
0xa6: {  	s5 =	sand.u32 $0xFFFFFFFE, s1  }
0xa7: {  	p0 =	sne.s32 s1, s5  }
0xa8: {  	s5 =	sshll.u32 @p0 s5, $0xE  }
0xa9: {  	s5 =	sadd.s32 @p0 $0x11B8D, s5;
	s6 =	sshll.u32 @p0 s4, $0x11  }
0xaa: {  	s5 =	sor.u32 @p0 s6, s5  }
0xab: {  	[sflag:s5] =	ssyncadd.remote.s32 @p0 $0x1;
	_ =	sdelay $0x1  }
0xac: {  	s5 =	simm.s32 @p0 $0x1B8D  }
0xad: {  	_ =	swait.eq @p0 [sflag:s5], $0x1  }
0xae: {  	[sflag:s5] =	ssyncadd.s32 @p0 $0xFFFFFFFF  }
0xaf: {  	s6 =	sshll.u32 @!p0 s1, $0xE  }
0xb0: {  	s6 =	sor.u32 @!p0 $0x4000, s6;
	s5 =	simm.s32 @!p0 $0x1B8D  }
0xb1: {  	s4 =	sshll.u32 @!p0 s4, $0x11;
	s6 =	sadd.s32 @!p0 $0x11B8D, s6;
	_ =	swait.eq @!p0 [sflag:s5], $0x1  }
0xb2: {  	s4 =	sor.u32 @!p0 s4, s6;
	[sflag:s5] =	ssyncadd.s32 @!p0 $0xFFFFFFFF  }
0xb3: {  	s25 =	simm.s32 $0x1B8E;
	s24 =	sld [smem:$0x3FFE];
	[sflag:s4] =	ssyncadd.remote.s32 @!p0 $0x1  }
0xb4: {  	s26 =	simm.s32 $execute0_lowered;
	[smem:$0x3FD2] =	sst s25  }
0xb5: {  	s5 =	sshll.u32 s26, $0x1;
	_ =	strace $0x8000004C;
	[dreg:$0x1] =	wrdreg $0xFFFFFFFF  }
0xb6: {  	s28 =	simm.s32 $_size_execute0_lowered;
	s3 =	sadd.s32 s3, s5;
	[dreg:$0x0] =	wrdreg $0x0  }
0xb7: {  	s5 =	sshll.u32 s28, $0x1;
	[dreg:$0x2] =	wrdreg s3  }
0xb8: {  	[dreg:$0x3] =	wrdreg s5  }
0xb9: {  	[dreg:$0x4] =	wrdreg $0xC0  }
0xba: {  	_ =	task [dreg:s22], $0x5FFFF  }
0xbb: {  	[dreg:$0x1] =	wrdreg $0xFFFFFFFF  }
0xbc: {  	[dreg:$0x0] =	wrdreg $0x60  }
0xbd: {  	[dreg:$0x2] =	wrdreg s24  }
0xbe: {  	[dreg:$0x3] =	wrdreg $0xB  }
0xbf: {  	_ =	task.clear_ibuf [dreg:s22], $0x4FFFF;
	_ =	strace $0x9000004C  }
0xc0: {  	s29 =	simm.s32 $0xB;
	_ =	strace $0x8000004E  }
0xc1: {  	_ =	swait.ge [sflag:s29], $0x1  }
0xc2: {  	[sflag:s29] =	ssyncadd.s32 $0xFFFFFFFF  }
0xc3: {  	_ =	strace $0x9000004E  }
0xc4: {  	_ =	sfence  }
0xc5: {  	s30 =	sld [smem:$0x0];
	_ =	sdelay $0x2  }
0xc6: {  	s31 =	sshll.u32 s1, $0xD;
	s1 =	sshrl.u32 s1, $0x2  }
0xc7: {  	s4 =	sand.u32 $0x4000, s31;
	s1 =	sadd.s32 s1, s30  }
0xc8: {  	s0 =	sor.u32 s4, s0;
	s1 =	sshll.u32 s1, $0x11  }
0xc9: {  	s0 =	sor.u32 s1, s0  }
0xca: {  	s0 =	sadd.s32 $0x8F2B, s0  }
0xcb: {  	[sflag:s0] =	ssyncadd.remote.s32 $0x1  }
0xcc: {  	_ =	sfence.sel $0xFFFF  }
0xcd: {  	[dreg:$0x0] =	wrdreg $0xFFFFFFFF;
	(pc) =	sbr.abs _section_cstart, $3  }
0xce: {  	[dreg:$0x1] =	wrdreg $0xFFFFFFFF  }
0xcf: {  	_ =	task.clear_ibuf [dreg:s22], $0x2FFFF;
	_ =	strace $0x9FFFFFFF  }
0xd0: {  	(tm) =	ssettm $0x7FFFFFFF  }
0xd1: {  	_ =	shalt  }
tec
execute0_lowered:
.L_overlay_start_1:
0x0: {  	(tag) =	ssettag $0x1  }
0x1: {  	s0 =	srdreg.scid  }
0x2: {  	s8 =	stileid.u32;
	s4 =	rddreg [dreg:$0x0]  }
0x3: {  	s2 =	simm.s32 $0x0;
	s10 =	simm.s32 $0x2600;
	s29 =	simm.s32 $0x2E00  }
0x4: {  	s12 =	simm.s32 $0x3600;
	s13 =	simm.s32 $0x3E00;
	s14 =	simm.s32 $0x4600  }
0x5: {  	s15 =	simm.s32 $0x4E00;
	s16 =	simm.s32 $0x5600;
	s17 =	simm.s32 $0x5E00  }
0x6: {  	s18 =	simm.s32 $0x6600;
	s19 =	simm.s32 $0x6E00;
	s20 =	simm.s32 $0x7600  }
0x7: {  	s21 =	simm.s32 $0x7E00;
	s22 =	simm.s32 $0x8600;
	s23 =	simm.s32 $0x8E00  }
0x8: {  	s24 =	simm.s32 $0x9600;
	s28 =	simm.s32 $0xAE00;
	s9 =	simm.s32 $0xB600  }
0x9: {  	s30 =	simm.s32 $0xBE00;
	s11 =	simm.s32 $0xC600;
	s31 =	simm.s32 $0x1  }
0xa: {  	s0 =	sand.u32 $0x1, s0;
	s1 =	sshll.u32 s8, $0x1;
	s8 =	smul.u32 $0x18000, s8  }
0xb: {  	s1 =	sor.u32 s0, s1;
	s6 =	ssub.s32 $0x2, s0;
	s0 =	smul.u32 $0xC000, s0  }
0xc: {  	[smem:$0x7FF] =	sst s2;
	s3 =	sadd.s32 $0x2A400, s4;
	s5 =	smul.u32 $0x600, s1  }
0xd: {  	_ =	strace $0x8000004D;
	s1 =	smul.u32 $0x60000, s1;
	s7 =	sshrl.u32 s6, $0x1  }
0xe: {  	s6 =	ssub.s32 s6, s7;
	s7 =	simm.s32 $0x1E00;
	s5 =	sshrl.u32 s5, $0x3  }
0xf: {  	s1 =	sshrl.u32 s1, $0x3;
	s26 =	smax.u32 s6, $0x1;
	s6 =	simm.s32 $0x1600  }
0x10: {  	s5 =	sadd.s32 s5, s4;
	s4 =	sadd.s32 $0x3B9E00, s4;
	[dreg:$0x6] =	wrdreg s26  }
0x11: {  	s26 =	simm.s32 $0xA600;
	s5 =	sadd.s32 $0x3B8600, s5;
	s1 =	sadd.s32 s4, s1  }
0x12: {  	s4 =	sadd.s32 s8, s4;
	[dreg:$0x3] =	wrdreg s5;
	s25 =	sadd.s32 $0x9000, s1  }
0x13: {  	s8 =	simm.s32 $0x3;
	s1 =	sadd.s32 $0xA800, s1;
	[dreg:$0x4] =	wrdreg s25  }
0x14: {  	v2 =	vlaneseq.u32;
	s0 =	sadd.s32 s0, s4;
	s4 =	simm.s32 $0x600;
	[dreg:$0x5] =	wrdreg s1  }
0x15: {  	vm0 =	vmmov $0xffff;
	v1 =	vshrl.u32 v2, $0x3;
	s5 =	simm.s32 $0xE00;
	[dreg:$0x2] =	wrdreg s0;
	s0 =	simm.s32 $0x0  }
0x16: {  	v0 =	vand.u32 $0x7, v2;
	v2 =	vor.u32 $0x8, v2;
	v1 =	vmul.u32 $0x8, v1;
	s25 =	simm.s32 $0x9E00;
	s1 =	simm.s32 $0x2;
	[dreg:$0x7] =	wrdreg s0  }
.LBB2_1:
0x17: {  	s0 =	rddreg [dreg:$0x3]  }
0x18: {  	[tilespmem:s2], [sflag:$0x3] =	stream.linear.gather [hbm4b:s0+s2], $0x600, $0x38;
	[tilespmem:$0x18600] =	vst v63  }
0x19: {  	_ =	swait.ge [sflag:s8], $0x600  }
0x1a: {  	[sflag:s8] =	ssyncset.done $0x0  }
0x1b: {  	[sflag:s8] =	ssyncadd.s32 $0xFFFFFA00  }
0x1c: {  	v3 =	vld [tilespmem:$0x0];
	_ =	sdelay $0x4  }
0x1d: {  	v4 =	vshll.u32 v3, $0x1  }
0x1e: {  	v3 =	vand.u32 $0x7, v3;
	v4 =	vand.u32 $0xFFFFFFF0, v4  }
0x1f: {  	v3 =	vor.u32 v3, v4  }
0x20: {  	v4 =	vperm.xlane v3, v0;
	_ =	sdelay $0x1  }
0x21: {  	v3 =	vperm.xlane v3, v2;
	v4 =	vadd.s32 v1, v4;
	_ =	sdelay $0x1  }
0x22: {  	v3 =	vadd.s32 v1, v3;
	_ =	sdelay $0x2  }
0x23: {  	[tilespmem:s4], [sflag:$0x1] =	stream.indirect_vreg.gather [hbm4b:s3+s2], $0x80, v4, vm0, $0xb8;
	[tilespmem:$0x18600] =	vst v63  }
0x24: {  	_ = 	snop  }
0x25: {  	[tilespmem:s5], [sflag:$0x1] =	stream.indirect_vreg.gather [hbm4b:s3+s2], $0x80, v3, vm0, $0xb8;
	[tilespmem:$0x18600] =	vst v63  }
0x26: {  	v3 =	vld [tilespmem:$0x10];
	_ =	sdelay $0x4  }
0x27: {  	v41 =	vshll.u32 v3, $0x1  }
0x28: {  	v3 =	vand.u32 $0x7, v3;
	v4 =	vand.u32 $0xFFFFFFF0, v41  }
0x29: {  	v3 =	vor.u32 v3, v4  }
0x2a: {  	v4 =	vperm.xlane v3, v0;
	_ =	sdelay $0x1  }
0x2b: {  	v3 =	vperm.xlane v3, v2;
	v4 =	vadd.s32 v1, v4;
	_ =	sdelay $0x1  }
0x2c: {  	v3 =	vadd.s32 v1, v3;
	_ =	sdelay $0x2  }
0x2d: {  	[tilespmem:s6], [sflag:$0x1] =	stream.indirect_vreg.gather [hbm4b:s3+s2], $0x80, v4, vm0, $0xb8;
	[tilespmem:$0x18600] =	vst v63  }
0x2e: {  	_ = 	snop  }
0x2f: {  	[tilespmem:s7], [sflag:$0x1] =	stream.indirect_vreg.gather [hbm4b:s3+s2], $0x80, v3, vm0, $0xb8;
	[tilespmem:$0x18600] =	vst v63  }
0x30: {  	v3 =	vld [tilespmem:$0x20];
	_ =	sdelay $0x4  }
0x31: {  	v42 =	vshll.u32 v3, $0x1  }
0x32: {  	v3 =	vand.u32 $0x7, v3;
	v4 =	vand.u32 $0xFFFFFFF0, v42  }
0x33: {  	v3 =	vor.u32 v3, v4  }
0x34: {  	v4 =	vperm.xlane v3, v0;
	_ =	sdelay $0x1  }
0x35: {  	v3 =	vperm.xlane v3, v2;
	v4 =	vadd.s32 v1, v4;
	_ =	sdelay $0x1  }
0x36: {  	v3 =	vadd.s32 v1, v3;
	_ =	sdelay $0x2  }
0x37: {  	[tilespmem:s10], [sflag:$0x1] =	stream.indirect_vreg.gather [hbm4b:s3+s2], $0x80, v4, vm0, $0xb8;
	[tilespmem:$0x18600] =	vst v63  }
0x38: {  	_ = 	snop  }
0x39: {  	[tilespmem:s29], [sflag:$0x1] =	stream.indirect_vreg.gather [hbm4b:s3+s2], $0x80, v3, vm0, $0xb8;
	[tilespmem:$0x18600] =	vst v63  }
0x3a: {  	v3 =	vld [tilespmem:$0x30];
	_ =	sdelay $0x4  }
0x3b: {  	v43 =	vshll.u32 v3, $0x1  }
0x3c: {  	v3 =	vand.u32 $0x7, v3;
	v4 =	vand.u32 $0xFFFFFFF0, v43  }
0x3d: {  	v3 =	vor.u32 v3, v4  }
0x3e: {  	v4 =	vperm.xlane v3, v0;
	_ =	sdelay $0x1  }
0x3f: {  	v3 =	vperm.xlane v3, v2;
	v4 =	vadd.s32 v1, v4;
	_ =	sdelay $0x1  }
0x40: {  	v3 =	vadd.s32 v1, v3;
	_ =	sdelay $0x2  }
0x41: {  	[tilespmem:s12], [sflag:$0x1] =	stream.indirect_vreg.gather [hbm4b:s3+s2], $0x80, v4, vm0, $0xb8;
	[tilespmem:$0x18600] =	vst v63  }
0x42: {  	_ = 	snop  }
0x43: {  	[tilespmem:s13], [sflag:$0x1] =	stream.indirect_vreg.gather [hbm4b:s3+s2], $0x80, v3, vm0, $0xb8;
	[tilespmem:$0x18600] =	vst v63  }
0x44: {  	v3 =	vld [tilespmem:$0x40];
	_ =	sdelay $0x4  }
0x45: {  	v44 =	vshll.u32 v3, $0x1  }
0x46: {  	v3 =	vand.u32 $0x7, v3;
	v4 =	vand.u32 $0xFFFFFFF0, v44  }
0x47: {  	v3 =	vor.u32 v3, v4  }
0x48: {  	v4 =	vperm.xlane v3, v0;
	_ =	sdelay $0x1  }
0x49: {  	v3 =	vperm.xlane v3, v2;
	v4 =	vadd.s32 v1, v4;
	_ =	sdelay $0x1  }
0x4a: {  	v3 =	vadd.s32 v1, v3;
	_ =	sdelay $0x2  }
0x4b: {  	[tilespmem:s14], [sflag:$0x1] =	stream.indirect_vreg.gather [hbm4b:s3+s2], $0x80, v4, vm0, $0xb8;
	[tilespmem:$0x18600] =	vst v63  }
0x4c: {  	_ = 	snop  }
0x4d: {  	[tilespmem:s15], [sflag:$0x1] =	stream.indirect_vreg.gather [hbm4b:s3+s2], $0x80, v3, vm0, $0xb8;
	[tilespmem:$0x18600] =	vst v63  }
0x4e: {  	v3 =	vld [tilespmem:$0x50];
	_ =	sdelay $0x4  }
0x4f: {  	v45 =	vshll.u32 v3, $0x1  }
0x50: {  	v3 =	vand.u32 $0x7, v3;
	v4 =	vand.u32 $0xFFFFFFF0, v45  }
0x51: {  	v3 =	vor.u32 v3, v4  }
0x52: {  	v4 =	vperm.xlane v3, v0;
	_ =	sdelay $0x1  }
0x53: {  	v3 =	vperm.xlane v3, v2;
	v4 =	vadd.s32 v1, v4;
	_ =	sdelay $0x1  }
0x54: {  	v3 =	vadd.s32 v1, v3;
	_ =	sdelay $0x2  }
0x55: {  	[tilespmem:s16], [sflag:$0x1] =	stream.indirect_vreg.gather [hbm4b:s3+s2], $0x80, v4, vm0, $0xb8;
	[tilespmem:$0x18600] =	vst v63  }
0x56: {  	_ = 	snop  }
0x57: {  	[tilespmem:s17], [sflag:$0x1] =	stream.indirect_vreg.gather [hbm4b:s3+s2], $0x80, v3, vm0, $0xb8;
	[tilespmem:$0x18600] =	vst v63  }
0x58: {  	v3 =	vld [tilespmem:$0x60];
	_ =	sdelay $0x4  }
0x59: {  	v46 =	vshll.u32 v3, $0x1  }
0x5a: {  	v3 =	vand.u32 $0x7, v3;
	v4 =	vand.u32 $0xFFFFFFF0, v46  }
0x5b: {  	v3 =	vor.u32 v3, v4  }
0x5c: {  	v4 =	vperm.xlane v3, v0;
	_ =	sdelay $0x1  }
0x5d: {  	v3 =	vperm.xlane v3, v2;
	v4 =	vadd.s32 v1, v4;
	_ =	sdelay $0x1  }
0x5e: {  	v3 =	vadd.s32 v1, v3;
	_ =	sdelay $0x2  }
0x5f: {  	[tilespmem:s18], [sflag:$0x1] =	stream.indirect_vreg.gather [hbm4b:s3+s2], $0x80, v4, vm0, $0xb8;
	[tilespmem:$0x18600] =	vst v63  }
0x60: {  	_ = 	snop  }
0x61: {  	[tilespmem:s19], [sflag:$0x1] =	stream.indirect_vreg.gather [hbm4b:s3+s2], $0x80, v3, vm0, $0xb8;
	[tilespmem:$0x18600] =	vst v63  }
0x62: {  	v3 =	vld [tilespmem:$0x70];
	_ =	sdelay $0x4  }
0x63: {  	v47 =	vshll.u32 v3, $0x1  }
0x64: {  	v3 =	vand.u32 $0x7, v3;
	v4 =	vand.u32 $0xFFFFFFF0, v47  }
0x65: {  	v3 =	vor.u32 v3, v4  }
0x66: {  	v4 =	vperm.xlane v3, v0;
	_ =	sdelay $0x1  }
0x67: {  	v3 =	vperm.xlane v3, v2;
	v4 =	vadd.s32 v1, v4;
	_ =	sdelay $0x1  }
0x68: {  	v3 =	vadd.s32 v1, v3;
	_ =	sdelay $0x2  }
0x69: {  	[tilespmem:s20], [sflag:$0x1] =	stream.indirect_vreg.gather [hbm4b:s3+s2], $0x80, v4, vm0, $0xb8;
	[tilespmem:$0x18600] =	vst v63  }
0x6a: {  	_ = 	snop  }
0x6b: {  	[tilespmem:s21], [sflag:$0x1] =	stream.indirect_vreg.gather [hbm4b:s3+s2], $0x80, v3, vm0, $0xb8;
	[tilespmem:$0x18600] =	vst v63  }
0x6c: {  	v3 =	vld [tilespmem:$0x80];
	_ =	sdelay $0x4  }
0x6d: {  	v48 =	vshll.u32 v3, $0x1  }
0x6e: {  	v3 =	vand.u32 $0x7, v3;
	v4 =	vand.u32 $0xFFFFFFF0, v48  }
0x6f: {  	v3 =	vor.u32 v3, v4  }
0x70: {  	v4 =	vperm.xlane v3, v0;
	_ =	sdelay $0x1  }
0x71: {  	v3 =	vperm.xlane v3, v2;
	v4 =	vadd.s32 v1, v4;
	_ =	sdelay $0x1  }
0x72: {  	v3 =	vadd.s32 v1, v3;
	_ =	sdelay $0x2  }
0x73: {  	[tilespmem:s22], [sflag:$0x1] =	stream.indirect_vreg.gather [hbm4b:s3+s2], $0x80, v4, vm0, $0xb8;
	[tilespmem:$0x18600] =	vst v63  }
0x74: {  	_ = 	snop  }
0x75: {  	[tilespmem:s23], [sflag:$0x1] =	stream.indirect_vreg.gather [hbm4b:s3+s2], $0x80, v3, vm0, $0xb8;
	[tilespmem:$0x18600] =	vst v63  }
0x76: {  	v3 =	vld [tilespmem:$0x90];
	_ =	sdelay $0x4  }
0x77: {  	v49 =	vshll.u32 v3, $0x1  }
0x78: {  	v3 =	vand.u32 $0x7, v3;
	v4 =	vand.u32 $0xFFFFFFF0, v49  }
0x79: {  	v3 =	vor.u32 v3, v4  }
0x7a: {  	v4 =	vperm.xlane v3, v0;
	_ =	sdelay $0x1  }
0x7b: {  	v3 =	vperm.xlane v3, v2;
	v4 =	vadd.s32 v1, v4;
	_ =	sdelay $0x1  }
0x7c: {  	v3 =	vadd.s32 v1, v3;
	_ =	sdelay $0x2  }
0x7d: {  	[tilespmem:s24], [sflag:$0x1] =	stream.indirect_vreg.gather [hbm4b:s3+s2], $0x80, v4, vm0, $0xb8;
	[tilespmem:$0x18600] =	vst v63  }
0x7e: {  	_ = 	snop  }
0x7f: {  	[tilespmem:s25], [sflag:$0x1] =	stream.indirect_vreg.gather [hbm4b:s3+s2], $0x80, v3, vm0, $0xb8;
	[tilespmem:$0x18600] =	vst v63  }
0x80: {  	v3 =	vld [tilespmem:$0xA0];
	_ =	sdelay $0x4  }
0x81: {  	v50 =	vshll.u32 v3, $0x1  }
0x82: {  	v3 =	vand.u32 $0x7, v3;
	v4 =	vand.u32 $0xFFFFFFF0, v50  }
0x83: {  	v3 =	vor.u32 v3, v4  }
0x84: {  	v4 =	vperm.xlane v3, v0;
	_ =	sdelay $0x1  }
0x85: {  	v3 =	vperm.xlane v3, v2;
	v4 =	vadd.s32 v1, v4;
	_ =	sdelay $0x1  }
0x86: {  	v3 =	vadd.s32 v1, v3;
	_ =	sdelay $0x2  }
0x87: {  	[tilespmem:s26], [sflag:$0x1] =	stream.indirect_vreg.gather [hbm4b:s3+s2], $0x80, v4, vm0, $0xb8;
	[tilespmem:$0x18600] =	vst v63  }
0x88: {  	_ = 	snop  }
0x89: {  	[tilespmem:s28], [sflag:$0x1] =	stream.indirect_vreg.gather [hbm4b:s3+s2], $0x80, v3, vm0, $0xb8;
	[tilespmem:$0x18600] =	vst v63  }
0x8a: {  	v3 =	vld [tilespmem:$0xB0];
	_ =	sdelay $0x4  }
0x8b: {  	v51 =	vshll.u32 v3, $0x1  }
0x8c: {  	v3 =	vand.u32 $0x7, v3;
	v4 =	vand.u32 $0xFFFFFFF0, v51  }
0x8d: {  	v3 =	vor.u32 v3, v4  }
0x8e: {  	v4 =	vperm.xlane v3, v0;
	_ =	sdelay $0x1  }
0x8f: {  	v3 =	vperm.xlane v3, v2;
	v4 =	vadd.s32 v1, v4;
	_ =	sdelay $0x1  }
0x90: {  	v3 =	vadd.s32 v1, v3;
	_ =	sdelay $0x2  }
0x91: {  	[tilespmem:s9], [sflag:$0x1] =	stream.indirect_vreg.gather [hbm4b:s3+s2], $0x80, v4, vm0, $0xb8;
	[tilespmem:$0x18600] =	vst v63  }
0x92: {  	_ = 	snop  }
0x93: {  	[tilespmem:s30], [sflag:$0x1] =	stream.indirect_vreg.gather [hbm4b:s3+s2], $0x80, v3, vm0, $0xb8;
	[tilespmem:$0x18600] =	vst v63  }
0x94: {  	v3 =	vld [tilespmem:$0xC0];
	_ =	sdelay $0x4  }
0x95: {  	v52 =	vshll.u32 v3, $0x1  }
0x96: {  	v3 =	vand.u32 $0x7, v3;
	v4 =	vand.u32 $0xFFFFFFF0, v52  }
0x97: {  	v3 =	vor.u32 v3, v4  }
0x98: {  	v4 =	vperm.xlane v3, v0;
	_ =	sdelay $0x1  }
0x99: {  	v3 =	vperm.xlane v3, v2;
	v4 =	vadd.s32 v1, v4;
	_ =	sdelay $0x1  }
0x9a: {  	v3 =	vadd.s32 v1, v3;
	_ =	sdelay $0x2  }
0x9b: {  	[tilespmem:s11], [sflag:$0x2] =	stream.indirect_vreg.gather [hbm4b:s3+s2], $0x80, v4, vm0, $0xb8;
	[tilespmem:$0x18600] =	vst v63  }
0x9c: {  	s5 =	simm.s32 $0xCE00  }
0x9d: {  	[tilespmem:s5], [sflag:$0x2] =	stream.indirect_vreg.gather [hbm4b:s3+s2], $0x80, v3, vm0, $0xb8;
	[tilespmem:$0x18600] =	vst v63  }
0x9e: {  	v3 =	vld [tilespmem:$0xD0];
	_ =	sdelay $0x4  }
0x9f: {  	v53 =	vshll.u32 v3, $0x1  }
0xa0: {  	v3 =	vand.u32 $0x7, v3;
	v4 =	vand.u32 $0xFFFFFFF0, v53  }
0xa1: {  	v3 =	vor.u32 v3, v4  }
0xa2: {  	v4 =	vperm.xlane v3, v0;
	_ =	sdelay $0x1  }
0xa3: {  	v3 =	vperm.xlane v3, v2;
	v4 =	vadd.s32 v1, v4;
	_ =	sdelay $0x1  }
0xa4: {  	v3 =	vadd.s32 v1, v3;
	_ =	sdelay $0x1  }
0xa5: {  	s6 =	simm.s32 $0xD600  }
0xa6: {  	[tilespmem:s6], [sflag:$0x2] =	stream.indirect_vreg.gather [hbm4b:s3+s2], $0x80, v4, vm0, $0xb8;
	[tilespmem:$0x18600] =	vst v63  }
0xa7: {  	s7 =	simm.s32 $0xDE00  }
0xa8: {  	[tilespmem:s7], [sflag:$0x2] =	stream.indirect_vreg.gather [hbm4b:s3+s2], $0x80, v3, vm0, $0xb8;
	[tilespmem:$0x18600] =	vst v63  }
0xa9: {  	v3 =	vld [tilespmem:$0xE0];
	_ =	sdelay $0x4  }
0xaa: {  	v54 =	vshll.u32 v3, $0x1  }
0xab: {  	v3 =	vand.u32 $0x7, v3;
	v4 =	vand.u32 $0xFFFFFFF0, v54  }
0xac: {  	v3 =	vor.u32 v3, v4  }
0xad: {  	v4 =	vperm.xlane v3, v0;
	_ =	sdelay $0x1  }
0xae: {  	v3 =	vperm.xlane v3, v2;
	v4 =	vadd.s32 v1, v4;
	_ =	sdelay $0x1  }
0xaf: {  	v3 =	vadd.s32 v1, v3;
	_ =	sdelay $0x1  }
0xb0: {  	s9 =	simm.s32 $0xE600  }
0xb1: {  	[tilespmem:s9], [sflag:$0x2] =	stream.indirect_vreg.gather [hbm4b:s3+s2], $0x80, v4, vm0, $0xb8;
	[tilespmem:$0x18600] =	vst v63  }
0xb2: {  	s10 =	simm.s32 $0xEE00  }
0xb3: {  	[tilespmem:s10], [sflag:$0x2] =	stream.indirect_vreg.gather [hbm4b:s3+s2], $0x80, v3, vm0, $0xb8;
	[tilespmem:$0x18600] =	vst v63  }
0xb4: {  	v3 =	vld [tilespmem:$0xF0];
	_ =	sdelay $0x4  }
0xb5: {  	v55 =	vshll.u32 v3, $0x1  }
0xb6: {  	v3 =	vand.u32 $0x7, v3;
	v4 =	vand.u32 $0xFFFFFFF0, v55  }
0xb7: {  	v3 =	vor.u32 v3, v4  }
0xb8: {  	v4 =	vperm.xlane v3, v0;
	_ =	sdelay $0x1  }
0xb9: {  	v3 =	vperm.xlane v3, v2;
	v4 =	vadd.s32 v1, v4;
	_ =	sdelay $0x1  }
0xba: {  	v3 =	vadd.s32 v1, v3;
	_ =	sdelay $0x1  }
0xbb: {  	s11 =	simm.s32 $0xF600  }
0xbc: {  	[tilespmem:s11], [sflag:$0x2] =	stream.indirect_vreg.gather [hbm4b:s3+s2], $0x80, v4, vm0, $0xb8;
	[tilespmem:$0x18600] =	vst v63  }
0xbd: {  	s12 =	simm.s32 $0xFE00  }
0xbe: {  	[tilespmem:s12], [sflag:$0x2] =	stream.indirect_vreg.gather [hbm4b:s3+s2], $0x80, v3, vm0, $0xb8;
	[tilespmem:$0x18600] =	vst v63  }
0xbf: {  	v3 =	vld [tilespmem:$0x100];
	_ =	sdelay $0x4  }
0xc0: {  	v56 =	vshll.u32 v3, $0x1  }
0xc1: {  	v3 =	vand.u32 $0x7, v3;
	v4 =	vand.u32 $0xFFFFFFF0, v56  }
0xc2: {  	v3 =	vor.u32 v3, v4  }
0xc3: {  	v4 =	vperm.xlane v3, v0;
	_ =	sdelay $0x1  }
0xc4: {  	v3 =	vperm.xlane v3, v2;
	v4 =	vadd.s32 v1, v4;
	_ =	sdelay $0x1  }
0xc5: {  	v3 =	vadd.s32 v1, v3;
	_ =	sdelay $0x1  }
0xc6: {  	s13 =	simm.s32 $0x10600  }
0xc7: {  	[tilespmem:s13], [sflag:$0x2] =	stream.indirect_vreg.gather [hbm4b:s3+s2], $0x80, v4, vm0, $0xb8;
	[tilespmem:$0x18600] =	vst v63  }
0xc8: {  	s14 =	simm.s32 $0x10E00  }
0xc9: {  	[tilespmem:s14], [sflag:$0x2] =	stream.indirect_vreg.gather [hbm4b:s3+s2], $0x80, v3, vm0, $0xb8;
	[tilespmem:$0x18600] =	vst v63  }
0xca: {  	v3 =	vld [tilespmem:$0x110];
	_ =	sdelay $0x4  }
0xcb: {  	v57 =	vshll.u32 v3, $0x1  }
0xcc: {  	v3 =	vand.u32 $0x7, v3;
	v4 =	vand.u32 $0xFFFFFFF0, v57  }
0xcd: {  	v3 =	vor.u32 v3, v4  }
0xce: {  	v4 =	vperm.xlane v3, v0;
	_ =	sdelay $0x1  }
0xcf: {  	v3 =	vperm.xlane v3, v2;
	v4 =	vadd.s32 v1, v4;
	_ =	sdelay $0x1  }
0xd0: {  	v3 =	vadd.s32 v1, v3;
	_ =	sdelay $0x1  }
0xd1: {  	s15 =	simm.s32 $0x11600  }
0xd2: {  	[tilespmem:s15], [sflag:$0x2] =	stream.indirect_vreg.gather [hbm4b:s3+s2], $0x80, v4, vm0, $0xb8;
	[tilespmem:$0x18600] =	vst v63  }
0xd3: {  	s16 =	simm.s32 $0x11E00  }
0xd4: {  	[tilespmem:s16], [sflag:$0x2] =	stream.indirect_vreg.gather [hbm4b:s3+s2], $0x80, v3, vm0, $0xb8;
	[tilespmem:$0x18600] =	vst v63  }
0xd5: {  	v3 =	vld [tilespmem:$0x120];
	_ =	sdelay $0x4  }
0xd6: {  	v58 =	vshll.u32 v3, $0x1  }
0xd7: {  	v3 =	vand.u32 $0x7, v3;
	v4 =	vand.u32 $0xFFFFFFF0, v58  }
0xd8: {  	v3 =	vor.u32 v3, v4  }
0xd9: {  	v4 =	vperm.xlane v3, v0;
	_ =	sdelay $0x1  }
0xda: {  	v3 =	vperm.xlane v3, v2;
	v4 =	vadd.s32 v1, v4;
	_ =	sdelay $0x1  }
0xdb: {  	v3 =	vadd.s32 v1, v3;
	_ =	sdelay $0x1  }
0xdc: {  	s17 =	simm.s32 $0x12600  }
0xdd: {  	[tilespmem:s17], [sflag:$0x2] =	stream.indirect_vreg.gather [hbm4b:s3+s2], $0x80, v4, vm0, $0xb8;
	[tilespmem:$0x18600] =	vst v63  }
0xde: {  	s18 =	simm.s32 $0x12E00  }
0xdf: {  	[tilespmem:s18], [sflag:$0x2] =	stream.indirect_vreg.gather [hbm4b:s3+s2], $0x80, v3, vm0, $0xb8;
	[tilespmem:$0x18600] =	vst v63  }
0xe0: {  	v3 =	vld [tilespmem:$0x130];
	_ =	sdelay $0x4  }
0xe1: {  	v59 =	vshll.u32 v3, $0x1  }
0xe2: {  	v3 =	vand.u32 $0x7, v3;
	v4 =	vand.u32 $0xFFFFFFF0, v59  }
0xe3: {  	v3 =	vor.u32 v3, v4  }
0xe4: {  	v4 =	vperm.xlane v3, v0;
	_ =	sdelay $0x1  }
0xe5: {  	v3 =	vperm.xlane v3, v2;
	v4 =	vadd.s32 v1, v4;
	_ =	sdelay $0x1  }
0xe6: {  	v3 =	vadd.s32 v1, v3;
	_ =	sdelay $0x1  }
0xe7: {  	s19 =	simm.s32 $0x13600  }
0xe8: {  	[tilespmem:s19], [sflag:$0x2] =	stream.indirect_vreg.gather [hbm4b:s3+s2], $0x80, v4, vm0, $0xb8;
	[tilespmem:$0x18600] =	vst v63  }
0xe9: {  	s20 =	simm.s32 $0x13E00  }
0xea: {  	[tilespmem:s20], [sflag:$0x2] =	stream.indirect_vreg.gather [hbm4b:s3+s2], $0x80, v3, vm0, $0xb8;
	[tilespmem:$0x18600] =	vst v63  }
0xeb: {  	v3 =	vld [tilespmem:$0x140];
	_ =	sdelay $0x4  }
0xec: {  	v60 =	vshll.u32 v3, $0x1  }
0xed: {  	v3 =	vand.u32 $0x7, v3;
	v4 =	vand.u32 $0xFFFFFFF0, v60  }
0xee: {  	v3 =	vor.u32 v3, v4  }
0xef: {  	v4 =	vperm.xlane v3, v0;
	_ =	sdelay $0x1  }
0xf0: {  	v3 =	vperm.xlane v3, v2;
	v4 =	vadd.s32 v1, v4;
	_ =	sdelay $0x1  }
0xf1: {  	v3 =	vadd.s32 v1, v3;
	_ =	sdelay $0x1  }
0xf2: {  	s21 =	simm.s32 $0x14600  }
0xf3: {  	[tilespmem:s21], [sflag:$0x2] =	stream.indirect_vreg.gather [hbm4b:s3+s2], $0x80, v4, vm0, $0xb8;
	[tilespmem:$0x18600] =	vst v63  }
0xf4: {  	s22 =	simm.s32 $0x14E00  }
0xf5: {  	[tilespmem:s22], [sflag:$0x2] =	stream.indirect_vreg.gather [hbm4b:s3+s2], $0x80, v3, vm0, $0xb8;
	[tilespmem:$0x18600] =	vst v63  }
0xf6: {  	v3 =	vld [tilespmem:$0x150];
	_ =	sdelay $0x4  }
0xf7: {  	v61 =	vshll.u32 v3, $0x1  }
0xf8: {  	v3 =	vand.u32 $0x7, v3;
	v4 =	vand.u32 $0xFFFFFFF0, v61  }
0xf9: {  	v3 =	vor.u32 v3, v4  }
0xfa: {  	v4 =	vperm.xlane v3, v0;
	_ =	sdelay $0x1  }
0xfb: {  	v3 =	vperm.xlane v3, v2;
	v4 =	vadd.s32 v1, v4;
	_ =	sdelay $0x1  }
0xfc: {  	v3 =	vadd.s32 v1, v3;
	_ =	sdelay $0x1  }
0xfd: {  	s23 =	simm.s32 $0x15600  }
0xfe: {  	[tilespmem:s23], [sflag:$0x2] =	stream.indirect_vreg.gather [hbm4b:s3+s2], $0x80, v4, vm0, $0xb8;
	[tilespmem:$0x18600] =	vst v63  }
0xff: {  	s24 =	simm.s32 $0x15E00  }
0x100: {  	[tilespmem:s24], [sflag:$0x2] =	stream.indirect_vreg.gather [hbm4b:s3+s2], $0x80, v3, vm0, $0xb8;
	[tilespmem:$0x18600] =	vst v63  }
0x101: {  	v3 =	vld [tilespmem:$0x160];
	_ =	sdelay $0x4  }
0x102: {  	v62 =	vshll.u32 v3, $0x1  }
0x103: {  	v3 =	vand.u32 $0x7, v3;
	v4 =	vand.u32 $0xFFFFFFF0, v62  }
0x104: {  	v3 =	vor.u32 v3, v4  }
0x105: {  	v4 =	vperm.xlane v3, v0;
	_ =	sdelay $0x1  }
0x106: {  	v3 =	vperm.xlane v3, v2;
	v4 =	vadd.s32 v1, v4;
	_ =	sdelay $0x1  }
0x107: {  	v3 =	vadd.s32 v1, v3;
	_ =	sdelay $0x1  }
0x108: {  	s25 =	simm.s32 $0x16600  }
0x109: {  	[tilespmem:s25], [sflag:$0x2] =	stream.indirect_vreg.gather [hbm4b:s3+s2], $0x80, v4, vm0, $0xb8;
	[tilespmem:$0x18600] =	vst v63  }
0x10a: {  	s26 =	simm.s32 $0x16E00  }
0x10b: {  	[tilespmem:s26], [sflag:$0x2] =	stream.indirect_vreg.gather [hbm4b:s3+s2], $0x80, v3, vm0, $0xb8;
	[tilespmem:$0x18600] =	vst v63  }
0x10c: {  	v3 =	vld [tilespmem:$0x170];
	_ =	sdelay $0x4  }
0x10d: {  	v63 =	vshll.u32 v3, $0x1  }
0x10e: {  	v3 =	vand.u32 $0x7, v3;
	v4 =	vand.u32 $0xFFFFFFF0, v63  }
0x10f: {  	v3 =	vor.u32 v3, v4  }
0x110: {  	s0 =	simm.s32 $0x2F0;
	v4 =	vperm.xlane v3, v0  }
0x111: {  	s29 =	simm.s32 $0xA600;
	s28 =	simm.s32 $0x9E00;
	s30 =	simm.s32 $0xAE00  }
0x112: {  	s5 =	simm.s32 $0x0;
	s7 =	simm.s32 $0xE00;
	s9 =	simm.s32 $0xB600;
	v3 =	vperm.xlane v3, v2;
	v4 =	vadd.s32 v1, v4  }
0x113: {  	s10 =	simm.s32 $0x1600;
	s12 =	simm.s32 $0x2600;
	s13 =	simm.s32 $0x2E00  }
0x114: {  	s14 =	simm.s32 $0x3600;
	s16 =	simm.s32 $0x4600;
	s17 =	simm.s32 $0x4E00;
	v3 =	vadd.s32 v1, v3  }
0x115: {  	s18 =	simm.s32 $0x5600;
	s19 =	simm.s32 $0x17600;
	s20 =	simm.s32 $0x6600  }
0x116: {  	s21 =	simm.s32 $0x6E00;
	s22 =	simm.s32 $0x7600;
	s23 =	simm.s32 $0x17E00  }
0x117: {  	[tilespmem:s19], [sflag:$0x2] =	stream.indirect_vreg.gather [hbm4b:s3+s2], $0x80, v4, vm0, $0xb8;
	[tilespmem:$0x18600] =	vst v63  }
0x118: {  	s24 =	simm.s32 $0x8600;
	s25 =	simm.s32 $0x8E00;
	s26 =	simm.s32 $0x9600  }
0x119: {  	[tilespmem:s23], [sflag:$0x2] =	stream.indirect_vreg.gather [hbm4b:s3+s2], $0x80, v3, vm0, $0xb8;
	[tilespmem:$0x18600] =	vst v63  }
.LBB2_2:
0x11a: {  	_ =	swait.ge [sflag:s31], $0xC000  }
0x11b: {  	s6 =	rddreg [dreg:$0x2];
	[sflag:s31] =	ssyncset.done $0x0  }
0x11c: {  	s11 =	simm.s32 $0x600;
	[sflag:s31] =	ssyncadd.s32 $0xFFFF4000;
	s6 =	sadd.s32 s5, s6  }
0x11d: {  	[hbm4b:s6+s2] =	stream.linear.scatter [tilespmem:s11], [sflag:$0x3], $0xC000, $0x38;
	[tilespmem:$0x18600] =	vst v63  }
0x11e: {  	_ =	swait.ge [sflag:s8], $0xC000  }
0x11f: {  	[sflag:s8] =	ssyncset.done $0x0  }
0x120: {  	[sflag:s8] =	ssyncadd.s32 $0xFFFF4000  }
0x121: {  	v3 =	vld [tilespmem:s0+$0xFFFFFE90];
	_ =	sdelay $0x4  }
0x122: {  	v4 =	vshll.u32 v3, $0x1  }
0x123: {  	v3 =	vand.u32 $0x7, v3;
	v4 =	vand.u32 $0xFFFFFFF0, v4  }
0x124: {  	v3 =	vor.u32 v3, v4  }
0x125: {  	v4 =	vperm.xlane v3, v0;
	_ =	sdelay $0x1  }
0x126: {  	v3 =	vperm.xlane v3, v2;
	v4 =	vadd.s32 v1, v4;
	_ =	sdelay $0x1  }
0x127: {  	v3 =	vadd.s32 v1, v3;
	_ =	sdelay $0x2  }
0x128: {  	[tilespmem:s11], [sflag:$0x1] =	stream.indirect_vreg.gather [hbm4b:s3+s2], $0x80, v4, vm0, $0xb8;
	[tilespmem:$0x18600] =	vst v63  }
0x129: {  	_ = 	snop  }
0x12a: {  	[tilespmem:s7], [sflag:$0x1] =	stream.indirect_vreg.gather [hbm4b:s3+s2], $0x80, v3, vm0, $0xb8;
	[tilespmem:$0x18600] =	vst v63  }
0x12b: {  	v3 =	vld [tilespmem:s0+$0xFFFFFEA0];
	_ =	sdelay $0x4  }
0x12c: {  	v41 =	vshll.u32 v3, $0x1  }
0x12d: {  	v3 =	vand.u32 $0x7, v3;
	v4 =	vand.u32 $0xFFFFFFF0, v41  }
0x12e: {  	v3 =	vor.u32 v3, v4  }
0x12f: {  	v4 =	vperm.xlane v3, v0;
	_ =	sdelay $0x1  }
0x130: {  	v3 =	vperm.xlane v3, v2;
	v4 =	vadd.s32 v1, v4;
	_ =	sdelay $0x1  }
0x131: {  	v3 =	vadd.s32 v1, v3;
	_ =	sdelay $0x2  }
0x132: {  	[tilespmem:s10], [sflag:$0x1] =	stream.indirect_vreg.gather [hbm4b:s3+s2], $0x80, v4, vm0, $0xb8;
	[tilespmem:$0x18600] =	vst v63  }
0x133: {  	s15 =	simm.s32 $0x1E00  }
0x134: {  	[tilespmem:s15], [sflag:$0x1] =	stream.indirect_vreg.gather [hbm4b:s3+s2], $0x80, v3, vm0, $0xb8;
	[tilespmem:$0x18600] =	vst v63  }
0x135: {  	v3 =	vld [tilespmem:s0+$0xFFFFFEB0];
	_ =	sdelay $0x4  }
0x136: {  	v42 =	vshll.u32 v3, $0x1  }
0x137: {  	v3 =	vand.u32 $0x7, v3;
	v4 =	vand.u32 $0xFFFFFFF0, v42  }
0x138: {  	v3 =	vor.u32 v3, v4  }
0x139: {  	v4 =	vperm.xlane v3, v0;
	_ =	sdelay $0x1  }
0x13a: {  	v3 =	vperm.xlane v3, v2;
	v4 =	vadd.s32 v1, v4;
	_ =	sdelay $0x1  }
0x13b: {  	v3 =	vadd.s32 v1, v3;
	_ =	sdelay $0x2  }
0x13c: {  	[tilespmem:s12], [sflag:$0x1] =	stream.indirect_vreg.gather [hbm4b:s3+s2], $0x80, v4, vm0, $0xb8;
	[tilespmem:$0x18600] =	vst v63  }
0x13d: {  	_ = 	snop  }
0x13e: {  	[tilespmem:s13], [sflag:$0x1] =	stream.indirect_vreg.gather [hbm4b:s3+s2], $0x80, v3, vm0, $0xb8;
	[tilespmem:$0x18600] =	vst v63  }
0x13f: {  	v3 =	vld [tilespmem:s0+$0xFFFFFEC0];
	_ =	sdelay $0x4  }
0x140: {  	v43 =	vshll.u32 v3, $0x1  }
0x141: {  	v3 =	vand.u32 $0x7, v3;
	v4 =	vand.u32 $0xFFFFFFF0, v43  }
0x142: {  	v3 =	vor.u32 v3, v4  }
0x143: {  	v4 =	vperm.xlane v3, v0;
	_ =	sdelay $0x1  }
0x144: {  	v3 =	vperm.xlane v3, v2;
	v4 =	vadd.s32 v1, v4;
	_ =	sdelay $0x1  }
0x145: {  	v3 =	vadd.s32 v1, v3;
	_ =	sdelay $0x2  }
0x146: {  	[tilespmem:s14], [sflag:$0x1] =	stream.indirect_vreg.gather [hbm4b:s3+s2], $0x80, v4, vm0, $0xb8;
	[tilespmem:$0x18600] =	vst v63  }
0x147: {  	s15 =	simm.s32 $0x3E00  }
0x148: {  	[tilespmem:s15], [sflag:$0x1] =	stream.indirect_vreg.gather [hbm4b:s3+s2], $0x80, v3, vm0, $0xb8;
	[tilespmem:$0x18600] =	vst v63  }
0x149: {  	v3 =	vld [tilespmem:s0+$0xFFFFFED0];
	_ =	sdelay $0x4  }
0x14a: {  	v44 =	vshll.u32 v3, $0x1  }
0x14b: {  	v3 =	vand.u32 $0x7, v3;
	v4 =	vand.u32 $0xFFFFFFF0, v44  }
0x14c: {  	v3 =	vor.u32 v3, v4  }
0x14d: {  	v4 =	vperm.xlane v3, v0;
	_ =	sdelay $0x1  }
0x14e: {  	v3 =	vperm.xlane v3, v2;
	v4 =	vadd.s32 v1, v4;
	_ =	sdelay $0x1  }
0x14f: {  	v3 =	vadd.s32 v1, v3;
	_ =	sdelay $0x2  }
0x150: {  	[tilespmem:s16], [sflag:$0x1] =	stream.indirect_vreg.gather [hbm4b:s3+s2], $0x80, v4, vm0, $0xb8;
	[tilespmem:$0x18600] =	vst v63  }
0x151: {  	_ = 	snop  }
0x152: {  	[tilespmem:s17], [sflag:$0x1] =	stream.indirect_vreg.gather [hbm4b:s3+s2], $0x80, v3, vm0, $0xb8;
	[tilespmem:$0x18600] =	vst v63  }
0x153: {  	v3 =	vld [tilespmem:s0+$0xFFFFFEE0];
	_ =	sdelay $0x4  }
0x154: {  	v45 =	vshll.u32 v3, $0x1  }
0x155: {  	v3 =	vand.u32 $0x7, v3;
	v4 =	vand.u32 $0xFFFFFFF0, v45  }
0x156: {  	v3 =	vor.u32 v3, v4  }
0x157: {  	v4 =	vperm.xlane v3, v0;
	_ =	sdelay $0x1  }
0x158: {  	v3 =	vperm.xlane v3, v2;
	v4 =	vadd.s32 v1, v4;
	_ =	sdelay $0x1  }
0x159: {  	v3 =	vadd.s32 v1, v3;
	_ =	sdelay $0x2  }
0x15a: {  	[tilespmem:s18], [sflag:$0x1] =	stream.indirect_vreg.gather [hbm4b:s3+s2], $0x80, v4, vm0, $0xb8;
	[tilespmem:$0x18600] =	vst v63  }
0x15b: {  	s15 =	simm.s32 $0x5E00  }
0x15c: {  	[tilespmem:s15], [sflag:$0x1] =	stream.indirect_vreg.gather [hbm4b:s3+s2], $0x80, v3, vm0, $0xb8;
	[tilespmem:$0x18600] =	vst v63  }
0x15d: {  	v3 =	vld [tilespmem:s0+$0xFFFFFEF0];
	_ =	sdelay $0x4  }
0x15e: {  	v46 =	vshll.u32 v3, $0x1  }
0x15f: {  	v3 =	vand.u32 $0x7, v3;
	v4 =	vand.u32 $0xFFFFFFF0, v46  }
0x160: {  	v3 =	vor.u32 v3, v4  }
0x161: {  	v4 =	vperm.xlane v3, v0;
	_ =	sdelay $0x1  }
0x162: {  	v3 =	vperm.xlane v3, v2;
	v4 =	vadd.s32 v1, v4;
	_ =	sdelay $0x1  }
0x163: {  	v3 =	vadd.s32 v1, v3;
	_ =	sdelay $0x2  }
0x164: {  	[tilespmem:s20], [sflag:$0x1] =	stream.indirect_vreg.gather [hbm4b:s3+s2], $0x80, v4, vm0, $0xb8;
	[tilespmem:$0x18600] =	vst v63  }
0x165: {  	_ = 	snop  }
0x166: {  	[tilespmem:s21], [sflag:$0x1] =	stream.indirect_vreg.gather [hbm4b:s3+s2], $0x80, v3, vm0, $0xb8;
	[tilespmem:$0x18600] =	vst v63  }
0x167: {  	v3 =	vld [tilespmem:s0+$0xFFFFFF00];
	_ =	sdelay $0x4  }
0x168: {  	v47 =	vshll.u32 v3, $0x1  }
0x169: {  	v3 =	vand.u32 $0x7, v3;
	v4 =	vand.u32 $0xFFFFFFF0, v47  }
0x16a: {  	v3 =	vor.u32 v3, v4  }
0x16b: {  	v4 =	vperm.xlane v3, v0;
	_ =	sdelay $0x1  }
0x16c: {  	v3 =	vperm.xlane v3, v2;
	v4 =	vadd.s32 v1, v4;
	_ =	sdelay $0x1  }
0x16d: {  	v3 =	vadd.s32 v1, v3;
	_ =	sdelay $0x2  }
0x16e: {  	[tilespmem:s22], [sflag:$0x1] =	stream.indirect_vreg.gather [hbm4b:s3+s2], $0x80, v4, vm0, $0xb8;
	[tilespmem:$0x18600] =	vst v63  }
0x16f: {  	s15 =	simm.s32 $0x7E00  }
0x170: {  	[tilespmem:s15], [sflag:$0x1] =	stream.indirect_vreg.gather [hbm4b:s3+s2], $0x80, v3, vm0, $0xb8;
	[tilespmem:$0x18600] =	vst v63  }
0x171: {  	v3 =	vld [tilespmem:s0+$0xFFFFFF10];
	_ =	sdelay $0x4  }
0x172: {  	v48 =	vshll.u32 v3, $0x1  }
0x173: {  	v3 =	vand.u32 $0x7, v3;
	v4 =	vand.u32 $0xFFFFFFF0, v48  }
0x174: {  	v3 =	vor.u32 v3, v4  }
0x175: {  	v4 =	vperm.xlane v3, v0;
	_ =	sdelay $0x1  }
0x176: {  	v3 =	vperm.xlane v3, v2;
	v4 =	vadd.s32 v1, v4;
	_ =	sdelay $0x1  }
0x177: {  	v3 =	vadd.s32 v1, v3;
	_ =	sdelay $0x2  }
0x178: {  	[tilespmem:s24], [sflag:$0x1] =	stream.indirect_vreg.gather [hbm4b:s3+s2], $0x80, v4, vm0, $0xb8;
	[tilespmem:$0x18600] =	vst v63  }
0x179: {  	_ = 	snop  }
0x17a: {  	[tilespmem:s25], [sflag:$0x1] =	stream.indirect_vreg.gather [hbm4b:s3+s2], $0x80, v3, vm0, $0xb8;
	[tilespmem:$0x18600] =	vst v63  }
0x17b: {  	v3 =	vld [tilespmem:s0+$0xFFFFFF20];
	_ =	sdelay $0x4  }
0x17c: {  	v49 =	vshll.u32 v3, $0x1  }
0x17d: {  	v3 =	vand.u32 $0x7, v3;
	v4 =	vand.u32 $0xFFFFFFF0, v49  }
0x17e: {  	v3 =	vor.u32 v3, v4  }
0x17f: {  	v4 =	vperm.xlane v3, v0;
	_ =	sdelay $0x1  }
0x180: {  	v3 =	vperm.xlane v3, v2;
	v4 =	vadd.s32 v1, v4;
	_ =	sdelay $0x1  }
0x181: {  	v3 =	vadd.s32 v1, v3;
	_ =	sdelay $0x2  }
0x182: {  	[tilespmem:s26], [sflag:$0x1] =	stream.indirect_vreg.gather [hbm4b:s3+s2], $0x80, v4, vm0, $0xb8;
	[tilespmem:$0x18600] =	vst v63  }
0x183: {  	_ = 	snop  }
0x184: {  	[tilespmem:s28], [sflag:$0x1] =	stream.indirect_vreg.gather [hbm4b:s3+s2], $0x80, v3, vm0, $0xb8;
	[tilespmem:$0x18600] =	vst v63  }
0x185: {  	v3 =	vld [tilespmem:s0+$0xFFFFFF30];
	_ =	sdelay $0x4  }
0x186: {  	v50 =	vshll.u32 v3, $0x1  }
0x187: {  	v3 =	vand.u32 $0x7, v3;
	v4 =	vand.u32 $0xFFFFFFF0, v50  }
0x188: {  	v3 =	vor.u32 v3, v4  }
0x189: {  	v4 =	vperm.xlane v3, v0;
	_ =	sdelay $0x1  }
0x18a: {  	v3 =	vperm.xlane v3, v2;
	v4 =	vadd.s32 v1, v4;
	_ =	sdelay $0x1  }
0x18b: {  	v3 =	vadd.s32 v1, v3;
	_ =	sdelay $0x2  }
0x18c: {  	[tilespmem:s29], [sflag:$0x1] =	stream.indirect_vreg.gather [hbm4b:s3+s2], $0x80, v4, vm0, $0xb8;
	[tilespmem:$0x18600] =	vst v63  }
0x18d: {  	_ = 	snop  }
0x18e: {  	[tilespmem:s30], [sflag:$0x1] =	stream.indirect_vreg.gather [hbm4b:s3+s2], $0x80, v3, vm0, $0xb8;
	[tilespmem:$0x18600] =	vst v63  }
0x18f: {  	v3 =	vld [tilespmem:s0+$0xFFFFFF40];
	_ =	sdelay $0x4  }
0x190: {  	v51 =	vshll.u32 v3, $0x1  }
0x191: {  	v3 =	vand.u32 $0x7, v3;
	v4 =	vand.u32 $0xFFFFFFF0, v51  }
0x192: {  	v3 =	vor.u32 v3, v4  }
0x193: {  	v4 =	vperm.xlane v3, v0;
	_ =	sdelay $0x1  }
0x194: {  	v3 =	vperm.xlane v3, v2;
	v4 =	vadd.s32 v1, v4;
	_ =	sdelay $0x1  }
0x195: {  	v3 =	vadd.s32 v1, v3;
	_ =	sdelay $0x2  }
0x196: {  	[tilespmem:s9], [sflag:$0x1] =	stream.indirect_vreg.gather [hbm4b:s3+s2], $0x80, v4, vm0, $0xb8;
	[tilespmem:$0x18600] =	vst v63  }
0x197: {  	s15 =	simm.s32 $0xBE00  }
0x198: {  	[tilespmem:s15], [sflag:$0x1] =	stream.indirect_vreg.gather [hbm4b:s3+s2], $0x80, v3, vm0, $0xb8;
	[tilespmem:$0x18600] =	vst v63  }
0x199: {  	_ =	swait.ge [sflag:s1], $0xC000  }
0x19a: {  	[sflag:s1] =	ssyncset.done $0x0  }
0x19b: {  	s6 =	sadd.s32 $0x1800, s6;
	s15 =	simm.s32 $0xC600;
	[sflag:s1] =	ssyncadd.s32 $0xFFFF4000  }
0x19c: {  	[hbm4b:s6+s2] =	stream.linear.scatter [tilespmem:s15], [sflag:$0x3], $0xC000, $0x38;
	[tilespmem:$0x18600] =	vst v63  }
0x19d: {  	_ =	swait.ge [sflag:s8], $0xC000  }
0x19e: {  	[sflag:s8] =	ssyncset.done $0x0  }
0x19f: {  	[sflag:s8] =	ssyncadd.s32 $0xFFFF4000  }
0x1a0: {  	v3 =	vld [tilespmem:s0+$0xFFFFFF50];
	_ =	sdelay $0x4  }
0x1a1: {  	v52 =	vshll.u32 v3, $0x1  }
0x1a2: {  	v3 =	vand.u32 $0x7, v3;
	v4 =	vand.u32 $0xFFFFFFF0, v52  }
0x1a3: {  	v3 =	vor.u32 v3, v4  }
0x1a4: {  	v4 =	vperm.xlane v3, v0;
	_ =	sdelay $0x1  }
0x1a5: {  	v3 =	vperm.xlane v3, v2;
	v4 =	vadd.s32 v1, v4;
	_ =	sdelay $0x1  }
0x1a6: {  	v3 =	vadd.s32 v1, v3;
	_ =	sdelay $0x2  }
0x1a7: {  	[tilespmem:s15], [sflag:$0x2] =	stream.indirect_vreg.gather [hbm4b:s3+s2], $0x80, v4, vm0, $0xb8;
	[tilespmem:$0x18600] =	vst v63  }
0x1a8: {  	s15 =	simm.s32 $0xCE00  }
0x1a9: {  	[tilespmem:s15], [sflag:$0x2] =	stream.indirect_vreg.gather [hbm4b:s3+s2], $0x80, v3, vm0, $0xb8;
	[tilespmem:$0x18600] =	vst v63  }
0x1aa: {  	v3 =	vld [tilespmem:s0+$0xFFFFFF60];
	_ =	sdelay $0x4  }
0x1ab: {  	v53 =	vshll.u32 v3, $0x1  }
0x1ac: {  	v3 =	vand.u32 $0x7, v3;
	v4 =	vand.u32 $0xFFFFFFF0, v53  }
0x1ad: {  	v3 =	vor.u32 v3, v4  }
0x1ae: {  	v4 =	vperm.xlane v3, v0;
	_ =	sdelay $0x1  }
0x1af: {  	v3 =	vperm.xlane v3, v2;
	v4 =	vadd.s32 v1, v4;
	_ =	sdelay $0x1  }
0x1b0: {  	v3 =	vadd.s32 v1, v3;
	_ =	sdelay $0x1  }
0x1b1: {  	s15 =	simm.s32 $0xD600  }
0x1b2: {  	[tilespmem:s15], [sflag:$0x2] =	stream.indirect_vreg.gather [hbm4b:s3+s2], $0x80, v4, vm0, $0xb8;
	[tilespmem:$0x18600] =	vst v63  }
0x1b3: {  	s15 =	simm.s32 $0xDE00  }
0x1b4: {  	[tilespmem:s15], [sflag:$0x2] =	stream.indirect_vreg.gather [hbm4b:s3+s2], $0x80, v3, vm0, $0xb8;
	[tilespmem:$0x18600] =	vst v63  }
0x1b5: {  	v3 =	vld [tilespmem:s0+$0xFFFFFF70];
	_ =	sdelay $0x4  }
0x1b6: {  	v54 =	vshll.u32 v3, $0x1  }
0x1b7: {  	v3 =	vand.u32 $0x7, v3;
	v4 =	vand.u32 $0xFFFFFFF0, v54  }
0x1b8: {  	v3 =	vor.u32 v3, v4  }
0x1b9: {  	v4 =	vperm.xlane v3, v0;
	_ =	sdelay $0x1  }
0x1ba: {  	v3 =	vperm.xlane v3, v2;
	v4 =	vadd.s32 v1, v4;
	_ =	sdelay $0x1  }
0x1bb: {  	v3 =	vadd.s32 v1, v3;
	_ =	sdelay $0x1  }
0x1bc: {  	s15 =	simm.s32 $0xE600  }
0x1bd: {  	[tilespmem:s15], [sflag:$0x2] =	stream.indirect_vreg.gather [hbm4b:s3+s2], $0x80, v4, vm0, $0xb8;
	[tilespmem:$0x18600] =	vst v63  }
0x1be: {  	s15 =	simm.s32 $0xEE00  }
0x1bf: {  	[tilespmem:s15], [sflag:$0x2] =	stream.indirect_vreg.gather [hbm4b:s3+s2], $0x80, v3, vm0, $0xb8;
	[tilespmem:$0x18600] =	vst v63  }
0x1c0: {  	v3 =	vld [tilespmem:s0+$0xFFFFFF80];
	_ =	sdelay $0x4  }
0x1c1: {  	v55 =	vshll.u32 v3, $0x1  }
0x1c2: {  	v3 =	vand.u32 $0x7, v3;
	v4 =	vand.u32 $0xFFFFFFF0, v55  }
0x1c3: {  	v3 =	vor.u32 v3, v4  }
0x1c4: {  	v4 =	vperm.xlane v3, v0;
	_ =	sdelay $0x1  }
0x1c5: {  	v3 =	vperm.xlane v3, v2;
	v4 =	vadd.s32 v1, v4;
	_ =	sdelay $0x1  }
0x1c6: {  	v3 =	vadd.s32 v1, v3;
	_ =	sdelay $0x1  }
0x1c7: {  	s15 =	simm.s32 $0xF600  }
0x1c8: {  	[tilespmem:s15], [sflag:$0x2] =	stream.indirect_vreg.gather [hbm4b:s3+s2], $0x80, v4, vm0, $0xb8;
	[tilespmem:$0x18600] =	vst v63  }
0x1c9: {  	s15 =	simm.s32 $0xFE00  }
0x1ca: {  	[tilespmem:s15], [sflag:$0x2] =	stream.indirect_vreg.gather [hbm4b:s3+s2], $0x80, v3, vm0, $0xb8;
	[tilespmem:$0x18600] =	vst v63  }
0x1cb: {  	v3 =	vld [tilespmem:s0+$0xFFFFFF90];
	_ =	sdelay $0x4  }
0x1cc: {  	v56 =	vshll.u32 v3, $0x1  }
0x1cd: {  	v3 =	vand.u32 $0x7, v3;
	v4 =	vand.u32 $0xFFFFFFF0, v56  }
0x1ce: {  	v3 =	vor.u32 v3, v4  }
0x1cf: {  	v4 =	vperm.xlane v3, v0;
	_ =	sdelay $0x1  }
0x1d0: {  	v3 =	vperm.xlane v3, v2;
	v4 =	vadd.s32 v1, v4;
	_ =	sdelay $0x1  }
0x1d1: {  	v3 =	vadd.s32 v1, v3;
	_ =	sdelay $0x1  }
0x1d2: {  	s15 =	simm.s32 $0x10600  }
0x1d3: {  	[tilespmem:s15], [sflag:$0x2] =	stream.indirect_vreg.gather [hbm4b:s3+s2], $0x80, v4, vm0, $0xb8;
	[tilespmem:$0x18600] =	vst v63  }
0x1d4: {  	s15 =	simm.s32 $0x10E00  }
0x1d5: {  	[tilespmem:s15], [sflag:$0x2] =	stream.indirect_vreg.gather [hbm4b:s3+s2], $0x80, v3, vm0, $0xb8;
	[tilespmem:$0x18600] =	vst v63  }
0x1d6: {  	v3 =	vld [tilespmem:s0+$0xFFFFFFA0];
	_ =	sdelay $0x4  }
0x1d7: {  	v57 =	vshll.u32 v3, $0x1  }
0x1d8: {  	v3 =	vand.u32 $0x7, v3;
	v4 =	vand.u32 $0xFFFFFFF0, v57  }
0x1d9: {  	v3 =	vor.u32 v3, v4  }
0x1da: {  	v4 =	vperm.xlane v3, v0;
	_ =	sdelay $0x1  }
0x1db: {  	v3 =	vperm.xlane v3, v2;
	v4 =	vadd.s32 v1, v4;
	_ =	sdelay $0x1  }
0x1dc: {  	v3 =	vadd.s32 v1, v3;
	_ =	sdelay $0x1  }
0x1dd: {  	s15 =	simm.s32 $0x11600  }
0x1de: {  	[tilespmem:s15], [sflag:$0x2] =	stream.indirect_vreg.gather [hbm4b:s3+s2], $0x80, v4, vm0, $0xb8;
	[tilespmem:$0x18600] =	vst v63  }
0x1df: {  	s15 =	simm.s32 $0x11E00  }
0x1e0: {  	[tilespmem:s15], [sflag:$0x2] =	stream.indirect_vreg.gather [hbm4b:s3+s2], $0x80, v3, vm0, $0xb8;
	[tilespmem:$0x18600] =	vst v63  }
0x1e1: {  	v3 =	vld [tilespmem:s0+$0xFFFFFFB0];
	_ =	sdelay $0x4  }
0x1e2: {  	v58 =	vshll.u32 v3, $0x1  }
0x1e3: {  	v3 =	vand.u32 $0x7, v3;
	v4 =	vand.u32 $0xFFFFFFF0, v58  }
0x1e4: {  	v3 =	vor.u32 v3, v4  }
0x1e5: {  	v4 =	vperm.xlane v3, v0;
	_ =	sdelay $0x1  }
0x1e6: {  	v3 =	vperm.xlane v3, v2;
	v4 =	vadd.s32 v1, v4;
	_ =	sdelay $0x1  }
0x1e7: {  	v3 =	vadd.s32 v1, v3;
	_ =	sdelay $0x1  }
0x1e8: {  	s15 =	simm.s32 $0x12600  }
0x1e9: {  	[tilespmem:s15], [sflag:$0x2] =	stream.indirect_vreg.gather [hbm4b:s3+s2], $0x80, v4, vm0, $0xb8;
	[tilespmem:$0x18600] =	vst v63  }
0x1ea: {  	s15 =	simm.s32 $0x12E00  }
0x1eb: {  	[tilespmem:s15], [sflag:$0x2] =	stream.indirect_vreg.gather [hbm4b:s3+s2], $0x80, v3, vm0, $0xb8;
	[tilespmem:$0x18600] =	vst v63  }
0x1ec: {  	v3 =	vld [tilespmem:s0+$0xFFFFFFC0];
	_ =	sdelay $0x4  }
0x1ed: {  	v59 =	vshll.u32 v3, $0x1  }
0x1ee: {  	v3 =	vand.u32 $0x7, v3;
	v4 =	vand.u32 $0xFFFFFFF0, v59  }
0x1ef: {  	v3 =	vor.u32 v3, v4  }
0x1f0: {  	v4 =	vperm.xlane v3, v0;
	_ =	sdelay $0x1  }
0x1f1: {  	v3 =	vperm.xlane v3, v2;
	v4 =	vadd.s32 v1, v4;
	_ =	sdelay $0x1  }
0x1f2: {  	v3 =	vadd.s32 v1, v3;
	_ =	sdelay $0x1  }
0x1f3: {  	s15 =	simm.s32 $0x13600  }
0x1f4: {  	[tilespmem:s15], [sflag:$0x2] =	stream.indirect_vreg.gather [hbm4b:s3+s2], $0x80, v4, vm0, $0xb8;
	[tilespmem:$0x18600] =	vst v63  }
0x1f5: {  	s15 =	simm.s32 $0x13E00  }
0x1f6: {  	[tilespmem:s15], [sflag:$0x2] =	stream.indirect_vreg.gather [hbm4b:s3+s2], $0x80, v3, vm0, $0xb8;
	[tilespmem:$0x18600] =	vst v63  }
0x1f7: {  	v3 =	vld [tilespmem:s0+$0xFFFFFFD0];
	_ =	sdelay $0x4  }
0x1f8: {  	v60 =	vshll.u32 v3, $0x1  }
0x1f9: {  	v3 =	vand.u32 $0x7, v3;
	v4 =	vand.u32 $0xFFFFFFF0, v60  }
0x1fa: {  	v3 =	vor.u32 v3, v4  }
0x1fb: {  	v4 =	vperm.xlane v3, v0;
	_ =	sdelay $0x1  }
0x1fc: {  	v3 =	vperm.xlane v3, v2;
	v4 =	vadd.s32 v1, v4;
	_ =	sdelay $0x1  }
0x1fd: {  	v3 =	vadd.s32 v1, v3;
	_ =	sdelay $0x1  }
0x1fe: {  	s15 =	simm.s32 $0x14600  }
0x1ff: {  	[tilespmem:s15], [sflag:$0x2] =	stream.indirect_vreg.gather [hbm4b:s3+s2], $0x80, v4, vm0, $0xb8;
	[tilespmem:$0x18600] =	vst v63  }
0x200: {  	s15 =	simm.s32 $0x14E00  }
0x201: {  	[tilespmem:s15], [sflag:$0x2] =	stream.indirect_vreg.gather [hbm4b:s3+s2], $0x80, v3, vm0, $0xb8;
	[tilespmem:$0x18600] =	vst v63  }
0x202: {  	v3 =	vld [tilespmem:s0+$0xFFFFFFE0];
	_ =	sdelay $0x4  }
0x203: {  	v61 =	vshll.u32 v3, $0x1  }
0x204: {  	v3 =	vand.u32 $0x7, v3;
	v4 =	vand.u32 $0xFFFFFFF0, v61  }
0x205: {  	v3 =	vor.u32 v3, v4  }
0x206: {  	v4 =	vperm.xlane v3, v0;
	_ =	sdelay $0x1  }
0x207: {  	v3 =	vperm.xlane v3, v2;
	v4 =	vadd.s32 v1, v4;
	_ =	sdelay $0x1  }
0x208: {  	v3 =	vadd.s32 v1, v3;
	_ =	sdelay $0x1  }
0x209: {  	s15 =	simm.s32 $0x15600  }
0x20a: {  	[tilespmem:s15], [sflag:$0x2] =	stream.indirect_vreg.gather [hbm4b:s3+s2], $0x80, v4, vm0, $0xb8;
	[tilespmem:$0x18600] =	vst v63  }
0x20b: {  	s15 =	simm.s32 $0x15E00  }
0x20c: {  	[tilespmem:s15], [sflag:$0x2] =	stream.indirect_vreg.gather [hbm4b:s3+s2], $0x80, v3, vm0, $0xb8;
	[tilespmem:$0x18600] =	vst v63  }
0x20d: {  	v3 =	vld [tilespmem:s0+$0xFFFFFFF0];
	_ =	sdelay $0x4  }
0x20e: {  	v62 =	vshll.u32 v3, $0x1  }
0x20f: {  	v3 =	vand.u32 $0x7, v3;
	v4 =	vand.u32 $0xFFFFFFF0, v62  }
0x210: {  	v3 =	vor.u32 v3, v4  }
0x211: {  	v4 =	vperm.xlane v3, v0;
	_ =	sdelay $0x1  }
0x212: {  	v3 =	vperm.xlane v3, v2;
	v4 =	vadd.s32 v1, v4;
	_ =	sdelay $0x1  }
0x213: {  	v3 =	vadd.s32 v1, v3;
	_ =	sdelay $0x1  }
0x214: {  	s15 =	simm.s32 $0x16600  }
0x215: {  	[tilespmem:s15], [sflag:$0x2] =	stream.indirect_vreg.gather [hbm4b:s3+s2], $0x80, v4, vm0, $0xb8;
	[tilespmem:$0x18600] =	vst v63  }
0x216: {  	s15 =	simm.s32 $0x16E00  }
0x217: {  	[tilespmem:s15], [sflag:$0x2] =	stream.indirect_vreg.gather [hbm4b:s3+s2], $0x80, v3, vm0, $0xb8;
	[tilespmem:$0x18600] =	vst v63  }
0x218: {  	v3 =	vld [tilespmem:s0+$0x0];
	_ =	sdelay $0x4  }
0x219: {  	v63 =	vshll.u32 v3, $0x1  }
0x21a: {  	v3 =	vand.u32 $0x7, v3;
	v4 =	vand.u32 $0xFFFFFFF0, v63  }
0x21b: {  	v3 =	vor.u32 v3, v4  }
0x21c: {  	v4 =	vperm.xlane v3, v0;
	_ =	sdelay $0x1  }
0x21d: {  	v3 =	vperm.xlane v3, v2;
	v4 =	vadd.s32 v1, v4;
	_ =	sdelay $0x1  }
0x21e: {  	p0 =	sne.s32 s5, $0x6000;
	v3 =	vadd.s32 v1, v3  }
.Ltmp0:
0x21f: {  	_ = 	snop;
	(pc) =	sbr.rel @p0 .LBB2_2-.Ltmp0, $4  }
0x220: {  	s4 =	simm.s32 $0x600  }
0x221: {  	[tilespmem:s19], [sflag:$0x2] =	stream.indirect_vreg.gather [hbm4b:s3+s2], $0x80, v4, vm0, $0xb8;
	[tilespmem:$0x18600] =	vst v63  }
0x222: {  	s5 =	sadd.s32 $0x3000, s5;
	s11 =	simm.s32 $0xC600;
	s0 =	sadd.s32 $0x180, s0  }
0x223: {  	[tilespmem:s23], [sflag:$0x2] =	stream.indirect_vreg.gather [hbm4b:s3+s2], $0x80, v3, vm0, $0xb8;
	[tilespmem:$0x18600] =	vst v63  }
0x224: {  	_ =	swait.ge [sflag:s31], $0xC000  }
0x225: {  	[sflag:s31] =	ssyncset.done $0x0  }
0x226: {  	s0 =	rddreg [dreg:$0x4];
	[sflag:s31] =	ssyncadd.s32 $0xFFFF4000  }
0x227: {  	[hbm4b:s0+s2] =	stream.linear.scatter [tilespmem:s4], [sflag:$0x3], $0xC000, $0x38;
	[tilespmem:$0x18600] =	vst v63  }
0x228: {  	_ =	swait.ge [sflag:s8], $0xC000  }
0x229: {  	[sflag:s8] =	ssyncset.done $0x0  }
0x22a: {  	[sflag:s8] =	ssyncadd.s32 $0xFFFF4000  }
0x22b: {  	s6 =	simm.s32 $0x1600;
	s7 =	simm.s32 $0x1E00;
	_ =	swait.ge [sflag:s1], $0xC000  }
0x22c: {  	s10 =	simm.s32 $0x2600;
	s29 =	simm.s32 $0x2E00;
	[sflag:s1] =	ssyncset.done $0x0  }
0x22d: {  	s12 =	simm.s32 $0x3600;
	s25 =	rddreg [dreg:$0x5];
	[sflag:s1] =	ssyncadd.s32 $0xFFFF4000  }
0x22e: {  	[hbm4b:s25+s2] =	stream.linear.scatter [tilespmem:s11], [sflag:$0x3], $0xC000, $0x38;
	[tilespmem:$0x18600] =	vst v63  }
0x22f: {  	s13 =	simm.s32 $0x3E00;
	s14 =	simm.s32 $0x4600;
	_ =	swait.ge [sflag:s8], $0xC000  }
0x230: {  	s15 =	simm.s32 $0x4E00;
	s16 =	simm.s32 $0x5600;
	s5 =	rddreg [dreg:$0x7]  }
0x231: {  	s17 =	simm.s32 $0x5E00;
	s26 =	rddreg [dreg:$0x6];
	s5 =	sadd.s32 $0x1, s5  }
0x232: {  	s18 =	simm.s32 $0x6600;
	s19 =	simm.s32 $0x6E00;
	p0 =	sne.s32 s5, s26  }
.Ltmp1:
0x233: {  	s20 =	simm.s32 $0x7600;
	s21 =	simm.s32 $0x7E00;
	(pc) =	sbr.rel @p0 .LBB2_1-.Ltmp1, $4  }
0x234: {  	s22 =	simm.s32 $0x8600;
	s23 =	simm.s32 $0x8E00;
	s24 =	simm.s32 $0x9600  }
0x235: {  	s28 =	simm.s32 $0xAE00;
	s9 =	simm.s32 $0xB600;
	[sflag:s8] =	ssyncset.done $0x0  }
0x236: {  	s30 =	simm.s32 $0xBE00;
	s25 =	simm.s32 $0x9E00;
	[sflag:s8] =	ssyncadd.s32 $0xFFFF4000  }
0x237: {  	[dreg:$0x7] =	wrdreg s5;
	s5 =	simm.s32 $0xE00;
	s26 =	simm.s32 $0xA600  }
0x238: {  	_ =	sfence.sel $0x180000  }
0x239: {  	[bflag:$0x0] =	sbarrier.arrive $0xFFFF  }
0x23a: {  	_ =	strace $0x9000004D  }
0x23b: {  	s0 =	stileid.u32;
	[bflag:$0x2] =	sbarrier.arrive $0xFFFF  }
0x23c: {  	p0 =	sne.s32 s0, $0x0;
	s0 =	rddreg [dreg:$0x1]  }
0x23d: {  	s0 =	sadd.s32 @!p0 $0x100000, s0  }
0x23e: {  	[sflag:s0] =	ssyncadd.tile.s32 @!p0 $0x1;
	_ =	shalt  }
.Lfunc_end2:
_tile_overlayer_lowered:
.L_overlay_start_2:
0x23f: {  	(tag) =	ssettag $0x2  }
0x240: {  	s0 =	rddreg [dreg:$0x0];
	s2 =	stileid.u32  }
0x241: {  	s1 =	rddreg [dreg:$0x1];
	p0 =	sne.s32 s2, $0x0  }
0x242: {  	s3 =	rddreg [dreg:$0x2];
	[bflag:$0x3] =	sbarrier.arrive $0xFFFF;
	s2 =	simm.s32 @!p0 $0x1C03  }
0x243: {  	[timem:s3], [sflag:s2] =	dma.local @!p0 [hbm:s0], s1  }
0x244: {  	s0 =	simm.s32 @!p0 $0x3  }
0x245: {  	_ =	swait.ge @!p0 [sflag:s0], s1  }
0x246: {  	s1 =	ssub.s32 @!p0 $0x0, s1;
	[sflag:s0] =	ssyncset.done @!p0 $0x0  }
0x247: {  	[sflag:s0] =	ssyncadd.s32 @!p0 s1  }
0x248: {  	[bflag:$0x3] =	sbarrier.arrive $0xFFFF  }
0x249: {  	_ =	shalt  }

// kernel: kernel.27.cloned.1.call-start
scs
__scs_entry_jumppad:
0x0: {  	(pc) =	sbr.rel $0x88, $3  }
0x1: {  	(tag) =	ssettag $0x0;
	lr =	simm.s32 $0x1  }
0x2: {  	[smem:$0x3F9C] =	sst lr;
	_ =	strace $0xD0000000  }
0x3: {  	_ = 	snop  }
0x4: {  	_ = 	snop  }
0x5: {  	_ = 	snop  }
0x6: {  	_ = 	snop  }
0x7: {  	_ = 	snop  }
__scs_overlays_trampoline_lowered:
0x8: {  	[smem:$0x3FAB] =	sst s0  }
0x9: {  	[smem:$0x3FAC] =	sst s1  }
0xa: {  	[smem:$0x3FAD] =	sst s2  }
0xb: {  	[smem:$0x3FAE] =	sst s3  }
0xc: {  	[smem:$0x3FAF] =	sst s4  }
0xd: {  	[smem:$0x3FB0] =	sst s5  }
0xe: {  	[smem:$0x3FB1] =	sst s6  }
0xf: {  	[smem:$0x3FB2] =	sst s7  }
0x10: {  	[smem:$0x3FB3] =	sst s8  }
0x11: {  	[smem:$0x3FB4] =	sst s9;
	s0 =	simm.s32 @!p0 $0x0  }
0x12: {  	s1 =	sld [smem:$0x3F9A];
	s0 =	simm.s32 @p0 $0x1  }
0x13: {  	[smem:$0x3FB5] =	sst s0;
	s0 =	simm.s32 @!p1 $0x0  }
0x14: {  	s2 =	sld [smem:$0x3F99];
	s0 =	simm.s32 @p1 $0x1  }
0x15: {  	[smem:$0x3FB6] =	sst s0;
	s0 =	simm.s32 @!p2 $0x0  }
0x16: {  	s3 =	sld [smem:$0x3FDB];
	s0 =	simm.s32 @p2 $0x1  }
0x17: {  	s4 =	simm.s32 $0x1BF5;
	[smem:$0x3FB8] =	sst s0  }
0x18: {  	s0 =	sld [smem:$0x3F9B];
	_ =	swait.ge [sflag:s4], $0x0  }
0x19: {  	s7 =	sld [smem:$0x3F9C]  }
0x1a: {  	s8 =	sadd.s32 $0xFFFFE003, lr  }
0x1b: {  	s9 =	sadd.s32 $0xFFFFFEF7, lr;
	s5 =	simm.s32 $0xFFFFFFFF;
	p2 =	slt.u32 s8, $0xFFFFF086  }
0x1c: {  	p1 =	slt.u32 s9, $0xF7A;
	s5 =	simm.s32 @!p2 $0x0  }
0x1d: {  	s5 =	simm.s32 @p1 $0x1;
	p0 =	seq.s32 s7, s2  }
0x1e: {  	s7 =	smul.u32 @!p0 $0xF7A, s2;
	p2 =	seq.s32 @!p0 s5, $0x0  }
0x1f: {  	s9 =	smul.u32 $0xF7A, s1;
	s8 =	simm.s32 @!p0 $0x1BF5;
	p2 =	por !p2, p0  }
0x20: {  	[sflag:s8] =	ssyncset.s32 @!p0 $0xFFFFF086;
	s6 =	sadd.s32 @!p0 s3, s7;
	s7 =	simm.s32 @!p0 $0x108  }
0x21: {  	s3 =	sadd.s32 s3, s9;
	s6 =	sadd.s32 @!p0 $0x88, s6;
	s7 =	simm.s32 @p2 $0x1082  }
0x22: {  	[simem:s7], [sflag:s8] =	dma.local @!p0 [hbm:s6], $0xF7A  }
0x23: {  	s9 =	sor.u32 $0xD0000000, s2;
	s6 =	simm.s32 $0x108;
	_ =	swait.ge @!p0 [sflag:s8], $0x0  }
0x24: {  	s3 =	sadd.s32 $0x88, s3;
	s6 =	simm.s32 @!p1 $0x1082;
	[sflag:s4] =	ssyncset.s32 $0xFFFFF086  }
0x25: {  	[simem:s6], [sflag:s4] =	dma.local [hbm:s3], $0xF7A  }
0x26: {  	[smem:$0x3F9C] =	sst s1;
	(tag) =	ssettag s2;
	_ =	strace s9  }
0x27: {  	s1 =	sld [smem:$0x3FAC]  }
0x28: {  	s2 =	sld [smem:$0x3FAD]  }
0x29: {  	s4 =	sld [smem:$0x3FAF]  }
0x2a: {  	p0 =	seq.s32 s5, $0x0;
	s5 =	sld [smem:$0x3FB0]  }
0x2b: {  	s6 =	sld [smem:$0x3FB1]  }
0x2c: {  	s7 =	sld [smem:$0x3FB2]  }
0x2d: {  	s3 =	simm.s32 $0x108;
	s8 =	sld [smem:$0x3FB3]  }
0x2e: {  	s3 =	simm.s32 @!p0 $0x1082;
	s9 =	sld [smem:$0x3FB4]  }
0x2f: {  	lr =	sadd.s32 s0, s3;
	s0 =	sld [smem:$0x3FAB]  }
0x30: {  	s3 =	sld [smem:$0x3FAE]  }
0x31: {  	[smem:$0x3FB7] =	sst s10  }
0x32: {  	s10 =	sld [smem:$0x3FB5];
	_ =	sdelay $0x3  }
0x33: {  	p0 =	seq.s32 s10, $0x1;
	s10 =	sld [smem:$0x3FB7];
	_ =	sdelay $0x3  }
0x34: {  	[smem:$0x3FB7] =	sst s10  }
0x35: {  	s10 =	sld [smem:$0x3FB6];
	_ =	sdelay $0x3  }
0x36: {  	p1 =	seq.s32 s10, $0x1;
	s10 =	sld [smem:$0x3FB7];
	_ =	sdelay $0x3  }
0x37: {  	[smem:$0x3FB7] =	sst s10  }
0x38: {  	s10 =	sld [smem:$0x3FB8]  }
0x39: {  	_ = 	snop;
	(pc) =	sbr.ind lr, $3  }
0x3a: {  	_ = 	snop  }
0x3b: {  	_ = 	snop  }
0x3c: {  	p2 =	seq.s32 s10, $0x1;
	s10 =	sld [smem:$0x3FB7]  }
0x3d: {  	_ =	shalt  }
0x3e: {  	_ =	shalt  }
0x3f: {  	_ =	shalt  }
0x40: {  	_ =	shalt  }
0x41: {  	_ =	shalt  }
0x42: {  	_ =	shalt  }
0x43: {  	_ =	shalt  }
0x44: {  	_ =	shalt  }
0x45: {  	_ =	shalt  }
0x46: {  	_ =	shalt  }
0x47: {  	_ =	shalt  }
0x48: {  	_ =	shalt  }
0x49: {  	_ =	shalt  }
0x4a: {  	_ =	shalt  }
0x4b: {  	_ =	shalt  }
0x4c: {  	_ =	shalt  }
0x4d: {  	_ =	shalt  }
0x4e: {  	_ =	shalt  }
0x4f: {  	_ =	shalt  }
0x50: {  	_ =	shalt  }
0x51: {  	_ =	shalt  }
0x52: {  	_ =	shalt  }
0x53: {  	_ =	shalt  }
0x54: {  	_ =	shalt  }
0x55: {  	_ =	shalt  }
0x56: {  	_ =	shalt  }
0x57: {  	_ =	shalt  }
0x58: {  	_ =	shalt  }
0x59: {  	_ =	shalt  }
0x5a: {  	_ =	shalt  }
0x5b: {  	_ =	shalt  }
0x5c: {  	_ =	shalt  }
0x5d: {  	_ =	shalt  }
0x5e: {  	_ =	shalt  }
0x5f: {  	_ =	shalt  }
0x60: {  	_ =	shalt  }
0x61: {  	_ =	shalt  }
0x62: {  	_ =	shalt  }
0x63: {  	_ =	shalt  }
0x64: {  	_ =	shalt  }
0x65: {  	_ =	shalt  }
0x66: {  	_ =	shalt  }
0x67: {  	_ =	shalt  }
0x68: {  	_ =	shalt  }
0x69: {  	_ =	shalt  }
0x6a: {  	_ =	shalt  }
0x6b: {  	_ =	shalt  }
0x6c: {  	_ =	shalt  }
0x6d: {  	_ =	shalt  }
0x6e: {  	_ =	shalt  }
0x6f: {  	_ =	shalt  }
0x70: {  	_ =	shalt  }
0x71: {  	_ =	shalt  }
0x72: {  	_ =	shalt  }
0x73: {  	_ =	shalt  }
0x74: {  	_ =	shalt  }
0x75: {  	_ =	shalt  }
0x76: {  	_ =	shalt  }
0x77: {  	_ =	shalt  }
0x78: {  	_ =	shalt  }
0x79: {  	_ =	shalt  }
0x7a: {  	_ =	shalt  }
0x7b: {  	_ =	shalt  }
0x7c: {  	_ =	shalt  }
0x7d: {  	_ =	shalt  }
0x7e: {  	_ =	shalt  }
0x7f: {  	_ =	shalt  }
0x80: {  	_ =	shalt  }
0x81: {  	_ =	shalt  }
0x82: {  	_ =	shalt  }
0x83: {  	_ =	shalt  }
0x84: {  	_ =	shalt  }
0x85: {  	_ =	shalt  }
0x86: {  	_ =	shalt  }
0x87: {  	_ =	shalt  }
.Lfunc_end0:
.L_simem_size_0:
called_computation.3_lowered:
.L_overlay_start_0:
0x88: {  	s2 =	sld [smem:$0x3FD9]  }
0x89: {  	s3 =	sld [smem:$0x3FFE];
	_ =	sdelay $0x1  }
0x8a: {  	s1 =	srdreg.scid  }
0x8b: {  	s0 =	sand.u32 $0x1, s1  }
0x8c: {  	s17 =	sshll.u32 s0, $0xA;
	s2 =	sadd.s32 s3, s2  }
0x8d: {  	s2 =	sadd.s32 s2, s17  }
0x8e: {  	[smem:$0x3FC3] =	sst s2  }
0x8f: {  	_ = 	snop  }
0x90: {  	s18 =	sld [smem:$0x3FD0];
	(tm) =	ssettm $0x1  }
0x91: {  	s19 =	sld [smem:$0x3FFB];
	_ =	sdelay $0x3  }
0x92: {  	_ =	strace s19  }
0x93: {  	s2 =	sld [smem:$0x3FFC];
	_ =	sdelay $0x3  }
0x94: {  	_ =	strace s2  }
0x95: {  	s2 =	sld [smem:$0x3FFD];
	_ =	sdelay $0x3  }
0x96: {  	_ =	strace s2  }
0x97: {  	_ =	strace $0x8FFFFFFF  }
0x98: {  	s20 =	sld [smem:$0x3FDB];
	_ =	sdelay $0x1  }
0x99: {  	s4 =	simm.s32 $_scs_section_size  }
0x9a: {  	s5 =	simm.s32 $_size__tile_overlayer_lowered;
	s6 =	simm.s32 $_tile_overlayer_lowered  }
0x9b: {  	s7 =	simm.s32 $0x1BFF;
	s21 =	sshll.u32 s6, $0x1;
	s4 =	sadd.s32 s4, s20  }
0x9c: {  	s22 =	simm.s32 $0x0;
	s5 =	sshll.u32 s5, $0x1;
	s6 =	sadd.s32 s21, s4  }
0x9d: {  	[timem:s22], [sflag:s7] =	dma.local [hbm:s6], s5  }
0x9e: {  	_ =	swait.ge [sflag:s7], s5  }
0x9f: {  	s5 =	ssub.s32 $0x0, s5;
	[sflag:s7] =	ssyncset.done $0x0  }
0xa0: {  	[sflag:s7] =	ssyncadd.s32 s5;
	_ =	sdelay $0x1  }
0xa1: {  	s23 =	simm.s32 $0x1B8B  }
0xa2: {  	_ =	swait.ge [sflag:s23], $0x1  }
0xa3: {  	[sflag:s23] =	ssyncset.done $0x0  }
0xa4: {  	[sflag:s23] =	ssyncadd.s32 $0xFFFFFFFF  }
0xa5: {  	s5 =	sld [smem:$0x0]  }
0xa6: {  	s6 =	sand.u32 $0xFFFFFFFE, s1  }
0xa7: {  	p0 =	sne.s32 s1, s6  }
0xa8: {  	s6 =	sshll.u32 @p0 s6, $0xE  }
0xa9: {  	s6 =	sadd.s32 @p0 $0x11B8D, s6;
	s7 =	sshll.u32 @p0 s5, $0x11  }
0xaa: {  	s6 =	sor.u32 @p0 s7, s6  }
0xab: {  	[sflag:s6] =	ssyncadd.remote.s32 @p0 $0x1;
	_ =	sdelay $0x1  }
0xac: {  	s6 =	simm.s32 @p0 $0x1B8D  }
0xad: {  	_ =	swait.eq @p0 [sflag:s6], $0x1  }
0xae: {  	[sflag:s6] =	ssyncadd.s32 @p0 $0xFFFFFFFF  }
0xaf: {  	s7 =	sshll.u32 @!p0 s1, $0xE  }
0xb0: {  	s7 =	sor.u32 @!p0 $0x4000, s7;
	s6 =	simm.s32 @!p0 $0x1B8D  }
0xb1: {  	s5 =	sshll.u32 @!p0 s5, $0x11;
	s7 =	sadd.s32 @!p0 $0x11B8D, s7;
	_ =	swait.eq @!p0 [sflag:s6], $0x1  }
0xb2: {  	s5 =	sor.u32 @!p0 s5, s7;
	[sflag:s6] =	ssyncadd.s32 @!p0 $0xFFFFFFFF  }
0xb3: {  	s25 =	simm.s32 $0x1B8E;
	s24 =	sld [smem:$0x3FFE];
	[sflag:s5] =	ssyncadd.remote.s32 @!p0 $0x1  }
0xb4: {  	s26 =	simm.s32 $execute0_lowered;
	[smem:$0x3FD2] =	sst s25  }
0xb5: {  	s6 =	sshll.u32 s26, $0x1;
	_ =	strace $0x8000004F;
	[dreg:$0x1] =	wrdreg $0xFFFFFFFF  }
0xb6: {  	s28 =	simm.s32 $_size_execute0_lowered;
	s4 =	sadd.s32 s4, s6;
	[dreg:$0x0] =	wrdreg $0x0  }
0xb7: {  	s6 =	sshll.u32 s28, $0x1;
	[dreg:$0x2] =	wrdreg s4  }
0xb8: {  	[dreg:$0x3] =	wrdreg s6  }
0xb9: {  	[dreg:$0x4] =	wrdreg $0xC0  }
0xba: {  	_ =	task [dreg:s22], $0x5FFFF  }
0xbb: {  	[dreg:$0x1] =	wrdreg $0xFFFFFFFF  }
0xbc: {  	[dreg:$0x0] =	wrdreg $0x60  }
0xbd: {  	[dreg:$0x2] =	wrdreg s24  }
0xbe: {  	[dreg:$0x3] =	wrdreg s18  }
0xbf: {  	[dreg:$0x4] =	wrdreg $0xC  }
0xc0: {  	_ =	task.clear_ibuf [dreg:s22], $0x5FFFF;
	_ =	strace $0x9000004F  }
0xc1: {  	s29 =	simm.s32 $0xC;
	_ =	strace $0x80000051  }
0xc2: {  	_ =	swait.ge [sflag:s29], $0x1  }
0xc3: {  	[sflag:s29] =	ssyncadd.s32 $0xFFFFFFFF  }
0xc4: {  	_ =	strace $0x90000051  }
0xc5: {  	_ =	sfence  }
0xc6: {  	s30 =	sld [smem:$0x0];
	_ =	sdelay $0x2  }
0xc7: {  	s31 =	sshll.u32 s1, $0xD;
	s1 =	sshrl.u32 s1, $0x2  }
0xc8: {  	s4 =	sand.u32 $0x4000, s31;
	s1 =	sadd.s32 s1, s30  }
0xc9: {  	s0 =	sor.u32 s4, s0;
	s1 =	sshll.u32 s1, $0x11  }
0xca: {  	s0 =	sor.u32 s1, s0  }
0xcb: {  	s0 =	sadd.s32 $0x8F2B, s0  }
0xcc: {  	[sflag:s0] =	ssyncadd.remote.s32 $0x1  }
0xcd: {  	_ =	sfence.sel $0xFFFF  }
0xce: {  	[dreg:$0x0] =	wrdreg $0xFFFFFFFF;
	(pc) =	sbr.abs _section_cstart, $3  }
0xcf: {  	[dreg:$0x1] =	wrdreg $0xFFFFFFFF  }
0xd0: {  	_ =	task.clear_ibuf [dreg:s22], $0x2FFFF;
	_ =	strace $0x9FFFFFFF  }
0xd1: {  	(tm) =	ssettm $0x7FFFFFFF  }
tec
execute0_lowered:
.L_overlay_start_1:
0x0: {  	(tag) =	ssettag $0x1  }
0x1: {  	s0 =	rddreg [dreg:$0x0]  }
0x2: {  	s1 =	srdreg.scid;
	s8 =	stileid.u32  }
0x3: {  	s4 =	rddreg [dreg:$0x1];
	s2 =	simm.s32 $0x0;
	s10 =	simm.s32 $0x2600  }
0x4: {  	s29 =	simm.s32 $0x2E00;
	s12 =	simm.s32 $0x3600;
	s13 =	simm.s32 $0x3E00  }
0x5: {  	s14 =	simm.s32 $0x4600;
	s15 =	simm.s32 $0x4E00;
	s16 =	simm.s32 $0x5600  }
0x6: {  	s17 =	simm.s32 $0x5E00;
	s18 =	simm.s32 $0x6600;
	s19 =	simm.s32 $0x6E00  }
0x7: {  	s20 =	simm.s32 $0x7600;
	s21 =	simm.s32 $0x7E00;
	s22 =	simm.s32 $0x8600  }
0x8: {  	s28 =	simm.s32 $0xAE00;
	s9 =	simm.s32 $0xB600;
	s30 =	simm.s32 $0xBE00  }
0x9: {  	s11 =	simm.s32 $0xC600;
	s1 =	sand.u32 $0x1, s1;
	s3 =	sshll.u32 s8, $0x1  }
0xa: {  	[smem:$0x7FF] =	sst s2;
	s8 =	smul.u32 $0x18000, s8;
	s5 =	sor.u32 s1, s3  }
0xb: {  	s31 =	simm.s32 $0x1;
	_ =	strace $0x80000050;
	s6 =	smul.u32 $0x600, s5  }
0xc: {  	s3 =	sadd.s32 $0x2A400, s0;
	s7 =	ssub.s32 $0x2, s1;
	s5 =	smul.u32 $0x60000, s5  }
0xd: {  	s1 =	smul.u32 $0xC000, s1;
	s23 =	sshrl.u32 s7, $0x1;
	s6 =	sshrl.u32 s6, $0x3  }
0xe: {  	s5 =	sshrl.u32 s5, $0x3;
	s0 =	sadd.s32 s6, s0;
	s6 =	ssub.s32 s7, s23  }
0xf: {  	s24 =	sadd.s32 s4, s5;
	s4 =	sadd.s32 s8, s4;
	s8 =	simm.s32 $0x3  }
0x10: {  	s7 =	simm.s32 $0x1E00;
	s23 =	simm.s32 $0x8E00;
	s0 =	sadd.s32 $0x559200, s0  }
0x11: {  	s5 =	sadd.s32 $0x9000, s24;
	s25 =	sadd.s32 s1, s4;
	[dreg:$0x4] =	wrdreg s0  }
0x12: {  	s26 =	smax.u32 s6, $0x1;
	s4 =	simm.s32 $0x600;
	[dreg:$0x5] =	wrdreg s5  }
0x13: {  	s6 =	simm.s32 $0x1600;
	s1 =	simm.s32 $0x2;
	[dreg:$0x7] =	wrdreg s26  }
0x14: {  	v2 =	vlaneseq.u32;
	s0 =	sadd.s32 $0xA800, s24;
	[dreg:$0x3] =	wrdreg s25;
	s5 =	simm.s32 $0xE00  }
0x15: {  	vm0 =	vmmov $0xffff;
	v1 =	vshrl.u32 v2, $0x3;
	s24 =	simm.s32 $0x9600;
	[dreg:$0x6] =	wrdreg s0;
	s0 =	simm.s32 $0x0  }
0x16: {  	v0 =	vand.u32 $0x7, v2;
	v2 =	vor.u32 $0x8, v2;
	v1 =	vmul.u32 $0x8, v1;
	s25 =	simm.s32 $0x9E00;
	s26 =	simm.s32 $0xA600;
	[dreg:$0x8] =	wrdreg s0  }
.LBB2_1:
0x17: {  	s0 =	rddreg [dreg:$0x4]  }
0x18: {  	[tilespmem:s2], [sflag:$0x3] =	stream.linear.gather [hbm4b:s0+s2], $0x600, $0x38;
	[tilespmem:$0x18600] =	vst v63  }
0x19: {  	_ =	swait.ge [sflag:s8], $0x600  }
0x1a: {  	[sflag:s8] =	ssyncset.done $0x0  }
0x1b: {  	[sflag:s8] =	ssyncadd.s32 $0xFFFFFA00  }
0x1c: {  	v3 =	vld [tilespmem:$0x0];
	_ =	sdelay $0x4  }
0x1d: {  	v4 =	vshll.u32 v3, $0x1  }
0x1e: {  	v3 =	vand.u32 $0x7, v3;
	v4 =	vand.u32 $0xFFFFFFF0, v4  }
0x1f: {  	v3 =	vor.u32 v3, v4  }
0x20: {  	v4 =	vperm.xlane v3, v0;
	_ =	sdelay $0x1  }
0x21: {  	v3 =	vperm.xlane v3, v2;
	v4 =	vadd.s32 v1, v4;
	_ =	sdelay $0x1  }
0x22: {  	v3 =	vadd.s32 v1, v3;
	_ =	sdelay $0x2  }
0x23: {  	[tilespmem:s4], [sflag:$0x1] =	stream.indirect_vreg.gather [hbm4b:s3+s2], $0x80, v4, vm0, $0xb8;
	[tilespmem:$0x18600] =	vst v63  }
0x24: {  	_ = 	snop  }
0x25: {  	[tilespmem:s5], [sflag:$0x1] =	stream.indirect_vreg.gather [hbm4b:s3+s2], $0x80, v3, vm0, $0xb8;
	[tilespmem:$0x18600] =	vst v63  }
0x26: {  	v3 =	vld [tilespmem:$0x10];
	_ =	sdelay $0x4  }
0x27: {  	v41 =	vshll.u32 v3, $0x1  }
0x28: {  	v3 =	vand.u32 $0x7, v3;
	v4 =	vand.u32 $0xFFFFFFF0, v41  }
0x29: {  	v3 =	vor.u32 v3, v4  }
0x2a: {  	v4 =	vperm.xlane v3, v0;
	_ =	sdelay $0x1  }
0x2b: {  	v3 =	vperm.xlane v3, v2;
	v4 =	vadd.s32 v1, v4;
	_ =	sdelay $0x1  }
0x2c: {  	v3 =	vadd.s32 v1, v3;
	_ =	sdelay $0x2  }
0x2d: {  	[tilespmem:s6], [sflag:$0x1] =	stream.indirect_vreg.gather [hbm4b:s3+s2], $0x80, v4, vm0, $0xb8;
	[tilespmem:$0x18600] =	vst v63  }
0x2e: {  	_ = 	snop  }
0x2f: {  	[tilespmem:s7], [sflag:$0x1] =	stream.indirect_vreg.gather [hbm4b:s3+s2], $0x80, v3, vm0, $0xb8;
	[tilespmem:$0x18600] =	vst v63  }
0x30: {  	v3 =	vld [tilespmem:$0x20];
	_ =	sdelay $0x4  }
0x31: {  	v42 =	vshll.u32 v3, $0x1  }
0x32: {  	v3 =	vand.u32 $0x7, v3;
	v4 =	vand.u32 $0xFFFFFFF0, v42  }
0x33: {  	v3 =	vor.u32 v3, v4  }
0x34: {  	v4 =	vperm.xlane v3, v0;
	_ =	sdelay $0x1  }
0x35: {  	v3 =	vperm.xlane v3, v2;
	v4 =	vadd.s32 v1, v4;
	_ =	sdelay $0x1  }
0x36: {  	v3 =	vadd.s32 v1, v3;
	_ =	sdelay $0x2  }
0x37: {  	[tilespmem:s10], [sflag:$0x1] =	stream.indirect_vreg.gather [hbm4b:s3+s2], $0x80, v4, vm0, $0xb8;
	[tilespmem:$0x18600] =	vst v63  }
0x38: {  	_ = 	snop  }
0x39: {  	[tilespmem:s29], [sflag:$0x1] =	stream.indirect_vreg.gather [hbm4b:s3+s2], $0x80, v3, vm0, $0xb8;
	[tilespmem:$0x18600] =	vst v63  }
0x3a: {  	v3 =	vld [tilespmem:$0x30];
	_ =	sdelay $0x4  }
0x3b: {  	v43 =	vshll.u32 v3, $0x1  }
0x3c: {  	v3 =	vand.u32 $0x7, v3;
	v4 =	vand.u32 $0xFFFFFFF0, v43  }
0x3d: {  	v3 =	vor.u32 v3, v4  }
0x3e: {  	v4 =	vperm.xlane v3, v0;
	_ =	sdelay $0x1  }
0x3f: {  	v3 =	vperm.xlane v3, v2;
	v4 =	vadd.s32 v1, v4;
	_ =	sdelay $0x1  }
0x40: {  	v3 =	vadd.s32 v1, v3;
	_ =	sdelay $0x2  }
0x41: {  	[tilespmem:s12], [sflag:$0x1] =	stream.indirect_vreg.gather [hbm4b:s3+s2], $0x80, v4, vm0, $0xb8;
	[tilespmem:$0x18600] =	vst v63  }
0x42: {  	_ = 	snop  }
0x43: {  	[tilespmem:s13], [sflag:$0x1] =	stream.indirect_vreg.gather [hbm4b:s3+s2], $0x80, v3, vm0, $0xb8;
	[tilespmem:$0x18600] =	vst v63  }
0x44: {  	v3 =	vld [tilespmem:$0x40];
	_ =	sdelay $0x4  }
0x45: {  	v44 =	vshll.u32 v3, $0x1  }
0x46: {  	v3 =	vand.u32 $0x7, v3;
	v4 =	vand.u32 $0xFFFFFFF0, v44  }
0x47: {  	v3 =	vor.u32 v3, v4  }
0x48: {  	v4 =	vperm.xlane v3, v0;
	_ =	sdelay $0x1  }
0x49: {  	v3 =	vperm.xlane v3, v2;
	v4 =	vadd.s32 v1, v4;
	_ =	sdelay $0x1  }
0x4a: {  	v3 =	vadd.s32 v1, v3;
	_ =	sdelay $0x2  }
0x4b: {  	[tilespmem:s14], [sflag:$0x1] =	stream.indirect_vreg.gather [hbm4b:s3+s2], $0x80, v4, vm0, $0xb8;
	[tilespmem:$0x18600] =	vst v63  }
0x4c: {  	_ = 	snop  }
0x4d: {  	[tilespmem:s15], [sflag:$0x1] =	stream.indirect_vreg.gather [hbm4b:s3+s2], $0x80, v3, vm0, $0xb8;
	[tilespmem:$0x18600] =	vst v63  }
0x4e: {  	v3 =	vld [tilespmem:$0x50];
	_ =	sdelay $0x4  }
0x4f: {  	v45 =	vshll.u32 v3, $0x1  }
0x50: {  	v3 =	vand.u32 $0x7, v3;
	v4 =	vand.u32 $0xFFFFFFF0, v45  }
0x51: {  	v3 =	vor.u32 v3, v4  }
0x52: {  	v4 =	vperm.xlane v3, v0;
	_ =	sdelay $0x1  }
0x53: {  	v3 =	vperm.xlane v3, v2;
	v4 =	vadd.s32 v1, v4;
	_ =	sdelay $0x1  }
0x54: {  	v3 =	vadd.s32 v1, v3;
	_ =	sdelay $0x2  }
0x55: {  	[tilespmem:s16], [sflag:$0x1] =	stream.indirect_vreg.gather [hbm4b:s3+s2], $0x80, v4, vm0, $0xb8;
	[tilespmem:$0x18600] =	vst v63  }
0x56: {  	_ = 	snop  }
0x57: {  	[tilespmem:s17], [sflag:$0x1] =	stream.indirect_vreg.gather [hbm4b:s3+s2], $0x80, v3, vm0, $0xb8;
	[tilespmem:$0x18600] =	vst v63  }
0x58: {  	v3 =	vld [tilespmem:$0x60];
	_ =	sdelay $0x4  }
0x59: {  	v46 =	vshll.u32 v3, $0x1  }
0x5a: {  	v3 =	vand.u32 $0x7, v3;
	v4 =	vand.u32 $0xFFFFFFF0, v46  }
0x5b: {  	v3 =	vor.u32 v3, v4  }
0x5c: {  	v4 =	vperm.xlane v3, v0;
	_ =	sdelay $0x1  }
0x5d: {  	v3 =	vperm.xlane v3, v2;
	v4 =	vadd.s32 v1, v4;
	_ =	sdelay $0x1  }
0x5e: {  	v3 =	vadd.s32 v1, v3;
	_ =	sdelay $0x2  }
0x5f: {  	[tilespmem:s18], [sflag:$0x1] =	stream.indirect_vreg.gather [hbm4b:s3+s2], $0x80, v4, vm0, $0xb8;
	[tilespmem:$0x18600] =	vst v63  }
0x60: {  	_ = 	snop  }
0x61: {  	[tilespmem:s19], [sflag:$0x1] =	stream.indirect_vreg.gather [hbm4b:s3+s2], $0x80, v3, vm0, $0xb8;
	[tilespmem:$0x18600] =	vst v63  }
0x62: {  	v3 =	vld [tilespmem:$0x70];
	_ =	sdelay $0x4  }
0x63: {  	v47 =	vshll.u32 v3, $0x1  }
0x64: {  	v3 =	vand.u32 $0x7, v3;
	v4 =	vand.u32 $0xFFFFFFF0, v47  }
0x65: {  	v3 =	vor.u32 v3, v4  }
0x66: {  	v4 =	vperm.xlane v3, v0;
	_ =	sdelay $0x1  }
0x67: {  	v3 =	vperm.xlane v3, v2;
	v4 =	vadd.s32 v1, v4;
	_ =	sdelay $0x1  }
0x68: {  	v3 =	vadd.s32 v1, v3;
	_ =	sdelay $0x2  }
0x69: {  	[tilespmem:s20], [sflag:$0x1] =	stream.indirect_vreg.gather [hbm4b:s3+s2], $0x80, v4, vm0, $0xb8;
	[tilespmem:$0x18600] =	vst v63  }
0x6a: {  	_ = 	snop  }
0x6b: {  	[tilespmem:s21], [sflag:$0x1] =	stream.indirect_vreg.gather [hbm4b:s3+s2], $0x80, v3, vm0, $0xb8;
	[tilespmem:$0x18600] =	vst v63  }
0x6c: {  	v3 =	vld [tilespmem:$0x80];
	_ =	sdelay $0x4  }
0x6d: {  	v48 =	vshll.u32 v3, $0x1  }
0x6e: {  	v3 =	vand.u32 $0x7, v3;
	v4 =	vand.u32 $0xFFFFFFF0, v48  }
0x6f: {  	v3 =	vor.u32 v3, v4  }
0x70: {  	v4 =	vperm.xlane v3, v0;
	_ =	sdelay $0x1  }
0x71: {  	v3 =	vperm.xlane v3, v2;
	v4 =	vadd.s32 v1, v4;
	_ =	sdelay $0x1  }
0x72: {  	v3 =	vadd.s32 v1, v3;
	_ =	sdelay $0x2  }
0x73: {  	[tilespmem:s22], [sflag:$0x1] =	stream.indirect_vreg.gather [hbm4b:s3+s2], $0x80, v4, vm0, $0xb8;
	[tilespmem:$0x18600] =	vst v63  }
0x74: {  	_ = 	snop  }
0x75: {  	[tilespmem:s23], [sflag:$0x1] =	stream.indirect_vreg.gather [hbm4b:s3+s2], $0x80, v3, vm0, $0xb8;
	[tilespmem:$0x18600] =	vst v63  }
0x76: {  	v3 =	vld [tilespmem:$0x90];
	_ =	sdelay $0x4  }
0x77: {  	v49 =	vshll.u32 v3, $0x1  }
0x78: {  	v3 =	vand.u32 $0x7, v3;
	v4 =	vand.u32 $0xFFFFFFF0, v49  }
0x79: {  	v3 =	vor.u32 v3, v4  }
0x7a: {  	v4 =	vperm.xlane v3, v0;
	_ =	sdelay $0x1  }
0x7b: {  	v3 =	vperm.xlane v3, v2;
	v4 =	vadd.s32 v1, v4;
	_ =	sdelay $0x1  }
0x7c: {  	v3 =	vadd.s32 v1, v3;
	_ =	sdelay $0x2  }
0x7d: {  	[tilespmem:s24], [sflag:$0x1] =	stream.indirect_vreg.gather [hbm4b:s3+s2], $0x80, v4, vm0, $0xb8;
	[tilespmem:$0x18600] =	vst v63  }
0x7e: {  	_ = 	snop  }
0x7f: {  	[tilespmem:s25], [sflag:$0x1] =	stream.indirect_vreg.gather [hbm4b:s3+s2], $0x80, v3, vm0, $0xb8;
	[tilespmem:$0x18600] =	vst v63  }
0x80: {  	v3 =	vld [tilespmem:$0xA0];
	_ =	sdelay $0x4  }
0x81: {  	v50 =	vshll.u32 v3, $0x1  }
0x82: {  	v3 =	vand.u32 $0x7, v3;
	v4 =	vand.u32 $0xFFFFFFF0, v50  }
0x83: {  	v3 =	vor.u32 v3, v4  }
0x84: {  	v4 =	vperm.xlane v3, v0;
	_ =	sdelay $0x1  }
0x85: {  	v3 =	vperm.xlane v3, v2;
	v4 =	vadd.s32 v1, v4;
	_ =	sdelay $0x1  }
0x86: {  	v3 =	vadd.s32 v1, v3;
	_ =	sdelay $0x2  }
0x87: {  	[tilespmem:s26], [sflag:$0x1] =	stream.indirect_vreg.gather [hbm4b:s3+s2], $0x80, v4, vm0, $0xb8;
	[tilespmem:$0x18600] =	vst v63  }
0x88: {  	_ = 	snop  }
0x89: {  	[tilespmem:s28], [sflag:$0x1] =	stream.indirect_vreg.gather [hbm4b:s3+s2], $0x80, v3, vm0, $0xb8;
	[tilespmem:$0x18600] =	vst v63  }
0x8a: {  	v3 =	vld [tilespmem:$0xB0];
	_ =	sdelay $0x4  }
0x8b: {  	v51 =	vshll.u32 v3, $0x1  }
0x8c: {  	v3 =	vand.u32 $0x7, v3;
	v4 =	vand.u32 $0xFFFFFFF0, v51  }
0x8d: {  	v3 =	vor.u32 v3, v4  }
0x8e: {  	v4 =	vperm.xlane v3, v0;
	_ =	sdelay $0x1  }
0x8f: {  	v3 =	vperm.xlane v3, v2;
	v4 =	vadd.s32 v1, v4;
	_ =	sdelay $0x1  }
0x90: {  	v3 =	vadd.s32 v1, v3;
	_ =	sdelay $0x2  }
0x91: {  	[tilespmem:s9], [sflag:$0x1] =	stream.indirect_vreg.gather [hbm4b:s3+s2], $0x80, v4, vm0, $0xb8;
	[tilespmem:$0x18600] =	vst v63  }
0x92: {  	_ = 	snop  }
0x93: {  	[tilespmem:s30], [sflag:$0x1] =	stream.indirect_vreg.gather [hbm4b:s3+s2], $0x80, v3, vm0, $0xb8;
	[tilespmem:$0x18600] =	vst v63  }
0x94: {  	v3 =	vld [tilespmem:$0xC0];
	_ =	sdelay $0x4  }
0x95: {  	v52 =	vshll.u32 v3, $0x1  }
0x96: {  	v3 =	vand.u32 $0x7, v3;
	v4 =	vand.u32 $0xFFFFFFF0, v52  }
0x97: {  	v3 =	vor.u32 v3, v4  }
0x98: {  	v4 =	vperm.xlane v3, v0;
	_ =	sdelay $0x1  }
0x99: {  	v3 =	vperm.xlane v3, v2;
	v4 =	vadd.s32 v1, v4;
	_ =	sdelay $0x1  }
0x9a: {  	v3 =	vadd.s32 v1, v3;
	_ =	sdelay $0x2  }
0x9b: {  	[tilespmem:s11], [sflag:$0x2] =	stream.indirect_vreg.gather [hbm4b:s3+s2], $0x80, v4, vm0, $0xb8;
	[tilespmem:$0x18600] =	vst v63  }
0x9c: {  	s5 =	simm.s32 $0xCE00  }
0x9d: {  	[tilespmem:s5], [sflag:$0x2] =	stream.indirect_vreg.gather [hbm4b:s3+s2], $0x80, v3, vm0, $0xb8;
	[tilespmem:$0x18600] =	vst v63  }
0x9e: {  	v3 =	vld [tilespmem:$0xD0];
	_ =	sdelay $0x4  }
0x9f: {  	v53 =	vshll.u32 v3, $0x1  }
0xa0: {  	v3 =	vand.u32 $0x7, v3;
	v4 =	vand.u32 $0xFFFFFFF0, v53  }
0xa1: {  	v3 =	vor.u32 v3, v4  }
0xa2: {  	v4 =	vperm.xlane v3, v0;
	_ =	sdelay $0x1  }
0xa3: {  	v3 =	vperm.xlane v3, v2;
	v4 =	vadd.s32 v1, v4;
	_ =	sdelay $0x1  }
0xa4: {  	v3 =	vadd.s32 v1, v3;
	_ =	sdelay $0x1  }
0xa5: {  	s6 =	simm.s32 $0xD600  }
0xa6: {  	[tilespmem:s6], [sflag:$0x2] =	stream.indirect_vreg.gather [hbm4b:s3+s2], $0x80, v4, vm0, $0xb8;
	[tilespmem:$0x18600] =	vst v63  }
0xa7: {  	s7 =	simm.s32 $0xDE00  }
0xa8: {  	[tilespmem:s7], [sflag:$0x2] =	stream.indirect_vreg.gather [hbm4b:s3+s2], $0x80, v3, vm0, $0xb8;
	[tilespmem:$0x18600] =	vst v63  }
0xa9: {  	v3 =	vld [tilespmem:$0xE0];
	_ =	sdelay $0x4  }
0xaa: {  	v54 =	vshll.u32 v3, $0x1  }
0xab: {  	v3 =	vand.u32 $0x7, v3;
	v4 =	vand.u32 $0xFFFFFFF0, v54  }
0xac: {  	v3 =	vor.u32 v3, v4  }
0xad: {  	v4 =	vperm.xlane v3, v0;
	_ =	sdelay $0x1  }
0xae: {  	v3 =	vperm.xlane v3, v2;
	v4 =	vadd.s32 v1, v4;
	_ =	sdelay $0x1  }
0xaf: {  	v3 =	vadd.s32 v1, v3;
	_ =	sdelay $0x1  }
0xb0: {  	s9 =	simm.s32 $0xE600  }
0xb1: {  	[tilespmem:s9], [sflag:$0x2] =	stream.indirect_vreg.gather [hbm4b:s3+s2], $0x80, v4, vm0, $0xb8;
	[tilespmem:$0x18600] =	vst v63  }
0xb2: {  	s10 =	simm.s32 $0xEE00  }
0xb3: {  	[tilespmem:s10], [sflag:$0x2] =	stream.indirect_vreg.gather [hbm4b:s3+s2], $0x80, v3, vm0, $0xb8;
	[tilespmem:$0x18600] =	vst v63  }
0xb4: {  	v3 =	vld [tilespmem:$0xF0];
	_ =	sdelay $0x4  }
0xb5: {  	v55 =	vshll.u32 v3, $0x1  }
0xb6: {  	v3 =	vand.u32 $0x7, v3;
	v4 =	vand.u32 $0xFFFFFFF0, v55  }
0xb7: {  	v3 =	vor.u32 v3, v4  }
0xb8: {  	v4 =	vperm.xlane v3, v0;
	_ =	sdelay $0x1  }
0xb9: {  	v3 =	vperm.xlane v3, v2;
	v4 =	vadd.s32 v1, v4;
	_ =	sdelay $0x1  }
0xba: {  	v3 =	vadd.s32 v1, v3;
	_ =	sdelay $0x1  }
0xbb: {  	s11 =	simm.s32 $0xF600  }
0xbc: {  	[tilespmem:s11], [sflag:$0x2] =	stream.indirect_vreg.gather [hbm4b:s3+s2], $0x80, v4, vm0, $0xb8;
	[tilespmem:$0x18600] =	vst v63  }
0xbd: {  	s12 =	simm.s32 $0xFE00  }
0xbe: {  	[tilespmem:s12], [sflag:$0x2] =	stream.indirect_vreg.gather [hbm4b:s3+s2], $0x80, v3, vm0, $0xb8;
	[tilespmem:$0x18600] =	vst v63  }
0xbf: {  	v3 =	vld [tilespmem:$0x100];
	_ =	sdelay $0x4  }
0xc0: {  	v56 =	vshll.u32 v3, $0x1  }
0xc1: {  	v3 =	vand.u32 $0x7, v3;
	v4 =	vand.u32 $0xFFFFFFF0, v56  }
0xc2: {  	v3 =	vor.u32 v3, v4  }
0xc3: {  	v4 =	vperm.xlane v3, v0;
	_ =	sdelay $0x1  }
0xc4: {  	v3 =	vperm.xlane v3, v2;
	v4 =	vadd.s32 v1, v4;
	_ =	sdelay $0x1  }
0xc5: {  	v3 =	vadd.s32 v1, v3;
	_ =	sdelay $0x1  }
0xc6: {  	s13 =	simm.s32 $0x10600  }
0xc7: {  	[tilespmem:s13], [sflag:$0x2] =	stream.indirect_vreg.gather [hbm4b:s3+s2], $0x80, v4, vm0, $0xb8;
	[tilespmem:$0x18600] =	vst v63  }
0xc8: {  	s14 =	simm.s32 $0x10E00  }
0xc9: {  	[tilespmem:s14], [sflag:$0x2] =	stream.indirect_vreg.gather [hbm4b:s3+s2], $0x80, v3, vm0, $0xb8;
	[tilespmem:$0x18600] =	vst v63  }
0xca: {  	v3 =	vld [tilespmem:$0x110];
	_ =	sdelay $0x4  }
0xcb: {  	v57 =	vshll.u32 v3, $0x1  }
0xcc: {  	v3 =	vand.u32 $0x7, v3;
	v4 =	vand.u32 $0xFFFFFFF0, v57  }
0xcd: {  	v3 =	vor.u32 v3, v4  }
0xce: {  	v4 =	vperm.xlane v3, v0;
	_ =	sdelay $0x1  }
0xcf: {  	v3 =	vperm.xlane v3, v2;
	v4 =	vadd.s32 v1, v4;
	_ =	sdelay $0x1  }
0xd0: {  	v3 =	vadd.s32 v1, v3;
	_ =	sdelay $0x1  }
0xd1: {  	s15 =	simm.s32 $0x11600  }
0xd2: {  	[tilespmem:s15], [sflag:$0x2] =	stream.indirect_vreg.gather [hbm4b:s3+s2], $0x80, v4, vm0, $0xb8;
	[tilespmem:$0x18600] =	vst v63  }
0xd3: {  	s16 =	simm.s32 $0x11E00  }
0xd4: {  	[tilespmem:s16], [sflag:$0x2] =	stream.indirect_vreg.gather [hbm4b:s3+s2], $0x80, v3, vm0, $0xb8;
	[tilespmem:$0x18600] =	vst v63  }
0xd5: {  	v3 =	vld [tilespmem:$0x120];
	_ =	sdelay $0x4  }
0xd6: {  	v58 =	vshll.u32 v3, $0x1  }
0xd7: {  	v3 =	vand.u32 $0x7, v3;
	v4 =	vand.u32 $0xFFFFFFF0, v58  }
0xd8: {  	v3 =	vor.u32 v3, v4  }
0xd9: {  	v4 =	vperm.xlane v3, v0;
	_ =	sdelay $0x1  }
0xda: {  	v3 =	vperm.xlane v3, v2;
	v4 =	vadd.s32 v1, v4;
	_ =	sdelay $0x1  }
0xdb: {  	v3 =	vadd.s32 v1, v3;
	_ =	sdelay $0x1  }
0xdc: {  	s17 =	simm.s32 $0x12600  }
0xdd: {  	[tilespmem:s17], [sflag:$0x2] =	stream.indirect_vreg.gather [hbm4b:s3+s2], $0x80, v4, vm0, $0xb8;
	[tilespmem:$0x18600] =	vst v63  }
0xde: {  	s18 =	simm.s32 $0x12E00  }
0xdf: {  	[tilespmem:s18], [sflag:$0x2] =	stream.indirect_vreg.gather [hbm4b:s3+s2], $0x80, v3, vm0, $0xb8;
	[tilespmem:$0x18600] =	vst v63  }
0xe0: {  	v3 =	vld [tilespmem:$0x130];
	_ =	sdelay $0x4  }
0xe1: {  	v59 =	vshll.u32 v3, $0x1  }
0xe2: {  	v3 =	vand.u32 $0x7, v3;
	v4 =	vand.u32 $0xFFFFFFF0, v59  }
0xe3: {  	v3 =	vor.u32 v3, v4  }
0xe4: {  	v4 =	vperm.xlane v3, v0;
	_ =	sdelay $0x1  }
0xe5: {  	v3 =	vperm.xlane v3, v2;
	v4 =	vadd.s32 v1, v4;
	_ =	sdelay $0x1  }
0xe6: {  	v3 =	vadd.s32 v1, v3;
	_ =	sdelay $0x1  }
0xe7: {  	s19 =	simm.s32 $0x13600  }
0xe8: {  	[tilespmem:s19], [sflag:$0x2] =	stream.indirect_vreg.gather [hbm4b:s3+s2], $0x80, v4, vm0, $0xb8;
	[tilespmem:$0x18600] =	vst v63  }
0xe9: {  	s20 =	simm.s32 $0x13E00  }
0xea: {  	[tilespmem:s20], [sflag:$0x2] =	stream.indirect_vreg.gather [hbm4b:s3+s2], $0x80, v3, vm0, $0xb8;
	[tilespmem:$0x18600] =	vst v63  }
0xeb: {  	v3 =	vld [tilespmem:$0x140];
	_ =	sdelay $0x4  }
0xec: {  	v60 =	vshll.u32 v3, $0x1  }
0xed: {  	v3 =	vand.u32 $0x7, v3;
	v4 =	vand.u32 $0xFFFFFFF0, v60  }
0xee: {  	v3 =	vor.u32 v3, v4  }
0xef: {  	v4 =	vperm.xlane v3, v0;
	_ =	sdelay $0x1  }
0xf0: {  	v3 =	vperm.xlane v3, v2;
	v4 =	vadd.s32 v1, v4;
	_ =	sdelay $0x1  }
0xf1: {  	v3 =	vadd.s32 v1, v3;
	_ =	sdelay $0x1  }
0xf2: {  	s21 =	simm.s32 $0x14600  }
0xf3: {  	[tilespmem:s21], [sflag:$0x2] =	stream.indirect_vreg.gather [hbm4b:s3+s2], $0x80, v4, vm0, $0xb8;
	[tilespmem:$0x18600] =	vst v63  }
0xf4: {  	s22 =	simm.s32 $0x14E00  }
0xf5: {  	[tilespmem:s22], [sflag:$0x2] =	stream.indirect_vreg.gather [hbm4b:s3+s2], $0x80, v3, vm0, $0xb8;
	[tilespmem:$0x18600] =	vst v63  }
0xf6: {  	v3 =	vld [tilespmem:$0x150];
	_ =	sdelay $0x4  }
0xf7: {  	v61 =	vshll.u32 v3, $0x1  }
0xf8: {  	v3 =	vand.u32 $0x7, v3;
	v4 =	vand.u32 $0xFFFFFFF0, v61  }
0xf9: {  	v3 =	vor.u32 v3, v4  }
0xfa: {  	v4 =	vperm.xlane v3, v0;
	_ =	sdelay $0x1  }
0xfb: {  	v3 =	vperm.xlane v3, v2;
	v4 =	vadd.s32 v1, v4;
	_ =	sdelay $0x1  }
0xfc: {  	v3 =	vadd.s32 v1, v3;
	_ =	sdelay $0x1  }
0xfd: {  	s23 =	simm.s32 $0x15600  }
0xfe: {  	[tilespmem:s23], [sflag:$0x2] =	stream.indirect_vreg.gather [hbm4b:s3+s2], $0x80, v4, vm0, $0xb8;
	[tilespmem:$0x18600] =	vst v63  }
0xff: {  	s24 =	simm.s32 $0x15E00  }
0x100: {  	[tilespmem:s24], [sflag:$0x2] =	stream.indirect_vreg.gather [hbm4b:s3+s2], $0x80, v3, vm0, $0xb8;
	[tilespmem:$0x18600] =	vst v63  }
0x101: {  	v3 =	vld [tilespmem:$0x160];
	_ =	sdelay $0x4  }
0x102: {  	v62 =	vshll.u32 v3, $0x1  }
0x103: {  	v3 =	vand.u32 $0x7, v3;
	v4 =	vand.u32 $0xFFFFFFF0, v62  }
0x104: {  	v3 =	vor.u32 v3, v4  }
0x105: {  	v4 =	vperm.xlane v3, v0;
	_ =	sdelay $0x1  }
0x106: {  	v3 =	vperm.xlane v3, v2;
	v4 =	vadd.s32 v1, v4;
	_ =	sdelay $0x1  }
0x107: {  	v3 =	vadd.s32 v1, v3;
	_ =	sdelay $0x1  }
0x108: {  	s25 =	simm.s32 $0x16600  }
0x109: {  	[tilespmem:s25], [sflag:$0x2] =	stream.indirect_vreg.gather [hbm4b:s3+s2], $0x80, v4, vm0, $0xb8;
	[tilespmem:$0x18600] =	vst v63  }
0x10a: {  	s26 =	simm.s32 $0x16E00  }
0x10b: {  	[tilespmem:s26], [sflag:$0x2] =	stream.indirect_vreg.gather [hbm4b:s3+s2], $0x80, v3, vm0, $0xb8;
	[tilespmem:$0x18600] =	vst v63  }
0x10c: {  	v3 =	vld [tilespmem:$0x170];
	_ =	sdelay $0x4  }
0x10d: {  	v63 =	vshll.u32 v3, $0x1  }
0x10e: {  	v3 =	vand.u32 $0x7, v3;
	v4 =	vand.u32 $0xFFFFFFF0, v63  }
0x10f: {  	v3 =	vor.u32 v3, v4  }
0x110: {  	s0 =	simm.s32 $0x2F0;
	v4 =	vperm.xlane v3, v0  }
0x111: {  	s29 =	simm.s32 $0xA600;
	s28 =	simm.s32 $0x9E00;
	s30 =	simm.s32 $0xAE00  }
0x112: {  	s5 =	simm.s32 $0x0;
	s7 =	simm.s32 $0xE00;
	s9 =	simm.s32 $0xB600;
	v3 =	vperm.xlane v3, v2;
	v4 =	vadd.s32 v1, v4  }
0x113: {  	s10 =	simm.s32 $0x1600;
	s12 =	simm.s32 $0x2600;
	s13 =	simm.s32 $0x2E00  }
0x114: {  	s14 =	simm.s32 $0x3600;
	s16 =	simm.s32 $0x4600;
	s17 =	simm.s32 $0x4E00;
	v3 =	vadd.s32 v1, v3  }
0x115: {  	s18 =	simm.s32 $0x5600;
	s19 =	simm.s32 $0x17600;
	s20 =	simm.s32 $0x6600  }
0x116: {  	s21 =	simm.s32 $0x6E00;
	s22 =	simm.s32 $0x7600;
	s23 =	simm.s32 $0x17E00  }
0x117: {  	[tilespmem:s19], [sflag:$0x2] =	stream.indirect_vreg.gather [hbm4b:s3+s2], $0x80, v4, vm0, $0xb8;
	[tilespmem:$0x18600] =	vst v63  }
0x118: {  	s24 =	simm.s32 $0x8600;
	s25 =	simm.s32 $0x8E00;
	s26 =	simm.s32 $0x9600  }
0x119: {  	[tilespmem:s23], [sflag:$0x2] =	stream.indirect_vreg.gather [hbm4b:s3+s2], $0x80, v3, vm0, $0xb8;
	[tilespmem:$0x18600] =	vst v63  }
.LBB2_2:
0x11a: {  	_ =	swait.ge [sflag:s31], $0xC000  }
0x11b: {  	s6 =	rddreg [dreg:$0x3];
	[sflag:s31] =	ssyncset.done $0x0  }
0x11c: {  	s11 =	simm.s32 $0x600;
	[sflag:s31] =	ssyncadd.s32 $0xFFFF4000;
	s6 =	sadd.s32 s5, s6  }
0x11d: {  	[hbm4b:s6+s2] =	stream.linear.scatter [tilespmem:s11], [sflag:$0x3], $0xC000, $0x38;
	[tilespmem:$0x18600] =	vst v63  }
0x11e: {  	_ =	swait.ge [sflag:s8], $0xC000  }
0x11f: {  	[sflag:s8] =	ssyncset.done $0x0  }
0x120: {  	[sflag:s8] =	ssyncadd.s32 $0xFFFF4000  }
0x121: {  	v3 =	vld [tilespmem:s0+$0xFFFFFE90];
	_ =	sdelay $0x4  }
0x122: {  	v4 =	vshll.u32 v3, $0x1  }
0x123: {  	v3 =	vand.u32 $0x7, v3;
	v4 =	vand.u32 $0xFFFFFFF0, v4  }
0x124: {  	v3 =	vor.u32 v3, v4  }
0x125: {  	v4 =	vperm.xlane v3, v0;
	_ =	sdelay $0x1  }
0x126: {  	v3 =	vperm.xlane v3, v2;
	v4 =	vadd.s32 v1, v4;
	_ =	sdelay $0x1  }
0x127: {  	v3 =	vadd.s32 v1, v3;
	_ =	sdelay $0x2  }
0x128: {  	[tilespmem:s11], [sflag:$0x1] =	stream.indirect_vreg.gather [hbm4b:s3+s2], $0x80, v4, vm0, $0xb8;
	[tilespmem:$0x18600] =	vst v63  }
0x129: {  	_ = 	snop  }
0x12a: {  	[tilespmem:s7], [sflag:$0x1] =	stream.indirect_vreg.gather [hbm4b:s3+s2], $0x80, v3, vm0, $0xb8;
	[tilespmem:$0x18600] =	vst v63  }
0x12b: {  	v3 =	vld [tilespmem:s0+$0xFFFFFEA0];
	_ =	sdelay $0x4  }
0x12c: {  	v41 =	vshll.u32 v3, $0x1  }
0x12d: {  	v3 =	vand.u32 $0x7, v3;
	v4 =	vand.u32 $0xFFFFFFF0, v41  }
0x12e: {  	v3 =	vor.u32 v3, v4  }
0x12f: {  	v4 =	vperm.xlane v3, v0;
	_ =	sdelay $0x1  }
0x130: {  	v3 =	vperm.xlane v3, v2;
	v4 =	vadd.s32 v1, v4;
	_ =	sdelay $0x1  }
0x131: {  	v3 =	vadd.s32 v1, v3;
	_ =	sdelay $0x2  }
0x132: {  	[tilespmem:s10], [sflag:$0x1] =	stream.indirect_vreg.gather [hbm4b:s3+s2], $0x80, v4, vm0, $0xb8;
	[tilespmem:$0x18600] =	vst v63  }
0x133: {  	s15 =	simm.s32 $0x1E00  }
0x134: {  	[tilespmem:s15], [sflag:$0x1] =	stream.indirect_vreg.gather [hbm4b:s3+s2], $0x80, v3, vm0, $0xb8;
	[tilespmem:$0x18600] =	vst v63  }
0x135: {  	v3 =	vld [tilespmem:s0+$0xFFFFFEB0];
	_ =	sdelay $0x4  }
0x136: {  	v42 =	vshll.u32 v3, $0x1  }
0x137: {  	v3 =	vand.u32 $0x7, v3;
	v4 =	vand.u32 $0xFFFFFFF0, v42  }
0x138: {  	v3 =	vor.u32 v3, v4  }
0x139: {  	v4 =	vperm.xlane v3, v0;
	_ =	sdelay $0x1  }
0x13a: {  	v3 =	vperm.xlane v3, v2;
	v4 =	vadd.s32 v1, v4;
	_ =	sdelay $0x1  }
0x13b: {  	v3 =	vadd.s32 v1, v3;
	_ =	sdelay $0x2  }
0x13c: {  	[tilespmem:s12], [sflag:$0x1] =	stream.indirect_vreg.gather [hbm4b:s3+s2], $0x80, v4, vm0, $0xb8;
	[tilespmem:$0x18600] =	vst v63  }
0x13d: {  	_ = 	snop  }
0x13e: {  	[tilespmem:s13], [sflag:$0x1] =	stream.indirect_vreg.gather [hbm4b:s3+s2], $0x80, v3, vm0, $0xb8;
	[tilespmem:$0x18600] =	vst v63  }
0x13f: {  	v3 =	vld [tilespmem:s0+$0xFFFFFEC0];
	_ =	sdelay $0x4  }
0x140: {  	v43 =	vshll.u32 v3, $0x1  }
0x141: {  	v3 =	vand.u32 $0x7, v3;
	v4 =	vand.u32 $0xFFFFFFF0, v43  }
0x142: {  	v3 =	vor.u32 v3, v4  }
0x143: {  	v4 =	vperm.xlane v3, v0;
	_ =	sdelay $0x1  }
0x144: {  	v3 =	vperm.xlane v3, v2;
	v4 =	vadd.s32 v1, v4;
	_ =	sdelay $0x1  }
0x145: {  	v3 =	vadd.s32 v1, v3;
	_ =	sdelay $0x2  }
0x146: {  	[tilespmem:s14], [sflag:$0x1] =	stream.indirect_vreg.gather [hbm4b:s3+s2], $0x80, v4, vm0, $0xb8;
	[tilespmem:$0x18600] =	vst v63  }
0x147: {  	s15 =	simm.s32 $0x3E00  }
0x148: {  	[tilespmem:s15], [sflag:$0x1] =	stream.indirect_vreg.gather [hbm4b:s3+s2], $0x80, v3, vm0, $0xb8;
	[tilespmem:$0x18600] =	vst v63  }
0x149: {  	v3 =	vld [tilespmem:s0+$0xFFFFFED0];
	_ =	sdelay $0x4  }
0x14a: {  	v44 =	vshll.u32 v3, $0x1  }
0x14b: {  	v3 =	vand.u32 $0x7, v3;
	v4 =	vand.u32 $0xFFFFFFF0, v44  }
0x14c: {  	v3 =	vor.u32 v3, v4  }
0x14d: {  	v4 =	vperm.xlane v3, v0;
	_ =	sdelay $0x1  }
0x14e: {  	v3 =	vperm.xlane v3, v2;
	v4 =	vadd.s32 v1, v4;
	_ =	sdelay $0x1  }
0x14f: {  	v3 =	vadd.s32 v1, v3;
	_ =	sdelay $0x2  }
0x150: {  	[tilespmem:s16], [sflag:$0x1] =	stream.indirect_vreg.gather [hbm4b:s3+s2], $0x80, v4, vm0, $0xb8;
	[tilespmem:$0x18600] =	vst v63  }
0x151: {  	_ = 	snop  }
0x152: {  	[tilespmem:s17], [sflag:$0x1] =	stream.indirect_vreg.gather [hbm4b:s3+s2], $0x80, v3, vm0, $0xb8;
	[tilespmem:$0x18600] =	vst v63  }
0x153: {  	v3 =	vld [tilespmem:s0+$0xFFFFFEE0];
	_ =	sdelay $0x4  }
0x154: {  	v45 =	vshll.u32 v3, $0x1  }
0x155: {  	v3 =	vand.u32 $0x7, v3;
	v4 =	vand.u32 $0xFFFFFFF0, v45  }
0x156: {  	v3 =	vor.u32 v3, v4  }
0x157: {  	v4 =	vperm.xlane v3, v0;
	_ =	sdelay $0x1  }
0x158: {  	v3 =	vperm.xlane v3, v2;
	v4 =	vadd.s32 v1, v4;
	_ =	sdelay $0x1  }
0x159: {  	v3 =	vadd.s32 v1, v3;
	_ =	sdelay $0x2  }
0x15a: {  	[tilespmem:s18], [sflag:$0x1] =	stream.indirect_vreg.gather [hbm4b:s3+s2], $0x80, v4, vm0, $0xb8;
	[tilespmem:$0x18600] =	vst v63  }
0x15b: {  	s15 =	simm.s32 $0x5E00  }
0x15c: {  	[tilespmem:s15], [sflag:$0x1] =	stream.indirect_vreg.gather [hbm4b:s3+s2], $0x80, v3, vm0, $0xb8;
	[tilespmem:$0x18600] =	vst v63  }
0x15d: {  	v3 =	vld [tilespmem:s0+$0xFFFFFEF0];
	_ =	sdelay $0x4  }
0x15e: {  	v46 =	vshll.u32 v3, $0x1  }
0x15f: {  	v3 =	vand.u32 $0x7, v3;
	v4 =	vand.u32 $0xFFFFFFF0, v46  }
0x160: {  	v3 =	vor.u32 v3, v4  }
0x161: {  	v4 =	vperm.xlane v3, v0;
	_ =	sdelay $0x1  }
0x162: {  	v3 =	vperm.xlane v3, v2;
	v4 =	vadd.s32 v1, v4;
	_ =	sdelay $0x1  }
0x163: {  	v3 =	vadd.s32 v1, v3;
	_ =	sdelay $0x2  }
0x164: {  	[tilespmem:s20], [sflag:$0x1] =	stream.indirect_vreg.gather [hbm4b:s3+s2], $0x80, v4, vm0, $0xb8;
	[tilespmem:$0x18600] =	vst v63  }
0x165: {  	_ = 	snop  }
0x166: {  	[tilespmem:s21], [sflag:$0x1] =	stream.indirect_vreg.gather [hbm4b:s3+s2], $0x80, v3, vm0, $0xb8;
	[tilespmem:$0x18600] =	vst v63  }
0x167: {  	v3 =	vld [tilespmem:s0+$0xFFFFFF00];
	_ =	sdelay $0x4  }
0x168: {  	v47 =	vshll.u32 v3, $0x1  }
0x169: {  	v3 =	vand.u32 $0x7, v3;
	v4 =	vand.u32 $0xFFFFFFF0, v47  }
0x16a: {  	v3 =	vor.u32 v3, v4  }
0x16b: {  	v4 =	vperm.xlane v3, v0;
	_ =	sdelay $0x1  }
0x16c: {  	v3 =	vperm.xlane v3, v2;
	v4 =	vadd.s32 v1, v4;
	_ =	sdelay $0x1  }
0x16d: {  	v3 =	vadd.s32 v1, v3;
	_ =	sdelay $0x2  }
0x16e: {  	[tilespmem:s22], [sflag:$0x1] =	stream.indirect_vreg.gather [hbm4b:s3+s2], $0x80, v4, vm0, $0xb8;
	[tilespmem:$0x18600] =	vst v63  }
0x16f: {  	s15 =	simm.s32 $0x7E00  }
0x170: {  	[tilespmem:s15], [sflag:$0x1] =	stream.indirect_vreg.gather [hbm4b:s3+s2], $0x80, v3, vm0, $0xb8;
	[tilespmem:$0x18600] =	vst v63  }
0x171: {  	v3 =	vld [tilespmem:s0+$0xFFFFFF10];
	_ =	sdelay $0x4  }
0x172: {  	v48 =	vshll.u32 v3, $0x1  }
0x173: {  	v3 =	vand.u32 $0x7, v3;
	v4 =	vand.u32 $0xFFFFFFF0, v48  }
0x174: {  	v3 =	vor.u32 v3, v4  }
0x175: {  	v4 =	vperm.xlane v3, v0;
	_ =	sdelay $0x1  }
0x176: {  	v3 =	vperm.xlane v3, v2;
	v4 =	vadd.s32 v1, v4;
	_ =	sdelay $0x1  }
0x177: {  	v3 =	vadd.s32 v1, v3;
	_ =	sdelay $0x2  }
0x178: {  	[tilespmem:s24], [sflag:$0x1] =	stream.indirect_vreg.gather [hbm4b:s3+s2], $0x80, v4, vm0, $0xb8;
	[tilespmem:$0x18600] =	vst v63  }
0x179: {  	_ = 	snop  }
0x17a: {  	[tilespmem:s25], [sflag:$0x1] =	stream.indirect_vreg.gather [hbm4b:s3+s2], $0x80, v3, vm0, $0xb8;
	[tilespmem:$0x18600] =	vst v63  }
0x17b: {  	v3 =	vld [tilespmem:s0+$0xFFFFFF20];
	_ =	sdelay $0x4  }
0x17c: {  	v49 =	vshll.u32 v3, $0x1  }
0x17d: {  	v3 =	vand.u32 $0x7, v3;
	v4 =	vand.u32 $0xFFFFFFF0, v49  }
0x17e: {  	v3 =	vor.u32 v3, v4  }
0x17f: {  	v4 =	vperm.xlane v3, v0;
	_ =	sdelay $0x1  }
0x180: {  	v3 =	vperm.xlane v3, v2;
	v4 =	vadd.s32 v1, v4;
	_ =	sdelay $0x1  }
0x181: {  	v3 =	vadd.s32 v1, v3;
	_ =	sdelay $0x2  }
0x182: {  	[tilespmem:s26], [sflag:$0x1] =	stream.indirect_vreg.gather [hbm4b:s3+s2], $0x80, v4, vm0, $0xb8;
	[tilespmem:$0x18600] =	vst v63  }
0x183: {  	_ = 	snop  }
0x184: {  	[tilespmem:s28], [sflag:$0x1] =	stream.indirect_vreg.gather [hbm4b:s3+s2], $0x80, v3, vm0, $0xb8;
	[tilespmem:$0x18600] =	vst v63  }
0x185: {  	v3 =	vld [tilespmem:s0+$0xFFFFFF30];
	_ =	sdelay $0x4  }
0x186: {  	v50 =	vshll.u32 v3, $0x1  }
0x187: {  	v3 =	vand.u32 $0x7, v3;
	v4 =	vand.u32 $0xFFFFFFF0, v50  }
0x188: {  	v3 =	vor.u32 v3, v4  }
0x189: {  	v4 =	vperm.xlane v3, v0;
	_ =	sdelay $0x1  }
0x18a: {  	v3 =	vperm.xlane v3, v2;
	v4 =	vadd.s32 v1, v4;
	_ =	sdelay $0x1  }
0x18b: {  	v3 =	vadd.s32 v1, v3;
	_ =	sdelay $0x2  }
0x18c: {  	[tilespmem:s29], [sflag:$0x1] =	stream.indirect_vreg.gather [hbm4b:s3+s2], $0x80, v4, vm0, $0xb8;
	[tilespmem:$0x18600] =	vst v63  }
0x18d: {  	_ = 	snop  }
0x18e: {  	[tilespmem:s30], [sflag:$0x1] =	stream.indirect_vreg.gather [hbm4b:s3+s2], $0x80, v3, vm0, $0xb8;
	[tilespmem:$0x18600] =	vst v63  }
0x18f: {  	v3 =	vld [tilespmem:s0+$0xFFFFFF40];
	_ =	sdelay $0x4  }
0x190: {  	v51 =	vshll.u32 v3, $0x1  }
0x191: {  	v3 =	vand.u32 $0x7, v3;
	v4 =	vand.u32 $0xFFFFFFF0, v51  }
0x192: {  	v3 =	vor.u32 v3, v4  }
0x193: {  	v4 =	vperm.xlane v3, v0;
	_ =	sdelay $0x1  }
0x194: {  	v3 =	vperm.xlane v3, v2;
	v4 =	vadd.s32 v1, v4;
	_ =	sdelay $0x1  }
0x195: {  	v3 =	vadd.s32 v1, v3;
	_ =	sdelay $0x2  }
0x196: {  	[tilespmem:s9], [sflag:$0x1] =	stream.indirect_vreg.gather [hbm4b:s3+s2], $0x80, v4, vm0, $0xb8;
	[tilespmem:$0x18600] =	vst v63  }
0x197: {  	s15 =	simm.s32 $0xBE00  }
0x198: {  	[tilespmem:s15], [sflag:$0x1] =	stream.indirect_vreg.gather [hbm4b:s3+s2], $0x80, v3, vm0, $0xb8;
	[tilespmem:$0x18600] =	vst v63  }
0x199: {  	_ =	swait.ge [sflag:s1], $0xC000  }
0x19a: {  	[sflag:s1] =	ssyncset.done $0x0  }
0x19b: {  	s6 =	sadd.s32 $0x1800, s6;
	s15 =	simm.s32 $0xC600;
	[sflag:s1] =	ssyncadd.s32 $0xFFFF4000  }
0x19c: {  	[hbm4b:s6+s2] =	stream.linear.scatter [tilespmem:s15], [sflag:$0x3], $0xC000, $0x38;
	[tilespmem:$0x18600] =	vst v63  }
0x19d: {  	_ =	swait.ge [sflag:s8], $0xC000  }
0x19e: {  	[sflag:s8] =	ssyncset.done $0x0  }
0x19f: {  	[sflag:s8] =	ssyncadd.s32 $0xFFFF4000  }
0x1a0: {  	v3 =	vld [tilespmem:s0+$0xFFFFFF50];
	_ =	sdelay $0x4  }
0x1a1: {  	v52 =	vshll.u32 v3, $0x1  }
0x1a2: {  	v3 =	vand.u32 $0x7, v3;
	v4 =	vand.u32 $0xFFFFFFF0, v52  }
0x1a3: {  	v3 =	vor.u32 v3, v4  }
0x1a4: {  	v4 =	vperm.xlane v3, v0;
	_ =	sdelay $0x1  }
0x1a5: {  	v3 =	vperm.xlane v3, v2;
	v4 =	vadd.s32 v1, v4;
	_ =	sdelay $0x1  }
0x1a6: {  	v3 =	vadd.s32 v1, v3;
	_ =	sdelay $0x2  }
0x1a7: {  	[tilespmem:s15], [sflag:$0x2] =	stream.indirect_vreg.gather [hbm4b:s3+s2], $0x80, v4, vm0, $0xb8;
	[tilespmem:$0x18600] =	vst v63  }
0x1a8: {  	s15 =	simm.s32 $0xCE00  }
0x1a9: {  	[tilespmem:s15], [sflag:$0x2] =	stream.indirect_vreg.gather [hbm4b:s3+s2], $0x80, v3, vm0, $0xb8;
	[tilespmem:$0x18600] =	vst v63  }
0x1aa: {  	v3 =	vld [tilespmem:s0+$0xFFFFFF60];
	_ =	sdelay $0x4  }
0x1ab: {  	v53 =	vshll.u32 v3, $0x1  }
0x1ac: {  	v3 =	vand.u32 $0x7, v3;
	v4 =	vand.u32 $0xFFFFFFF0, v53  }
0x1ad: {  	v3 =	vor.u32 v3, v4  }
0x1ae: {  	v4 =	vperm.xlane v3, v0;
	_ =	sdelay $0x1  }
0x1af: {  	v3 =	vperm.xlane v3, v2;
	v4 =	vadd.s32 v1, v4;
	_ =	sdelay $0x1  }
0x1b0: {  	v3 =	vadd.s32 v1, v3;
	_ =	sdelay $0x1  }
0x1b1: {  	s15 =	simm.s32 $0xD600  }
0x1b2: {  	[tilespmem:s15], [sflag:$0x2] =	stream.indirect_vreg.gather [hbm4b:s3+s2], $0x80, v4, vm0, $0xb8;
	[tilespmem:$0x18600] =	vst v63  }
0x1b3: {  	s15 =	simm.s32 $0xDE00  }
0x1b4: {  	[tilespmem:s15], [sflag:$0x2] =	stream.indirect_vreg.gather [hbm4b:s3+s2], $0x80, v3, vm0, $0xb8;
	[tilespmem:$0x18600] =	vst v63  }
0x1b5: {  	v3 =	vld [tilespmem:s0+$0xFFFFFF70];
	_ =	sdelay $0x4  }
0x1b6: {  	v54 =	vshll.u32 v3, $0x1  }
0x1b7: {  	v3 =	vand.u32 $0x7, v3;
	v4 =	vand.u32 $0xFFFFFFF0, v54  }
0x1b8: {  	v3 =	vor.u32 v3, v4  }
0x1b9: {  	v4 =	vperm.xlane v3, v0;
	_ =	sdelay $0x1  }
0x1ba: {  	v3 =	vperm.xlane v3, v2;
	v4 =	vadd.s32 v1, v4;
	_ =	sdelay $0x1  }
0x1bb: {  	v3 =	vadd.s32 v1, v3;
	_ =	sdelay $0x1  }
0x1bc: {  	s15 =	simm.s32 $0xE600  }
0x1bd: {  	[tilespmem:s15], [sflag:$0x2] =	stream.indirect_vreg.gather [hbm4b:s3+s2], $0x80, v4, vm0, $0xb8;
	[tilespmem:$0x18600] =	vst v63  }
0x1be: {  	s15 =	simm.s32 $0xEE00  }
0x1bf: {  	[tilespmem:s15], [sflag:$0x2] =	stream.indirect_vreg.gather [hbm4b:s3+s2], $0x80, v3, vm0, $0xb8;
	[tilespmem:$0x18600] =	vst v63  }
0x1c0: {  	v3 =	vld [tilespmem:s0+$0xFFFFFF80];
	_ =	sdelay $0x4  }
0x1c1: {  	v55 =	vshll.u32 v3, $0x1  }
0x1c2: {  	v3 =	vand.u32 $0x7, v3;
	v4 =	vand.u32 $0xFFFFFFF0, v55  }
0x1c3: {  	v3 =	vor.u32 v3, v4  }
0x1c4: {  	v4 =	vperm.xlane v3, v0;
	_ =	sdelay $0x1  }
0x1c5: {  	v3 =	vperm.xlane v3, v2;
	v4 =	vadd.s32 v1, v4;
	_ =	sdelay $0x1  }
0x1c6: {  	v3 =	vadd.s32 v1, v3;
	_ =	sdelay $0x1  }
0x1c7: {  	s15 =	simm.s32 $0xF600  }
0x1c8: {  	[tilespmem:s15], [sflag:$0x2] =	stream.indirect_vreg.gather [hbm4b:s3+s2], $0x80, v4, vm0, $0xb8;
	[tilespmem:$0x18600] =	vst v63  }
0x1c9: {  	s15 =	simm.s32 $0xFE00  }
0x1ca: {  	[tilespmem:s15], [sflag:$0x2] =	stream.indirect_vreg.gather [hbm4b:s3+s2], $0x80, v3, vm0, $0xb8;
	[tilespmem:$0x18600] =	vst v63  }
0x1cb: {  	v3 =	vld [tilespmem:s0+$0xFFFFFF90];
	_ =	sdelay $0x4  }
0x1cc: {  	v56 =	vshll.u32 v3, $0x1  }
0x1cd: {  	v3 =	vand.u32 $0x7, v3;
	v4 =	vand.u32 $0xFFFFFFF0, v56  }
0x1ce: {  	v3 =	vor.u32 v3, v4  }
0x1cf: {  	v4 =	vperm.xlane v3, v0;
	_ =	sdelay $0x1  }
0x1d0: {  	v3 =	vperm.xlane v3, v2;
	v4 =	vadd.s32 v1, v4;
	_ =	sdelay $0x1  }
0x1d1: {  	v3 =	vadd.s32 v1, v3;
	_ =	sdelay $0x1  }
0x1d2: {  	s15 =	simm.s32 $0x10600  }
0x1d3: {  	[tilespmem:s15], [sflag:$0x2] =	stream.indirect_vreg.gather [hbm4b:s3+s2], $0x80, v4, vm0, $0xb8;
	[tilespmem:$0x18600] =	vst v63  }
0x1d4: {  	s15 =	simm.s32 $0x10E00  }
0x1d5: {  	[tilespmem:s15], [sflag:$0x2] =	stream.indirect_vreg.gather [hbm4b:s3+s2], $0x80, v3, vm0, $0xb8;
	[tilespmem:$0x18600] =	vst v63  }
0x1d6: {  	v3 =	vld [tilespmem:s0+$0xFFFFFFA0];
	_ =	sdelay $0x4  }
0x1d7: {  	v57 =	vshll.u32 v3, $0x1  }
0x1d8: {  	v3 =	vand.u32 $0x7, v3;
	v4 =	vand.u32 $0xFFFFFFF0, v57  }
0x1d9: {  	v3 =	vor.u32 v3, v4  }
0x1da: {  	v4 =	vperm.xlane v3, v0;
	_ =	sdelay $0x1  }
0x1db: {  	v3 =	vperm.xlane v3, v2;
	v4 =	vadd.s32 v1, v4;
	_ =	sdelay $0x1  }
0x1dc: {  	v3 =	vadd.s32 v1, v3;
	_ =	sdelay $0x1  }
0x1dd: {  	s15 =	simm.s32 $0x11600  }
0x1de: {  	[tilespmem:s15], [sflag:$0x2] =	stream.indirect_vreg.gather [hbm4b:s3+s2], $0x80, v4, vm0, $0xb8;
	[tilespmem:$0x18600] =	vst v63  }
0x1df: {  	s15 =	simm.s32 $0x11E00  }
0x1e0: {  	[tilespmem:s15], [sflag:$0x2] =	stream.indirect_vreg.gather [hbm4b:s3+s2], $0x80, v3, vm0, $0xb8;
	[tilespmem:$0x18600] =	vst v63  }
0x1e1: {  	v3 =	vld [tilespmem:s0+$0xFFFFFFB0];
	_ =	sdelay $0x4  }
0x1e2: {  	v58 =	vshll.u32 v3, $0x1  }
0x1e3: {  	v3 =	vand.u32 $0x7, v3;
	v4 =	vand.u32 $0xFFFFFFF0, v58  }
0x1e4: {  	v3 =	vor.u32 v3, v4  }
0x1e5: {  	v4 =	vperm.xlane v3, v0;
	_ =	sdelay $0x1  }
0x1e6: {  	v3 =	vperm.xlane v3, v2;
	v4 =	vadd.s32 v1, v4;
	_ =	sdelay $0x1  }
0x1e7: {  	v3 =	vadd.s32 v1, v3;
	_ =	sdelay $0x1  }
0x1e8: {  	s15 =	simm.s32 $0x12600  }
0x1e9: {  	[tilespmem:s15], [sflag:$0x2] =	stream.indirect_vreg.gather [hbm4b:s3+s2], $0x80, v4, vm0, $0xb8;
	[tilespmem:$0x18600] =	vst v63  }
0x1ea: {  	s15 =	simm.s32 $0x12E00  }
0x1eb: {  	[tilespmem:s15], [sflag:$0x2] =	stream.indirect_vreg.gather [hbm4b:s3+s2], $0x80, v3, vm0, $0xb8;
	[tilespmem:$0x18600] =	vst v63  }
0x1ec: {  	v3 =	vld [tilespmem:s0+$0xFFFFFFC0];
	_ =	sdelay $0x4  }
0x1ed: {  	v59 =	vshll.u32 v3, $0x1  }
0x1ee: {  	v3 =	vand.u32 $0x7, v3;
	v4 =	vand.u32 $0xFFFFFFF0, v59  }
0x1ef: {  	v3 =	vor.u32 v3, v4  }
0x1f0: {  	v4 =	vperm.xlane v3, v0;
	_ =	sdelay $0x1  }
0x1f1: {  	v3 =	vperm.xlane v3, v2;
	v4 =	vadd.s32 v1, v4;
	_ =	sdelay $0x1  }
0x1f2: {  	v3 =	vadd.s32 v1, v3;
	_ =	sdelay $0x1  }
0x1f3: {  	s15 =	simm.s32 $0x13600  }
0x1f4: {  	[tilespmem:s15], [sflag:$0x2] =	stream.indirect_vreg.gather [hbm4b:s3+s2], $0x80, v4, vm0, $0xb8;
	[tilespmem:$0x18600] =	vst v63  }
0x1f5: {  	s15 =	simm.s32 $0x13E00  }
0x1f6: {  	[tilespmem:s15], [sflag:$0x2] =	stream.indirect_vreg.gather [hbm4b:s3+s2], $0x80, v3, vm0, $0xb8;
	[tilespmem:$0x18600] =	vst v63  }
0x1f7: {  	v3 =	vld [tilespmem:s0+$0xFFFFFFD0];
	_ =	sdelay $0x4  }
0x1f8: {  	v60 =	vshll.u32 v3, $0x1  }
0x1f9: {  	v3 =	vand.u32 $0x7, v3;
	v4 =	vand.u32 $0xFFFFFFF0, v60  }
0x1fa: {  	v3 =	vor.u32 v3, v4  }
0x1fb: {  	v4 =	vperm.xlane v3, v0;
	_ =	sdelay $0x1  }
0x1fc: {  	v3 =	vperm.xlane v3, v2;
	v4 =	vadd.s32 v1, v4;
	_ =	sdelay $0x1  }
0x1fd: {  	v3 =	vadd.s32 v1, v3;
	_ =	sdelay $0x1  }
0x1fe: {  	s15 =	simm.s32 $0x14600  }
0x1ff: {  	[tilespmem:s15], [sflag:$0x2] =	stream.indirect_vreg.gather [hbm4b:s3+s2], $0x80, v4, vm0, $0xb8;
	[tilespmem:$0x18600] =	vst v63  }
0x200: {  	s15 =	simm.s32 $0x14E00  }
0x201: {  	[tilespmem:s15], [sflag:$0x2] =	stream.indirect_vreg.gather [hbm4b:s3+s2], $0x80, v3, vm0, $0xb8;
	[tilespmem:$0x18600] =	vst v63  }
0x202: {  	v3 =	vld [tilespmem:s0+$0xFFFFFFE0];
	_ =	sdelay $0x4  }
0x203: {  	v61 =	vshll.u32 v3, $0x1  }
0x204: {  	v3 =	vand.u32 $0x7, v3;
	v4 =	vand.u32 $0xFFFFFFF0, v61  }
0x205: {  	v3 =	vor.u32 v3, v4  }
0x206: {  	v4 =	vperm.xlane v3, v0;
	_ =	sdelay $0x1  }
0x207: {  	v3 =	vperm.xlane v3, v2;
	v4 =	vadd.s32 v1, v4;
	_ =	sdelay $0x1  }
0x208: {  	v3 =	vadd.s32 v1, v3;
	_ =	sdelay $0x1  }
0x209: {  	s15 =	simm.s32 $0x15600  }
0x20a: {  	[tilespmem:s15], [sflag:$0x2] =	stream.indirect_vreg.gather [hbm4b:s3+s2], $0x80, v4, vm0, $0xb8;
	[tilespmem:$0x18600] =	vst v63  }
0x20b: {  	s15 =	simm.s32 $0x15E00  }
0x20c: {  	[tilespmem:s15], [sflag:$0x2] =	stream.indirect_vreg.gather [hbm4b:s3+s2], $0x80, v3, vm0, $0xb8;
	[tilespmem:$0x18600] =	vst v63  }
0x20d: {  	v3 =	vld [tilespmem:s0+$0xFFFFFFF0];
	_ =	sdelay $0x4  }
0x20e: {  	v62 =	vshll.u32 v3, $0x1  }
0x20f: {  	v3 =	vand.u32 $0x7, v3;
	v4 =	vand.u32 $0xFFFFFFF0, v62  }
0x210: {  	v3 =	vor.u32 v3, v4  }
0x211: {  	v4 =	vperm.xlane v3, v0;
	_ =	sdelay $0x1  }
0x212: {  	v3 =	vperm.xlane v3, v2;
	v4 =	vadd.s32 v1, v4;
	_ =	sdelay $0x1  }
0x213: {  	v3 =	vadd.s32 v1, v3;
	_ =	sdelay $0x1  }
0x214: {  	s15 =	simm.s32 $0x16600  }
0x215: {  	[tilespmem:s15], [sflag:$0x2] =	stream.indirect_vreg.gather [hbm4b:s3+s2], $0x80, v4, vm0, $0xb8;
	[tilespmem:$0x18600] =	vst v63  }
0x216: {  	s15 =	simm.s32 $0x16E00  }
0x217: {  	[tilespmem:s15], [sflag:$0x2] =	stream.indirect_vreg.gather [hbm4b:s3+s2], $0x80, v3, vm0, $0xb8;
	[tilespmem:$0x18600] =	vst v63  }
0x218: {  	v3 =	vld [tilespmem:s0+$0x0];
	_ =	sdelay $0x4  }
0x219: {  	v63 =	vshll.u32 v3, $0x1  }
0x21a: {  	v3 =	vand.u32 $0x7, v3;
	v4 =	vand.u32 $0xFFFFFFF0, v63  }
0x21b: {  	v3 =	vor.u32 v3, v4  }
0x21c: {  	v4 =	vperm.xlane v3, v0;
	_ =	sdelay $0x1  }
0x21d: {  	v3 =	vperm.xlane v3, v2;
	v4 =	vadd.s32 v1, v4;
	_ =	sdelay $0x1  }
0x21e: {  	p0 =	sne.s32 s5, $0x6000;
	v3 =	vadd.s32 v1, v3  }
.Ltmp0:
0x21f: {  	_ = 	snop;
	(pc) =	sbr.rel @p0 .LBB2_2-.Ltmp0, $4  }
0x220: {  	s4 =	simm.s32 $0x600  }
0x221: {  	[tilespmem:s19], [sflag:$0x2] =	stream.indirect_vreg.gather [hbm4b:s3+s2], $0x80, v4, vm0, $0xb8;
	[tilespmem:$0x18600] =	vst v63  }
0x222: {  	s5 =	sadd.s32 $0x3000, s5;
	s11 =	simm.s32 $0xC600;
	s0 =	sadd.s32 $0x180, s0  }
0x223: {  	[tilespmem:s23], [sflag:$0x2] =	stream.indirect_vreg.gather [hbm4b:s3+s2], $0x80, v3, vm0, $0xb8;
	[tilespmem:$0x18600] =	vst v63  }
0x224: {  	_ =	swait.ge [sflag:s31], $0xC000  }
0x225: {  	[sflag:s31] =	ssyncset.done $0x0  }
0x226: {  	s0 =	rddreg [dreg:$0x5];
	[sflag:s31] =	ssyncadd.s32 $0xFFFF4000  }
0x227: {  	[hbm4b:s0+s2] =	stream.linear.scatter [tilespmem:s4], [sflag:$0x3], $0xC000, $0x38;
	[tilespmem:$0x18600] =	vst v63  }
0x228: {  	_ =	swait.ge [sflag:s8], $0xC000  }
0x229: {  	[sflag:s8] =	ssyncset.done $0x0  }
0x22a: {  	[sflag:s8] =	ssyncadd.s32 $0xFFFF4000  }
0x22b: {  	s6 =	simm.s32 $0x1600;
	s7 =	simm.s32 $0x1E00;
	_ =	swait.ge [sflag:s1], $0xC000  }
0x22c: {  	s10 =	simm.s32 $0x2600;
	s29 =	simm.s32 $0x2E00;
	[sflag:s1] =	ssyncset.done $0x0  }
0x22d: {  	s12 =	simm.s32 $0x3600;
	s25 =	rddreg [dreg:$0x6];
	[sflag:s1] =	ssyncadd.s32 $0xFFFF4000  }
0x22e: {  	[hbm4b:s25+s2] =	stream.linear.scatter [tilespmem:s11], [sflag:$0x3], $0xC000, $0x38;
	[tilespmem:$0x18600] =	vst v63  }
0x22f: {  	s13 =	simm.s32 $0x3E00;
	s14 =	simm.s32 $0x4600;
	_ =	swait.ge [sflag:s8], $0xC000  }
0x230: {  	s15 =	simm.s32 $0x4E00;
	s16 =	simm.s32 $0x5600;
	s5 =	rddreg [dreg:$0x8]  }
0x231: {  	s17 =	simm.s32 $0x5E00;
	s26 =	rddreg [dreg:$0x7];
	s5 =	sadd.s32 $0x1, s5  }
0x232: {  	s18 =	simm.s32 $0x6600;
	s19 =	simm.s32 $0x6E00;
	p0 =	sne.s32 s5, s26  }
.Ltmp1:
0x233: {  	s20 =	simm.s32 $0x7600;
	s21 =	simm.s32 $0x7E00;
	(pc) =	sbr.rel @p0 .LBB2_1-.Ltmp1, $4  }
0x234: {  	s22 =	simm.s32 $0x8600;
	s23 =	simm.s32 $0x8E00;
	s24 =	simm.s32 $0x9600  }
0x235: {  	s28 =	simm.s32 $0xAE00;
	s9 =	simm.s32 $0xB600;
	[sflag:s8] =	ssyncset.done $0x0  }
0x236: {  	s30 =	simm.s32 $0xBE00;
	s25 =	simm.s32 $0x9E00;
	[sflag:s8] =	ssyncadd.s32 $0xFFFF4000  }
0x237: {  	[dreg:$0x8] =	wrdreg s5;
	s5 =	simm.s32 $0xE00;
	s26 =	simm.s32 $0xA600  }
0x238: {  	_ =	sfence.sel $0x180000  }
0x239: {  	[bflag:$0x0] =	sbarrier.arrive $0xFFFF  }
0x23a: {  	_ =	strace $0x90000050  }
0x23b: {  	s0 =	stileid.u32;
	[bflag:$0x2] =	sbarrier.arrive $0xFFFF  }
0x23c: {  	p0 =	sne.s32 s0, $0x0;
	s0 =	rddreg [dreg:$0x2]  }
0x23d: {  	s0 =	sadd.s32 @!p0 $0x100000, s0  }
0x23e: {  	[sflag:s0] =	ssyncadd.tile.s32 @!p0 $0x1;
	_ =	shalt  }
.Lfunc_end2:
_tile_overlayer_lowered:
.L_overlay_start_2:
0x23f: {  	(tag) =	ssettag $0x2  }
0x240: {  	s0 =	rddreg [dreg:$0x0];
	s2 =	stileid.u32  }
0x241: {  	s1 =	rddreg [dreg:$0x1];
	p0 =	sne.s32 s2, $0x0  }
0x242: {  	s3 =	rddreg [dreg:$0x2];
	[bflag:$0x3] =	sbarrier.arrive $0xFFFF;
	s2 =	simm.s32 @!p0 $0x1C03  }
0x243: {  	[timem:s3], [sflag:s2] =	dma.local @!p0 [hbm:s0], s1  }
0x244: {  	s0 =	simm.s32 @!p0 $0x3  }
0x245: {  	_ =	swait.ge @!p0 [sflag:s0], s1  }
0x246: {  	s1 =	ssub.s32 @!p0 $0x0, s1;
	[sflag:s0] =	ssyncset.done @!p0 $0x0  }
0x247: {  	[sflag:s0] =	ssyncadd.s32 @!p0 s1  }
0x248: {  	[bflag:$0x3] =	sbarrier.arrive $0xFFFF  }
0x249: {  	_ =	shalt  }

// kernel: kernel.30.cloned.1.call-start
scs
__scs_entry_jumppad:
0x0: {  	(pc) =	sbr.rel $0x88, $3  }
0x1: {  	(tag) =	ssettag $0x0;
	lr =	simm.s32 $0x1  }
0x2: {  	[smem:$0x3F9C] =	sst lr;
	_ =	strace $0xD0000000  }
0x3: {  	_ = 	snop  }
0x4: {  	_ = 	snop  }
0x5: {  	_ = 	snop  }
0x6: {  	_ = 	snop  }
0x7: {  	_ = 	snop  }
__scs_overlays_trampoline_lowered:
0x8: {  	[smem:$0x3FAB] =	sst s0  }
0x9: {  	[smem:$0x3FAC] =	sst s1  }
0xa: {  	[smem:$0x3FAD] =	sst s2  }
0xb: {  	[smem:$0x3FAE] =	sst s3  }
0xc: {  	[smem:$0x3FAF] =	sst s4  }
0xd: {  	[smem:$0x3FB0] =	sst s5  }
0xe: {  	[smem:$0x3FB1] =	sst s6  }
0xf: {  	[smem:$0x3FB2] =	sst s7  }
0x10: {  	[smem:$0x3FB3] =	sst s8  }
0x11: {  	[smem:$0x3FB4] =	sst s9;
	s0 =	simm.s32 @!p0 $0x0  }
0x12: {  	s1 =	sld [smem:$0x3F9A];
	s0 =	simm.s32 @p0 $0x1  }
0x13: {  	[smem:$0x3FB5] =	sst s0;
	s0 =	simm.s32 @!p1 $0x0  }
0x14: {  	s2 =	sld [smem:$0x3F99];
	s0 =	simm.s32 @p1 $0x1  }
0x15: {  	[smem:$0x3FB6] =	sst s0;
	s0 =	simm.s32 @!p2 $0x0  }
0x16: {  	s3 =	sld [smem:$0x3FDB];
	s0 =	simm.s32 @p2 $0x1  }
0x17: {  	s4 =	simm.s32 $0x1BF5;
	[smem:$0x3FB8] =	sst s0  }
0x18: {  	s0 =	sld [smem:$0x3F9B];
	_ =	swait.ge [sflag:s4], $0x0  }
0x19: {  	s7 =	sld [smem:$0x3F9C]  }
0x1a: {  	s8 =	sadd.s32 $0xFFFFE003, lr  }
0x1b: {  	s9 =	sadd.s32 $0xFFFFFEF7, lr;
	s5 =	simm.s32 $0xFFFFFFFF;
	p2 =	slt.u32 s8, $0xFFFFF086  }
0x1c: {  	p1 =	slt.u32 s9, $0xF7A;
	s5 =	simm.s32 @!p2 $0x0  }
0x1d: {  	s5 =	simm.s32 @p1 $0x1;
	p0 =	seq.s32 s7, s2  }
0x1e: {  	s7 =	smul.u32 @!p0 $0xF7A, s2;
	p2 =	seq.s32 @!p0 s5, $0x0  }
0x1f: {  	s9 =	smul.u32 $0xF7A, s1;
	s8 =	simm.s32 @!p0 $0x1BF5;
	p2 =	por !p2, p0  }
0x20: {  	[sflag:s8] =	ssyncset.s32 @!p0 $0xFFFFF086;
	s6 =	sadd.s32 @!p0 s3, s7;
	s7 =	simm.s32 @!p0 $0x108  }
0x21: {  	s3 =	sadd.s32 s3, s9;
	s6 =	sadd.s32 @!p0 $0x88, s6;
	s7 =	simm.s32 @p2 $0x1082  }
0x22: {  	[simem:s7], [sflag:s8] =	dma.local @!p0 [hbm:s6], $0xF7A  }
0x23: {  	s9 =	sor.u32 $0xD0000000, s2;
	s6 =	simm.s32 $0x108;
	_ =	swait.ge @!p0 [sflag:s8], $0x0  }
0x24: {  	s3 =	sadd.s32 $0x88, s3;
	s6 =	simm.s32 @!p1 $0x1082;
	[sflag:s4] =	ssyncset.s32 $0xFFFFF086  }
0x25: {  	[simem:s6], [sflag:s4] =	dma.local [hbm:s3], $0xF7A  }
0x26: {  	[smem:$0x3F9C] =	sst s1;
	(tag) =	ssettag s2;
	_ =	strace s9  }
0x27: {  	s1 =	sld [smem:$0x3FAC]  }
0x28: {  	s2 =	sld [smem:$0x3FAD]  }
0x29: {  	s4 =	sld [smem:$0x3FAF]  }
0x2a: {  	p0 =	seq.s32 s5, $0x0;
	s5 =	sld [smem:$0x3FB0]  }
0x2b: {  	s6 =	sld [smem:$0x3FB1]  }
0x2c: {  	s7 =	sld [smem:$0x3FB2]  }
0x2d: {  	s3 =	simm.s32 $0x108;
	s8 =	sld [smem:$0x3FB3]  }
0x2e: {  	s3 =	simm.s32 @!p0 $0x1082;
	s9 =	sld [smem:$0x3FB4]  }
0x2f: {  	lr =	sadd.s32 s0, s3;
	s0 =	sld [smem:$0x3FAB]  }
0x30: {  	s3 =	sld [smem:$0x3FAE]  }
0x31: {  	[smem:$0x3FB7] =	sst s10  }
0x32: {  	s10 =	sld [smem:$0x3FB5];
	_ =	sdelay $0x3  }
0x33: {  	p0 =	seq.s32 s10, $0x1;
	s10 =	sld [smem:$0x3FB7];
	_ =	sdelay $0x3  }
0x34: {  	[smem:$0x3FB7] =	sst s10  }
0x35: {  	s10 =	sld [smem:$0x3FB6];
	_ =	sdelay $0x3  }
0x36: {  	p1 =	seq.s32 s10, $0x1;
	s10 =	sld [smem:$0x3FB7];
	_ =	sdelay $0x3  }
0x37: {  	[smem:$0x3FB7] =	sst s10  }
0x38: {  	s10 =	sld [smem:$0x3FB8]  }
0x39: {  	_ = 	snop;
	(pc) =	sbr.ind lr, $3  }
0x3a: {  	_ = 	snop  }
0x3b: {  	_ = 	snop  }
0x3c: {  	p2 =	seq.s32 s10, $0x1;
	s10 =	sld [smem:$0x3FB7]  }
0x3d: {  	_ =	shalt  }
0x3e: {  	_ =	shalt  }
0x3f: {  	_ =	shalt  }
0x40: {  	_ =	shalt  }
0x41: {  	_ =	shalt  }
0x42: {  	_ =	shalt  }
0x43: {  	_ =	shalt  }
0x44: {  	_ =	shalt  }
0x45: {  	_ =	shalt  }
0x46: {  	_ =	shalt  }
0x47: {  	_ =	shalt  }
0x48: {  	_ =	shalt  }
0x49: {  	_ =	shalt  }
0x4a: {  	_ =	shalt  }
0x4b: {  	_ =	shalt  }
0x4c: {  	_ =	shalt  }
0x4d: {  	_ =	shalt  }
0x4e: {  	_ =	shalt  }
0x4f: {  	_ =	shalt  }
0x50: {  	_ =	shalt  }
0x51: {  	_ =	shalt  }
0x52: {  	_ =	shalt  }
0x53: {  	_ =	shalt  }
0x54: {  	_ =	shalt  }
0x55: {  	_ =	shalt  }
0x56: {  	_ =	shalt  }
0x57: {  	_ =	shalt  }
0x58: {  	_ =	shalt  }
0x59: {  	_ =	shalt  }
0x5a: {  	_ =	shalt  }
0x5b: {  	_ =	shalt  }
0x5c: {  	_ =	shalt  }
0x5d: {  	_ =	shalt  }
0x5e: {  	_ =	shalt  }
0x5f: {  	_ =	shalt  }
0x60: {  	_ =	shalt  }
0x61: {  	_ =	shalt  }
0x62: {  	_ =	shalt  }
0x63: {  	_ =	shalt  }
0x64: {  	_ =	shalt  }
0x65: {  	_ =	shalt  }
0x66: {  	_ =	shalt  }
0x67: {  	_ =	shalt  }
0x68: {  	_ =	shalt  }
0x69: {  	_ =	shalt  }
0x6a: {  	_ =	shalt  }
0x6b: {  	_ =	shalt  }
0x6c: {  	_ =	shalt  }
0x6d: {  	_ =	shalt  }
0x6e: {  	_ =	shalt  }
0x6f: {  	_ =	shalt  }
0x70: {  	_ =	shalt  }
0x71: {  	_ =	shalt  }
0x72: {  	_ =	shalt  }
0x73: {  	_ =	shalt  }
0x74: {  	_ =	shalt  }
0x75: {  	_ =	shalt  }
0x76: {  	_ =	shalt  }
0x77: {  	_ =	shalt  }
0x78: {  	_ =	shalt  }
0x79: {  	_ =	shalt  }
0x7a: {  	_ =	shalt  }
0x7b: {  	_ =	shalt  }
0x7c: {  	_ =	shalt  }
0x7d: {  	_ =	shalt  }
0x7e: {  	_ =	shalt  }
0x7f: {  	_ =	shalt  }
0x80: {  	_ =	shalt  }
0x81: {  	_ =	shalt  }
0x82: {  	_ =	shalt  }
0x83: {  	_ =	shalt  }
0x84: {  	_ =	shalt  }
0x85: {  	_ =	shalt  }
0x86: {  	_ =	shalt  }
0x87: {  	_ =	shalt  }
.Lfunc_end0:
.L_simem_size_0:
called_computation.4_lowered:
.L_overlay_start_0:
0x88: {  	s2 =	sld [smem:$0x3FD9]  }
0x89: {  	s3 =	sld [smem:$0x3FFE];
	_ =	sdelay $0x1  }
0x8a: {  	s1 =	srdreg.scid  }
0x8b: {  	s0 =	sand.u32 $0x1, s1  }
0x8c: {  	s17 =	sshll.u32 s0, $0xA;
	s2 =	sadd.s32 s3, s2  }
0x8d: {  	s2 =	sadd.s32 s2, s17  }
0x8e: {  	[smem:$0x3FC3] =	sst s2  }
0x8f: {  	_ = 	snop  }
0x90: {  	(tm) =	ssettm $0x1  }
0x91: {  	s18 =	sld [smem:$0x3FFB];
	_ =	sdelay $0x3  }
0x92: {  	_ =	strace s18  }
0x93: {  	s2 =	sld [smem:$0x3FFC];
	_ =	sdelay $0x3  }
0x94: {  	_ =	strace s2  }
0x95: {  	s2 =	sld [smem:$0x3FFD];
	_ =	sdelay $0x3  }
0x96: {  	_ =	strace s2  }
0x97: {  	_ =	strace $0x8FFFFFFF  }
0x98: {  	s19 =	sld [smem:$0x3FDB];
	_ =	sdelay $0x1  }
0x99: {  	s20 =	simm.s32 $_scs_section_size  }
0x9a: {  	s4 =	simm.s32 $_size__tile_overlayer_lowered;
	s5 =	simm.s32 $_tile_overlayer_lowered  }
0x9b: {  	s6 =	simm.s32 $0x1BFF;
	s21 =	sshll.u32 s5, $0x1;
	s3 =	sadd.s32 s20, s19  }
0x9c: {  	s22 =	simm.s32 $0x0;
	s4 =	sshll.u32 s4, $0x1;
	s5 =	sadd.s32 s21, s3  }
0x9d: {  	[timem:s22], [sflag:s6] =	dma.local [hbm:s5], s4  }
0x9e: {  	_ =	swait.ge [sflag:s6], s4  }
0x9f: {  	s4 =	ssub.s32 $0x0, s4;
	[sflag:s6] =	ssyncset.done $0x0  }
0xa0: {  	[sflag:s6] =	ssyncadd.s32 s4;
	_ =	sdelay $0x1  }
0xa1: {  	s23 =	simm.s32 $0x1B8B  }
0xa2: {  	_ =	swait.ge [sflag:s23], $0x1  }
0xa3: {  	[sflag:s23] =	ssyncset.done $0x0  }
0xa4: {  	[sflag:s23] =	ssyncadd.s32 $0xFFFFFFFF  }
0xa5: {  	s4 =	sld [smem:$0x0]  }
0xa6: {  	s5 =	sand.u32 $0xFFFFFFFE, s1  }
0xa7: {  	p0 =	sne.s32 s1, s5  }
0xa8: {  	s5 =	sshll.u32 @p0 s5, $0xE  }
0xa9: {  	s5 =	sadd.s32 @p0 $0x11B8D, s5;
	s6 =	sshll.u32 @p0 s4, $0x11  }
0xaa: {  	s5 =	sor.u32 @p0 s6, s5  }
0xab: {  	[sflag:s5] =	ssyncadd.remote.s32 @p0 $0x1;
	_ =	sdelay $0x1  }
0xac: {  	s5 =	simm.s32 @p0 $0x1B8D  }
0xad: {  	_ =	swait.eq @p0 [sflag:s5], $0x1  }
0xae: {  	[sflag:s5] =	ssyncadd.s32 @p0 $0xFFFFFFFF  }
0xaf: {  	s6 =	sshll.u32 @!p0 s1, $0xE  }
0xb0: {  	s6 =	sor.u32 @!p0 $0x4000, s6;
	s5 =	simm.s32 @!p0 $0x1B8D  }
0xb1: {  	s4 =	sshll.u32 @!p0 s4, $0x11;
	s6 =	sadd.s32 @!p0 $0x11B8D, s6;
	_ =	swait.eq @!p0 [sflag:s5], $0x1  }
0xb2: {  	s4 =	sor.u32 @!p0 s4, s6;
	[sflag:s5] =	ssyncadd.s32 @!p0 $0xFFFFFFFF  }
0xb3: {  	s25 =	simm.s32 $0x1B8E;
	s24 =	sld [smem:$0x3FFE];
	[sflag:s4] =	ssyncadd.remote.s32 @!p0 $0x1  }
0xb4: {  	s26 =	simm.s32 $execute0_lowered;
	[smem:$0x3FD2] =	sst s25  }
0xb5: {  	s5 =	sshll.u32 s26, $0x1;
	_ =	strace $0x80000052;
	[dreg:$0x1] =	wrdreg $0xFFFFFFFF  }
0xb6: {  	s28 =	simm.s32 $_size_execute0_lowered;
	s3 =	sadd.s32 s3, s5;
	[dreg:$0x0] =	wrdreg $0x0  }
0xb7: {  	s5 =	sshll.u32 s28, $0x1;
	[dreg:$0x2] =	wrdreg s3  }
0xb8: {  	[dreg:$0x3] =	wrdreg s5  }
0xb9: {  	[dreg:$0x4] =	wrdreg $0xC0  }
0xba: {  	_ =	task [dreg:s22], $0x5FFFF  }
0xbb: {  	[dreg:$0x1] =	wrdreg $0xFFFFFFFF  }
0xbc: {  	[dreg:$0x0] =	wrdreg $0x60  }
0xbd: {  	[dreg:$0x2] =	wrdreg s24  }
0xbe: {  	[dreg:$0x3] =	wrdreg $0xD  }
0xbf: {  	_ =	task.clear_ibuf [dreg:s22], $0x4FFFF;
	_ =	strace $0x90000052  }
0xc0: {  	s29 =	simm.s32 $0xD;
	_ =	strace $0x80000054  }
0xc1: {  	_ =	swait.ge [sflag:s29], $0x1  }
0xc2: {  	[sflag:s29] =	ssyncadd.s32 $0xFFFFFFFF  }
0xc3: {  	_ =	strace $0x90000054  }
0xc4: {  	_ =	sfence  }
0xc5: {  	s30 =	sld [smem:$0x0];
	_ =	sdelay $0x2  }
0xc6: {  	s31 =	sshll.u32 s1, $0xD;
	s1 =	sshrl.u32 s1, $0x2  }
0xc7: {  	s4 =	sand.u32 $0x4000, s31;
	s1 =	sadd.s32 s1, s30  }
0xc8: {  	s0 =	sor.u32 s4, s0;
	s1 =	sshll.u32 s1, $0x11  }
0xc9: {  	s0 =	sor.u32 s1, s0  }
0xca: {  	s0 =	sadd.s32 $0x8F2B, s0  }
0xcb: {  	[sflag:s0] =	ssyncadd.remote.s32 $0x1  }
0xcc: {  	_ =	sfence.sel $0xFFFF  }
0xcd: {  	[dreg:$0x0] =	wrdreg $0xFFFFFFFF;
	(pc) =	sbr.abs _section_cstart, $3  }
0xce: {  	[dreg:$0x1] =	wrdreg $0xFFFFFFFF  }
0xcf: {  	_ =	task.clear_ibuf [dreg:s22], $0x2FFFF;
	_ =	strace $0x9FFFFFFF  }
0xd0: {  	(tm) =	ssettm $0x7FFFFFFF  }
0xd1: {  	_ =	shalt  }
tec
execute0_lowered:
.L_overlay_start_1:
0x0: {  	(tag) =	ssettag $0x1  }
0x1: {  	s0 =	srdreg.scid  }
0x2: {  	s8 =	stileid.u32;
	s4 =	rddreg [dreg:$0x0]  }
0x3: {  	s2 =	simm.s32 $0x0;
	s10 =	simm.s32 $0x2600;
	s29 =	simm.s32 $0x2E00  }
0x4: {  	s12 =	simm.s32 $0x3600;
	s13 =	simm.s32 $0x3E00;
	s14 =	simm.s32 $0x4600  }
0x5: {  	s15 =	simm.s32 $0x4E00;
	s16 =	simm.s32 $0x5600;
	s17 =	simm.s32 $0x5E00  }
0x6: {  	s18 =	simm.s32 $0x6600;
	s19 =	simm.s32 $0x6E00;
	s20 =	simm.s32 $0x7600  }
0x7: {  	s21 =	simm.s32 $0x7E00;
	s22 =	simm.s32 $0x8600;
	s23 =	simm.s32 $0x8E00  }
0x8: {  	s24 =	simm.s32 $0x9600;
	s28 =	simm.s32 $0xAE00;
	s9 =	simm.s32 $0xB600  }
0x9: {  	s30 =	simm.s32 $0xBE00;
	s11 =	simm.s32 $0xC600;
	s31 =	simm.s32 $0x1  }
0xa: {  	s0 =	sand.u32 $0x1, s0;
	s1 =	sshll.u32 s8, $0x1;
	s8 =	smul.u32 $0x18000, s8  }
0xb: {  	s1 =	sor.u32 s0, s1;
	s6 =	ssub.s32 $0x2, s0;
	s0 =	smul.u32 $0xC000, s0  }
0xc: {  	[smem:$0x7FF] =	sst s2;
	s3 =	sadd.s32 $0x2A400, s4;
	s5 =	smul.u32 $0x600, s1  }
0xd: {  	_ =	strace $0x80000053;
	s1 =	smul.u32 $0x60000, s1;
	s7 =	sshrl.u32 s6, $0x1  }
0xe: {  	s6 =	ssub.s32 s6, s7;
	s7 =	simm.s32 $0x1E00;
	s5 =	sshrl.u32 s5, $0x3  }
0xf: {  	s1 =	sshrl.u32 s1, $0x3;
	s26 =	smax.u32 s6, $0x1;
	s6 =	simm.s32 $0x1600  }
0x10: {  	s5 =	sadd.s32 s5, s4;
	s4 =	sadd.s32 $0x579E00, s4;
	[dreg:$0x6] =	wrdreg s26  }
0x11: {  	s26 =	simm.s32 $0xA600;
	s5 =	sadd.s32 $0x7800, s5;
	s1 =	sadd.s32 s4, s1  }
0x12: {  	s4 =	sadd.s32 s8, s4;
	[dreg:$0x3] =	wrdreg s5;
	s25 =	sadd.s32 $0x9000, s1  }
0x13: {  	s8 =	simm.s32 $0x3;
	s1 =	sadd.s32 $0xA800, s1;
	[dreg:$0x4] =	wrdreg s25  }
0x14: {  	v2 =	vlaneseq.u32;
	s0 =	sadd.s32 s0, s4;
	s4 =	simm.s32 $0x600;
	[dreg:$0x5] =	wrdreg s1  }
0x15: {  	vm0 =	vmmov $0xffff;
	v1 =	vshrl.u32 v2, $0x3;
	s5 =	simm.s32 $0xE00;
	[dreg:$0x2] =	wrdreg s0;
	s0 =	simm.s32 $0x0  }
0x16: {  	v0 =	vand.u32 $0x7, v2;
	v2 =	vor.u32 $0x8, v2;
	v1 =	vmul.u32 $0x8, v1;
	s25 =	simm.s32 $0x9E00;
	s1 =	simm.s32 $0x2;
	[dreg:$0x7] =	wrdreg s0  }
.LBB2_1:
0x17: {  	s0 =	rddreg [dreg:$0x3]  }
0x18: {  	[tilespmem:s2], [sflag:$0x3] =	stream.linear.gather [hbm4b:s0+s2], $0x600, $0x38;
	[tilespmem:$0x18600] =	vst v63  }
0x19: {  	_ =	swait.ge [sflag:s8], $0x600  }
0x1a: {  	[sflag:s8] =	ssyncset.done $0x0  }
0x1b: {  	[sflag:s8] =	ssyncadd.s32 $0xFFFFFA00  }
0x1c: {  	v3 =	vld [tilespmem:$0x0];
	_ =	sdelay $0x4  }
0x1d: {  	v4 =	vshll.u32 v3, $0x1  }
0x1e: {  	v3 =	vand.u32 $0x7, v3;
	v4 =	vand.u32 $0xFFFFFFF0, v4  }
0x1f: {  	v3 =	vor.u32 v3, v4  }
0x20: {  	v4 =	vperm.xlane v3, v0;
	_ =	sdelay $0x1  }
0x21: {  	v3 =	vperm.xlane v3, v2;
	v4 =	vadd.s32 v1, v4;
	_ =	sdelay $0x1  }
0x22: {  	v3 =	vadd.s32 v1, v3;
	_ =	sdelay $0x2  }
0x23: {  	[tilespmem:s4], [sflag:$0x1] =	stream.indirect_vreg.gather [hbm4b:s3+s2], $0x80, v4, vm0, $0xb8;
	[tilespmem:$0x18600] =	vst v63  }
0x24: {  	_ = 	snop  }
0x25: {  	[tilespmem:s5], [sflag:$0x1] =	stream.indirect_vreg.gather [hbm4b:s3+s2], $0x80, v3, vm0, $0xb8;
	[tilespmem:$0x18600] =	vst v63  }
0x26: {  	v3 =	vld [tilespmem:$0x10];
	_ =	sdelay $0x4  }
0x27: {  	v41 =	vshll.u32 v3, $0x1  }
0x28: {  	v3 =	vand.u32 $0x7, v3;
	v4 =	vand.u32 $0xFFFFFFF0, v41  }
0x29: {  	v3 =	vor.u32 v3, v4  }
0x2a: {  	v4 =	vperm.xlane v3, v0;
	_ =	sdelay $0x1  }
0x2b: {  	v3 =	vperm.xlane v3, v2;
	v4 =	vadd.s32 v1, v4;
	_ =	sdelay $0x1  }
0x2c: {  	v3 =	vadd.s32 v1, v3;
	_ =	sdelay $0x2  }
0x2d: {  	[tilespmem:s6], [sflag:$0x1] =	stream.indirect_vreg.gather [hbm4b:s3+s2], $0x80, v4, vm0, $0xb8;
	[tilespmem:$0x18600] =	vst v63  }
0x2e: {  	_ = 	snop  }
0x2f: {  	[tilespmem:s7], [sflag:$0x1] =	stream.indirect_vreg.gather [hbm4b:s3+s2], $0x80, v3, vm0, $0xb8;
	[tilespmem:$0x18600] =	vst v63  }
0x30: {  	v3 =	vld [tilespmem:$0x20];
	_ =	sdelay $0x4  }
0x31: {  	v42 =	vshll.u32 v3, $0x1  }
0x32: {  	v3 =	vand.u32 $0x7, v3;
	v4 =	vand.u32 $0xFFFFFFF0, v42  }
0x33: {  	v3 =	vor.u32 v3, v4  }
0x34: {  	v4 =	vperm.xlane v3, v0;
	_ =	sdelay $0x1  }
0x35: {  	v3 =	vperm.xlane v3, v2;
	v4 =	vadd.s32 v1, v4;
	_ =	sdelay $0x1  }
0x36: {  	v3 =	vadd.s32 v1, v3;
	_ =	sdelay $0x2  }
0x37: {  	[tilespmem:s10], [sflag:$0x1] =	stream.indirect_vreg.gather [hbm4b:s3+s2], $0x80, v4, vm0, $0xb8;
	[tilespmem:$0x18600] =	vst v63  }
0x38: {  	_ = 	snop  }
0x39: {  	[tilespmem:s29], [sflag:$0x1] =	stream.indirect_vreg.gather [hbm4b:s3+s2], $0x80, v3, vm0, $0xb8;
	[tilespmem:$0x18600] =	vst v63  }
0x3a: {  	v3 =	vld [tilespmem:$0x30];
	_ =	sdelay $0x4  }
0x3b: {  	v43 =	vshll.u32 v3, $0x1  }
0x3c: {  	v3 =	vand.u32 $0x7, v3;
	v4 =	vand.u32 $0xFFFFFFF0, v43  }
0x3d: {  	v3 =	vor.u32 v3, v4  }
0x3e: {  	v4 =	vperm.xlane v3, v0;
	_ =	sdelay $0x1  }
0x3f: {  	v3 =	vperm.xlane v3, v2;
	v4 =	vadd.s32 v1, v4;
	_ =	sdelay $0x1  }
0x40: {  	v3 =	vadd.s32 v1, v3;
	_ =	sdelay $0x2  }
0x41: {  	[tilespmem:s12], [sflag:$0x1] =	stream.indirect_vreg.gather [hbm4b:s3+s2], $0x80, v4, vm0, $0xb8;
	[tilespmem:$0x18600] =	vst v63  }
0x42: {  	_ = 	snop  }
0x43: {  	[tilespmem:s13], [sflag:$0x1] =	stream.indirect_vreg.gather [hbm4b:s3+s2], $0x80, v3, vm0, $0xb8;
	[tilespmem:$0x18600] =	vst v63  }
0x44: {  	v3 =	vld [tilespmem:$0x40];
	_ =	sdelay $0x4  }
0x45: {  	v44 =	vshll.u32 v3, $0x1  }
0x46: {  	v3 =	vand.u32 $0x7, v3;
	v4 =	vand.u32 $0xFFFFFFF0, v44  }
0x47: {  	v3 =	vor.u32 v3, v4  }
0x48: {  	v4 =	vperm.xlane v3, v0;
	_ =	sdelay $0x1  }
0x49: {  	v3 =	vperm.xlane v3, v2;
	v4 =	vadd.s32 v1, v4;
	_ =	sdelay $0x1  }
0x4a: {  	v3 =	vadd.s32 v1, v3;
	_ =	sdelay $0x2  }
0x4b: {  	[tilespmem:s14], [sflag:$0x1] =	stream.indirect_vreg.gather [hbm4b:s3+s2], $0x80, v4, vm0, $0xb8;
	[tilespmem:$0x18600] =	vst v63  }
0x4c: {  	_ = 	snop  }
0x4d: {  	[tilespmem:s15], [sflag:$0x1] =	stream.indirect_vreg.gather [hbm4b:s3+s2], $0x80, v3, vm0, $0xb8;
	[tilespmem:$0x18600] =	vst v63  }
0x4e: {  	v3 =	vld [tilespmem:$0x50];
	_ =	sdelay $0x4  }
0x4f: {  	v45 =	vshll.u32 v3, $0x1  }
0x50: {  	v3 =	vand.u32 $0x7, v3;
	v4 =	vand.u32 $0xFFFFFFF0, v45  }
0x51: {  	v3 =	vor.u32 v3, v4  }
0x52: {  	v4 =	vperm.xlane v3, v0;
	_ =	sdelay $0x1  }
0x53: {  	v3 =	vperm.xlane v3, v2;
	v4 =	vadd.s32 v1, v4;
	_ =	sdelay $0x1  }
0x54: {  	v3 =	vadd.s32 v1, v3;
	_ =	sdelay $0x2  }
0x55: {  	[tilespmem:s16], [sflag:$0x1] =	stream.indirect_vreg.gather [hbm4b:s3+s2], $0x80, v4, vm0, $0xb8;
	[tilespmem:$0x18600] =	vst v63  }
0x56: {  	_ = 	snop  }
0x57: {  	[tilespmem:s17], [sflag:$0x1] =	stream.indirect_vreg.gather [hbm4b:s3+s2], $0x80, v3, vm0, $0xb8;
	[tilespmem:$0x18600] =	vst v63  }
0x58: {  	v3 =	vld [tilespmem:$0x60];
	_ =	sdelay $0x4  }
0x59: {  	v46 =	vshll.u32 v3, $0x1  }
0x5a: {  	v3 =	vand.u32 $0x7, v3;
	v4 =	vand.u32 $0xFFFFFFF0, v46  }
0x5b: {  	v3 =	vor.u32 v3, v4  }
0x5c: {  	v4 =	vperm.xlane v3, v0;
	_ =	sdelay $0x1  }
0x5d: {  	v3 =	vperm.xlane v3, v2;
	v4 =	vadd.s32 v1, v4;
	_ =	sdelay $0x1  }
0x5e: {  	v3 =	vadd.s32 v1, v3;
	_ =	sdelay $0x2  }
0x5f: {  	[tilespmem:s18], [sflag:$0x1] =	stream.indirect_vreg.gather [hbm4b:s3+s2], $0x80, v4, vm0, $0xb8;
	[tilespmem:$0x18600] =	vst v63  }
0x60: {  	_ = 	snop  }
0x61: {  	[tilespmem:s19], [sflag:$0x1] =	stream.indirect_vreg.gather [hbm4b:s3+s2], $0x80, v3, vm0, $0xb8;
	[tilespmem:$0x18600] =	vst v63  }
0x62: {  	v3 =	vld [tilespmem:$0x70];
	_ =	sdelay $0x4  }
0x63: {  	v47 =	vshll.u32 v3, $0x1  }
0x64: {  	v3 =	vand.u32 $0x7, v3;
	v4 =	vand.u32 $0xFFFFFFF0, v47  }
0x65: {  	v3 =	vor.u32 v3, v4  }
0x66: {  	v4 =	vperm.xlane v3, v0;
	_ =	sdelay $0x1  }
0x67: {  	v3 =	vperm.xlane v3, v2;
	v4 =	vadd.s32 v1, v4;
	_ =	sdelay $0x1  }
0x68: {  	v3 =	vadd.s32 v1, v3;
	_ =	sdelay $0x2  }
0x69: {  	[tilespmem:s20], [sflag:$0x1] =	stream.indirect_vreg.gather [hbm4b:s3+s2], $0x80, v4, vm0, $0xb8;
	[tilespmem:$0x18600] =	vst v63  }
0x6a: {  	_ = 	snop  }
0x6b: {  	[tilespmem:s21], [sflag:$0x1] =	stream.indirect_vreg.gather [hbm4b:s3+s2], $0x80, v3, vm0, $0xb8;
	[tilespmem:$0x18600] =	vst v63  }
0x6c: {  	v3 =	vld [tilespmem:$0x80];
	_ =	sdelay $0x4  }
0x6d: {  	v48 =	vshll.u32 v3, $0x1  }
0x6e: {  	v3 =	vand.u32 $0x7, v3;
	v4 =	vand.u32 $0xFFFFFFF0, v48  }
0x6f: {  	v3 =	vor.u32 v3, v4  }
0x70: {  	v4 =	vperm.xlane v3, v0;
	_ =	sdelay $0x1  }
0x71: {  	v3 =	vperm.xlane v3, v2;
	v4 =	vadd.s32 v1, v4;
	_ =	sdelay $0x1  }
0x72: {  	v3 =	vadd.s32 v1, v3;
	_ =	sdelay $0x2  }
0x73: {  	[tilespmem:s22], [sflag:$0x1] =	stream.indirect_vreg.gather [hbm4b:s3+s2], $0x80, v4, vm0, $0xb8;
	[tilespmem:$0x18600] =	vst v63  }
0x74: {  	_ = 	snop  }
0x75: {  	[tilespmem:s23], [sflag:$0x1] =	stream.indirect_vreg.gather [hbm4b:s3+s2], $0x80, v3, vm0, $0xb8;
	[tilespmem:$0x18600] =	vst v63  }
0x76: {  	v3 =	vld [tilespmem:$0x90];
	_ =	sdelay $0x4  }
0x77: {  	v49 =	vshll.u32 v3, $0x1  }
0x78: {  	v3 =	vand.u32 $0x7, v3;
	v4 =	vand.u32 $0xFFFFFFF0, v49  }
0x79: {  	v3 =	vor.u32 v3, v4  }
0x7a: {  	v4 =	vperm.xlane v3, v0;
	_ =	sdelay $0x1  }
0x7b: {  	v3 =	vperm.xlane v3, v2;
	v4 =	vadd.s32 v1, v4;
	_ =	sdelay $0x1  }
0x7c: {  	v3 =	vadd.s32 v1, v3;
	_ =	sdelay $0x2  }
0x7d: {  	[tilespmem:s24], [sflag:$0x1] =	stream.indirect_vreg.gather [hbm4b:s3+s2], $0x80, v4, vm0, $0xb8;
	[tilespmem:$0x18600] =	vst v63  }
0x7e: {  	_ = 	snop  }
0x7f: {  	[tilespmem:s25], [sflag:$0x1] =	stream.indirect_vreg.gather [hbm4b:s3+s2], $0x80, v3, vm0, $0xb8;
	[tilespmem:$0x18600] =	vst v63  }
0x80: {  	v3 =	vld [tilespmem:$0xA0];
	_ =	sdelay $0x4  }
0x81: {  	v50 =	vshll.u32 v3, $0x1  }
0x82: {  	v3 =	vand.u32 $0x7, v3;
	v4 =	vand.u32 $0xFFFFFFF0, v50  }
0x83: {  	v3 =	vor.u32 v3, v4  }
0x84: {  	v4 =	vperm.xlane v3, v0;
	_ =	sdelay $0x1  }
0x85: {  	v3 =	vperm.xlane v3, v2;
	v4 =	vadd.s32 v1, v4;
	_ =	sdelay $0x1  }
0x86: {  	v3 =	vadd.s32 v1, v3;
	_ =	sdelay $0x2  }
0x87: {  	[tilespmem:s26], [sflag:$0x1] =	stream.indirect_vreg.gather [hbm4b:s3+s2], $0x80, v4, vm0, $0xb8;
	[tilespmem:$0x18600] =	vst v63  }
0x88: {  	_ = 	snop  }
0x89: {  	[tilespmem:s28], [sflag:$0x1] =	stream.indirect_vreg.gather [hbm4b:s3+s2], $0x80, v3, vm0, $0xb8;
	[tilespmem:$0x18600] =	vst v63  }
0x8a: {  	v3 =	vld [tilespmem:$0xB0];
	_ =	sdelay $0x4  }
0x8b: {  	v51 =	vshll.u32 v3, $0x1  }
0x8c: {  	v3 =	vand.u32 $0x7, v3;
	v4 =	vand.u32 $0xFFFFFFF0, v51  }
0x8d: {  	v3 =	vor.u32 v3, v4  }
0x8e: {  	v4 =	vperm.xlane v3, v0;
	_ =	sdelay $0x1  }
0x8f: {  	v3 =	vperm.xlane v3, v2;
	v4 =	vadd.s32 v1, v4;
	_ =	sdelay $0x1  }
0x90: {  	v3 =	vadd.s32 v1, v3;
	_ =	sdelay $0x2  }
0x91: {  	[tilespmem:s9], [sflag:$0x1] =	stream.indirect_vreg.gather [hbm4b:s3+s2], $0x80, v4, vm0, $0xb8;
	[tilespmem:$0x18600] =	vst v63  }
0x92: {  	_ = 	snop  }
0x93: {  	[tilespmem:s30], [sflag:$0x1] =	stream.indirect_vreg.gather [hbm4b:s3+s2], $0x80, v3, vm0, $0xb8;
	[tilespmem:$0x18600] =	vst v63  }
0x94: {  	v3 =	vld [tilespmem:$0xC0];
	_ =	sdelay $0x4  }
0x95: {  	v52 =	vshll.u32 v3, $0x1  }
0x96: {  	v3 =	vand.u32 $0x7, v3;
	v4 =	vand.u32 $0xFFFFFFF0, v52  }
0x97: {  	v3 =	vor.u32 v3, v4  }
0x98: {  	v4 =	vperm.xlane v3, v0;
	_ =	sdelay $0x1  }
0x99: {  	v3 =	vperm.xlane v3, v2;
	v4 =	vadd.s32 v1, v4;
	_ =	sdelay $0x1  }
0x9a: {  	v3 =	vadd.s32 v1, v3;
	_ =	sdelay $0x2  }
0x9b: {  	[tilespmem:s11], [sflag:$0x2] =	stream.indirect_vreg.gather [hbm4b:s3+s2], $0x80, v4, vm0, $0xb8;
	[tilespmem:$0x18600] =	vst v63  }
0x9c: {  	s5 =	simm.s32 $0xCE00  }
0x9d: {  	[tilespmem:s5], [sflag:$0x2] =	stream.indirect_vreg.gather [hbm4b:s3+s2], $0x80, v3, vm0, $0xb8;
	[tilespmem:$0x18600] =	vst v63  }
0x9e: {  	v3 =	vld [tilespmem:$0xD0];
	_ =	sdelay $0x4  }
0x9f: {  	v53 =	vshll.u32 v3, $0x1  }
0xa0: {  	v3 =	vand.u32 $0x7, v3;
	v4 =	vand.u32 $0xFFFFFFF0, v53  }
0xa1: {  	v3 =	vor.u32 v3, v4  }
0xa2: {  	v4 =	vperm.xlane v3, v0;
	_ =	sdelay $0x1  }
0xa3: {  	v3 =	vperm.xlane v3, v2;
	v4 =	vadd.s32 v1, v4;
	_ =	sdelay $0x1  }
0xa4: {  	v3 =	vadd.s32 v1, v3;
	_ =	sdelay $0x1  }
0xa5: {  	s6 =	simm.s32 $0xD600  }
0xa6: {  	[tilespmem:s6], [sflag:$0x2] =	stream.indirect_vreg.gather [hbm4b:s3+s2], $0x80, v4, vm0, $0xb8;
	[tilespmem:$0x18600] =	vst v63  }
0xa7: {  	s7 =	simm.s32 $0xDE00  }
0xa8: {  	[tilespmem:s7], [sflag:$0x2] =	stream.indirect_vreg.gather [hbm4b:s3+s2], $0x80, v3, vm0, $0xb8;
	[tilespmem:$0x18600] =	vst v63  }
0xa9: {  	v3 =	vld [tilespmem:$0xE0];
	_ =	sdelay $0x4  }
0xaa: {  	v54 =	vshll.u32 v3, $0x1  }
0xab: {  	v3 =	vand.u32 $0x7, v3;
	v4 =	vand.u32 $0xFFFFFFF0, v54  }
0xac: {  	v3 =	vor.u32 v3, v4  }
0xad: {  	v4 =	vperm.xlane v3, v0;
	_ =	sdelay $0x1  }
0xae: {  	v3 =	vperm.xlane v3, v2;
	v4 =	vadd.s32 v1, v4;
	_ =	sdelay $0x1  }
0xaf: {  	v3 =	vadd.s32 v1, v3;
	_ =	sdelay $0x1  }
0xb0: {  	s9 =	simm.s32 $0xE600  }
0xb1: {  	[tilespmem:s9], [sflag:$0x2] =	stream.indirect_vreg.gather [hbm4b:s3+s2], $0x80, v4, vm0, $0xb8;
	[tilespmem:$0x18600] =	vst v63  }
0xb2: {  	s10 =	simm.s32 $0xEE00  }
0xb3: {  	[tilespmem:s10], [sflag:$0x2] =	stream.indirect_vreg.gather [hbm4b:s3+s2], $0x80, v3, vm0, $0xb8;
	[tilespmem:$0x18600] =	vst v63  }
0xb4: {  	v3 =	vld [tilespmem:$0xF0];
	_ =	sdelay $0x4  }
0xb5: {  	v55 =	vshll.u32 v3, $0x1  }
0xb6: {  	v3 =	vand.u32 $0x7, v3;
	v4 =	vand.u32 $0xFFFFFFF0, v55  }
0xb7: {  	v3 =	vor.u32 v3, v4  }
0xb8: {  	v4 =	vperm.xlane v3, v0;
	_ =	sdelay $0x1  }
0xb9: {  	v3 =	vperm.xlane v3, v2;
	v4 =	vadd.s32 v1, v4;
	_ =	sdelay $0x1  }
0xba: {  	v3 =	vadd.s32 v1, v3;
	_ =	sdelay $0x1  }
0xbb: {  	s11 =	simm.s32 $0xF600  }
0xbc: {  	[tilespmem:s11], [sflag:$0x2] =	stream.indirect_vreg.gather [hbm4b:s3+s2], $0x80, v4, vm0, $0xb8;
	[tilespmem:$0x18600] =	vst v63  }
0xbd: {  	s12 =	simm.s32 $0xFE00  }
0xbe: {  	[tilespmem:s12], [sflag:$0x2] =	stream.indirect_vreg.gather [hbm4b:s3+s2], $0x80, v3, vm0, $0xb8;
	[tilespmem:$0x18600] =	vst v63  }
0xbf: {  	v3 =	vld [tilespmem:$0x100];
	_ =	sdelay $0x4  }
0xc0: {  	v56 =	vshll.u32 v3, $0x1  }
0xc1: {  	v3 =	vand.u32 $0x7, v3;
	v4 =	vand.u32 $0xFFFFFFF0, v56  }
0xc2: {  	v3 =	vor.u32 v3, v4  }
0xc3: {  	v4 =	vperm.xlane v3, v0;
	_ =	sdelay $0x1  }
0xc4: {  	v3 =	vperm.xlane v3, v2;
	v4 =	vadd.s32 v1, v4;
	_ =	sdelay $0x1  }
0xc5: {  	v3 =	vadd.s32 v1, v3;
	_ =	sdelay $0x1  }
0xc6: {  	s13 =	simm.s32 $0x10600  }
0xc7: {  	[tilespmem:s13], [sflag:$0x2] =	stream.indirect_vreg.gather [hbm4b:s3+s2], $0x80, v4, vm0, $0xb8;
	[tilespmem:$0x18600] =	vst v63  }
0xc8: {  	s14 =	simm.s32 $0x10E00  }
0xc9: {  	[tilespmem:s14], [sflag:$0x2] =	stream.indirect_vreg.gather [hbm4b:s3+s2], $0x80, v3, vm0, $0xb8;
	[tilespmem:$0x18600] =	vst v63  }
0xca: {  	v3 =	vld [tilespmem:$0x110];
	_ =	sdelay $0x4  }
0xcb: {  	v57 =	vshll.u32 v3, $0x1  }
0xcc: {  	v3 =	vand.u32 $0x7, v3;
	v4 =	vand.u32 $0xFFFFFFF0, v57  }
0xcd: {  	v3 =	vor.u32 v3, v4  }
0xce: {  	v4 =	vperm.xlane v3, v0;
	_ =	sdelay $0x1  }
0xcf: {  	v3 =	vperm.xlane v3, v2;
	v4 =	vadd.s32 v1, v4;
	_ =	sdelay $0x1  }
0xd0: {  	v3 =	vadd.s32 v1, v3;
	_ =	sdelay $0x1  }
0xd1: {  	s15 =	simm.s32 $0x11600  }
0xd2: {  	[tilespmem:s15], [sflag:$0x2] =	stream.indirect_vreg.gather [hbm4b:s3+s2], $0x80, v4, vm0, $0xb8;
	[tilespmem:$0x18600] =	vst v63  }
0xd3: {  	s16 =	simm.s32 $0x11E00  }
0xd4: {  	[tilespmem:s16], [sflag:$0x2] =	stream.indirect_vreg.gather [hbm4b:s3+s2], $0x80, v3, vm0, $0xb8;
	[tilespmem:$0x18600] =	vst v63  }
0xd5: {  	v3 =	vld [tilespmem:$0x120];
	_ =	sdelay $0x4  }
0xd6: {  	v58 =	vshll.u32 v3, $0x1  }
0xd7: {  	v3 =	vand.u32 $0x7, v3;
	v4 =	vand.u32 $0xFFFFFFF0, v58  }
0xd8: {  	v3 =	vor.u32 v3, v4  }
0xd9: {  	v4 =	vperm.xlane v3, v0;
	_ =	sdelay $0x1  }
0xda: {  	v3 =	vperm.xlane v3, v2;
	v4 =	vadd.s32 v1, v4;
	_ =	sdelay $0x1  }
0xdb: {  	v3 =	vadd.s32 v1, v3;
	_ =	sdelay $0x1  }
0xdc: {  	s17 =	simm.s32 $0x12600  }
0xdd: {  	[tilespmem:s17], [sflag:$0x2] =	stream.indirect_vreg.gather [hbm4b:s3+s2], $0x80, v4, vm0, $0xb8;
	[tilespmem:$0x18600] =	vst v63  }
0xde: {  	s18 =	simm.s32 $0x12E00  }
0xdf: {  	[tilespmem:s18], [sflag:$0x2] =	stream.indirect_vreg.gather [hbm4b:s3+s2], $0x80, v3, vm0, $0xb8;
	[tilespmem:$0x18600] =	vst v63  }
0xe0: {  	v3 =	vld [tilespmem:$0x130];
	_ =	sdelay $0x4  }
0xe1: {  	v59 =	vshll.u32 v3, $0x1  }
0xe2: {  	v3 =	vand.u32 $0x7, v3;
	v4 =	vand.u32 $0xFFFFFFF0, v59  }
0xe3: {  	v3 =	vor.u32 v3, v4  }
0xe4: {  	v4 =	vperm.xlane v3, v0;
	_ =	sdelay $0x1  }
0xe5: {  	v3 =	vperm.xlane v3, v2;
	v4 =	vadd.s32 v1, v4;
	_ =	sdelay $0x1  }
0xe6: {  	v3 =	vadd.s32 v1, v3;
	_ =	sdelay $0x1  }
0xe7: {  	s19 =	simm.s32 $0x13600  }
0xe8: {  	[tilespmem:s19], [sflag:$0x2] =	stream.indirect_vreg.gather [hbm4b:s3+s2], $0x80, v4, vm0, $0xb8;
	[tilespmem:$0x18600] =	vst v63  }
0xe9: {  	s20 =	simm.s32 $0x13E00  }
0xea: {  	[tilespmem:s20], [sflag:$0x2] =	stream.indirect_vreg.gather [hbm4b:s3+s2], $0x80, v3, vm0, $0xb8;
	[tilespmem:$0x18600] =	vst v63  }
0xeb: {  	v3 =	vld [tilespmem:$0x140];
	_ =	sdelay $0x4  }
0xec: {  	v60 =	vshll.u32 v3, $0x1  }
0xed: {  	v3 =	vand.u32 $0x7, v3;
	v4 =	vand.u32 $0xFFFFFFF0, v60  }
0xee: {  	v3 =	vor.u32 v3, v4  }
0xef: {  	v4 =	vperm.xlane v3, v0;
	_ =	sdelay $0x1  }
0xf0: {  	v3 =	vperm.xlane v3, v2;
	v4 =	vadd.s32 v1, v4;
	_ =	sdelay $0x1  }
0xf1: {  	v3 =	vadd.s32 v1, v3;
	_ =	sdelay $0x1  }
0xf2: {  	s21 =	simm.s32 $0x14600  }
0xf3: {  	[tilespmem:s21], [sflag:$0x2] =	stream.indirect_vreg.gather [hbm4b:s3+s2], $0x80, v4, vm0, $0xb8;
	[tilespmem:$0x18600] =	vst v63  }
0xf4: {  	s22 =	simm.s32 $0x14E00  }
0xf5: {  	[tilespmem:s22], [sflag:$0x2] =	stream.indirect_vreg.gather [hbm4b:s3+s2], $0x80, v3, vm0, $0xb8;
	[tilespmem:$0x18600] =	vst v63  }
0xf6: {  	v3 =	vld [tilespmem:$0x150];
	_ =	sdelay $0x4  }
0xf7: {  	v61 =	vshll.u32 v3, $0x1  }
0xf8: {  	v3 =	vand.u32 $0x7, v3;
	v4 =	vand.u32 $0xFFFFFFF0, v61  }
0xf9: {  	v3 =	vor.u32 v3, v4  }
0xfa: {  	v4 =	vperm.xlane v3, v0;
	_ =	sdelay $0x1  }
0xfb: {  	v3 =	vperm.xlane v3, v2;
	v4 =	vadd.s32 v1, v4;
	_ =	sdelay $0x1  }
0xfc: {  	v3 =	vadd.s32 v1, v3;
	_ =	sdelay $0x1  }
0xfd: {  	s23 =	simm.s32 $0x15600  }
0xfe: {  	[tilespmem:s23], [sflag:$0x2] =	stream.indirect_vreg.gather [hbm4b:s3+s2], $0x80, v4, vm0, $0xb8;
	[tilespmem:$0x18600] =	vst v63  }
0xff: {  	s24 =	simm.s32 $0x15E00  }
0x100: {  	[tilespmem:s24], [sflag:$0x2] =	stream.indirect_vreg.gather [hbm4b:s3+s2], $0x80, v3, vm0, $0xb8;
	[tilespmem:$0x18600] =	vst v63  }
0x101: {  	v3 =	vld [tilespmem:$0x160];
	_ =	sdelay $0x4  }
0x102: {  	v62 =	vshll.u32 v3, $0x1  }
0x103: {  	v3 =	vand.u32 $0x7, v3;
	v4 =	vand.u32 $0xFFFFFFF0, v62  }
0x104: {  	v3 =	vor.u32 v3, v4  }
0x105: {  	v4 =	vperm.xlane v3, v0;
	_ =	sdelay $0x1  }
0x106: {  	v3 =	vperm.xlane v3, v2;
	v4 =	vadd.s32 v1, v4;
	_ =	sdelay $0x1  }
0x107: {  	v3 =	vadd.s32 v1, v3;
	_ =	sdelay $0x1  }
0x108: {  	s25 =	simm.s32 $0x16600  }
0x109: {  	[tilespmem:s25], [sflag:$0x2] =	stream.indirect_vreg.gather [hbm4b:s3+s2], $0x80, v4, vm0, $0xb8;
	[tilespmem:$0x18600] =	vst v63  }
0x10a: {  	s26 =	simm.s32 $0x16E00  }
0x10b: {  	[tilespmem:s26], [sflag:$0x2] =	stream.indirect_vreg.gather [hbm4b:s3+s2], $0x80, v3, vm0, $0xb8;
	[tilespmem:$0x18600] =	vst v63  }
0x10c: {  	v3 =	vld [tilespmem:$0x170];
	_ =	sdelay $0x4  }
0x10d: {  	v63 =	vshll.u32 v3, $0x1  }
0x10e: {  	v3 =	vand.u32 $0x7, v3;
	v4 =	vand.u32 $0xFFFFFFF0, v63  }
0x10f: {  	v3 =	vor.u32 v3, v4  }
0x110: {  	s0 =	simm.s32 $0x2F0;
	v4 =	vperm.xlane v3, v0  }
0x111: {  	s29 =	simm.s32 $0xA600;
	s28 =	simm.s32 $0x9E00;
	s30 =	simm.s32 $0xAE00  }
0x112: {  	s5 =	simm.s32 $0x0;
	s7 =	simm.s32 $0xE00;
	s9 =	simm.s32 $0xB600;
	v3 =	vperm.xlane v3, v2;
	v4 =	vadd.s32 v1, v4  }
0x113: {  	s10 =	simm.s32 $0x1600;
	s12 =	simm.s32 $0x2600;
	s13 =	simm.s32 $0x2E00  }
0x114: {  	s14 =	simm.s32 $0x3600;
	s16 =	simm.s32 $0x4600;
	s17 =	simm.s32 $0x4E00;
	v3 =	vadd.s32 v1, v3  }
0x115: {  	s18 =	simm.s32 $0x5600;
	s19 =	simm.s32 $0x17600;
	s20 =	simm.s32 $0x6600  }
0x116: {  	s21 =	simm.s32 $0x6E00;
	s22 =	simm.s32 $0x7600;
	s23 =	simm.s32 $0x17E00  }
0x117: {  	[tilespmem:s19], [sflag:$0x2] =	stream.indirect_vreg.gather [hbm4b:s3+s2], $0x80, v4, vm0, $0xb8;
	[tilespmem:$0x18600] =	vst v63  }
0x118: {  	s24 =	simm.s32 $0x8600;
	s25 =	simm.s32 $0x8E00;
	s26 =	simm.s32 $0x9600  }
0x119: {  	[tilespmem:s23], [sflag:$0x2] =	stream.indirect_vreg.gather [hbm4b:s3+s2], $0x80, v3, vm0, $0xb8;
	[tilespmem:$0x18600] =	vst v63  }
.LBB2_2:
0x11a: {  	_ =	swait.ge [sflag:s31], $0xC000  }
0x11b: {  	s6 =	rddreg [dreg:$0x2];
	[sflag:s31] =	ssyncset.done $0x0  }
0x11c: {  	s11 =	simm.s32 $0x600;
	[sflag:s31] =	ssyncadd.s32 $0xFFFF4000;
	s6 =	sadd.s32 s5, s6  }
0x11d: {  	[hbm4b:s6+s2] =	stream.linear.scatter [tilespmem:s11], [sflag:$0x3], $0xC000, $0x38;
	[tilespmem:$0x18600] =	vst v63  }
0x11e: {  	_ =	swait.ge [sflag:s8], $0xC000  }
0x11f: {  	[sflag:s8] =	ssyncset.done $0x0  }
0x120: {  	[sflag:s8] =	ssyncadd.s32 $0xFFFF4000  }
0x121: {  	v3 =	vld [tilespmem:s0+$0xFFFFFE90];
	_ =	sdelay $0x4  }
0x122: {  	v4 =	vshll.u32 v3, $0x1  }
0x123: {  	v3 =	vand.u32 $0x7, v3;
	v4 =	vand.u32 $0xFFFFFFF0, v4  }
0x124: {  	v3 =	vor.u32 v3, v4  }
0x125: {  	v4 =	vperm.xlane v3, v0;
	_ =	sdelay $0x1  }
0x126: {  	v3 =	vperm.xlane v3, v2;
	v4 =	vadd.s32 v1, v4;
	_ =	sdelay $0x1  }
0x127: {  	v3 =	vadd.s32 v1, v3;
	_ =	sdelay $0x2  }
0x128: {  	[tilespmem:s11], [sflag:$0x1] =	stream.indirect_vreg.gather [hbm4b:s3+s2], $0x80, v4, vm0, $0xb8;
	[tilespmem:$0x18600] =	vst v63  }
0x129: {  	_ = 	snop  }
0x12a: {  	[tilespmem:s7], [sflag:$0x1] =	stream.indirect_vreg.gather [hbm4b:s3+s2], $0x80, v3, vm0, $0xb8;
	[tilespmem:$0x18600] =	vst v63  }
0x12b: {  	v3 =	vld [tilespmem:s0+$0xFFFFFEA0];
	_ =	sdelay $0x4  }
0x12c: {  	v41 =	vshll.u32 v3, $0x1  }
0x12d: {  	v3 =	vand.u32 $0x7, v3;
	v4 =	vand.u32 $0xFFFFFFF0, v41  }
0x12e: {  	v3 =	vor.u32 v3, v4  }
0x12f: {  	v4 =	vperm.xlane v3, v0;
	_ =	sdelay $0x1  }
0x130: {  	v3 =	vperm.xlane v3, v2;
	v4 =	vadd.s32 v1, v4;
	_ =	sdelay $0x1  }
0x131: {  	v3 =	vadd.s32 v1, v3;
	_ =	sdelay $0x2  }
0x132: {  	[tilespmem:s10], [sflag:$0x1] =	stream.indirect_vreg.gather [hbm4b:s3+s2], $0x80, v4, vm0, $0xb8;
	[tilespmem:$0x18600] =	vst v63  }
0x133: {  	s15 =	simm.s32 $0x1E00  }
0x134: {  	[tilespmem:s15], [sflag:$0x1] =	stream.indirect_vreg.gather [hbm4b:s3+s2], $0x80, v3, vm0, $0xb8;
	[tilespmem:$0x18600] =	vst v63  }
0x135: {  	v3 =	vld [tilespmem:s0+$0xFFFFFEB0];
	_ =	sdelay $0x4  }
0x136: {  	v42 =	vshll.u32 v3, $0x1  }
0x137: {  	v3 =	vand.u32 $0x7, v3;
	v4 =	vand.u32 $0xFFFFFFF0, v42  }
0x138: {  	v3 =	vor.u32 v3, v4  }
0x139: {  	v4 =	vperm.xlane v3, v0;
	_ =	sdelay $0x1  }
0x13a: {  	v3 =	vperm.xlane v3, v2;
	v4 =	vadd.s32 v1, v4;
	_ =	sdelay $0x1  }
0x13b: {  	v3 =	vadd.s32 v1, v3;
	_ =	sdelay $0x2  }
0x13c: {  	[tilespmem:s12], [sflag:$0x1] =	stream.indirect_vreg.gather [hbm4b:s3+s2], $0x80, v4, vm0, $0xb8;
	[tilespmem:$0x18600] =	vst v63  }
0x13d: {  	_ = 	snop  }
0x13e: {  	[tilespmem:s13], [sflag:$0x1] =	stream.indirect_vreg.gather [hbm4b:s3+s2], $0x80, v3, vm0, $0xb8;
	[tilespmem:$0x18600] =	vst v63  }
0x13f: {  	v3 =	vld [tilespmem:s0+$0xFFFFFEC0];
	_ =	sdelay $0x4  }
0x140: {  	v43 =	vshll.u32 v3, $0x1  }
0x141: {  	v3 =	vand.u32 $0x7, v3;
	v4 =	vand.u32 $0xFFFFFFF0, v43  }
0x142: {  	v3 =	vor.u32 v3, v4  }
0x143: {  	v4 =	vperm.xlane v3, v0;
	_ =	sdelay $0x1  }
0x144: {  	v3 =	vperm.xlane v3, v2;
	v4 =	vadd.s32 v1, v4;
	_ =	sdelay $0x1  }
0x145: {  	v3 =	vadd.s32 v1, v3;
	_ =	sdelay $0x2  }
0x146: {  	[tilespmem:s14], [sflag:$0x1] =	stream.indirect_vreg.gather [hbm4b:s3+s2], $0x80, v4, vm0, $0xb8;
	[tilespmem:$0x18600] =	vst v63  }
0x147: {  	s15 =	simm.s32 $0x3E00  }
0x148: {  	[tilespmem:s15], [sflag:$0x1] =	stream.indirect_vreg.gather [hbm4b:s3+s2], $0x80, v3, vm0, $0xb8;
	[tilespmem:$0x18600] =	vst v63  }
0x149: {  	v3 =	vld [tilespmem:s0+$0xFFFFFED0];
	_ =	sdelay $0x4  }
0x14a: {  	v44 =	vshll.u32 v3, $0x1  }
0x14b: {  	v3 =	vand.u32 $0x7, v3;
	v4 =	vand.u32 $0xFFFFFFF0, v44  }
0x14c: {  	v3 =	vor.u32 v3, v4  }
0x14d: {  	v4 =	vperm.xlane v3, v0;
	_ =	sdelay $0x1  }
0x14e: {  	v3 =	vperm.xlane v3, v2;
	v4 =	vadd.s32 v1, v4;
	_ =	sdelay $0x1  }
0x14f: {  	v3 =	vadd.s32 v1, v3;
	_ =	sdelay $0x2  }
0x150: {  	[tilespmem:s16], [sflag:$0x1] =	stream.indirect_vreg.gather [hbm4b:s3+s2], $0x80, v4, vm0, $0xb8;
	[tilespmem:$0x18600] =	vst v63  }
0x151: {  	_ = 	snop  }
0x152: {  	[tilespmem:s17], [sflag:$0x1] =	stream.indirect_vreg.gather [hbm4b:s3+s2], $0x80, v3, vm0, $0xb8;
	[tilespmem:$0x18600] =	vst v63  }
0x153: {  	v3 =	vld [tilespmem:s0+$0xFFFFFEE0];
	_ =	sdelay $0x4  }
0x154: {  	v45 =	vshll.u32 v3, $0x1  }
0x155: {  	v3 =	vand.u32 $0x7, v3;
	v4 =	vand.u32 $0xFFFFFFF0, v45  }
0x156: {  	v3 =	vor.u32 v3, v4  }
0x157: {  	v4 =	vperm.xlane v3, v0;
	_ =	sdelay $0x1  }
0x158: {  	v3 =	vperm.xlane v3, v2;
	v4 =	vadd.s32 v1, v4;
	_ =	sdelay $0x1  }
0x159: {  	v3 =	vadd.s32 v1, v3;
	_ =	sdelay $0x2  }
0x15a: {  	[tilespmem:s18], [sflag:$0x1] =	stream.indirect_vreg.gather [hbm4b:s3+s2], $0x80, v4, vm0, $0xb8;
	[tilespmem:$0x18600] =	vst v63  }
0x15b: {  	s15 =	simm.s32 $0x5E00  }
0x15c: {  	[tilespmem:s15], [sflag:$0x1] =	stream.indirect_vreg.gather [hbm4b:s3+s2], $0x80, v3, vm0, $0xb8;
	[tilespmem:$0x18600] =	vst v63  }
0x15d: {  	v3 =	vld [tilespmem:s0+$0xFFFFFEF0];
	_ =	sdelay $0x4  }
0x15e: {  	v46 =	vshll.u32 v3, $0x1  }
0x15f: {  	v3 =	vand.u32 $0x7, v3;
	v4 =	vand.u32 $0xFFFFFFF0, v46  }
0x160: {  	v3 =	vor.u32 v3, v4  }
0x161: {  	v4 =	vperm.xlane v3, v0;
	_ =	sdelay $0x1  }
0x162: {  	v3 =	vperm.xlane v3, v2;
	v4 =	vadd.s32 v1, v4;
	_ =	sdelay $0x1  }
0x163: {  	v3 =	vadd.s32 v1, v3;
	_ =	sdelay $0x2  }
0x164: {  	[tilespmem:s20], [sflag:$0x1] =	stream.indirect_vreg.gather [hbm4b:s3+s2], $0x80, v4, vm0, $0xb8;
	[tilespmem:$0x18600] =	vst v63  }
0x165: {  	_ = 	snop  }
0x166: {  	[tilespmem:s21], [sflag:$0x1] =	stream.indirect_vreg.gather [hbm4b:s3+s2], $0x80, v3, vm0, $0xb8;
	[tilespmem:$0x18600] =	vst v63  }
0x167: {  	v3 =	vld [tilespmem:s0+$0xFFFFFF00];
	_ =	sdelay $0x4  }
0x168: {  	v47 =	vshll.u32 v3, $0x1  }
0x169: {  	v3 =	vand.u32 $0x7, v3;
	v4 =	vand.u32 $0xFFFFFFF0, v47  }
0x16a: {  	v3 =	vor.u32 v3, v4  }
0x16b: {  	v4 =	vperm.xlane v3, v0;
	_ =	sdelay $0x1  }
0x16c: {  	v3 =	vperm.xlane v3, v2;
	v4 =	vadd.s32 v1, v4;
	_ =	sdelay $0x1  }
0x16d: {  	v3 =	vadd.s32 v1, v3;
	_ =	sdelay $0x2  }
0x16e: {  	[tilespmem:s22], [sflag:$0x1] =	stream.indirect_vreg.gather [hbm4b:s3+s2], $0x80, v4, vm0, $0xb8;
	[tilespmem:$0x18600] =	vst v63  }
0x16f: {  	s15 =	simm.s32 $0x7E00  }
0x170: {  	[tilespmem:s15], [sflag:$0x1] =	stream.indirect_vreg.gather [hbm4b:s3+s2], $0x80, v3, vm0, $0xb8;
	[tilespmem:$0x18600] =	vst v63  }
0x171: {  	v3 =	vld [tilespmem:s0+$0xFFFFFF10];
	_ =	sdelay $0x4  }
0x172: {  	v48 =	vshll.u32 v3, $0x1  }
0x173: {  	v3 =	vand.u32 $0x7, v3;
	v4 =	vand.u32 $0xFFFFFFF0, v48  }
0x174: {  	v3 =	vor.u32 v3, v4  }
0x175: {  	v4 =	vperm.xlane v3, v0;
	_ =	sdelay $0x1  }
0x176: {  	v3 =	vperm.xlane v3, v2;
	v4 =	vadd.s32 v1, v4;
	_ =	sdelay $0x1  }
0x177: {  	v3 =	vadd.s32 v1, v3;
	_ =	sdelay $0x2  }
0x178: {  	[tilespmem:s24], [sflag:$0x1] =	stream.indirect_vreg.gather [hbm4b:s3+s2], $0x80, v4, vm0, $0xb8;
	[tilespmem:$0x18600] =	vst v63  }
0x179: {  	_ = 	snop  }
0x17a: {  	[tilespmem:s25], [sflag:$0x1] =	stream.indirect_vreg.gather [hbm4b:s3+s2], $0x80, v3, vm0, $0xb8;
	[tilespmem:$0x18600] =	vst v63  }
0x17b: {  	v3 =	vld [tilespmem:s0+$0xFFFFFF20];
	_ =	sdelay $0x4  }
0x17c: {  	v49 =	vshll.u32 v3, $0x1  }
0x17d: {  	v3 =	vand.u32 $0x7, v3;
	v4 =	vand.u32 $0xFFFFFFF0, v49  }
0x17e: {  	v3 =	vor.u32 v3, v4  }
0x17f: {  	v4 =	vperm.xlane v3, v0;
	_ =	sdelay $0x1  }
0x180: {  	v3 =	vperm.xlane v3, v2;
	v4 =	vadd.s32 v1, v4;
	_ =	sdelay $0x1  }
0x181: {  	v3 =	vadd.s32 v1, v3;
	_ =	sdelay $0x2  }
0x182: {  	[tilespmem:s26], [sflag:$0x1] =	stream.indirect_vreg.gather [hbm4b:s3+s2], $0x80, v4, vm0, $0xb8;
	[tilespmem:$0x18600] =	vst v63  }
0x183: {  	_ = 	snop  }
0x184: {  	[tilespmem:s28], [sflag:$0x1] =	stream.indirect_vreg.gather [hbm4b:s3+s2], $0x80, v3, vm0, $0xb8;
	[tilespmem:$0x18600] =	vst v63  }
0x185: {  	v3 =	vld [tilespmem:s0+$0xFFFFFF30];
	_ =	sdelay $0x4  }
0x186: {  	v50 =	vshll.u32 v3, $0x1  }
0x187: {  	v3 =	vand.u32 $0x7, v3;
	v4 =	vand.u32 $0xFFFFFFF0, v50  }
0x188: {  	v3 =	vor.u32 v3, v4  }
0x189: {  	v4 =	vperm.xlane v3, v0;
	_ =	sdelay $0x1  }
0x18a: {  	v3 =	vperm.xlane v3, v2;
	v4 =	vadd.s32 v1, v4;
	_ =	sdelay $0x1  }
0x18b: {  	v3 =	vadd.s32 v1, v3;
	_ =	sdelay $0x2  }
0x18c: {  	[tilespmem:s29], [sflag:$0x1] =	stream.indirect_vreg.gather [hbm4b:s3+s2], $0x80, v4, vm0, $0xb8;
	[tilespmem:$0x18600] =	vst v63  }
0x18d: {  	_ = 	snop  }
0x18e: {  	[tilespmem:s30], [sflag:$0x1] =	stream.indirect_vreg.gather [hbm4b:s3+s2], $0x80, v3, vm0, $0xb8;
	[tilespmem:$0x18600] =	vst v63  }
0x18f: {  	v3 =	vld [tilespmem:s0+$0xFFFFFF40];
	_ =	sdelay $0x4  }
0x190: {  	v51 =	vshll.u32 v3, $0x1  }
0x191: {  	v3 =	vand.u32 $0x7, v3;
	v4 =	vand.u32 $0xFFFFFFF0, v51  }
0x192: {  	v3 =	vor.u32 v3, v4  }
0x193: {  	v4 =	vperm.xlane v3, v0;
	_ =	sdelay $0x1  }
0x194: {  	v3 =	vperm.xlane v3, v2;
	v4 =	vadd.s32 v1, v4;
	_ =	sdelay $0x1  }
0x195: {  	v3 =	vadd.s32 v1, v3;
	_ =	sdelay $0x2  }
0x196: {  	[tilespmem:s9], [sflag:$0x1] =	stream.indirect_vreg.gather [hbm4b:s3+s2], $0x80, v4, vm0, $0xb8;
	[tilespmem:$0x18600] =	vst v63  }
0x197: {  	s15 =	simm.s32 $0xBE00  }
0x198: {  	[tilespmem:s15], [sflag:$0x1] =	stream.indirect_vreg.gather [hbm4b:s3+s2], $0x80, v3, vm0, $0xb8;
	[tilespmem:$0x18600] =	vst v63  }
0x199: {  	_ =	swait.ge [sflag:s1], $0xC000  }
0x19a: {  	[sflag:s1] =	ssyncset.done $0x0  }
0x19b: {  	s6 =	sadd.s32 $0x1800, s6;
	s15 =	simm.s32 $0xC600;
	[sflag:s1] =	ssyncadd.s32 $0xFFFF4000  }
0x19c: {  	[hbm4b:s6+s2] =	stream.linear.scatter [tilespmem:s15], [sflag:$0x3], $0xC000, $0x38;
	[tilespmem:$0x18600] =	vst v63  }
0x19d: {  	_ =	swait.ge [sflag:s8], $0xC000  }
0x19e: {  	[sflag:s8] =	ssyncset.done $0x0  }
0x19f: {  	[sflag:s8] =	ssyncadd.s32 $0xFFFF4000  }
0x1a0: {  	v3 =	vld [tilespmem:s0+$0xFFFFFF50];
	_ =	sdelay $0x4  }
0x1a1: {  	v52 =	vshll.u32 v3, $0x1  }
0x1a2: {  	v3 =	vand.u32 $0x7, v3;
	v4 =	vand.u32 $0xFFFFFFF0, v52  }
0x1a3: {  	v3 =	vor.u32 v3, v4  }
0x1a4: {  	v4 =	vperm.xlane v3, v0;
	_ =	sdelay $0x1  }
0x1a5: {  	v3 =	vperm.xlane v3, v2;
	v4 =	vadd.s32 v1, v4;
	_ =	sdelay $0x1  }
0x1a6: {  	v3 =	vadd.s32 v1, v3;
	_ =	sdelay $0x2  }
0x1a7: {  	[tilespmem:s15], [sflag:$0x2] =	stream.indirect_vreg.gather [hbm4b:s3+s2], $0x80, v4, vm0, $0xb8;
	[tilespmem:$0x18600] =	vst v63  }
0x1a8: {  	s15 =	simm.s32 $0xCE00  }
0x1a9: {  	[tilespmem:s15], [sflag:$0x2] =	stream.indirect_vreg.gather [hbm4b:s3+s2], $0x80, v3, vm0, $0xb8;
	[tilespmem:$0x18600] =	vst v63  }
0x1aa: {  	v3 =	vld [tilespmem:s0+$0xFFFFFF60];
	_ =	sdelay $0x4  }
0x1ab: {  	v53 =	vshll.u32 v3, $0x1  }
0x1ac: {  	v3 =	vand.u32 $0x7, v3;
	v4 =	vand.u32 $0xFFFFFFF0, v53  }
0x1ad: {  	v3 =	vor.u32 v3, v4  }
0x1ae: {  	v4 =	vperm.xlane v3, v0;
	_ =	sdelay $0x1  }
0x1af: {  	v3 =	vperm.xlane v3, v2;
	v4 =	vadd.s32 v1, v4;
	_ =	sdelay $0x1  }
0x1b0: {  	v3 =	vadd.s32 v1, v3;
	_ =	sdelay $0x1  }
0x1b1: {  	s15 =	simm.s32 $0xD600  }
0x1b2: {  	[tilespmem:s15], [sflag:$0x2] =	stream.indirect_vreg.gather [hbm4b:s3+s2], $0x80, v4, vm0, $0xb8;
	[tilespmem:$0x18600] =	vst v63  }
0x1b3: {  	s15 =	simm.s32 $0xDE00  }
0x1b4: {  	[tilespmem:s15], [sflag:$0x2] =	stream.indirect_vreg.gather [hbm4b:s3+s2], $0x80, v3, vm0, $0xb8;
	[tilespmem:$0x18600] =	vst v63  }
0x1b5: {  	v3 =	vld [tilespmem:s0+$0xFFFFFF70];
	_ =	sdelay $0x4  }
0x1b6: {  	v54 =	vshll.u32 v3, $0x1  }
0x1b7: {  	v3 =	vand.u32 $0x7, v3;
	v4 =	vand.u32 $0xFFFFFFF0, v54  }
0x1b8: {  	v3 =	vor.u32 v3, v4  }
0x1b9: {  	v4 =	vperm.xlane v3, v0;
	_ =	sdelay $0x1  }
0x1ba: {  	v3 =	vperm.xlane v3, v2;
	v4 =	vadd.s32 v1, v4;
	_ =	sdelay $0x1  }
0x1bb: {  	v3 =	vadd.s32 v1, v3;
	_ =	sdelay $0x1  }
0x1bc: {  	s15 =	simm.s32 $0xE600  }
0x1bd: {  	[tilespmem:s15], [sflag:$0x2] =	stream.indirect_vreg.gather [hbm4b:s3+s2], $0x80, v4, vm0, $0xb8;
	[tilespmem:$0x18600] =	vst v63  }
0x1be: {  	s15 =	simm.s32 $0xEE00  }
0x1bf: {  	[tilespmem:s15], [sflag:$0x2] =	stream.indirect_vreg.gather [hbm4b:s3+s2], $0x80, v3, vm0, $0xb8;
	[tilespmem:$0x18600] =	vst v63  }
0x1c0: {  	v3 =	vld [tilespmem:s0+$0xFFFFFF80];
	_ =	sdelay $0x4  }
0x1c1: {  	v55 =	vshll.u32 v3, $0x1  }
0x1c2: {  	v3 =	vand.u32 $0x7, v3;
	v4 =	vand.u32 $0xFFFFFFF0, v55  }
0x1c3: {  	v3 =	vor.u32 v3, v4  }
0x1c4: {  	v4 =	vperm.xlane v3, v0;
	_ =	sdelay $0x1  }
0x1c5: {  	v3 =	vperm.xlane v3, v2;
	v4 =	vadd.s32 v1, v4;
	_ =	sdelay $0x1  }
0x1c6: {  	v3 =	vadd.s32 v1, v3;
	_ =	sdelay $0x1  }
0x1c7: {  	s15 =	simm.s32 $0xF600  }
0x1c8: {  	[tilespmem:s15], [sflag:$0x2] =	stream.indirect_vreg.gather [hbm4b:s3+s2], $0x80, v4, vm0, $0xb8;
	[tilespmem:$0x18600] =	vst v63  }
0x1c9: {  	s15 =	simm.s32 $0xFE00  }
0x1ca: {  	[tilespmem:s15], [sflag:$0x2] =	stream.indirect_vreg.gather [hbm4b:s3+s2], $0x80, v3, vm0, $0xb8;
	[tilespmem:$0x18600] =	vst v63  }
0x1cb: {  	v3 =	vld [tilespmem:s0+$0xFFFFFF90];
	_ =	sdelay $0x4  }
0x1cc: {  	v56 =	vshll.u32 v3, $0x1  }
0x1cd: {  	v3 =	vand.u32 $0x7, v3;
	v4 =	vand.u32 $0xFFFFFFF0, v56  }
0x1ce: {  	v3 =	vor.u32 v3, v4  }
0x1cf: {  	v4 =	vperm.xlane v3, v0;
	_ =	sdelay $0x1  }
0x1d0: {  	v3 =	vperm.xlane v3, v2;
	v4 =	vadd.s32 v1, v4;
	_ =	sdelay $0x1  }
0x1d1: {  	v3 =	vadd.s32 v1, v3;
	_ =	sdelay $0x1  }
0x1d2: {  	s15 =	simm.s32 $0x10600  }
0x1d3: {  	[tilespmem:s15], [sflag:$0x2] =	stream.indirect_vreg.gather [hbm4b:s3+s2], $0x80, v4, vm0, $0xb8;
	[tilespmem:$0x18600] =	vst v63  }
0x1d4: {  	s15 =	simm.s32 $0x10E00  }
0x1d5: {  	[tilespmem:s15], [sflag:$0x2] =	stream.indirect_vreg.gather [hbm4b:s3+s2], $0x80, v3, vm0, $0xb8;
	[tilespmem:$0x18600] =	vst v63  }
0x1d6: {  	v3 =	vld [tilespmem:s0+$0xFFFFFFA0];
	_ =	sdelay $0x4  }
0x1d7: {  	v57 =	vshll.u32 v3, $0x1  }
0x1d8: {  	v3 =	vand.u32 $0x7, v3;
	v4 =	vand.u32 $0xFFFFFFF0, v57  }
0x1d9: {  	v3 =	vor.u32 v3, v4  }
0x1da: {  	v4 =	vperm.xlane v3, v0;
	_ =	sdelay $0x1  }
0x1db: {  	v3 =	vperm.xlane v3, v2;
	v4 =	vadd.s32 v1, v4;
	_ =	sdelay $0x1  }
0x1dc: {  	v3 =	vadd.s32 v1, v3;
	_ =	sdelay $0x1  }
0x1dd: {  	s15 =	simm.s32 $0x11600  }
0x1de: {  	[tilespmem:s15], [sflag:$0x2] =	stream.indirect_vreg.gather [hbm4b:s3+s2], $0x80, v4, vm0, $0xb8;
	[tilespmem:$0x18600] =	vst v63  }
0x1df: {  	s15 =	simm.s32 $0x11E00  }
0x1e0: {  	[tilespmem:s15], [sflag:$0x2] =	stream.indirect_vreg.gather [hbm4b:s3+s2], $0x80, v3, vm0, $0xb8;
	[tilespmem:$0x18600] =	vst v63  }
0x1e1: {  	v3 =	vld [tilespmem:s0+$0xFFFFFFB0];
	_ =	sdelay $0x4  }
0x1e2: {  	v58 =	vshll.u32 v3, $0x1  }
0x1e3: {  	v3 =	vand.u32 $0x7, v3;
	v4 =	vand.u32 $0xFFFFFFF0, v58  }
0x1e4: {  	v3 =	vor.u32 v3, v4  }
0x1e5: {  	v4 =	vperm.xlane v3, v0;
	_ =	sdelay $0x1  }
0x1e6: {  	v3 =	vperm.xlane v3, v2;
	v4 =	vadd.s32 v1, v4;
	_ =	sdelay $0x1  }
0x1e7: {  	v3 =	vadd.s32 v1, v3;
	_ =	sdelay $0x1  }
0x1e8: {  	s15 =	simm.s32 $0x12600  }
0x1e9: {  	[tilespmem:s15], [sflag:$0x2] =	stream.indirect_vreg.gather [hbm4b:s3+s2], $0x80, v4, vm0, $0xb8;
	[tilespmem:$0x18600] =	vst v63  }
0x1ea: {  	s15 =	simm.s32 $0x12E00  }
0x1eb: {  	[tilespmem:s15], [sflag:$0x2] =	stream.indirect_vreg.gather [hbm4b:s3+s2], $0x80, v3, vm0, $0xb8;
	[tilespmem:$0x18600] =	vst v63  }
0x1ec: {  	v3 =	vld [tilespmem:s0+$0xFFFFFFC0];
	_ =	sdelay $0x4  }
0x1ed: {  	v59 =	vshll.u32 v3, $0x1  }
0x1ee: {  	v3 =	vand.u32 $0x7, v3;
	v4 =	vand.u32 $0xFFFFFFF0, v59  }
0x1ef: {  	v3 =	vor.u32 v3, v4  }
0x1f0: {  	v4 =	vperm.xlane v3, v0;
	_ =	sdelay $0x1  }
0x1f1: {  	v3 =	vperm.xlane v3, v2;
	v4 =	vadd.s32 v1, v4;
	_ =	sdelay $0x1  }
0x1f2: {  	v3 =	vadd.s32 v1, v3;
	_ =	sdelay $0x1  }
0x1f3: {  	s15 =	simm.s32 $0x13600  }
0x1f4: {  	[tilespmem:s15], [sflag:$0x2] =	stream.indirect_vreg.gather [hbm4b:s3+s2], $0x80, v4, vm0, $0xb8;
	[tilespmem:$0x18600] =	vst v63  }
0x1f5: {  	s15 =	simm.s32 $0x13E00  }
0x1f6: {  	[tilespmem:s15], [sflag:$0x2] =	stream.indirect_vreg.gather [hbm4b:s3+s2], $0x80, v3, vm0, $0xb8;
	[tilespmem:$0x18600] =	vst v63  }
0x1f7: {  	v3 =	vld [tilespmem:s0+$0xFFFFFFD0];
	_ =	sdelay $0x4  }
0x1f8: {  	v60 =	vshll.u32 v3, $0x1  }
0x1f9: {  	v3 =	vand.u32 $0x7, v3;
	v4 =	vand.u32 $0xFFFFFFF0, v60  }
0x1fa: {  	v3 =	vor.u32 v3, v4  }
0x1fb: {  	v4 =	vperm.xlane v3, v0;
	_ =	sdelay $0x1  }
0x1fc: {  	v3 =	vperm.xlane v3, v2;
	v4 =	vadd.s32 v1, v4;
	_ =	sdelay $0x1  }
0x1fd: {  	v3 =	vadd.s32 v1, v3;
	_ =	sdelay $0x1  }
0x1fe: {  	s15 =	simm.s32 $0x14600  }
0x1ff: {  	[tilespmem:s15], [sflag:$0x2] =	stream.indirect_vreg.gather [hbm4b:s3+s2], $0x80, v4, vm0, $0xb8;
	[tilespmem:$0x18600] =	vst v63  }
0x200: {  	s15 =	simm.s32 $0x14E00  }
0x201: {  	[tilespmem:s15], [sflag:$0x2] =	stream.indirect_vreg.gather [hbm4b:s3+s2], $0x80, v3, vm0, $0xb8;
	[tilespmem:$0x18600] =	vst v63  }
0x202: {  	v3 =	vld [tilespmem:s0+$0xFFFFFFE0];
	_ =	sdelay $0x4  }
0x203: {  	v61 =	vshll.u32 v3, $0x1  }
0x204: {  	v3 =	vand.u32 $0x7, v3;
	v4 =	vand.u32 $0xFFFFFFF0, v61  }
0x205: {  	v3 =	vor.u32 v3, v4  }
0x206: {  	v4 =	vperm.xlane v3, v0;
	_ =	sdelay $0x1  }
0x207: {  	v3 =	vperm.xlane v3, v2;
	v4 =	vadd.s32 v1, v4;
	_ =	sdelay $0x1  }
0x208: {  	v3 =	vadd.s32 v1, v3;
	_ =	sdelay $0x1  }
0x209: {  	s15 =	simm.s32 $0x15600  }
0x20a: {  	[tilespmem:s15], [sflag:$0x2] =	stream.indirect_vreg.gather [hbm4b:s3+s2], $0x80, v4, vm0, $0xb8;
	[tilespmem:$0x18600] =	vst v63  }
0x20b: {  	s15 =	simm.s32 $0x15E00  }
0x20c: {  	[tilespmem:s15], [sflag:$0x2] =	stream.indirect_vreg.gather [hbm4b:s3+s2], $0x80, v3, vm0, $0xb8;
	[tilespmem:$0x18600] =	vst v63  }
0x20d: {  	v3 =	vld [tilespmem:s0+$0xFFFFFFF0];
	_ =	sdelay $0x4  }
0x20e: {  	v62 =	vshll.u32 v3, $0x1  }
0x20f: {  	v3 =	vand.u32 $0x7, v3;
	v4 =	vand.u32 $0xFFFFFFF0, v62  }
0x210: {  	v3 =	vor.u32 v3, v4  }
0x211: {  	v4 =	vperm.xlane v3, v0;
	_ =	sdelay $0x1  }
0x212: {  	v3 =	vperm.xlane v3, v2;
	v4 =	vadd.s32 v1, v4;
	_ =	sdelay $0x1  }
0x213: {  	v3 =	vadd.s32 v1, v3;
	_ =	sdelay $0x1  }
0x214: {  	s15 =	simm.s32 $0x16600  }
0x215: {  	[tilespmem:s15], [sflag:$0x2] =	stream.indirect_vreg.gather [hbm4b:s3+s2], $0x80, v4, vm0, $0xb8;
	[tilespmem:$0x18600] =	vst v63  }
0x216: {  	s15 =	simm.s32 $0x16E00  }
0x217: {  	[tilespmem:s15], [sflag:$0x2] =	stream.indirect_vreg.gather [hbm4b:s3+s2], $0x80, v3, vm0, $0xb8;
	[tilespmem:$0x18600] =	vst v63  }
0x218: {  	v3 =	vld [tilespmem:s0+$0x0];
	_ =	sdelay $0x4  }
0x219: {  	v63 =	vshll.u32 v3, $0x1  }
0x21a: {  	v3 =	vand.u32 $0x7, v3;
	v4 =	vand.u32 $0xFFFFFFF0, v63  }
0x21b: {  	v3 =	vor.u32 v3, v4  }
0x21c: {  	v4 =	vperm.xlane v3, v0;
	_ =	sdelay $0x1  }
0x21d: {  	v3 =	vperm.xlane v3, v2;
	v4 =	vadd.s32 v1, v4;
	_ =	sdelay $0x1  }
0x21e: {  	p0 =	sne.s32 s5, $0x6000;
	v3 =	vadd.s32 v1, v3  }
.Ltmp0:
0x21f: {  	_ = 	snop;
	(pc) =	sbr.rel @p0 .LBB2_2-.Ltmp0, $4  }
0x220: {  	s4 =	simm.s32 $0x600  }
0x221: {  	[tilespmem:s19], [sflag:$0x2] =	stream.indirect_vreg.gather [hbm4b:s3+s2], $0x80, v4, vm0, $0xb8;
	[tilespmem:$0x18600] =	vst v63  }
0x222: {  	s5 =	sadd.s32 $0x3000, s5;
	s11 =	simm.s32 $0xC600;
	s0 =	sadd.s32 $0x180, s0  }
0x223: {  	[tilespmem:s23], [sflag:$0x2] =	stream.indirect_vreg.gather [hbm4b:s3+s2], $0x80, v3, vm0, $0xb8;
	[tilespmem:$0x18600] =	vst v63  }
0x224: {  	_ =	swait.ge [sflag:s31], $0xC000  }
0x225: {  	[sflag:s31] =	ssyncset.done $0x0  }
0x226: {  	s0 =	rddreg [dreg:$0x4];
	[sflag:s31] =	ssyncadd.s32 $0xFFFF4000  }
0x227: {  	[hbm4b:s0+s2] =	stream.linear.scatter [tilespmem:s4], [sflag:$0x3], $0xC000, $0x38;
	[tilespmem:$0x18600] =	vst v63  }
0x228: {  	_ =	swait.ge [sflag:s8], $0xC000  }
0x229: {  	[sflag:s8] =	ssyncset.done $0x0  }
0x22a: {  	[sflag:s8] =	ssyncadd.s32 $0xFFFF4000  }
0x22b: {  	s6 =	simm.s32 $0x1600;
	s7 =	simm.s32 $0x1E00;
	_ =	swait.ge [sflag:s1], $0xC000  }
0x22c: {  	s10 =	simm.s32 $0x2600;
	s29 =	simm.s32 $0x2E00;
	[sflag:s1] =	ssyncset.done $0x0  }
0x22d: {  	s12 =	simm.s32 $0x3600;
	s25 =	rddreg [dreg:$0x5];
	[sflag:s1] =	ssyncadd.s32 $0xFFFF4000  }
0x22e: {  	[hbm4b:s25+s2] =	stream.linear.scatter [tilespmem:s11], [sflag:$0x3], $0xC000, $0x38;
	[tilespmem:$0x18600] =	vst v63  }
0x22f: {  	s13 =	simm.s32 $0x3E00;
	s14 =	simm.s32 $0x4600;
	_ =	swait.ge [sflag:s8], $0xC000  }
0x230: {  	s15 =	simm.s32 $0x4E00;
	s16 =	simm.s32 $0x5600;
	s5 =	rddreg [dreg:$0x7]  }
0x231: {  	s17 =	simm.s32 $0x5E00;
	s26 =	rddreg [dreg:$0x6];
	s5 =	sadd.s32 $0x1, s5  }
0x232: {  	s18 =	simm.s32 $0x6600;
	s19 =	simm.s32 $0x6E00;
	p0 =	sne.s32 s5, s26  }
.Ltmp1:
0x233: {  	s20 =	simm.s32 $0x7600;
	s21 =	simm.s32 $0x7E00;
	(pc) =	sbr.rel @p0 .LBB2_1-.Ltmp1, $4  }
0x234: {  	s22 =	simm.s32 $0x8600;
	s23 =	simm.s32 $0x8E00;
	s24 =	simm.s32 $0x9600  }
0x235: {  	s28 =	simm.s32 $0xAE00;
	s9 =	simm.s32 $0xB600;
	[sflag:s8] =	ssyncset.done $0x0  }
0x236: {  	s30 =	simm.s32 $0xBE00;
	s25 =	simm.s32 $0x9E00;
	[sflag:s8] =	ssyncadd.s32 $0xFFFF4000  }
0x237: {  	[dreg:$0x7] =	wrdreg s5;
	s5 =	simm.s32 $0xE00;
	s26 =	simm.s32 $0xA600  }
0x238: {  	_ =	sfence.sel $0x180000  }
0x239: {  	[bflag:$0x0] =	sbarrier.arrive $0xFFFF  }
0x23a: {  	_ =	strace $0x90000053  }
0x23b: {  	s0 =	stileid.u32;
	[bflag:$0x2] =	sbarrier.arrive $0xFFFF  }
0x23c: {  	p0 =	sne.s32 s0, $0x0;
	s0 =	rddreg [dreg:$0x1]  }
0x23d: {  	s0 =	sadd.s32 @!p0 $0x100000, s0  }
0x23e: {  	[sflag:s0] =	ssyncadd.tile.s32 @!p0 $0x1;
	_ =	shalt  }
.Lfunc_end2:
_tile_overlayer_lowered:
.L_overlay_start_2:
0x23f: {  	(tag) =	ssettag $0x2  }
0x240: {  	s0 =	rddreg [dreg:$0x0];
	s2 =	stileid.u32  }
0x241: {  	s1 =	rddreg [dreg:$0x1];
	p0 =	sne.s32 s2, $0x0  }
0x242: {  	s3 =	rddreg [dreg:$0x2];
	[bflag:$0x3] =	sbarrier.arrive $0xFFFF;
	s2 =	simm.s32 @!p0 $0x1C03  }
0x243: {  	[timem:s3], [sflag:s2] =	dma.local @!p0 [hbm:s0], s1  }
0x244: {  	s0 =	simm.s32 @!p0 $0x3  }
0x245: {  	_ =	swait.ge @!p0 [sflag:s0], s1  }
0x246: {  	s1 =	ssub.s32 @!p0 $0x0, s1;
	[sflag:s0] =	ssyncset.done @!p0 $0x0  }
0x247: {  	[sflag:s0] =	ssyncadd.s32 @!p0 s1  }
0x248: {  	[bflag:$0x3] =	sbarrier.arrive $0xFFFF  }
0x249: {  	_ =	shalt  }

</sc_bundles>
